<compile_context>
chip_gen: v7x
topology: tpu7x:2x2x1
jax: 0.10.2.dev20260603
libtpu: 0.0.44.dev20260713+nightly
codegen_flags: <defaults>
</compile_context>

<pallas_src>
import functools

import jax
import jax.numpy as jnp
from jax import lax
from jax.experimental import pallas as pl
from jax.experimental.pallas import tpu as pltpu
from jax.experimental.pallas import tpu_sc as plsc

F32 = jnp.float32
_NC = 2
_NS = 16
_L = 16
_NW = _NC * _NS

_HEADS = 4
_DH = 32
_HID = _HEADS * _DH
_REC = 144
_CHUNK = 48

_SQRT_HALF = 0.7071067811865476


def _gelu(x):
    return 0.5 * x * (1.0 + lax.erf(x * _SQRT_HALF))


def _layer_norm(x, w, b):
    mu = jnp.mean(x, axis=-1, keepdims=True)
    var = jnp.mean((x - mu) ** 2, axis=-1, keepdims=True)
    return (x - mu) * lax.rsqrt(var + 1e-5) * w + b


def _attn_mat(att_src_flat, att_dst_flat):
    head = jnp.repeat(jnp.arange(_HEADS), _DH)
    cols = jnp.arange(2 * _HEADS)
    mask = head[:, None] == (cols[None, :] % _HEADS)
    vals = jnp.concatenate([att_src_flat.reshape(-1, 1) *
                            jnp.ones((1, _HEADS), F32),
                            att_dst_flat.reshape(-1, 1) *
                            jnp.ones((1, _HEADS), F32)], axis=1)
    return jnp.where(mask, vals, 0.0)


def _combine(p0, p1, bias):
    acc = p0[:, :_HID] + p1[:, :_HID]
    den = p0[:, _HID:_HID + _HEADS] + p1[:, _HID:_HID + _HEADS]
    outs = []
    for k in range(_HEADS):
        dk = den[:, k:k + 1] + 1e-16
        outs.append(acc[:, _DH * k:_DH * (k + 1)] / dk)
    return jnp.concatenate(outs, axis=1) + bias


def _tables(h, amat):
    bn = h.shape[0]
    att8 = jnp.dot(h, amat, preferred_element_type=F32)
    zsrc = jnp.zeros((bn, _REC - _HID - _HEADS), F32)
    zdst = jnp.zeros((bn, _L - _HEADS), F32)
    tsrc = jnp.concatenate([h, att8[:, :_HEADS], zsrc], axis=1)
    tdst = jnp.concatenate([att8[:, _HEADS:], zdst], axis=1)
    return tsrc, tdst



def _s1_body(x_ref, win_ref, bin_ref, lnw_ref, lnb_ref, w1_ref, am_ref,
             tsrc_ref, tdst_ref):
    x = x_ref[...]
    y = jnp.dot(x, win_ref[...], preferred_element_type=F32) + bin_ref[...]
    y = _gelu(_layer_norm(y, lnw_ref[...], lnb_ref[...]))
    h = jnp.dot(y, w1_ref[...], preferred_element_type=F32)
    tsrc, tdst = _tables(h, am_ref[...])
    tsrc_ref[...] = tsrc
    tdst_ref[...] = tdst


def _s2_body(p0_ref, p1_ref, b1_ref, lnw_ref, lnb_ref, w2_ref, am_ref,
             tsrc_ref, tdst_ref):
    x = _combine(p0_ref[...], p1_ref[...], b1_ref[...])
    y = _gelu(_layer_norm(x, lnw_ref[...], lnb_ref[...]))
    h = jnp.dot(y, w2_ref[...], preferred_element_type=F32)
    tsrc, tdst = _tables(h, am_ref[...])
    tsrc_ref[...] = tsrc
    tdst_ref[...] = tdst


def _s3_body(p0_ref, p1_ref, b2_ref, wout_ref, bout_ref, out_ref):
    x = _combine(p0_ref[...], p1_ref[...], b2_ref[...])
    out_ref[...] = jnp.dot(x, wout_ref[...], preferred_element_type=F32) \
        + bout_ref[...]


def _row_spec(bn, cols):
    return pl.BlockSpec((bn, cols), lambda i: (i, 0))


def _full_spec(shape):
    return pl.BlockSpec(shape, lambda i: (0,) * len(shape))


def _stage1(x, w_in, b_in, ln_w, ln_b, w1, amat, bn):
    n, in_ch = x.shape
    grid = (n // bn,)
    return pl.pallas_call(
        _s1_body,
        grid=grid,
        in_specs=[
            _row_spec(bn, in_ch),
            _full_spec(w_in.shape), _full_spec(b_in.shape),
            _full_spec(ln_w.shape), _full_spec(ln_b.shape),
            _full_spec(w1.shape), _full_spec(amat.shape),
        ],
        out_specs=[_row_spec(bn, _REC), _row_spec(bn, _L)],
        out_shape=[
            jax.ShapeDtypeStruct((n, _REC), F32),
            jax.ShapeDtypeStruct((n, _L), F32),
        ],
    )(x, w_in, b_in, ln_w, ln_b, w1, amat)


def _stage2(p0, p1, b1, ln_w, ln_b, w2, amat, bn):
    n = p0.shape[0]
    grid = (n // bn,)
    return pl.pallas_call(
        _s2_body,
        grid=grid,
        in_specs=[
            _row_spec(bn, _REC), _row_spec(bn, _REC),
            _full_spec(b1.shape),
            _full_spec(ln_w.shape), _full_spec(ln_b.shape),
            _full_spec(w2.shape), _full_spec(amat.shape),
        ],
        out_specs=[_row_spec(bn, _REC), _row_spec(bn, _L)],
        out_shape=[
            jax.ShapeDtypeStruct((n, _REC), F32),
            jax.ShapeDtypeStruct((n, _L), F32),
        ],
    )(p0, p1, b1, ln_w, ln_b, w2, amat)


def _stage3(p0, p1, b2, w_out, b_out, bn):
    n = p0.shape[0]
    out_ch = w_out.shape[1]
    grid = (n // bn,)
    return pl.pallas_call(
        _s3_body,
        grid=grid,
        in_specs=[
            _row_spec(bn, _REC), _row_spec(bn, _REC),
            _full_spec(b2.shape),
            _full_spec(w_out.shape), _full_spec(b_out.shape),
        ],
        out_specs=_row_spec(bn, out_ch),
        out_shape=jax.ShapeDtypeStruct((n, out_ch), F32),
    )(p0, p1, b2, w_out, b_out)



def _edge_npad(n):
    gran = _NS * 8
    return ((n + gran - 1) // gran) * gran


_NBUF = 2


@functools.lru_cache(maxsize=None)
def _edge_pass(n, nchunk):
    assert nchunk % _NBUF == 0
    npad = _edge_npad(n)
    rpt = npad // _NS
    zsizes = [_CHUNK] * (rpt // _CHUNK)
    if rpt % _CHUNK:
        zsizes.append(rpt % _CHUNK)

    mesh = plsc.VectorSubcoreMesh(core_axis_name="c", subcore_axis_name="s",
                                  num_cores=_NC, num_subcores=_NS)

    scratch = [
        pltpu.VMEM_SHARED((npad, _REC), F32),
        pltpu.VMEM((nchunk, _CHUNK), jnp.int32),
        pltpu.VMEM((nchunk, _CHUNK), jnp.int32),
    ]
    scratch += [pltpu.VMEM((_CHUNK, _REC), F32) for _ in range(_NBUF)]
    scratch += [pltpu.VMEM((_CHUNK, _L), F32) for _ in range(_NBUF)]
    scratch += [pltpu.SemaphoreType.DMA for _ in range(3 * _NBUF)]

    @functools.partial(
        pl.kernel,
        out_type=[jax.ShapeDtypeStruct((npad, _REC), F32),
                  jax.ShapeDtypeStruct((npad, _REC), F32)],
        mesh=mesh,
        compiler_params=pltpu.CompilerParams(use_tc_tiling_on_sc=False),
        scratch_types=scratch,
    )
    def edge_kernel(tsrc, tdst, srcs, dsts, out0, out1, acc_sh, ixs, ixd,
                    *bufs):
        rv = bufs[0:_NBUF]
        dv = bufs[_NBUF:2 * _NBUF]
        semr = bufs[2 * _NBUF:3 * _NBUF]
        semd = bufs[3 * _NBUF:4 * _NBUF]
        sems = bufs[4 * _NBUF:5 * _NBUF]
        cid = lax.axis_index("c")
        sid = lax.axis_index("s")
        wid = sid * _NC + cid
        lanes = lax.iota(jnp.int32, _L)
        head_mask = lanes < _HEADS

        pltpu.sync_copy(srcs.at[pl.ds(wid * nchunk, nchunk)], ixs)
        pltpu.sync_copy(dsts.at[pl.ds(wid * nchunk, nchunk)], ixd)

        zero = jnp.zeros((_L,), F32)

        def zrow(i, _):
            for j in range(_REC // _L):
                rv[0][i, pl.ds(j * _L, _L)] = zero
            return 0

        lax.fori_loop(0, _CHUNK, zrow, 0)
        for k, zs in enumerate(zsizes):
            pltpu.sync_copy(rv[0].at[pl.ds(0, zs)],
                            acc_sh.at[pl.ds(sid * rpt + k * _CHUNK, zs)])
        plsc.subcore_barrier()

        def start_gather(c, b):
            pltpu.async_copy(tsrc.at[ixs.at[c]], rv[b], semr[b])
            pltpu.async_copy(tdst.at[ixd.at[c]], dv[b], semd[b])

        def wait_gather(c, b):
            pltpu.make_async_copy(tsrc.at[ixs.at[c]], rv[b], semr[b]).wait()
            pltpu.make_async_copy(tdst.at[ixd.at[c]], dv[b], semd[b]).wait()

        def start_scatter(c, b):
            pltpu.async_copy(rv[b], acc_sh.at[ixd.at[c]], sems[b], add=True)

        def wait_scatter(c, b):
            del c
            pltpu.make_async_copy(tsrc.at[pl.ds(0, _CHUNK)], rv[b],
                                  sems[b]).wait()

        def compute(b):
            rbuf = rv[b]
            dbuf = dv[b]

            def edge(i, _):
                for u in range(4):
                    e = 4 * i + u
                    asv = rbuf[e, pl.ds(_HID, _L)]
                    adv = dbuf[e, pl.ds(0, _L)]
                    t = asv + adv
                    t = jnp.maximum(t, t * 0.2)
                    s = jnp.exp(t)
                    rbuf[e, pl.ds(_HID, _L)] = jnp.where(head_mask, s, 0.0)
                    for k in range(_HEADS):
                        sk = jnp.broadcast_to(s[k], (_L,))
                        c0 = k * _DH
                        rbuf[e, pl.ds(c0, _L)] = rbuf[e, pl.ds(c0, _L)] * sk
                        rbuf[e, pl.ds(c0 + _L, _L)] = \
                            rbuf[e, pl.ds(c0 + _L, _L)] * sk
                return 0

            lax.fori_loop(0, _CHUNK // 4, edge, 0)

        start_gather(0, 0)

        def outer(i, _):
            c0 = i * _NBUF
            for b in range(_NBUF):
                c = c0 + b
                o = 1 - b

                wait_gather(c, b)

                @pl.when(c >= 1)
                def _():
                    wait_scatter(c - 1, o)

                @pl.when(c + 1 < nchunk)
                def _():
                    start_gather(c + 1, o)

                compute(b)
                start_scatter(c, b)
            return 0

        lax.fori_loop(0, nchunk // _NBUF, outer, 0)
        wait_scatter(nchunk - 1, (nchunk - 1) % _NBUF)

        plsc.subcore_barrier()

        @pl.when(cid == 0)
        def _():
            pltpu.sync_copy(acc_sh.at[pl.ds(sid * rpt, rpt)],
                            out0.at[pl.ds(sid * rpt, rpt)])

        @pl.when(cid == 1)
        def _():
            pltpu.sync_copy(acc_sh.at[pl.ds(sid * rpt, rpt)],
                            out1.at[pl.ds(sid * rpt, rpt)])

    return edge_kernel


def kernel(x, edge_index, W_in, b_in, ln1_w, ln1_b, W1, att_src1, att_dst1,
           b1, ln2_w, ln2_b, W2, att_src2, att_dst2, b2, W_out, b_out):
    n = x.shape[0]
    e = edge_index.shape[1]
    r2 = lambda v: v.reshape(1, -1)
    npad = _edge_npad(n)
    bn = npad // 8

    group = _NW * _CHUNK * _NBUF
    e_pad = ((e + group - 1) // group) * group
    nchunk = e_pad // (_NW * _CHUNK)
    pad = jnp.full((2, e_pad - e), n, jnp.int32)
    ei = jnp.concatenate([edge_index, pad], axis=1)
    src = ei[0].reshape(_NW * nchunk, _CHUNK)
    dst = ei[1].reshape(_NW * nchunk, _CHUNK)
    x_p = jnp.concatenate([x, jnp.zeros((npad - n, x.shape[1]), F32)])
    ep = _edge_pass(n, nchunk)

    am1 = _attn_mat(att_src1.reshape(-1), att_dst1.reshape(-1))
    am2 = _attn_mat(att_src2.reshape(-1), att_dst2.reshape(-1))
    tsrc1, tdst1 = _stage1(x_p, W_in, r2(b_in), r2(ln1_w), r2(ln1_b), W1,
                           am1, bn)
    p0, p1 = ep(tsrc1, tdst1, src, dst)
    tsrc2, tdst2 = _stage2(p0, p1, r2(b1), r2(ln2_w),
                           r2(ln2_b), W2, am2, bn)
    q0, q1 = ep(tsrc2, tdst2, src, dst)
    out = _stage3(q0, q1, r2(b2), W_out, b_out[None, :], bn)
    return out[:n]

# --- scband reference (transcript-rebuilt; emitter-appended) ---
"""Pipeline reference for scband-gnnwith-attention-6665789244019 (READ-ONLY COPY).

The authoritative reference and input builder live on the scoring server;
editing this copy changes nothing except your own understanding.
"""

import jax, jax.numpy as jnp
import numpy as np

N = 10000
E = 320000
IN_CH = 128
HID = 128
HEADS = 4
DH = HID // HEADS
OUT_CH = 64


def layer_norm(x, w, b, eps=1e-5):
    mu = jnp.mean(x, axis=-1, keepdims=True)
    var = jnp.var(x, axis=-1, keepdims=True)
    return (x - mu) / jnp.sqrt(var + eps) * w + b


def gat_conv(x, edge_index, W, att_src, att_dst, bias):
    # Faithful PyG GATConv (concat=True, negative_slope=0.2, add_self_loops omitted to
    # mirror raw message passing on the provided edge_index)
    n = x.shape[0]
    h = (x @ W).reshape(n, HEADS, DH)
    a_src = jnp.sum(h * att_src, axis=-1)  # [N, HEADS]
    a_dst = jnp.sum(h * att_dst, axis=-1)  # [N, HEADS]
    src = edge_index[0]
    dst = edge_index[1]
    alpha = a_src[src] + a_dst[dst]  # [E, HEADS]
    alpha = jax.nn.leaky_relu(alpha, 0.2)
    amax = jax.ops.segment_max(alpha, dst, num_segments=n)
    amax = jnp.where(jnp.isfinite(amax), amax, 0.0)
    alpha = jnp.exp(alpha - jax.lax.stop_gradient(amax)[dst])
    denom = jax.ops.segment_sum(alpha, dst, num_segments=n)
    alpha = alpha / (denom[dst] + 1e-16)
    msg = h[src] * alpha[:, :, None]  # [E, HEADS, DH]
    out = jax.ops.segment_sum(msg, dst, num_segments=n)  # [N, HEADS, DH]
    return out.reshape(n, HEADS * DH) + bias


def forward(x, W_in, b_in, ln1_w, ln1_b, W1, att_src1, att_dst1, b1,
            ln2_w, ln2_b, W2, att_src2, att_dst2, b2, W_out, b_out, edge_index):
    x = x @ W_in + b_in
    x = layer_norm(x, ln1_w, ln1_b)
    x = jax.nn.gelu(x, approximate=False)
    x = gat_conv(x, edge_index, W1, att_src1, att_dst1, b1)
    x = layer_norm(x, ln2_w, ln2_b)
    x = jax.nn.gelu(x, approximate=False)
    x = gat_conv(x, edge_index, W2, att_src2, att_dst2, b2)
    # dropout is identity in eval mode
    return x @ W_out + b_out


def setup_inputs(seed: int = 0):
    key = jax.random.key(seed)
    ks = jax.random.split(key, 20)
    g = lambda i, shape, s: jax.random.normal(ks[i], shape, jnp.float32) * s
    inp = {}
    inp['x'] = jax.random.normal(ks[0], (N, IN_CH), jnp.float32)
    inp['edge_index'] = jax.random.randint(ks[1], (2, E), 0, N, dtype=jnp.int32)
    inp['W_in'] = g(2, (IN_CH, HID), (2.0 / (IN_CH + HID)) ** 0.5)
    inp['b_in'] = jnp.zeros((HID,), jnp.float32)
    inp['ln1_w'] = jnp.ones((HID,), jnp.float32)
    inp['ln1_b'] = jnp.zeros((HID,), jnp.float32)
    inp['W1'] = g(3, (HID, HEADS * DH), (2.0 / (HID + HEADS * DH)) ** 0.5)
    inp['att_src1'] = g(4, (1, HEADS, DH), 0.1)
    inp['att_dst1'] = g(5, (1, HEADS, DH), 0.1)
    inp['b1'] = jnp.zeros((HEADS * DH,), jnp.float32)
    inp['ln2_w'] = jnp.ones((HID,), jnp.float32)
    inp['ln2_b'] = jnp.zeros((HID,), jnp.float32)
    inp['W2'] = g(6, (HID, HEADS * DH), (2.0 / (HID + HEADS * DH)) ** 0.5)
    inp['att_src2'] = g(7, (1, HEADS, DH), 0.1)
    inp['att_dst2'] = g(8, (1, HEADS, DH), 0.1)
    inp['b2'] = jnp.zeros((HEADS * DH,), jnp.float32)
    inp['W_out'] = g(9, (HID, OUT_CH), (2.0 / (HID + OUT_CH)) ** 0.5)
    inp['b_out'] = jnp.zeros((OUT_CH,), jnp.float32)
    return inp


def reference(x, edge_index, W_in, b_in, ln1_w, ln1_b, W1, att_src1, att_dst1, b1,
              ln2_w, ln2_b, W2, att_src2, att_dst2, b2, W_out, b_out):
    return forward(x, W_in, b_in, ln1_w, ln1_b, W1, att_src1, att_dst1, b1,
                   ln2_w, ln2_b, W2, att_src2, att_dst2, b2, W_out, b_out, edge_index)

if __name__ == "__main__":
    import jax
    _d = setup_inputs()
    print(jax.jit(kernel)(*tuple(_d.values())))

</pallas_src>

<mosaic_0001>
#map = affine_map<(d0, d1) -> (0, 0)>
module attributes {stable_mosaic.version = 14 : i64} {
  func.func @edge_kernel(%arg0: i32, %arg1: i32, %arg2: memref<10112x144xf32, #tpu.memory_space<hbm>>, %arg3: memref<10112x16xf32, #tpu.memory_space<hbm>>, %arg4: memref<6720x48xi32, #tpu.memory_space<hbm>>, %arg5: memref<6720x48xi32, #tpu.memory_space<hbm>>, %arg6: memref<10112x144xf32, #tpu.memory_space<hbm>>, %arg7: memref<10112x144xf32, #tpu.memory_space<hbm>>, %arg8: memref<10112x144xf32, #tpu.memory_space<vmem_shared>>, %arg9: memref<210x48xi32, #tpu.memory_space<vmem>>, %arg10: memref<210x48xi32, #tpu.memory_space<vmem>>, %arg11: memref<48x144xf32, #tpu.memory_space<vmem>>, %arg12: memref<48x144xf32, #tpu.memory_space<vmem>>, %arg13: memref<48x16xf32, #tpu.memory_space<vmem>>, %arg14: memref<48x16xf32, #tpu.memory_space<vmem>>, %arg15: memref<!tpu.dma_semaphore, #tpu.memory_space<semaphore_mem>>, %arg16: memref<!tpu.dma_semaphore, #tpu.memory_space<semaphore_mem>>, %arg17: memref<!tpu.dma_semaphore, #tpu.memory_space<semaphore_mem>>, %arg18: memref<!tpu.dma_semaphore, #tpu.memory_space<semaphore_mem>>, %arg19: memref<!tpu.dma_semaphore, #tpu.memory_space<semaphore_mem>>, %arg20: memref<!tpu.dma_semaphore, #tpu.memory_space<semaphore_mem>>) attributes {dimension_semantics = [#tpu.dimension_semantics<core_parallel>, #tpu.dimension_semantics<subcore_parallel>], iteration_bounds = array<i64: 2, 16>, scalar_prefetch = 0 : i64, scratch_operands = 13 : i64, tpu.core_type = #tpu.core_type<sc_vector_subcore>, window_params = [{transform_indices = #map}, {transform_indices = #map}, {transform_indices = #map}, {transform_indices = #map}, {transform_indices = #map}, {transform_indices = #map}]} {
    %mul3A = arith.constant 2 : i32
    %mul3A_0 = arith.muli %arg1, %mul3A : i32
    %add3A = arith.addi %mul3A_0, %arg0 : i32
    %iota3A = tpu.iota {dimensions = array<i32: 0>} : vector<16xi32>
    %lt3A = arith.constant 4 : i32
    %lt3A_1 = vector.broadcast %lt3A : i32 to vector<16xi32>
    %lt3A_2 = arith.cmpi slt, %iota3A, %lt3A_1 : vector<16xi32>
    %mul3A_3 = arith.constant 210 : i32
    %mul3A_4 = arith.muli %add3A, %mul3A_3 : i32
    "tpu.region"() ({
      %run_scoped3A = tpu.sem_alloc : memref<!tpu.dma_semaphore, #tpu.memory_space<semaphore_mem>>
      %dma_start3A_103 = arith.constant 0 : i32
      %dma_start3A_104 = tpu.memref_slice %arg4[%mul3A_4, %dma_start3A_103] : memref<6720x48xi32, #tpu.memory_space<hbm>> -> memref<210x48xi32, #tpu.memory_space<hbm>>
      %dma_start3A_105 = arith.constant 0 : i32
      %dma_start3A_106 = tpu.memref_slice %arg4[%mul3A_4, %dma_start3A_105] : memref<6720x48xi32, #tpu.memory_space<hbm>> -> memref<210x48xi32, #tpu.memory_space<hbm>>
      tpu.enqueue_dma source(%dma_start3A_106 : memref<210x48xi32, #tpu.memory_space<hbm>>) target(%arg9 : memref<210x48xi32, #tpu.memory_space<vmem>>) target_semaphore(%run_scoped3A : memref<!tpu.dma_semaphore, #tpu.memory_space<semaphore_mem>>)
      %dma_wait3A_107 = arith.constant 0 : i32
      %dma_wait3A_108 = tpu.memref_slice %arg4[%mul3A_4, %dma_wait3A_107] : memref<6720x48xi32, #tpu.memory_space<hbm>> -> memref<210x48xi32, #tpu.memory_space<hbm>>
      %dma_wait3A_109 = arith.constant 0 : i32
      %dma_wait3A_110 = tpu.memref_slice %arg4[%mul3A_4, %dma_wait3A_109] : memref<6720x48xi32, #tpu.memory_space<hbm>> -> memref<210x48xi32, #tpu.memory_space<hbm>>
      tpu.wait_dma2 semaphore(%run_scoped3A : memref<!tpu.dma_semaphore, #tpu.memory_space<semaphore_mem>>) src(%dma_wait3A_110 : memref<210x48xi32, #tpu.memory_space<hbm>>) dst(%arg9 : memref<210x48xi32, #tpu.memory_space<vmem>>)
      tpu.yield
    }) : () -> ()
    %mul3A_5 = arith.constant 210 : i32
    %mul3A_6 = arith.muli %add3A, %mul3A_5 : i32
    "tpu.region"() ({
      %run_scoped3A = tpu.sem_alloc : memref<!tpu.dma_semaphore, #tpu.memory_space<semaphore_mem>>
      %dma_start3A_103 = arith.constant 0 : i32
      %dma_start3A_104 = tpu.memref_slice %arg5[%mul3A_6, %dma_start3A_103] : memref<6720x48xi32, #tpu.memory_space<hbm>> -> memref<210x48xi32, #tpu.memory_space<hbm>>
      %dma_start3A_105 = arith.constant 0 : i32
      %dma_start3A_106 = tpu.memref_slice %arg5[%mul3A_6, %dma_start3A_105] : memref<6720x48xi32, #tpu.memory_space<hbm>> -> memref<210x48xi32, #tpu.memory_space<hbm>>
      tpu.enqueue_dma source(%dma_start3A_106 : memref<210x48xi32, #tpu.memory_space<hbm>>) target(%arg10 : memref<210x48xi32, #tpu.memory_space<vmem>>) target_semaphore(%run_scoped3A : memref<!tpu.dma_semaphore, #tpu.memory_space<semaphore_mem>>)
      %dma_wait3A_107 = arith.constant 0 : i32
      %dma_wait3A_108 = tpu.memref_slice %arg5[%mul3A_6, %dma_wait3A_107] : memref<6720x48xi32, #tpu.memory_space<hbm>> -> memref<210x48xi32, #tpu.memory_space<hbm>>
      %dma_wait3A_109 = arith.constant 0 : i32
      %dma_wait3A_110 = tpu.memref_slice %arg5[%mul3A_6, %dma_wait3A_109] : memref<6720x48xi32, #tpu.memory_space<hbm>> -> memref<210x48xi32, #tpu.memory_space<hbm>>
      tpu.wait_dma2 semaphore(%run_scoped3A : memref<!tpu.dma_semaphore, #tpu.memory_space<semaphore_mem>>) src(%dma_wait3A_110 : memref<210x48xi32, #tpu.memory_space<hbm>>) dst(%arg10 : memref<210x48xi32, #tpu.memory_space<vmem>>)
      tpu.yield
    }) : () -> ()
    %broadcast_in_dim3A = arith.constant 0.000000e+00 : f32
    %broadcast_in_dim3A_7 = vector.broadcast %broadcast_in_dim3A : f32 to vector<16xf32>
    %scan3A = arith.constant 0 : i32
    %scan3A_8 = arith.constant 0 : i32
    %scan3A_9 = arith.constant 48 : i32
    %scan3A_10 = arith.addi %scan3A_8, %scan3A_9 : i32
    %scan3A_11 = arith.constant 1 : i32
    %scan3A_12 = scf.for %scan3A_103 = %scan3A_8 to %scan3A_10 step %scan3A_11 iter_args(%scan3A_104 = %scan3A) -> (i32)  : i32 {
      %swap3A = arith.index_cast %scan3A_103 : i32 to index
      %swap3A_105 = arith.constant 0 : index
      %swap3A_106 = tpu.vector_load %arg11[%swap3A, %swap3A_105] {strides = array<i32>} : memref<48x144xf32, #tpu.memory_space<vmem>>, vector<1x16xf32>,
      %swap3A_107 = vector.shape_cast %swap3A_106 : vector<1x16xf32> to vector<16xf32>
      %swap3A_108 = vector.shape_cast %broadcast_in_dim3A_7 : vector<16xf32> to vector<1x16xf32>
      tpu.vector_store %arg11[%swap3A, %swap3A_105], %swap3A_108 {strides = array<i32>} : memref<48x144xf32, #tpu.memory_space<vmem>>, vector<1x16xf32>,
      %swap3A_109 = arith.index_cast %scan3A_103 : i32 to index
      %swap3A_110 = arith.constant 16 : index
      %swap3A_111 = tpu.vector_load %arg11[%swap3A_109, %swap3A_110] {strides = array<i32>} : memref<48x144xf32, #tpu.memory_space<vmem>>, vector<1x16xf32>,
      %swap3A_112 = vector.shape_cast %swap3A_111 : vector<1x16xf32> to vector<16xf32>
      %swap3A_113 = vector.shape_cast %broadcast_in_dim3A_7 : vector<16xf32> to vector<1x16xf32>
      tpu.vector_store %arg11[%swap3A_109, %swap3A_110], %swap3A_113 {strides = array<i32>} : memref<48x144xf32, #tpu.memory_space<vmem>>, vector<1x16xf32>,
      %swap3A_114 = arith.index_cast %scan3A_103 : i32 to index
      %swap3A_115 = arith.constant 32 : index
      %swap3A_116 = tpu.vector_load %arg11[%swap3A_114, %swap3A_115] {strides = array<i32>} : memref<48x144xf32, #tpu.memory_space<vmem>>, vector<1x16xf32>,
      %swap3A_117 = vector.shape_cast %swap3A_116 : vector<1x16xf32> to vector<16xf32>
      %swap3A_118 = vector.shape_cast %broadcast_in_dim3A_7 : vector<16xf32> to vector<1x16xf32>
      tpu.vector_store %arg11[%swap3A_114, %swap3A_115], %swap3A_118 {strides = array<i32>} : memref<48x144xf32, #tpu.memory_space<vmem>>, vector<1x16xf32>,
      %swap3A_119 = arith.index_cast %scan3A_103 : i32 to index
      %swap3A_120 = arith.constant 48 : index
      %swap3A_121 = tpu.vector_load %arg11[%swap3A_119, %swap3A_120] {strides = array<i32>} : memref<48x144xf32, #tpu.memory_space<vmem>>, vector<1x16xf32>,
      %swap3A_122 = vector.shape_cast %swap3A_121 : vector<1x16xf32> to vector<16xf32>
      %swap3A_123 = vector.shape_cast %broadcast_in_dim3A_7 : vector<16xf32> to vector<1x16xf32>
      tpu.vector_store %arg11[%swap3A_119, %swap3A_120], %swap3A_123 {strides = array<i32>} : memref<48x144xf32, #tpu.memory_space<vmem>>, vector<1x16xf32>,
      %swap3A_124 = arith.index_cast %scan3A_103 : i32 to index
      %swap3A_125 = arith.constant 64 : index
      %swap3A_126 = tpu.vector_load %arg11[%swap3A_124, %swap3A_125] {strides = array<i32>} : memref<48x144xf32, #tpu.memory_space<vmem>>, vector<1x16xf32>,
      %swap3A_127 = vector.shape_cast %swap3A_126 : vector<1x16xf32> to vector<16xf32>
      %swap3A_128 = vector.shape_cast %broadcast_in_dim3A_7 : vector<16xf32> to vector<1x16xf32>
      tpu.vector_store %arg11[%swap3A_124, %swap3A_125], %swap3A_128 {strides = array<i32>} : memref<48x144xf32, #tpu.memory_space<vmem>>, vector<1x16xf32>,
      %swap3A_129 = arith.index_cast %scan3A_103 : i32 to index
      %swap3A_130 = arith.constant 80 : index
      %swap3A_131 = tpu.vector_load %arg11[%swap3A_129, %swap3A_130] {strides = array<i32>} : memref<48x144xf32, #tpu.memory_space<vmem>>, vector<1x16xf32>,
      %swap3A_132 = vector.shape_cast %swap3A_131 : vector<1x16xf32> to vector<16xf32>
      %swap3A_133 = vector.shape_cast %broadcast_in_dim3A_7 : vector<16xf32> to vector<1x16xf32>
      tpu.vector_store %arg11[%swap3A_129, %swap3A_130], %swap3A_133 {strides = array<i32>} : memref<48x144xf32, #tpu.memory_space<vmem>>, vector<1x16xf32>,
      %swap3A_134 = arith.index_cast %scan3A_103 : i32 to index
      %swap3A_135 = arith.constant 96 : index
      %swap3A_136 = tpu.vector_load %arg11[%swap3A_134, %swap3A_135] {strides = array<i32>} : memref<48x144xf32, #tpu.memory_space<vmem>>, vector<1x16xf32>,
      %swap3A_137 = vector.shape_cast %swap3A_136 : vector<1x16xf32> to vector<16xf32>
      %swap3A_138 = vector.shape_cast %broadcast_in_dim3A_7 : vector<16xf32> to vector<1x16xf32>
      tpu.vector_store %arg11[%swap3A_134, %swap3A_135], %swap3A_138 {strides = array<i32>} : memref<48x144xf32, #tpu.memory_space<vmem>>, vector<1x16xf32>,
      %swap3A_139 = arith.index_cast %scan3A_103 : i32 to index
      %swap3A_140 = arith.constant 112 : index
      %swap3A_141 = tpu.vector_load %arg11[%swap3A_139, %swap3A_140] {strides = array<i32>} : memref<48x144xf32, #tpu.memory_space<vmem>>, vector<1x16xf32>,
      %swap3A_142 = vector.shape_cast %swap3A_141 : vector<1x16xf32> to vector<16xf32>
      %swap3A_143 = vector.shape_cast %broadcast_in_dim3A_7 : vector<16xf32> to vector<1x16xf32>
      tpu.vector_store %arg11[%swap3A_139, %swap3A_140], %swap3A_143 {strides = array<i32>} : memref<48x144xf32, #tpu.memory_space<vmem>>, vector<1x16xf32>,
      %swap3A_144 = arith.index_cast %scan3A_103 : i32 to index
      %swap3A_145 = arith.constant 128 : index
      %swap3A_146 = tpu.vector_load %arg11[%swap3A_144, %swap3A_145] {strides = array<i32>} : memref<48x144xf32, #tpu.memory_space<vmem>>, vector<1x16xf32>,
      %swap3A_147 = vector.shape_cast %swap3A_146 : vector<1x16xf32> to vector<16xf32>
      %swap3A_148 = vector.shape_cast %broadcast_in_dim3A_7 : vector<16xf32> to vector<1x16xf32>
      tpu.vector_store %arg11[%swap3A_144, %swap3A_145], %swap3A_148 {strides = array<i32>} : memref<48x144xf32, #tpu.memory_space<vmem>>, vector<1x16xf32>,
      %scan3A_149 = arith.constant 0 : i32
      scf.yield %scan3A_149 : i32
    }
    %scan3A_13 = arith.constant 48 : i32
    %mul3A_14 = arith.constant 632 : i32
    %mul3A_15 = arith.muli %arg1, %mul3A_14 : i32
    %add3A_16 = arith.constant 0 : i32
    %add3A_17 = arith.addi %mul3A_15, %add3A_16 : i32
    "tpu.region"() ({
      %run_scoped3A = tpu.sem_alloc : memref<!tpu.dma_semaphore, #tpu.memory_space<semaphore_mem>>
      %dma_start3A_103 = arith.constant 0 : i32
      %dma_start3A_104 = arith.constant 0 : i32
      %dma_start3A_105 = tpu.memref_slice %arg11[%dma_start3A_103, %dma_start3A_104] : memref<48x144xf32, #tpu.memory_space<vmem>> -> memref<48x144xf32, #tpu.memory_space<vmem>>
      %dma_start3A_106 = arith.constant 0 : i32
      %dma_start3A_107 = tpu.memref_slice %arg8[%add3A_17, %dma_start3A_106] : memref<10112x144xf32, #tpu.memory_space<vmem_shared>> -> memref<48x144xf32, #tpu.memory_space<vmem_shared>>
      %dma_start3A_108 = arith.constant 0 : i32
      %dma_start3A_109 = tpu.memref_slice %arg8[%add3A_17, %dma_start3A_108] : memref<10112x144xf32, #tpu.memory_space<vmem_shared>> -> memref<48x144xf32, #tpu.memory_space<vmem_shared>>
      %dma_start3A_110 = arith.constant 0 : i32
      %dma_start3A_111 = arith.constant 0 : i32
      %dma_start3A_112 = tpu.memref_slice %arg11[%dma_start3A_110, %dma_start3A_111] : memref<48x144xf32, #tpu.memory_space<vmem>> -> memref<48x144xf32, #tpu.memory_space<vmem>>
      tpu.enqueue_dma source(%dma_start3A_112 : memref<48x144xf32, #tpu.memory_space<vmem>>) target(%dma_start3A_109 : memref<48x144xf32, #tpu.memory_space<vmem_shared>>) target_semaphore(%run_scoped3A : memref<!tpu.dma_semaphore, #tpu.memory_space<semaphore_mem>>)
      %dma_wait3A_113 = arith.constant 0 : i32
      %dma_wait3A_114 = arith.constant 0 : i32
      %dma_wait3A_115 = tpu.memref_slice %arg11[%dma_wait3A_113, %dma_wait3A_114] : memref<48x144xf32, #tpu.memory_space<vmem>> -> memref<48x144xf32, #tpu.memory_space<vmem>>
      %dma_wait3A_116 = arith.constant 0 : i32
      %dma_wait3A_117 = tpu.memref_slice %arg8[%add3A_17, %dma_wait3A_116] : memref<10112x144xf32, #tpu.memory_space<vmem_shared>> -> memref<48x144xf32, #tpu.memory_space<vmem_shared>>
      %dma_wait3A_118 = arith.constant 0 : i32
      %dma_wait3A_119 = tpu.memref_slice %arg8[%add3A_17, %dma_wait3A_118] : memref<10112x144xf32, #tpu.memory_space<vmem_shared>> -> memref<48x144xf32, #tpu.memory_space<vmem_shared>>
      %dma_wait3A_120 = arith.constant 0 : i32
      %dma_wait3A_121 = arith.constant 0 : i32
      %dma_wait3A_122 = tpu.memref_slice %arg11[%dma_wait3A_120, %dma_wait3A_121] : memref<48x144xf32, #tpu.memory_space<vmem>> -> memref<48x144xf32, #tpu.memory_space<vmem>>
      tpu.wait_dma2 semaphore(%run_scoped3A : memref<!tpu.dma_semaphore, #tpu.memory_space<semaphore_mem>>) src(%dma_wait3A_122 : memref<48x144xf32, #tpu.memory_space<vmem>>) dst(%dma_wait3A_119 : memref<48x144xf32, #tpu.memory_space<vmem_shared>>)
      tpu.yield
    }) : () -> ()
    %mul3A_18 = arith.constant 632 : i32
    %mul3A_19 = arith.muli %arg1, %mul3A_18 : i32
    %add3A_20 = arith.constant 48 : i32
    %add3A_21 = arith.addi %mul3A_19, %add3A_20 : i32
    "tpu.region"() ({
      %run_scoped3A = tpu.sem_alloc : memref<!tpu.dma_semaphore, #tpu.memory_space<semaphore_mem>>
      %dma_start3A_103 = arith.constant 0 : i32
      %dma_start3A_104 = arith.constant 0 : i32
      %dma_start3A_105 = tpu.memref_slice %arg11[%dma_start3A_103, %dma_start3A_104] : memref<48x144xf32, #tpu.memory_space<vmem>> -> memref<48x144xf32, #tpu.memory_space<vmem>>
      %dma_start3A_106 = arith.constant 0 : i32
      %dma_start3A_107 = tpu.memref_slice %arg8[%add3A_21, %dma_start3A_106] : memref<10112x144xf32, #tpu.memory_space<vmem_shared>> -> memref<48x144xf32, #tpu.memory_space<vmem_shared>>
      %dma_start3A_108 = arith.constant 0 : i32
      %dma_start3A_109 = tpu.memref_slice %arg8[%add3A_21, %dma_start3A_108] : memref<10112x144xf32, #tpu.memory_space<vmem_shared>> -> memref<48x144xf32, #tpu.memory_space<vmem_shared>>
      %dma_start3A_110 = arith.constant 0 : i32
      %dma_start3A_111 = arith.constant 0 : i32
      %dma_start3A_112 = tpu.memref_slice %arg11[%dma_start3A_110, %dma_start3A_111] : memref<48x144xf32, #tpu.memory_space<vmem>> -> memref<48x144xf32, #tpu.memory_space<vmem>>
      tpu.enqueue_dma source(%dma_start3A_112 : memref<48x144xf32, #tpu.memory_space<vmem>>) target(%dma_start3A_109 : memref<48x144xf32, #tpu.memory_space<vmem_shared>>) target_semaphore(%run_scoped3A : memref<!tpu.dma_semaphore, #tpu.memory_space<semaphore_mem>>)
      %dma_wait3A_113 = arith.constant 0 : i32
      %dma_wait3A_114 = arith.constant 0 : i32
      %dma_wait3A_115 = tpu.memref_slice %arg11[%dma_wait3A_113, %dma_wait3A_114] : memref<48x144xf32, #tpu.memory_space<vmem>> -> memref<48x144xf32, #tpu.memory_space<vmem>>
      %dma_wait3A_116 = arith.constant 0 : i32
      %dma_wait3A_117 = tpu.memref_slice %arg8[%add3A_21, %dma_wait3A_116] : memref<10112x144xf32, #tpu.memory_space<vmem_shared>> -> memref<48x144xf32, #tpu.memory_space<vmem_shared>>
      %dma_wait3A_118 = arith.constant 0 : i32
      %dma_wait3A_119 = tpu.memref_slice %arg8[%add3A_21, %dma_wait3A_118] : memref<10112x144xf32, #tpu.memory_space<vmem_shared>> -> memref<48x144xf32, #tpu.memory_space<vmem_shared>>
      %dma_wait3A_120 = arith.constant 0 : i32
      %dma_wait3A_121 = arith.constant 0 : i32
      %dma_wait3A_122 = tpu.memref_slice %arg11[%dma_wait3A_120, %dma_wait3A_121] : memref<48x144xf32, #tpu.memory_space<vmem>> -> memref<48x144xf32, #tpu.memory_space<vmem>>
      tpu.wait_dma2 semaphore(%run_scoped3A : memref<!tpu.dma_semaphore, #tpu.memory_space<semaphore_mem>>) src(%dma_wait3A_122 : memref<48x144xf32, #tpu.memory_space<vmem>>) dst(%dma_wait3A_119 : memref<48x144xf32, #tpu.memory_space<vmem_shared>>)
      tpu.yield
    }) : () -> ()
    %mul3A_22 = arith.constant 632 : i32
    %mul3A_23 = arith.muli %arg1, %mul3A_22 : i32
    %add3A_24 = arith.constant 96 : i32
    %add3A_25 = arith.addi %mul3A_23, %add3A_24 : i32
    "tpu.region"() ({
      %run_scoped3A = tpu.sem_alloc : memref<!tpu.dma_semaphore, #tpu.memory_space<semaphore_mem>>
      %dma_start3A_103 = arith.constant 0 : i32
      %dma_start3A_104 = arith.constant 0 : i32
      %dma_start3A_105 = tpu.memref_slice %arg11[%dma_start3A_103, %dma_start3A_104] : memref<48x144xf32, #tpu.memory_space<vmem>> -> memref<48x144xf32, #tpu.memory_space<vmem>>
      %dma_start3A_106 = arith.constant 0 : i32
      %dma_start3A_107 = tpu.memref_slice %arg8[%add3A_25, %dma_start3A_106] : memref<10112x144xf32, #tpu.memory_space<vmem_shared>> -> memref<48x144xf32, #tpu.memory_space<vmem_shared>>
      %dma_start3A_108 = arith.constant 0 : i32
      %dma_start3A_109 = tpu.memref_slice %arg8[%add3A_25, %dma_start3A_108] : memref<10112x144xf32, #tpu.memory_space<vmem_shared>> -> memref<48x144xf32, #tpu.memory_space<vmem_shared>>
      %dma_start3A_110 = arith.constant 0 : i32
      %dma_start3A_111 = arith.constant 0 : i32
      %dma_start3A_112 = tpu.memref_slice %arg11[%dma_start3A_110, %dma_start3A_111] : memref<48x144xf32, #tpu.memory_space<vmem>> -> memref<48x144xf32, #tpu.memory_space<vmem>>
      tpu.enqueue_dma source(%dma_start3A_112 : memref<48x144xf32, #tpu.memory_space<vmem>>) target(%dma_start3A_109 : memref<48x144xf32, #tpu.memory_space<vmem_shared>>) target_semaphore(%run_scoped3A : memref<!tpu.dma_semaphore, #tpu.memory_space<semaphore_mem>>)
      %dma_wait3A_113 = arith.constant 0 : i32
      %dma_wait3A_114 = arith.constant 0 : i32
      %dma_wait3A_115 = tpu.memref_slice %arg11[%dma_wait3A_113, %dma_wait3A_114] : memref<48x144xf32, #tpu.memory_space<vmem>> -> memref<48x144xf32, #tpu.memory_space<vmem>>
      %dma_wait3A_116 = arith.constant 0 : i32
      %dma_wait3A_117 = tpu.memref_slice %arg8[%add3A_25, %dma_wait3A_116] : memref<10112x144xf32, #tpu.memory_space<vmem_shared>> -> memref<48x144xf32, #tpu.memory_space<vmem_shared>>
      %dma_wait3A_118 = arith.constant 0 : i32
      %dma_wait3A_119 = tpu.memref_slice %arg8[%add3A_25, %dma_wait3A_118] : memref<10112x144xf32, #tpu.memory_space<vmem_shared>> -> memref<48x144xf32, #tpu.memory_space<vmem_shared>>
      %dma_wait3A_120 = arith.constant 0 : i32
      %dma_wait3A_121 = arith.constant 0 : i32
      %dma_wait3A_122 = tpu.memref_slice %arg11[%dma_wait3A_120, %dma_wait3A_121] : memref<48x144xf32, #tpu.memory_space<vmem>> -> memref<48x144xf32, #tpu.memory_space<vmem>>
      tpu.wait_dma2 semaphore(%run_scoped3A : memref<!tpu.dma_semaphore, #tpu.memory_space<semaphore_mem>>) src(%dma_wait3A_122 : memref<48x144xf32, #tpu.memory_space<vmem>>) dst(%dma_wait3A_119 : memref<48x144xf32, #tpu.memory_space<vmem_shared>>)
      tpu.yield
    }) : () -> ()
    %mul3A_26 = arith.constant 632 : i32
    %mul3A_27 = arith.muli %arg1, %mul3A_26 : i32
    %add3A_28 = arith.constant 144 : i32
    %add3A_29 = arith.addi %mul3A_27, %add3A_28 : i32
    "tpu.region"() ({
      %run_scoped3A = tpu.sem_alloc : memref<!tpu.dma_semaphore, #tpu.memory_space<semaphore_mem>>
      %dma_start3A_103 = arith.constant 0 : i32
      %dma_start3A_104 = arith.constant 0 : i32
      %dma_start3A_105 = tpu.memref_slice %arg11[%dma_start3A_103, %dma_start3A_104] : memref<48x144xf32, #tpu.memory_space<vmem>> -> memref<48x144xf32, #tpu.memory_space<vmem>>
      %dma_start3A_106 = arith.constant 0 : i32
      %dma_start3A_107 = tpu.memref_slice %arg8[%add3A_29, %dma_start3A_106] : memref<10112x144xf32, #tpu.memory_space<vmem_shared>> -> memref<48x144xf32, #tpu.memory_space<vmem_shared>>
      %dma_start3A_108 = arith.constant 0 : i32
      %dma_start3A_109 = tpu.memref_slice %arg8[%add3A_29, %dma_start3A_108] : memref<10112x144xf32, #tpu.memory_space<vmem_shared>> -> memref<48x144xf32, #tpu.memory_space<vmem_shared>>
      %dma_start3A_110 = arith.constant 0 : i32
      %dma_start3A_111 = arith.constant 0 : i32
      %dma_start3A_112 = tpu.memref_slice %arg11[%dma_start3A_110, %dma_start3A_111] : memref<48x144xf32, #tpu.memory_space<vmem>> -> memref<48x144xf32, #tpu.memory_space<vmem>>
      tpu.enqueue_dma source(%dma_start3A_112 : memref<48x144xf32, #tpu.memory_space<vmem>>) target(%dma_start3A_109 : memref<48x144xf32, #tpu.memory_space<vmem_shared>>) target_semaphore(%run_scoped3A : memref<!tpu.dma_semaphore, #tpu.memory_space<semaphore_mem>>)
      %dma_wait3A_113 = arith.constant 0 : i32
      %dma_wait3A_114 = arith.constant 0 : i32
      %dma_wait3A_115 = tpu.memref_slice %arg11[%dma_wait3A_113, %dma_wait3A_114] : memref<48x144xf32, #tpu.memory_space<vmem>> -> memref<48x144xf32, #tpu.memory_space<vmem>>
      %dma_wait3A_116 = arith.constant 0 : i32
      %dma_wait3A_117 = tpu.memref_slice %arg8[%add3A_29, %dma_wait3A_116] : memref<10112x144xf32, #tpu.memory_space<vmem_shared>> -> memref<48x144xf32, #tpu.memory_space<vmem_shared>>
      %dma_wait3A_118 = arith.constant 0 : i32
      %dma_wait3A_119 = tpu.memref_slice %arg8[%add3A_29, %dma_wait3A_118] : memref<10112x144xf32, #tpu.memory_space<vmem_shared>> -> memref<48x144xf32, #tpu.memory_space<vmem_shared>>
      %dma_wait3A_120 = arith.constant 0 : i32
      %dma_wait3A_121 = arith.constant 0 : i32
      %dma_wait3A_122 = tpu.memref_slice %arg11[%dma_wait3A_120, %dma_wait3A_121] : memref<48x144xf32, #tpu.memory_space<vmem>> -> memref<48x144xf32, #tpu.memory_space<vmem>>
      tpu.wait_dma2 semaphore(%run_scoped3A : memref<!tpu.dma_semaphore, #tpu.memory_space<semaphore_mem>>) src(%dma_wait3A_122 : memref<48x144xf32, #tpu.memory_space<vmem>>) dst(%dma_wait3A_119 : memref<48x144xf32, #tpu.memory_space<vmem_shared>>)
      tpu.yield
    }) : () -> ()
    %mul3A_30 = arith.constant 632 : i32
    %mul3A_31 = arith.muli %arg1, %mul3A_30 : i32
    %add3A_32 = arith.constant 192 : i32
    %add3A_33 = arith.addi %mul3A_31, %add3A_32 : i32
    "tpu.region"() ({
      %run_scoped3A = tpu.sem_alloc : memref<!tpu.dma_semaphore, #tpu.memory_space<semaphore_mem>>
      %dma_start3A_103 = arith.constant 0 : i32
      %dma_start3A_104 = arith.constant 0 : i32
      %dma_start3A_105 = tpu.memref_slice %arg11[%dma_start3A_103, %dma_start3A_104] : memref<48x144xf32, #tpu.memory_space<vmem>> -> memref<48x144xf32, #tpu.memory_space<vmem>>
      %dma_start3A_106 = arith.constant 0 : i32
      %dma_start3A_107 = tpu.memref_slice %arg8[%add3A_33, %dma_start3A_106] : memref<10112x144xf32, #tpu.memory_space<vmem_shared>> -> memref<48x144xf32, #tpu.memory_space<vmem_shared>>
      %dma_start3A_108 = arith.constant 0 : i32
      %dma_start3A_109 = tpu.memref_slice %arg8[%add3A_33, %dma_start3A_108] : memref<10112x144xf32, #tpu.memory_space<vmem_shared>> -> memref<48x144xf32, #tpu.memory_space<vmem_shared>>
      %dma_start3A_110 = arith.constant 0 : i32
      %dma_start3A_111 = arith.constant 0 : i32
      %dma_start3A_112 = tpu.memref_slice %arg11[%dma_start3A_110, %dma_start3A_111] : memref<48x144xf32, #tpu.memory_space<vmem>> -> memref<48x144xf32, #tpu.memory_space<vmem>>
      tpu.enqueue_dma source(%dma_start3A_112 : memref<48x144xf32, #tpu.memory_space<vmem>>) target(%dma_start3A_109 : memref<48x144xf32, #tpu.memory_space<vmem_shared>>) target_semaphore(%run_scoped3A : memref<!tpu.dma_semaphore, #tpu.memory_space<semaphore_mem>>)
      %dma_wait3A_113 = arith.constant 0 : i32
      %dma_wait3A_114 = arith.constant 0 : i32
      %dma_wait3A_115 = tpu.memref_slice %arg11[%dma_wait3A_113, %dma_wait3A_114] : memref<48x144xf32, #tpu.memory_space<vmem>> -> memref<48x144xf32, #tpu.memory_space<vmem>>
      %dma_wait3A_116 = arith.constant 0 : i32
      %dma_wait3A_117 = tpu.memref_slice %arg8[%add3A_33, %dma_wait3A_116] : memref<10112x144xf32, #tpu.memory_space<vmem_shared>> -> memref<48x144xf32, #tpu.memory_space<vmem_shared>>
      %dma_wait3A_118 = arith.constant 0 : i32
      %dma_wait3A_119 = tpu.memref_slice %arg8[%add3A_33, %dma_wait3A_118] : memref<10112x144xf32, #tpu.memory_space<vmem_shared>> -> memref<48x144xf32, #tpu.memory_space<vmem_shared>>
      %dma_wait3A_120 = arith.constant 0 : i32
      %dma_wait3A_121 = arith.constant 0 : i32
      %dma_wait3A_122 = tpu.memref_slice %arg11[%dma_wait3A_120, %dma_wait3A_121] : memref<48x144xf32, #tpu.memory_space<vmem>> -> memref<48x144xf32, #tpu.memory_space<vmem>>
      tpu.wait_dma2 semaphore(%run_scoped3A : memref<!tpu.dma_semaphore, #tpu.memory_space<semaphore_mem>>) src(%dma_wait3A_122 : memref<48x144xf32, #tpu.memory_space<vmem>>) dst(%dma_wait3A_119 : memref<48x144xf32, #tpu.memory_space<vmem_shared>>)
      tpu.yield
    }) : () -> ()
    %mul3A_34 = arith.constant 632 : i32
    %mul3A_35 = arith.muli %arg1, %mul3A_34 : i32
    %add3A_36 = arith.constant 240 : i32
    %add3A_37 = arith.addi %mul3A_35, %add3A_36 : i32
    "tpu.region"() ({
      %run_scoped3A = tpu.sem_alloc : memref<!tpu.dma_semaphore, #tpu.memory_space<semaphore_mem>>
      %dma_start3A_103 = arith.constant 0 : i32
      %dma_start3A_104 = arith.constant 0 : i32
      %dma_start3A_105 = tpu.memref_slice %arg11[%dma_start3A_103, %dma_start3A_104] : memref<48x144xf32, #tpu.memory_space<vmem>> -> memref<48x144xf32, #tpu.memory_space<vmem>>
      %dma_start3A_106 = arith.constant 0 : i32
      %dma_start3A_107 = tpu.memref_slice %arg8[%add3A_37, %dma_start3A_106] : memref<10112x144xf32, #tpu.memory_space<vmem_shared>> -> memref<48x144xf32, #tpu.memory_space<vmem_shared>>
      %dma_start3A_108 = arith.constant 0 : i32
      %dma_start3A_109 = tpu.memref_slice %arg8[%add3A_37, %dma_start3A_108] : memref<10112x144xf32, #tpu.memory_space<vmem_shared>> -> memref<48x144xf32, #tpu.memory_space<vmem_shared>>
      %dma_start3A_110 = arith.constant 0 : i32
      %dma_start3A_111 = arith.constant 0 : i32
      %dma_start3A_112 = tpu.memref_slice %arg11[%dma_start3A_110, %dma_start3A_111] : memref<48x144xf32, #tpu.memory_space<vmem>> -> memref<48x144xf32, #tpu.memory_space<vmem>>
      tpu.enqueue_dma source(%dma_start3A_112 : memref<48x144xf32, #tpu.memory_space<vmem>>) target(%dma_start3A_109 : memref<48x144xf32, #tpu.memory_space<vmem_shared>>) target_semaphore(%run_scoped3A : memref<!tpu.dma_semaphore, #tpu.memory_space<semaphore_mem>>)
      %dma_wait3A_113 = arith.constant 0 : i32
      %dma_wait3A_114 = arith.constant 0 : i32
      %dma_wait3A_115 = tpu.memref_slice %arg11[%dma_wait3A_113, %dma_wait3A_114] : memref<48x144xf32, #tpu.memory_space<vmem>> -> memref<48x144xf32, #tpu.memory_space<vmem>>
      %dma_wait3A_116 = arith.constant 0 : i32
      %dma_wait3A_117 = tpu.memref_slice %arg8[%add3A_37, %dma_wait3A_116] : memref<10112x144xf32, #tpu.memory_space<vmem_shared>> -> memref<48x144xf32, #tpu.memory_space<vmem_shared>>
      %dma_wait3A_118 = arith.constant 0 : i32
      %dma_wait3A_119 = tpu.memref_slice %arg8[%add3A_37, %dma_wait3A_118] : memref<10112x144xf32, #tpu.memory_space<vmem_shared>> -> memref<48x144xf32, #tpu.memory_space<vmem_shared>>
      %dma_wait3A_120 = arith.constant 0 : i32
      %dma_wait3A_121 = arith.constant 0 : i32
      %dma_wait3A_122 = tpu.memref_slice %arg11[%dma_wait3A_120, %dma_wait3A_121] : memref<48x144xf32, #tpu.memory_space<vmem>> -> memref<48x144xf32, #tpu.memory_space<vmem>>
      tpu.wait_dma2 semaphore(%run_scoped3A : memref<!tpu.dma_semaphore, #tpu.memory_space<semaphore_mem>>) src(%dma_wait3A_122 : memref<48x144xf32, #tpu.memory_space<vmem>>) dst(%dma_wait3A_119 : memref<48x144xf32, #tpu.memory_space<vmem_shared>>)
      tpu.yield
    }) : () -> ()
    %mul3A_38 = arith.constant 632 : i32
    %mul3A_39 = arith.muli %arg1, %mul3A_38 : i32
    %add3A_40 = arith.constant 288 : i32
    %add3A_41 = arith.addi %mul3A_39, %add3A_40 : i32
    "tpu.region"() ({
      %run_scoped3A = tpu.sem_alloc : memref<!tpu.dma_semaphore, #tpu.memory_space<semaphore_mem>>
      %dma_start3A_103 = arith.constant 0 : i32
      %dma_start3A_104 = arith.constant 0 : i32
      %dma_start3A_105 = tpu.memref_slice %arg11[%dma_start3A_103, %dma_start3A_104] : memref<48x144xf32, #tpu.memory_space<vmem>> -> memref<48x144xf32, #tpu.memory_space<vmem>>
      %dma_start3A_106 = arith.constant 0 : i32
      %dma_start3A_107 = tpu.memref_slice %arg8[%add3A_41, %dma_start3A_106] : memref<10112x144xf32, #tpu.memory_space<vmem_shared>> -> memref<48x144xf32, #tpu.memory_space<vmem_shared>>
      %dma_start3A_108 = arith.constant 0 : i32
      %dma_start3A_109 = tpu.memref_slice %arg8[%add3A_41, %dma_start3A_108] : memref<10112x144xf32, #tpu.memory_space<vmem_shared>> -> memref<48x144xf32, #tpu.memory_space<vmem_shared>>
      %dma_start3A_110 = arith.constant 0 : i32
      %dma_start3A_111 = arith.constant 0 : i32
      %dma_start3A_112 = tpu.memref_slice %arg11[%dma_start3A_110, %dma_start3A_111] : memref<48x144xf32, #tpu.memory_space<vmem>> -> memref<48x144xf32, #tpu.memory_space<vmem>>
      tpu.enqueue_dma source(%dma_start3A_112 : memref<48x144xf32, #tpu.memory_space<vmem>>) target(%dma_start3A_109 : memref<48x144xf32, #tpu.memory_space<vmem_shared>>) target_semaphore(%run_scoped3A : memref<!tpu.dma_semaphore, #tpu.memory_space<semaphore_mem>>)
      %dma_wait3A_113 = arith.constant 0 : i32
      %dma_wait3A_114 = arith.constant 0 : i32
      %dma_wait3A_115 = tpu.memref_slice %arg11[%dma_wait3A_113, %dma_wait3A_114] : memref<48x144xf32, #tpu.memory_space<vmem>> -> memref<48x144xf32, #tpu.memory_space<vmem>>
      %dma_wait3A_116 = arith.constant 0 : i32
      %dma_wait3A_117 = tpu.memref_slice %arg8[%add3A_41, %dma_wait3A_116] : memref<10112x144xf32, #tpu.memory_space<vmem_shared>> -> memref<48x144xf32, #tpu.memory_space<vmem_shared>>
      %dma_wait3A_118 = arith.constant 0 : i32
      %dma_wait3A_119 = tpu.memref_slice %arg8[%add3A_41, %dma_wait3A_118] : memref<10112x144xf32, #tpu.memory_space<vmem_shared>> -> memref<48x144xf32, #tpu.memory_space<vmem_shared>>
      %dma_wait3A_120 = arith.constant 0 : i32
      %dma_wait3A_121 = arith.constant 0 : i32
      %dma_wait3A_122 = tpu.memref_slice %arg11[%dma_wait3A_120, %dma_wait3A_121] : memref<48x144xf32, #tpu.memory_space<vmem>> -> memref<48x144xf32, #tpu.memory_space<vmem>>
      tpu.wait_dma2 semaphore(%run_scoped3A : memref<!tpu.dma_semaphore, #tpu.memory_space<semaphore_mem>>) src(%dma_wait3A_122 : memref<48x144xf32, #tpu.memory_space<vmem>>) dst(%dma_wait3A_119 : memref<48x144xf32, #tpu.memory_space<vmem_shared>>)
      tpu.yield
    }) : () -> ()
    %mul3A_42 = arith.constant 632 : i32
    %mul3A_43 = arith.muli %arg1, %mul3A_42 : i32
    %add3A_44 = arith.constant 336 : i32
    %add3A_45 = arith.addi %mul3A_43, %add3A_44 : i32
    "tpu.region"() ({
      %run_scoped3A = tpu.sem_alloc : memref<!tpu.dma_semaphore, #tpu.memory_space<semaphore_mem>>
      %dma_start3A_103 = arith.constant 0 : i32
      %dma_start3A_104 = arith.constant 0 : i32
      %dma_start3A_105 = tpu.memref_slice %arg11[%dma_start3A_103, %dma_start3A_104] : memref<48x144xf32, #tpu.memory_space<vmem>> -> memref<48x144xf32, #tpu.memory_space<vmem>>
      %dma_start3A_106 = arith.constant 0 : i32
      %dma_start3A_107 = tpu.memref_slice %arg8[%add3A_45, %dma_start3A_106] : memref<10112x144xf32, #tpu.memory_space<vmem_shared>> -> memref<48x144xf32, #tpu.memory_space<vmem_shared>>
      %dma_start3A_108 = arith.constant 0 : i32
      %dma_start3A_109 = tpu.memref_slice %arg8[%add3A_45, %dma_start3A_108] : memref<10112x144xf32, #tpu.memory_space<vmem_shared>> -> memref<48x144xf32, #tpu.memory_space<vmem_shared>>
      %dma_start3A_110 = arith.constant 0 : i32
      %dma_start3A_111 = arith.constant 0 : i32
      %dma_start3A_112 = tpu.memref_slice %arg11[%dma_start3A_110, %dma_start3A_111] : memref<48x144xf32, #tpu.memory_space<vmem>> -> memref<48x144xf32, #tpu.memory_space<vmem>>
      tpu.enqueue_dma source(%dma_start3A_112 : memref<48x144xf32, #tpu.memory_space<vmem>>) target(%dma_start3A_109 : memref<48x144xf32, #tpu.memory_space<vmem_shared>>) target_semaphore(%run_scoped3A : memref<!tpu.dma_semaphore, #tpu.memory_space<semaphore_mem>>)
      %dma_wait3A_113 = arith.constant 0 : i32
      %dma_wait3A_114 = arith.constant 0 : i32
      %dma_wait3A_115 = tpu.memref_slice %arg11[%dma_wait3A_113, %dma_wait3A_114] : memref<48x144xf32, #tpu.memory_space<vmem>> -> memref<48x144xf32, #tpu.memory_space<vmem>>
      %dma_wait3A_116 = arith.constant 0 : i32
      %dma_wait3A_117 = tpu.memref_slice %arg8[%add3A_45, %dma_wait3A_116] : memref<10112x144xf32, #tpu.memory_space<vmem_shared>> -> memref<48x144xf32, #tpu.memory_space<vmem_shared>>
      %dma_wait3A_118 = arith.constant 0 : i32
      %dma_wait3A_119 = tpu.memref_slice %arg8[%add3A_45, %dma_wait3A_118] : memref<10112x144xf32, #tpu.memory_space<vmem_shared>> -> memref<48x144xf32, #tpu.memory_space<vmem_shared>>
      %dma_wait3A_120 = arith.constant 0 : i32
      %dma_wait3A_121 = arith.constant 0 : i32
      %dma_wait3A_122 = tpu.memref_slice %arg11[%dma_wait3A_120, %dma_wait3A_121] : memref<48x144xf32, #tpu.memory_space<vmem>> -> memref<48x144xf32, #tpu.memory_space<vmem>>
      tpu.wait_dma2 semaphore(%run_scoped3A : memref<!tpu.dma_semaphore, #tpu.memory_space<semaphore_mem>>) src(%dma_wait3A_122 : memref<48x144xf32, #tpu.memory_space<vmem>>) dst(%dma_wait3A_119 : memref<48x144xf32, #tpu.memory_space<vmem_shared>>)
      tpu.yield
    }) : () -> ()
    %mul3A_46 = arith.constant 632 : i32
    %mul3A_47 = arith.muli %arg1, %mul3A_46 : i32
    %add3A_48 = arith.constant 384 : i32
    %add3A_49 = arith.addi %mul3A_47, %add3A_48 : i32
    "tpu.region"() ({
      %run_scoped3A = tpu.sem_alloc : memref<!tpu.dma_semaphore, #tpu.memory_space<semaphore_mem>>
      %dma_start3A_103 = arith.constant 0 : i32
      %dma_start3A_104 = arith.constant 0 : i32
      %dma_start3A_105 = tpu.memref_slice %arg11[%dma_start3A_103, %dma_start3A_104] : memref<48x144xf32, #tpu.memory_space<vmem>> -> memref<48x144xf32, #tpu.memory_space<vmem>>
      %dma_start3A_106 = arith.constant 0 : i32
      %dma_start3A_107 = tpu.memref_slice %arg8[%add3A_49, %dma_start3A_106] : memref<10112x144xf32, #tpu.memory_space<vmem_shared>> -> memref<48x144xf32, #tpu.memory_space<vmem_shared>>
      %dma_start3A_108 = arith.constant 0 : i32
      %dma_start3A_109 = tpu.memref_slice %arg8[%add3A_49, %dma_start3A_108] : memref<10112x144xf32, #tpu.memory_space<vmem_shared>> -> memref<48x144xf32, #tpu.memory_space<vmem_shared>>
      %dma_start3A_110 = arith.constant 0 : i32
      %dma_start3A_111 = arith.constant 0 : i32
      %dma_start3A_112 = tpu.memref_slice %arg11[%dma_start3A_110, %dma_start3A_111] : memref<48x144xf32, #tpu.memory_space<vmem>> -> memref<48x144xf32, #tpu.memory_space<vmem>>
      tpu.enqueue_dma source(%dma_start3A_112 : memref<48x144xf32, #tpu.memory_space<vmem>>) target(%dma_start3A_109 : memref<48x144xf32, #tpu.memory_space<vmem_shared>>) target_semaphore(%run_scoped3A : memref<!tpu.dma_semaphore, #tpu.memory_space<semaphore_mem>>)
      %dma_wait3A_113 = arith.constant 0 : i32
      %dma_wait3A_114 = arith.constant 0 : i32
      %dma_wait3A_115 = tpu.memref_slice %arg11[%dma_wait3A_113, %dma_wait3A_114] : memref<48x144xf32, #tpu.memory_space<vmem>> -> memref<48x144xf32, #tpu.memory_space<vmem>>
      %dma_wait3A_116 = arith.constant 0 : i32
      %dma_wait3A_117 = tpu.memref_slice %arg8[%add3A_49, %dma_wait3A_116] : memref<10112x144xf32, #tpu.memory_space<vmem_shared>> -> memref<48x144xf32, #tpu.memory_space<vmem_shared>>
      %dma_wait3A_118 = arith.constant 0 : i32
      %dma_wait3A_119 = tpu.memref_slice %arg8[%add3A_49, %dma_wait3A_118] : memref<10112x144xf32, #tpu.memory_space<vmem_shared>> -> memref<48x144xf32, #tpu.memory_space<vmem_shared>>
      %dma_wait3A_120 = arith.constant 0 : i32
      %dma_wait3A_121 = arith.constant 0 : i32
      %dma_wait3A_122 = tpu.memref_slice %arg11[%dma_wait3A_120, %dma_wait3A_121] : memref<48x144xf32, #tpu.memory_space<vmem>> -> memref<48x144xf32, #tpu.memory_space<vmem>>
      tpu.wait_dma2 semaphore(%run_scoped3A : memref<!tpu.dma_semaphore, #tpu.memory_space<semaphore_mem>>) src(%dma_wait3A_122 : memref<48x144xf32, #tpu.memory_space<vmem>>) dst(%dma_wait3A_119 : memref<48x144xf32, #tpu.memory_space<vmem_shared>>)
      tpu.yield
    }) : () -> ()
    %mul3A_50 = arith.constant 632 : i32
    %mul3A_51 = arith.muli %arg1, %mul3A_50 : i32
    %add3A_52 = arith.constant 432 : i32
    %add3A_53 = arith.addi %mul3A_51, %add3A_52 : i32
    "tpu.region"() ({
      %run_scoped3A = tpu.sem_alloc : memref<!tpu.dma_semaphore, #tpu.memory_space<semaphore_mem>>
      %dma_start3A_103 = arith.constant 0 : i32
      %dma_start3A_104 = arith.constant 0 : i32
      %dma_start3A_105 = tpu.memref_slice %arg11[%dma_start3A_103, %dma_start3A_104] : memref<48x144xf32, #tpu.memory_space<vmem>> -> memref<48x144xf32, #tpu.memory_space<vmem>>
      %dma_start3A_106 = arith.constant 0 : i32
      %dma_start3A_107 = tpu.memref_slice %arg8[%add3A_53, %dma_start3A_106] : memref<10112x144xf32, #tpu.memory_space<vmem_shared>> -> memref<48x144xf32, #tpu.memory_space<vmem_shared>>
      %dma_start3A_108 = arith.constant 0 : i32
      %dma_start3A_109 = tpu.memref_slice %arg8[%add3A_53, %dma_start3A_108] : memref<10112x144xf32, #tpu.memory_space<vmem_shared>> -> memref<48x144xf32, #tpu.memory_space<vmem_shared>>
      %dma_start3A_110 = arith.constant 0 : i32
      %dma_start3A_111 = arith.constant 0 : i32
      %dma_start3A_112 = tpu.memref_slice %arg11[%dma_start3A_110, %dma_start3A_111] : memref<48x144xf32, #tpu.memory_space<vmem>> -> memref<48x144xf32, #tpu.memory_space<vmem>>
      tpu.enqueue_dma source(%dma_start3A_112 : memref<48x144xf32, #tpu.memory_space<vmem>>) target(%dma_start3A_109 : memref<48x144xf32, #tpu.memory_space<vmem_shared>>) target_semaphore(%run_scoped3A : memref<!tpu.dma_semaphore, #tpu.memory_space<semaphore_mem>>)
      %dma_wait3A_113 = arith.constant 0 : i32
      %dma_wait3A_114 = arith.constant 0 : i32
      %dma_wait3A_115 = tpu.memref_slice %arg11[%dma_wait3A_113, %dma_wait3A_114] : memref<48x144xf32, #tpu.memory_space<vmem>> -> memref<48x144xf32, #tpu.memory_space<vmem>>
      %dma_wait3A_116 = arith.constant 0 : i32
      %dma_wait3A_117 = tpu.memref_slice %arg8[%add3A_53, %dma_wait3A_116] : memref<10112x144xf32, #tpu.memory_space<vmem_shared>> -> memref<48x144xf32, #tpu.memory_space<vmem_shared>>
      %dma_wait3A_118 = arith.constant 0 : i32
      %dma_wait3A_119 = tpu.memref_slice %arg8[%add3A_53, %dma_wait3A_118] : memref<10112x144xf32, #tpu.memory_space<vmem_shared>> -> memref<48x144xf32, #tpu.memory_space<vmem_shared>>
      %dma_wait3A_120 = arith.constant 0 : i32
      %dma_wait3A_121 = arith.constant 0 : i32
      %dma_wait3A_122 = tpu.memref_slice %arg11[%dma_wait3A_120, %dma_wait3A_121] : memref<48x144xf32, #tpu.memory_space<vmem>> -> memref<48x144xf32, #tpu.memory_space<vmem>>
      tpu.wait_dma2 semaphore(%run_scoped3A : memref<!tpu.dma_semaphore, #tpu.memory_space<semaphore_mem>>) src(%dma_wait3A_122 : memref<48x144xf32, #tpu.memory_space<vmem>>) dst(%dma_wait3A_119 : memref<48x144xf32, #tpu.memory_space<vmem_shared>>)
      tpu.yield
    }) : () -> ()
    %mul3A_54 = arith.constant 632 : i32
    %mul3A_55 = arith.muli %arg1, %mul3A_54 : i32
    %add3A_56 = arith.constant 480 : i32
    %add3A_57 = arith.addi %mul3A_55, %add3A_56 : i32
    "tpu.region"() ({
      %run_scoped3A = tpu.sem_alloc : memref<!tpu.dma_semaphore, #tpu.memory_space<semaphore_mem>>
      %dma_start3A_103 = arith.constant 0 : i32
      %dma_start3A_104 = arith.constant 0 : i32
      %dma_start3A_105 = tpu.memref_slice %arg11[%dma_start3A_103, %dma_start3A_104] : memref<48x144xf32, #tpu.memory_space<vmem>> -> memref<48x144xf32, #tpu.memory_space<vmem>>
      %dma_start3A_106 = arith.constant 0 : i32
      %dma_start3A_107 = tpu.memref_slice %arg8[%add3A_57, %dma_start3A_106] : memref<10112x144xf32, #tpu.memory_space<vmem_shared>> -> memref<48x144xf32, #tpu.memory_space<vmem_shared>>
      %dma_start3A_108 = arith.constant 0 : i32
      %dma_start3A_109 = tpu.memref_slice %arg8[%add3A_57, %dma_start3A_108] : memref<10112x144xf32, #tpu.memory_space<vmem_shared>> -> memref<48x144xf32, #tpu.memory_space<vmem_shared>>
      %dma_start3A_110 = arith.constant 0 : i32
      %dma_start3A_111 = arith.constant 0 : i32
      %dma_start3A_112 = tpu.memref_slice %arg11[%dma_start3A_110, %dma_start3A_111] : memref<48x144xf32, #tpu.memory_space<vmem>> -> memref<48x144xf32, #tpu.memory_space<vmem>>
      tpu.enqueue_dma source(%dma_start3A_112 : memref<48x144xf32, #tpu.memory_space<vmem>>) target(%dma_start3A_109 : memref<48x144xf32, #tpu.memory_space<vmem_shared>>) target_semaphore(%run_scoped3A : memref<!tpu.dma_semaphore, #tpu.memory_space<semaphore_mem>>)
      %dma_wait3A_113 = arith.constant 0 : i32
      %dma_wait3A_114 = arith.constant 0 : i32
      %dma_wait3A_115 = tpu.memref_slice %arg11[%dma_wait3A_113, %dma_wait3A_114] : memref<48x144xf32, #tpu.memory_space<vmem>> -> memref<48x144xf32, #tpu.memory_space<vmem>>
      %dma_wait3A_116 = arith.constant 0 : i32
      %dma_wait3A_117 = tpu.memref_slice %arg8[%add3A_57, %dma_wait3A_116] : memref<10112x144xf32, #tpu.memory_space<vmem_shared>> -> memref<48x144xf32, #tpu.memory_space<vmem_shared>>
      %dma_wait3A_118 = arith.constant 0 : i32
      %dma_wait3A_119 = tpu.memref_slice %arg8[%add3A_57, %dma_wait3A_118] : memref<10112x144xf32, #tpu.memory_space<vmem_shared>> -> memref<48x144xf32, #tpu.memory_space<vmem_shared>>
      %dma_wait3A_120 = arith.constant 0 : i32
      %dma_wait3A_121 = arith.constant 0 : i32
      %dma_wait3A_122 = tpu.memref_slice %arg11[%dma_wait3A_120, %dma_wait3A_121] : memref<48x144xf32, #tpu.memory_space<vmem>> -> memref<48x144xf32, #tpu.memory_space<vmem>>
      tpu.wait_dma2 semaphore(%run_scoped3A : memref<!tpu.dma_semaphore, #tpu.memory_space<semaphore_mem>>) src(%dma_wait3A_122 : memref<48x144xf32, #tpu.memory_space<vmem>>) dst(%dma_wait3A_119 : memref<48x144xf32, #tpu.memory_space<vmem_shared>>)
      tpu.yield
    }) : () -> ()
    %mul3A_58 = arith.constant 632 : i32
    %mul3A_59 = arith.muli %arg1, %mul3A_58 : i32
    %add3A_60 = arith.constant 528 : i32
    %add3A_61 = arith.addi %mul3A_59, %add3A_60 : i32
    "tpu.region"() ({
      %run_scoped3A = tpu.sem_alloc : memref<!tpu.dma_semaphore, #tpu.memory_space<semaphore_mem>>
      %dma_start3A_103 = arith.constant 0 : i32
      %dma_start3A_104 = arith.constant 0 : i32
      %dma_start3A_105 = tpu.memref_slice %arg11[%dma_start3A_103, %dma_start3A_104] : memref<48x144xf32, #tpu.memory_space<vmem>> -> memref<48x144xf32, #tpu.memory_space<vmem>>
      %dma_start3A_106 = arith.constant 0 : i32
      %dma_start3A_107 = tpu.memref_slice %arg8[%add3A_61, %dma_start3A_106] : memref<10112x144xf32, #tpu.memory_space<vmem_shared>> -> memref<48x144xf32, #tpu.memory_space<vmem_shared>>
      %dma_start3A_108 = arith.constant 0 : i32
      %dma_start3A_109 = tpu.memref_slice %arg8[%add3A_61, %dma_start3A_108] : memref<10112x144xf32, #tpu.memory_space<vmem_shared>> -> memref<48x144xf32, #tpu.memory_space<vmem_shared>>
      %dma_start3A_110 = arith.constant 0 : i32
      %dma_start3A_111 = arith.constant 0 : i32
      %dma_start3A_112 = tpu.memref_slice %arg11[%dma_start3A_110, %dma_start3A_111] : memref<48x144xf32, #tpu.memory_space<vmem>> -> memref<48x144xf32, #tpu.memory_space<vmem>>
      tpu.enqueue_dma source(%dma_start3A_112 : memref<48x144xf32, #tpu.memory_space<vmem>>) target(%dma_start3A_109 : memref<48x144xf32, #tpu.memory_space<vmem_shared>>) target_semaphore(%run_scoped3A : memref<!tpu.dma_semaphore, #tpu.memory_space<semaphore_mem>>)
      %dma_wait3A_113 = arith.constant 0 : i32
      %dma_wait3A_114 = arith.constant 0 : i32
      %dma_wait3A_115 = tpu.memref_slice %arg11[%dma_wait3A_113, %dma_wait3A_114] : memref<48x144xf32, #tpu.memory_space<vmem>> -> memref<48x144xf32, #tpu.memory_space<vmem>>
      %dma_wait3A_116 = arith.constant 0 : i32
      %dma_wait3A_117 = tpu.memref_slice %arg8[%add3A_61, %dma_wait3A_116] : memref<10112x144xf32, #tpu.memory_space<vmem_shared>> -> memref<48x144xf32, #tpu.memory_space<vmem_shared>>
      %dma_wait3A_118 = arith.constant 0 : i32
      %dma_wait3A_119 = tpu.memref_slice %arg8[%add3A_61, %dma_wait3A_118] : memref<10112x144xf32, #tpu.memory_space<vmem_shared>> -> memref<48x144xf32, #tpu.memory_space<vmem_shared>>
      %dma_wait3A_120 = arith.constant 0 : i32
      %dma_wait3A_121 = arith.constant 0 : i32
      %dma_wait3A_122 = tpu.memref_slice %arg11[%dma_wait3A_120, %dma_wait3A_121] : memref<48x144xf32, #tpu.memory_space<vmem>> -> memref<48x144xf32, #tpu.memory_space<vmem>>
      tpu.wait_dma2 semaphore(%run_scoped3A : memref<!tpu.dma_semaphore, #tpu.memory_space<semaphore_mem>>) src(%dma_wait3A_122 : memref<48x144xf32, #tpu.memory_space<vmem>>) dst(%dma_wait3A_119 : memref<48x144xf32, #tpu.memory_space<vmem_shared>>)
      tpu.yield
    }) : () -> ()
    %mul3A_62 = arith.constant 632 : i32
    %mul3A_63 = arith.muli %arg1, %mul3A_62 : i32
    %add3A_64 = arith.constant 576 : i32
    %add3A_65 = arith.addi %mul3A_63, %add3A_64 : i32
    "tpu.region"() ({
      %run_scoped3A = tpu.sem_alloc : memref<!tpu.dma_semaphore, #tpu.memory_space<semaphore_mem>>
      %dma_start3A_103 = arith.constant 0 : i32
      %dma_start3A_104 = arith.constant 0 : i32
      %dma_start3A_105 = tpu.memref_slice %arg11[%dma_start3A_103, %dma_start3A_104] : memref<48x144xf32, #tpu.memory_space<vmem>> -> memref<48x144xf32, #tpu.memory_space<vmem>>
      %dma_start3A_106 = arith.constant 0 : i32
      %dma_start3A_107 = tpu.memref_slice %arg8[%add3A_65, %dma_start3A_106] : memref<10112x144xf32, #tpu.memory_space<vmem_shared>> -> memref<48x144xf32, #tpu.memory_space<vmem_shared>>
      %dma_start3A_108 = arith.constant 0 : i32
      %dma_start3A_109 = tpu.memref_slice %arg8[%add3A_65, %dma_start3A_108] : memref<10112x144xf32, #tpu.memory_space<vmem_shared>> -> memref<48x144xf32, #tpu.memory_space<vmem_shared>>
      %dma_start3A_110 = arith.constant 0 : i32
      %dma_start3A_111 = arith.constant 0 : i32
      %dma_start3A_112 = tpu.memref_slice %arg11[%dma_start3A_110, %dma_start3A_111] : memref<48x144xf32, #tpu.memory_space<vmem>> -> memref<48x144xf32, #tpu.memory_space<vmem>>
      tpu.enqueue_dma source(%dma_start3A_112 : memref<48x144xf32, #tpu.memory_space<vmem>>) target(%dma_start3A_109 : memref<48x144xf32, #tpu.memory_space<vmem_shared>>) target_semaphore(%run_scoped3A : memref<!tpu.dma_semaphore, #tpu.memory_space<semaphore_mem>>)
      %dma_wait3A_113 = arith.constant 0 : i32
      %dma_wait3A_114 = arith.constant 0 : i32
      %dma_wait3A_115 = tpu.memref_slice %arg11[%dma_wait3A_113, %dma_wait3A_114] : memref<48x144xf32, #tpu.memory_space<vmem>> -> memref<48x144xf32, #tpu.memory_space<vmem>>
      %dma_wait3A_116 = arith.constant 0 : i32
      %dma_wait3A_117 = tpu.memref_slice %arg8[%add3A_65, %dma_wait3A_116] : memref<10112x144xf32, #tpu.memory_space<vmem_shared>> -> memref<48x144xf32, #tpu.memory_space<vmem_shared>>
      %dma_wait3A_118 = arith.constant 0 : i32
      %dma_wait3A_119 = tpu.memref_slice %arg8[%add3A_65, %dma_wait3A_118] : memref<10112x144xf32, #tpu.memory_space<vmem_shared>> -> memref<48x144xf32, #tpu.memory_space<vmem_shared>>
      %dma_wait3A_120 = arith.constant 0 : i32
      %dma_wait3A_121 = arith.constant 0 : i32
      %dma_wait3A_122 = tpu.memref_slice %arg11[%dma_wait3A_120, %dma_wait3A_121] : memref<48x144xf32, #tpu.memory_space<vmem>> -> memref<48x144xf32, #tpu.memory_space<vmem>>
      tpu.wait_dma2 semaphore(%run_scoped3A : memref<!tpu.dma_semaphore, #tpu.memory_space<semaphore_mem>>) src(%dma_wait3A_122 : memref<48x144xf32, #tpu.memory_space<vmem>>) dst(%dma_wait3A_119 : memref<48x144xf32, #tpu.memory_space<vmem_shared>>)
      tpu.yield
    }) : () -> ()
    %mul3A_66 = arith.constant 632 : i32
    %mul3A_67 = arith.muli %arg1, %mul3A_66 : i32
    %add3A_68 = arith.constant 624 : i32
    %add3A_69 = arith.addi %mul3A_67, %add3A_68 : i32
    "tpu.region"() ({
      %run_scoped3A = tpu.sem_alloc : memref<!tpu.dma_semaphore, #tpu.memory_space<semaphore_mem>>
      %dma_start3A_103 = arith.constant 0 : i32
      %dma_start3A_104 = arith.constant 0 : i32
      %dma_start3A_105 = tpu.memref_slice %arg11[%dma_start3A_103, %dma_start3A_104] : memref<48x144xf32, #tpu.memory_space<vmem>> -> memref<8x144xf32, #tpu.memory_space<vmem>>
      %dma_start3A_106 = arith.constant 0 : i32
      %dma_start3A_107 = tpu.memref_slice %arg8[%add3A_69, %dma_start3A_106] : memref<10112x144xf32, #tpu.memory_space<vmem_shared>> -> memref<8x144xf32, #tpu.memory_space<vmem_shared>>
      %dma_start3A_108 = arith.constant 0 : i32
      %dma_start3A_109 = tpu.memref_slice %arg8[%add3A_69, %dma_start3A_108] : memref<10112x144xf32, #tpu.memory_space<vmem_shared>> -> memref<8x144xf32, #tpu.memory_space<vmem_shared>>
      %dma_start3A_110 = arith.constant 0 : i32
      %dma_start3A_111 = arith.constant 0 : i32
      %dma_start3A_112 = tpu.memref_slice %arg11[%dma_start3A_110, %dma_start3A_111] : memref<48x144xf32, #tpu.memory_space<vmem>> -> memref<8x144xf32, #tpu.memory_space<vmem>>
      tpu.enqueue_dma source(%dma_start3A_112 : memref<8x144xf32, #tpu.memory_space<vmem>>) target(%dma_start3A_109 : memref<8x144xf32, #tpu.memory_space<vmem_shared>>) target_semaphore(%run_scoped3A : memref<!tpu.dma_semaphore, #tpu.memory_space<semaphore_mem>>)
      %dma_wait3A_113 = arith.constant 0 : i32
      %dma_wait3A_114 = arith.constant 0 : i32
      %dma_wait3A_115 = tpu.memref_slice %arg11[%dma_wait3A_113, %dma_wait3A_114] : memref<48x144xf32, #tpu.memory_space<vmem>> -> memref<8x144xf32, #tpu.memory_space<vmem>>
      %dma_wait3A_116 = arith.constant 0 : i32
      %dma_wait3A_117 = tpu.memref_slice %arg8[%add3A_69, %dma_wait3A_116] : memref<10112x144xf32, #tpu.memory_space<vmem_shared>> -> memref<8x144xf32, #tpu.memory_space<vmem_shared>>
      %dma_wait3A_118 = arith.constant 0 : i32
      %dma_wait3A_119 = tpu.memref_slice %arg8[%add3A_69, %dma_wait3A_118] : memref<10112x144xf32, #tpu.memory_space<vmem_shared>> -> memref<8x144xf32, #tpu.memory_space<vmem_shared>>
      %dma_wait3A_120 = arith.constant 0 : i32
      %dma_wait3A_121 = arith.constant 0 : i32
      %dma_wait3A_122 = tpu.memref_slice %arg11[%dma_wait3A_120, %dma_wait3A_121] : memref<48x144xf32, #tpu.memory_space<vmem>> -> memref<8x144xf32, #tpu.memory_space<vmem>>
      tpu.wait_dma2 semaphore(%run_scoped3A : memref<!tpu.dma_semaphore, #tpu.memory_space<semaphore_mem>>) src(%dma_wait3A_122 : memref<8x144xf32, #tpu.memory_space<vmem>>) dst(%dma_wait3A_119 : memref<8x144xf32, #tpu.memory_space<vmem_shared>>)
      tpu.yield
    }) : () -> ()
    %barrier3A = arith.constant 0 : index
    tpu.barrier barrier_id(%barrier3A)
    %dma_start3A = arith.constant 0 : i32
    %dma_start3A_70 = arith.constant 0 : i32
    %dma_start3A_71 = tpu.memref_slice %arg9[%dma_start3A, %dma_start3A_70] : memref<210x48xi32, #tpu.memory_space<vmem>> -> memref<1x48xi32, #tpu.memory_space<vmem>>
    %dma_start3A_72 = tpu.memref_squeeze %dma_start3A_71 : memref<1x48xi32, #tpu.memory_space<vmem>> -> memref<48xi32, #tpu.memory_space<vmem>>
    %dma_start3A_73 = arith.constant 0 : i32
    %dma_start3A_74 = arith.constant 0 : i32
    %dma_start3A_75 = tpu.memref_slice %arg2[%dma_start3A_73, %dma_start3A_74] : memref<10112x144xf32, #tpu.memory_space<hbm>> -> memref<10112x144xf32, #tpu.memory_space<hbm>>
    tpu.enqueue_indirect_dma source(%dma_start3A_75 : memref<10112x144xf32, #tpu.memory_space<hbm>>) target(%arg11 : memref<48x144xf32, #tpu.memory_space<vmem>>) offsets(%dma_start3A_72 : memref<48xi32, #tpu.memory_space<vmem>>) semaphore(%arg15 : memref<!tpu.dma_semaphore, #tpu.memory_space<semaphore_mem>>)
    %dma_start3A_76 = arith.constant 0 : i32
    %dma_start3A_77 = arith.constant 0 : i32
    %dma_start3A_78 = tpu.memref_slice %arg10[%dma_start3A_76, %dma_start3A_77] : memref<210x48xi32, #tpu.memory_space<vmem>> -> memref<1x48xi32, #tpu.memory_space<vmem>>
    %dma_start3A_79 = tpu.memref_squeeze %dma_start3A_78 : memref<1x48xi32, #tpu.memory_space<vmem>> -> memref<48xi32, #tpu.memory_space<vmem>>
    %dma_start3A_80 = arith.constant 0 : i32
    %dma_start3A_81 = arith.constant 0 : i32
    %dma_start3A_82 = tpu.memref_slice %arg3[%dma_start3A_80, %dma_start3A_81] : memref<10112x16xf32, #tpu.memory_space<hbm>> -> memref<10112x16xf32, #tpu.memory_space<hbm>>
    tpu.enqueue_indirect_dma source(%dma_start3A_82 : memref<10112x16xf32, #tpu.memory_space<hbm>>) target(%arg13 : memref<48x16xf32, #tpu.memory_space<vmem>>) offsets(%dma_start3A_79 : memref<48xi32, #tpu.memory_space<vmem>>) semaphore(%arg17 : memref<!tpu.dma_semaphore, #tpu.memory_space<semaphore_mem>>)
    %scan3A_83 = arith.constant 0 : i32
    %scan3A_84 = arith.constant 0 : i32
    %scan3A_85 = arith.constant 105 : i32
    %scan3A_86 = arith.addi %scan3A_84, %scan3A_85 : i32
    %scan3A_87 = arith.constant 1 : i32
    %scan3A_88 = scf.for %scan3A_103 = %scan3A_84 to %scan3A_86 step %scan3A_87 iter_args(%scan3A_104 = %scan3A_83) -> (i32)  : i32 {
      %mul3A_105 = arith.constant 2 : i32
      %mul3A_106 = arith.muli %scan3A_103, %mul3A_105 : i32
      %add3A_107 = arith.constant 0 : i32
      %add3A_108 = arith.addi %mul3A_106, %add3A_107 : i32
      %dma_wait3A_109 = arith.constant 0 : i32
      %dma_wait3A_110 = tpu.memref_slice %arg9[%add3A_108, %dma_wait3A_109] : memref<210x48xi32, #tpu.memory_space<vmem>> -> memref<1x48xi32, #tpu.memory_space<vmem>>
      %dma_wait3A_111 = tpu.memref_squeeze %dma_wait3A_110 : memref<1x48xi32, #tpu.memory_space<vmem>> -> memref<48xi32, #tpu.memory_space<vmem>>
      %dma_wait3A_112 = arith.constant 0 : i32
      %dma_wait3A_113 = arith.constant 0 : i32
      %dma_wait3A_114 = tpu.memref_slice %arg2[%dma_wait3A_112, %dma_wait3A_113] : memref<10112x144xf32, #tpu.memory_space<hbm>> -> memref<10112x144xf32, #tpu.memory_space<hbm>>
      tpu.wait_indirect_dma semaphore(%arg15 : memref<!tpu.dma_semaphore, #tpu.memory_space<semaphore_mem>>) src(%dma_wait3A_114 : memref<10112x144xf32, #tpu.memory_space<hbm>>) dst(%arg11 : memref<48x144xf32, #tpu.memory_space<vmem>>)
      %dma_wait3A_115 = arith.constant 0 : i32
      %dma_wait3A_116 = tpu.memref_slice %arg10[%add3A_108, %dma_wait3A_115] : memref<210x48xi32, #tpu.memory_space<vmem>> -> memref<1x48xi32, #tpu.memory_space<vmem>>
      %dma_wait3A_117 = tpu.memref_squeeze %dma_wait3A_116 : memref<1x48xi32, #tpu.memory_space<vmem>> -> memref<48xi32, #tpu.memory_space<vmem>>
      %dma_wait3A_118 = arith.constant 0 : i32
      %dma_wait3A_119 = arith.constant 0 : i32
      %dma_wait3A_120 = tpu.memref_slice %arg3[%dma_wait3A_118, %dma_wait3A_119] : memref<10112x16xf32, #tpu.memory_space<hbm>> -> memref<10112x16xf32, #tpu.memory_space<hbm>>
      tpu.wait_indirect_dma semaphore(%arg17 : memref<!tpu.dma_semaphore, #tpu.memory_space<semaphore_mem>>) src(%dma_wait3A_120 : memref<10112x16xf32, #tpu.memory_space<hbm>>) dst(%arg13 : memref<48x16xf32, #tpu.memory_space<vmem>>)
      %ge3A = arith.constant 1 : i32
      %ge3A_121 = arith.cmpi sge, %add3A_108, %ge3A : i32
      %convert_element_type3A_122 = arith.extui %ge3A_121 : i1 to i32
      %cond3A_123 = arith.constant 0 : i32
      %cond3A_124 = arith.cmpi ne, %convert_element_type3A_122, %cond3A_123 : i32
      scf.if %cond3A_124 {
        %sub3A = arith.constant 1 : i32
        %sub3A_185 = arith.subi %add3A_108, %sub3A : i32
        %dma_wait3A_186 = arith.constant 0 : i32
        %dma_wait3A_187 = arith.constant 0 : i32
        %dma_wait3A_188 = tpu.memref_slice %arg2[%dma_wait3A_186, %dma_wait3A_187] : memref<10112x144xf32, #tpu.memory_space<hbm>> -> memref<48x144xf32, #tpu.memory_space<hbm>>
        %dma_wait3A_189 = arith.constant 0 : i32
        %dma_wait3A_190 = arith.constant 0 : i32
        %dma_wait3A_191 = tpu.memref_slice %arg2[%dma_wait3A_189, %dma_wait3A_190] : memref<10112x144xf32, #tpu.memory_space<hbm>> -> memref<48x144xf32, #tpu.memory_space<hbm>>
        tpu.wait_dma2 semaphore(%arg20 : memref<!tpu.dma_semaphore, #tpu.memory_space<semaphore_mem>>) src(%dma_wait3A_191 : memref<48x144xf32, #tpu.memory_space<hbm>>) dst(%arg12 : memref<48x144xf32, #tpu.memory_space<vmem>>)
      } else {
      }
      %add3A_125 = arith.constant 1 : i32
      %add3A_126 = arith.addi %add3A_108, %add3A_125 : i32
      %lt3A_127 = arith.constant 210 : i32
      %lt3A_128 = arith.cmpi slt, %add3A_126, %lt3A_127 : i32
      %convert_element_type3A_129 = arith.extui %lt3A_128 : i1 to i32
      %cond3A_130 = arith.constant 0 : i32
      %cond3A_131 = arith.cmpi ne, %convert_element_type3A_129, %cond3A_130 : i32
      scf.if %cond3A_131 {
        %add3A_185 = arith.constant 1 : i32
        %add3A_186 = arith.addi %add3A_108, %add3A_185 : i32
        %dma_start3A_187 = arith.constant 0 : i32
        %dma_start3A_188 = tpu.memref_slice %arg9[%add3A_186, %dma_start3A_187] : memref<210x48xi32, #tpu.memory_space<vmem>> -> memref<1x48xi32, #tpu.memory_space<vmem>>
        %dma_start3A_189 = tpu.memref_squeeze %dma_start3A_188 : memref<1x48xi32, #tpu.memory_space<vmem>> -> memref<48xi32, #tpu.memory_space<vmem>>
        %dma_start3A_190 = arith.constant 0 : i32
        %dma_start3A_191 = arith.constant 0 : i32
        %dma_start3A_192 = tpu.memref_slice %arg2[%dma_start3A_190, %dma_start3A_191] : memref<10112x144xf32, #tpu.memory_space<hbm>> -> memref<10112x144xf32, #tpu.memory_space<hbm>>
        tpu.enqueue_indirect_dma source(%dma_start3A_192 : memref<10112x144xf32, #tpu.memory_space<hbm>>) target(%arg12 : memref<48x144xf32, #tpu.memory_space<vmem>>) offsets(%dma_start3A_189 : memref<48xi32, #tpu.memory_space<vmem>>) semaphore(%arg16 : memref<!tpu.dma_semaphore, #tpu.memory_space<semaphore_mem>>)
        %dma_start3A_193 = arith.constant 0 : i32
        %dma_start3A_194 = tpu.memref_slice %arg10[%add3A_186, %dma_start3A_193] : memref<210x48xi32, #tpu.memory_space<vmem>> -> memref<1x48xi32, #tpu.memory_space<vmem>>
        %dma_start3A_195 = tpu.memref_squeeze %dma_start3A_194 : memref<1x48xi32, #tpu.memory_space<vmem>> -> memref<48xi32, #tpu.memory_space<vmem>>
        %dma_start3A_196 = arith.constant 0 : i32
        %dma_start3A_197 = arith.constant 0 : i32
        %dma_start3A_198 = tpu.memref_slice %arg3[%dma_start3A_196, %dma_start3A_197] : memref<10112x16xf32, #tpu.memory_space<hbm>> -> memref<10112x16xf32, #tpu.memory_space<hbm>>
        tpu.enqueue_indirect_dma source(%dma_start3A_198 : memref<10112x16xf32, #tpu.memory_space<hbm>>) target(%arg14 : memref<48x16xf32, #tpu.memory_space<vmem>>) offsets(%dma_start3A_195 : memref<48xi32, #tpu.memory_space<vmem>>) semaphore(%arg18 : memref<!tpu.dma_semaphore, #tpu.memory_space<semaphore_mem>>)
      } else {
      }
      %scan3A_132 = arith.constant 0 : i32
      %scan3A_133 = arith.constant 0 : i32
      %scan3A_134 = arith.constant 12 : i32
      %scan3A_135 = arith.addi %scan3A_133, %scan3A_134 : i32
      %scan3A_136 = arith.constant 1 : i32
      %scan3A_137 = scf.for %scan3A_185 = %scan3A_133 to %scan3A_135 step %scan3A_136 iter_args(%scan3A_186 = %scan3A_132) -> (i32)  : i32 {
        %mul3A_187 = arith.constant 4 : i32
        %mul3A_188 = arith.muli %mul3A_187, %scan3A_185 : i32
        %add3A_189 = arith.constant 0 : i32
        %add3A_190 = arith.addi %mul3A_188, %add3A_189 : i32
        %get3A = arith.index_cast %add3A_190 : i32 to index
        %get3A_191 = arith.constant 128 : index
        %get3A_192 = tpu.vector_load %arg11[%get3A, %get3A_191] {strides = array<i32>} : memref<48x144xf32, #tpu.memory_space<vmem>>, vector<1x16xf32>,
        %get3A_193 = vector.shape_cast %get3A_192 : vector<1x16xf32> to vector<16xf32>
        %get3A_194 = arith.index_cast %add3A_190 : i32 to index
        %get3A_195 = arith.constant 0 : index
        %get3A_196 = tpu.vector_load %arg13[%get3A_194, %get3A_195] {strides = array<i32>} : memref<48x16xf32, #tpu.memory_space<vmem>>, vector<1x16xf32>,
        %get3A_197 = vector.shape_cast %get3A_196 : vector<1x16xf32> to vector<16xf32>
        %add3A_198 = arith.addf %get3A_193, %get3A_197 : vector<16xf32>
        %mul3A_199 = arith.constant 2.000000e-01 : f32
        %mul3A_200 = vector.broadcast %mul3A_199 : f32 to vector<16xf32>
        %mul3A_201 = arith.mulf %add3A_198, %mul3A_200 : vector<16xf32>
        %max3A = arith.maximumf %add3A_198, %mul3A_201 : vector<16xf32>
        %exp3A = math.exp %max3A : vector<16xf32>
        %jit3A = arith.constant 0.000000e+00 : f32
        %broadcast_in_dim3A_202 = vector.broadcast %jit3A : f32 to vector<16xf32>
        %select_n3A = arith.select %lt3A_2, %exp3A, %broadcast_in_dim3A_202 : vector<16xi1>, vector<16xf32>
        %swap3A = arith.index_cast %add3A_190 : i32 to index
        %swap3A_203 = arith.constant 128 : index
        %swap3A_204 = tpu.vector_load %arg11[%swap3A, %swap3A_203] {strides = array<i32>} : memref<48x144xf32, #tpu.memory_space<vmem>>, vector<1x16xf32>,
        %swap3A_205 = vector.shape_cast %swap3A_204 : vector<1x16xf32> to vector<16xf32>
        %swap3A_206 = vector.shape_cast %select_n3A : vector<16xf32> to vector<1x16xf32>
        tpu.vector_store %arg11[%swap3A, %swap3A_203], %swap3A_206 {strides = array<i32>} : memref<48x144xf32, #tpu.memory_space<vmem>>, vector<1x16xf32>,
        %slice3A = vector.extract_strided_slice %exp3A {offsets = [0], sizes = [1], strides = [1]} : vector<16xf32> to vector<1xf32>
        %squeeze3A = vector.extract %slice3A[0] : f32 from vector<1xf32>
        %broadcast_in_dim3A_207 = vector.broadcast %squeeze3A : f32 to vector<16xf32>
        %get3A_208 = arith.index_cast %add3A_190 : i32 to index
        %get3A_209 = arith.constant 0 : index
        %get3A_210 = tpu.vector_load %arg11[%get3A_208, %get3A_209] {strides = array<i32>} : memref<48x144xf32, #tpu.memory_space<vmem>>, vector<1x16xf32>,
        %get3A_211 = vector.shape_cast %get3A_210 : vector<1x16xf32> to vector<16xf32>
        %mul3A_212 = arith.mulf %get3A_211, %broadcast_in_dim3A_207 : vector<16xf32>
        %swap3A_213 = arith.index_cast %add3A_190 : i32 to index
        %swap3A_214 = arith.constant 0 : index
        %swap3A_215 = tpu.vector_load %arg11[%swap3A_213, %swap3A_214] {strides = array<i32>} : memref<48x144xf32, #tpu.memory_space<vmem>>, vector<1x16xf32>,
        %swap3A_216 = vector.shape_cast %swap3A_215 : vector<1x16xf32> to vector<16xf32>
        %swap3A_217 = vector.shape_cast %mul3A_212 : vector<16xf32> to vector<1x16xf32>
        tpu.vector_store %arg11[%swap3A_213, %swap3A_214], %swap3A_217 {strides = array<i32>} : memref<48x144xf32, #tpu.memory_space<vmem>>, vector<1x16xf32>,
        %get3A_218 = arith.index_cast %add3A_190 : i32 to index
        %get3A_219 = arith.constant 16 : index
        %get3A_220 = tpu.vector_load %arg11[%get3A_218, %get3A_219] {strides = array<i32>} : memref<48x144xf32, #tpu.memory_space<vmem>>, vector<1x16xf32>,
        %get3A_221 = vector.shape_cast %get3A_220 : vector<1x16xf32> to vector<16xf32>
        %mul3A_222 = arith.mulf %get3A_221, %broadcast_in_dim3A_207 : vector<16xf32>
        %swap3A_223 = arith.index_cast %add3A_190 : i32 to index
        %swap3A_224 = arith.constant 16 : index
        %swap3A_225 = tpu.vector_load %arg11[%swap3A_223, %swap3A_224] {strides = array<i32>} : memref<48x144xf32, #tpu.memory_space<vmem>>, vector<1x16xf32>,
        %swap3A_226 = vector.shape_cast %swap3A_225 : vector<1x16xf32> to vector<16xf32>
        %swap3A_227 = vector.shape_cast %mul3A_222 : vector<16xf32> to vector<1x16xf32>
        tpu.vector_store %arg11[%swap3A_223, %swap3A_224], %swap3A_227 {strides = array<i32>} : memref<48x144xf32, #tpu.memory_space<vmem>>, vector<1x16xf32>,
        %slice3A_228 = vector.extract_strided_slice %exp3A {offsets = [1], sizes = [1], strides = [1]} : vector<16xf32> to vector<1xf32>
        %squeeze3A_229 = vector.extract %slice3A_228[0] : f32 from vector<1xf32>
        %broadcast_in_dim3A_230 = vector.broadcast %squeeze3A_229 : f32 to vector<16xf32>
        %get3A_231 = arith.index_cast %add3A_190 : i32 to index
        %get3A_232 = arith.constant 32 : index
        %get3A_233 = tpu.vector_load %arg11[%get3A_231, %get3A_232] {strides = array<i32>} : memref<48x144xf32, #tpu.memory_space<vmem>>, vector<1x16xf32>,
        %get3A_234 = vector.shape_cast %get3A_233 : vector<1x16xf32> to vector<16xf32>
        %mul3A_235 = arith.mulf %get3A_234, %broadcast_in_dim3A_230 : vector<16xf32>
        %swap3A_236 = arith.index_cast %add3A_190 : i32 to index
        %swap3A_237 = arith.constant 32 : index
        %swap3A_238 = tpu.vector_load %arg11[%swap3A_236, %swap3A_237] {strides = array<i32>} : memref<48x144xf32, #tpu.memory_space<vmem>>, vector<1x16xf32>,
        %swap3A_239 = vector.shape_cast %swap3A_238 : vector<1x16xf32> to vector<16xf32>
        %swap3A_240 = vector.shape_cast %mul3A_235 : vector<16xf32> to vector<1x16xf32>
        tpu.vector_store %arg11[%swap3A_236, %swap3A_237], %swap3A_240 {strides = array<i32>} : memref<48x144xf32, #tpu.memory_space<vmem>>, vector<1x16xf32>,
        %get3A_241 = arith.index_cast %add3A_190 : i32 to index
        %get3A_242 = arith.constant 48 : index
        %get3A_243 = tpu.vector_load %arg11[%get3A_241, %get3A_242] {strides = array<i32>} : memref<48x144xf32, #tpu.memory_space<vmem>>, vector<1x16xf32>,
        %get3A_244 = vector.shape_cast %get3A_243 : vector<1x16xf32> to vector<16xf32>
        %mul3A_245 = arith.mulf %get3A_244, %broadcast_in_dim3A_230 : vector<16xf32>
        %swap3A_246 = arith.index_cast %add3A_190 : i32 to index
        %swap3A_247 = arith.constant 48 : index
        %swap3A_248 = tpu.vector_load %arg11[%swap3A_246, %swap3A_247] {strides = array<i32>} : memref<48x144xf32, #tpu.memory_space<vmem>>, vector<1x16xf32>,
        %swap3A_249 = vector.shape_cast %swap3A_248 : vector<1x16xf32> to vector<16xf32>
        %swap3A_250 = vector.shape_cast %mul3A_245 : vector<16xf32> to vector<1x16xf32>
        tpu.vector_store %arg11[%swap3A_246, %swap3A_247], %swap3A_250 {strides = array<i32>} : memref<48x144xf32, #tpu.memory_space<vmem>>, vector<1x16xf32>,
        %slice3A_251 = vector.extract_strided_slice %exp3A {offsets = [2], sizes = [1], strides = [1]} : vector<16xf32> to vector<1xf32>
        %squeeze3A_252 = vector.extract %slice3A_251[0] : f32 from vector<1xf32>
        %broadcast_in_dim3A_253 = vector.broadcast %squeeze3A_252 : f32 to vector<16xf32>
        %get3A_254 = arith.index_cast %add3A_190 : i32 to index
        %get3A_255 = arith.constant 64 : index
        %get3A_256 = tpu.vector_load %arg11[%get3A_254, %get3A_255] {strides = array<i32>} : memref<48x144xf32, #tpu.memory_space<vmem>>, vector<1x16xf32>,
        %get3A_257 = vector.shape_cast %get3A_256 : vector<1x16xf32> to vector<16xf32>
        %mul3A_258 = arith.mulf %get3A_257, %broadcast_in_dim3A_253 : vector<16xf32>
        %swap3A_259 = arith.index_cast %add3A_190 : i32 to index
        %swap3A_260 = arith.constant 64 : index
        %swap3A_261 = tpu.vector_load %arg11[%swap3A_259, %swap3A_260] {strides = array<i32>} : memref<48x144xf32, #tpu.memory_space<vmem>>, vector<1x16xf32>,
        %swap3A_262 = vector.shape_cast %swap3A_261 : vector<1x16xf32> to vector<16xf32>
        %swap3A_263 = vector.shape_cast %mul3A_258 : vector<16xf32> to vector<1x16xf32>
        tpu.vector_store %arg11[%swap3A_259, %swap3A_260], %swap3A_263 {strides = array<i32>} : memref<48x144xf32, #tpu.memory_space<vmem>>, vector<1x16xf32>,
        %get3A_264 = arith.index_cast %add3A_190 : i32 to index
        %get3A_265 = arith.constant 80 : index
        %get3A_266 = tpu.vector_load %arg11[%get3A_264, %get3A_265] {strides = array<i32>} : memref<48x144xf32, #tpu.memory_space<vmem>>, vector<1x16xf32>,
        %get3A_267 = vector.shape_cast %get3A_266 : vector<1x16xf32> to vector<16xf32>
        %mul3A_268 = arith.mulf %get3A_267, %broadcast_in_dim3A_253 : vector<16xf32>
        %swap3A_269 = arith.index_cast %add3A_190 : i32 to index
        %swap3A_270 = arith.constant 80 : index
        %swap3A_271 = tpu.vector_load %arg11[%swap3A_269, %swap3A_270] {strides = array<i32>} : memref<48x144xf32, #tpu.memory_space<vmem>>, vector<1x16xf32>,
        %swap3A_272 = vector.shape_cast %swap3A_271 : vector<1x16xf32> to vector<16xf32>
        %swap3A_273 = vector.shape_cast %mul3A_268 : vector<16xf32> to vector<1x16xf32>
        tpu.vector_store %arg11[%swap3A_269, %swap3A_270], %swap3A_273 {strides = array<i32>} : memref<48x144xf32, #tpu.memory_space<vmem>>, vector<1x16xf32>,
        %slice3A_274 = vector.extract_strided_slice %exp3A {offsets = [3], sizes = [1], strides = [1]} : vector<16xf32> to vector<1xf32>
        %squeeze3A_275 = vector.extract %slice3A_274[0] : f32 from vector<1xf32>
        %broadcast_in_dim3A_276 = vector.broadcast %squeeze3A_275 : f32 to vector<16xf32>
        %get3A_277 = arith.index_cast %add3A_190 : i32 to index
        %get3A_278 = arith.constant 96 : index
        %get3A_279 = tpu.vector_load %arg11[%get3A_277, %get3A_278] {strides = array<i32>} : memref<48x144xf32, #tpu.memory_space<vmem>>, vector<1x16xf32>,
        %get3A_280 = vector.shape_cast %get3A_279 : vector<1x16xf32> to vector<16xf32>
        %mul3A_281 = arith.mulf %get3A_280, %broadcast_in_dim3A_276 : vector<16xf32>
        %swap3A_282 = arith.index_cast %add3A_190 : i32 to index
        %swap3A_283 = arith.constant 96 : index
        %swap3A_284 = tpu.vector_load %arg11[%swap3A_282, %swap3A_283] {strides = array<i32>} : memref<48x144xf32, #tpu.memory_space<vmem>>, vector<1x16xf32>,
        %swap3A_285 = vector.shape_cast %swap3A_284 : vector<1x16xf32> to vector<16xf32>
        %swap3A_286 = vector.shape_cast %mul3A_281 : vector<16xf32> to vector<1x16xf32>
        tpu.vector_store %arg11[%swap3A_282, %swap3A_283], %swap3A_286 {strides = array<i32>} : memref<48x144xf32, #tpu.memory_space<vmem>>, vector<1x16xf32>,
        %get3A_287 = arith.index_cast %add3A_190 : i32 to index
        %get3A_288 = arith.constant 112 : index
        %get3A_289 = tpu.vector_load %arg11[%get3A_287, %get3A_288] {strides = array<i32>} : memref<48x144xf32, #tpu.memory_space<vmem>>, vector<1x16xf32>,
        %get3A_290 = vector.shape_cast %get3A_289 : vector<1x16xf32> to vector<16xf32>
        %mul3A_291 = arith.mulf %get3A_290, %broadcast_in_dim3A_276 : vector<16xf32>
        %swap3A_292 = arith.index_cast %add3A_190 : i32 to index
        %swap3A_293 = arith.constant 112 : index
        %swap3A_294 = tpu.vector_load %arg11[%swap3A_292, %swap3A_293] {strides = array<i32>} : memref<48x144xf32, #tpu.memory_space<vmem>>, vector<1x16xf32>,
        %swap3A_295 = vector.shape_cast %swap3A_294 : vector<1x16xf32> to vector<16xf32>
        %swap3A_296 = vector.shape_cast %mul3A_291 : vector<16xf32> to vector<1x16xf32>
        tpu.vector_store %arg11[%swap3A_292, %swap3A_293], %swap3A_296 {strides = array<i32>} : memref<48x144xf32, #tpu.memory_space<vmem>>, vector<1x16xf32>,
        %mul3A_297 = arith.constant 4 : i32
        %mul3A_298 = arith.muli %mul3A_297, %scan3A_185 : i32
        %add3A_299 = arith.constant 1 : i32
        %add3A_300 = arith.addi %mul3A_298, %add3A_299 : i32
        %get3A_301 = arith.index_cast %add3A_300 : i32 to index
        %get3A_302 = arith.constant 128 : index
        %get3A_303 = tpu.vector_load %arg11[%get3A_301, %get3A_302] {strides = array<i32>} : memref<48x144xf32, #tpu.memory_space<vmem>>, vector<1x16xf32>,
        %get3A_304 = vector.shape_cast %get3A_303 : vector<1x16xf32> to vector<16xf32>
        %get3A_305 = arith.index_cast %add3A_300 : i32 to index
        %get3A_306 = arith.constant 0 : index
        %get3A_307 = tpu.vector_load %arg13[%get3A_305, %get3A_306] {strides = array<i32>} : memref<48x16xf32, #tpu.memory_space<vmem>>, vector<1x16xf32>,
        %get3A_308 = vector.shape_cast %get3A_307 : vector<1x16xf32> to vector<16xf32>
        %add3A_309 = arith.addf %get3A_304, %get3A_308 : vector<16xf32>
        %mul3A_310 = arith.constant 2.000000e-01 : f32
        %mul3A_311 = vector.broadcast %mul3A_310 : f32 to vector<16xf32>
        %mul3A_312 = arith.mulf %add3A_309, %mul3A_311 : vector<16xf32>
        %max3A_313 = arith.maximumf %add3A_309, %mul3A_312 : vector<16xf32>
        %exp3A_314 = math.exp %max3A_313 : vector<16xf32>
        %jit3A_315 = arith.constant 0.000000e+00 : f32
        %broadcast_in_dim3A_316 = vector.broadcast %jit3A_315 : f32 to vector<16xf32>
        %select_n3A_317 = arith.select %lt3A_2, %exp3A_314, %broadcast_in_dim3A_316 : vector<16xi1>, vector<16xf32>
        %swap3A_318 = arith.index_cast %add3A_300 : i32 to index
        %swap3A_319 = arith.constant 128 : index
        %swap3A_320 = tpu.vector_load %arg11[%swap3A_318, %swap3A_319] {strides = array<i32>} : memref<48x144xf32, #tpu.memory_space<vmem>>, vector<1x16xf32>,
        %swap3A_321 = vector.shape_cast %swap3A_320 : vector<1x16xf32> to vector<16xf32>
        %swap3A_322 = vector.shape_cast %select_n3A_317 : vector<16xf32> to vector<1x16xf32>
        tpu.vector_store %arg11[%swap3A_318, %swap3A_319], %swap3A_322 {strides = array<i32>} : memref<48x144xf32, #tpu.memory_space<vmem>>, vector<1x16xf32>,
        %slice3A_323 = vector.extract_strided_slice %exp3A_314 {offsets = [0], sizes = [1], strides = [1]} : vector<16xf32> to vector<1xf32>
        %squeeze3A_324 = vector.extract %slice3A_323[0] : f32 from vector<1xf32>
        %broadcast_in_dim3A_325 = vector.broadcast %squeeze3A_324 : f32 to vector<16xf32>
        %get3A_326 = arith.index_cast %add3A_300 : i32 to index
        %get3A_327 = arith.constant 0 : index
        %get3A_328 = tpu.vector_load %arg11[%get3A_326, %get3A_327] {strides = array<i32>} : memref<48x144xf32, #tpu.memory_space<vmem>>, vector<1x16xf32>,
        %get3A_329 = vector.shape_cast %get3A_328 : vector<1x16xf32> to vector<16xf32>
        %mul3A_330 = arith.mulf %get3A_329, %broadcast_in_dim3A_325 : vector<16xf32>
        %swap3A_331 = arith.index_cast %add3A_300 : i32 to index
        %swap3A_332 = arith.constant 0 : index
        %swap3A_333 = tpu.vector_load %arg11[%swap3A_331, %swap3A_332] {strides = array<i32>} : memref<48x144xf32, #tpu.memory_space<vmem>>, vector<1x16xf32>,
        %swap3A_334 = vector.shape_cast %swap3A_333 : vector<1x16xf32> to vector<16xf32>
        %swap3A_335 = vector.shape_cast %mul3A_330 : vector<16xf32> to vector<1x16xf32>
        tpu.vector_store %arg11[%swap3A_331, %swap3A_332], %swap3A_335 {strides = array<i32>} : memref<48x144xf32, #tpu.memory_space<vmem>>, vector<1x16xf32>,
        %get3A_336 = arith.index_cast %add3A_300 : i32 to index
        %get3A_337 = arith.constant 16 : index
        %get3A_338 = tpu.vector_load %arg11[%get3A_336, %get3A_337] {strides = array<i32>} : memref<48x144xf32, #tpu.memory_space<vmem>>, vector<1x16xf32>,
        %get3A_339 = vector.shape_cast %get3A_338 : vector<1x16xf32> to vector<16xf32>
        %mul3A_340 = arith.mulf %get3A_339, %broadcast_in_dim3A_325 : vector<16xf32>
        %swap3A_341 = arith.index_cast %add3A_300 : i32 to index
        %swap3A_342 = arith.constant 16 : index
        %swap3A_343 = tpu.vector_load %arg11[%swap3A_341, %swap3A_342] {strides = array<i32>} : memref<48x144xf32, #tpu.memory_space<vmem>>, vector<1x16xf32>,
        %swap3A_344 = vector.shape_cast %swap3A_343 : vector<1x16xf32> to vector<16xf32>
        %swap3A_345 = vector.shape_cast %mul3A_340 : vector<16xf32> to vector<1x16xf32>
        tpu.vector_store %arg11[%swap3A_341, %swap3A_342], %swap3A_345 {strides = array<i32>} : memref<48x144xf32, #tpu.memory_space<vmem>>, vector<1x16xf32>,
        %slice3A_346 = vector.extract_strided_slice %exp3A_314 {offsets = [1], sizes = [1], strides = [1]} : vector<16xf32> to vector<1xf32>
        %squeeze3A_347 = vector.extract %slice3A_346[0] : f32 from vector<1xf32>
        %broadcast_in_dim3A_348 = vector.broadcast %squeeze3A_347 : f32 to vector<16xf32>
        %get3A_349 = arith.index_cast %add3A_300 : i32 to index
        %get3A_350 = arith.constant 32 : index
        %get3A_351 = tpu.vector_load %arg11[%get3A_349, %get3A_350] {strides = array<i32>} : memref<48x144xf32, #tpu.memory_space<vmem>>, vector<1x16xf32>,
        %get3A_352 = vector.shape_cast %get3A_351 : vector<1x16xf32> to vector<16xf32>
        %mul3A_353 = arith.mulf %get3A_352, %broadcast_in_dim3A_348 : vector<16xf32>
        %swap3A_354 = arith.index_cast %add3A_300 : i32 to index
        %swap3A_355 = arith.constant 32 : index
        %swap3A_356 = tpu.vector_load %arg11[%swap3A_354, %swap3A_355] {strides = array<i32>} : memref<48x144xf32, #tpu.memory_space<vmem>>, vector<1x16xf32>,
        %swap3A_357 = vector.shape_cast %swap3A_356 : vector<1x16xf32> to vector<16xf32>
        %swap3A_358 = vector.shape_cast %mul3A_353 : vector<16xf32> to vector<1x16xf32>
        tpu.vector_store %arg11[%swap3A_354, %swap3A_355], %swap3A_358 {strides = array<i32>} : memref<48x144xf32, #tpu.memory_space<vmem>>, vector<1x16xf32>,
        %get3A_359 = arith.index_cast %add3A_300 : i32 to index
        %get3A_360 = arith.constant 48 : index
        %get3A_361 = tpu.vector_load %arg11[%get3A_359, %get3A_360] {strides = array<i32>} : memref<48x144xf32, #tpu.memory_space<vmem>>, vector<1x16xf32>,
        %get3A_362 = vector.shape_cast %get3A_361 : vector<1x16xf32> to vector<16xf32>
        %mul3A_363 = arith.mulf %get3A_362, %broadcast_in_dim3A_348 : vector<16xf32>
        %swap3A_364 = arith.index_cast %add3A_300 : i32 to index
        %swap3A_365 = arith.constant 48 : index
        %swap3A_366 = tpu.vector_load %arg11[%swap3A_364, %swap3A_365] {strides = array<i32>} : memref<48x144xf32, #tpu.memory_space<vmem>>, vector<1x16xf32>,
        %swap3A_367 = vector.shape_cast %swap3A_366 : vector<1x16xf32> to vector<16xf32>
        %swap3A_368 = vector.shape_cast %mul3A_363 : vector<16xf32> to vector<1x16xf32>
        tpu.vector_store %arg11[%swap3A_364, %swap3A_365], %swap3A_368 {strides = array<i32>} : memref<48x144xf32, #tpu.memory_space<vmem>>, vector<1x16xf32>,
        %slice3A_369 = vector.extract_strided_slice %exp3A_314 {offsets = [2], sizes = [1], strides = [1]} : vector<16xf32> to vector<1xf32>
        %squeeze3A_370 = vector.extract %slice3A_369[0] : f32 from vector<1xf32>
        %broadcast_in_dim3A_371 = vector.broadcast %squeeze3A_370 : f32 to vector<16xf32>
        %get3A_372 = arith.index_cast %add3A_300 : i32 to index
        %get3A_373 = arith.constant 64 : index
        %get3A_374 = tpu.vector_load %arg11[%get3A_372, %get3A_373] {strides = array<i32>} : memref<48x144xf32, #tpu.memory_space<vmem>>, vector<1x16xf32>,
        %get3A_375 = vector.shape_cast %get3A_374 : vector<1x16xf32> to vector<16xf32>
        %mul3A_376 = arith.mulf %get3A_375, %broadcast_in_dim3A_371 : vector<16xf32>
        %swap3A_377 = arith.index_cast %add3A_300 : i32 to index
        %swap3A_378 = arith.constant 64 : index
        %swap3A_379 = tpu.vector_load %arg11[%swap3A_377, %swap3A_378] {strides = array<i32>} : memref<48x144xf32, #tpu.memory_space<vmem>>, vector<1x16xf32>,
        %swap3A_380 = vector.shape_cast %swap3A_379 : vector<1x16xf32> to vector<16xf32>
        %swap3A_381 = vector.shape_cast %mul3A_376 : vector<16xf32> to vector<1x16xf32>
        tpu.vector_store %arg11[%swap3A_377, %swap3A_378], %swap3A_381 {strides = array<i32>} : memref<48x144xf32, #tpu.memory_space<vmem>>, vector<1x16xf32>,
        %get3A_382 = arith.index_cast %add3A_300 : i32 to index
        %get3A_383 = arith.constant 80 : index
        %get3A_384 = tpu.vector_load %arg11[%get3A_382, %get3A_383] {strides = array<i32>} : memref<48x144xf32, #tpu.memory_space<vmem>>, vector<1x16xf32>,
        %get3A_385 = vector.shape_cast %get3A_384 : vector<1x16xf32> to vector<16xf32>
        %mul3A_386 = arith.mulf %get3A_385, %broadcast_in_dim3A_371 : vector<16xf32>
        %swap3A_387 = arith.index_cast %add3A_300 : i32 to index
        %swap3A_388 = arith.constant 80 : index
        %swap3A_389 = tpu.vector_load %arg11[%swap3A_387, %swap3A_388] {strides = array<i32>} : memref<48x144xf32, #tpu.memory_space<vmem>>, vector<1x16xf32>,
        %swap3A_390 = vector.shape_cast %swap3A_389 : vector<1x16xf32> to vector<16xf32>
        %swap3A_391 = vector.shape_cast %mul3A_386 : vector<16xf32> to vector<1x16xf32>
        tpu.vector_store %arg11[%swap3A_387, %swap3A_388], %swap3A_391 {strides = array<i32>} : memref<48x144xf32, #tpu.memory_space<vmem>>, vector<1x16xf32>,
        %slice3A_392 = vector.extract_strided_slice %exp3A_314 {offsets = [3], sizes = [1], strides = [1]} : vector<16xf32> to vector<1xf32>
        %squeeze3A_393 = vector.extract %slice3A_392[0] : f32 from vector<1xf32>
        %broadcast_in_dim3A_394 = vector.broadcast %squeeze3A_393 : f32 to vector<16xf32>
        %get3A_395 = arith.index_cast %add3A_300 : i32 to index
        %get3A_396 = arith.constant 96 : index
        %get3A_397 = tpu.vector_load %arg11[%get3A_395, %get3A_396] {strides = array<i32>} : memref<48x144xf32, #tpu.memory_space<vmem>>, vector<1x16xf32>,
        %get3A_398 = vector.shape_cast %get3A_397 : vector<1x16xf32> to vector<16xf32>
        %mul3A_399 = arith.mulf %get3A_398, %broadcast_in_dim3A_394 : vector<16xf32>
        %swap3A_400 = arith.index_cast %add3A_300 : i32 to index
        %swap3A_401 = arith.constant 96 : index
        %swap3A_402 = tpu.vector_load %arg11[%swap3A_400, %swap3A_401] {strides = array<i32>} : memref<48x144xf32, #tpu.memory_space<vmem>>, vector<1x16xf32>,
        %swap3A_403 = vector.shape_cast %swap3A_402 : vector<1x16xf32> to vector<16xf32>
        %swap3A_404 = vector.shape_cast %mul3A_399 : vector<16xf32> to vector<1x16xf32>
        tpu.vector_store %arg11[%swap3A_400, %swap3A_401], %swap3A_404 {strides = array<i32>} : memref<48x144xf32, #tpu.memory_space<vmem>>, vector<1x16xf32>,
        %get3A_405 = arith.index_cast %add3A_300 : i32 to index
        %get3A_406 = arith.constant 112 : index
        %get3A_407 = tpu.vector_load %arg11[%get3A_405, %get3A_406] {strides = array<i32>} : memref<48x144xf32, #tpu.memory_space<vmem>>, vector<1x16xf32>,
        %get3A_408 = vector.shape_cast %get3A_407 : vector<1x16xf32> to vector<16xf32>
        %mul3A_409 = arith.mulf %get3A_408, %broadcast_in_dim3A_394 : vector<16xf32>
        %swap3A_410 = arith.index_cast %add3A_300 : i32 to index
        %swap3A_411 = arith.constant 112 : index
        %swap3A_412 = tpu.vector_load %arg11[%swap3A_410, %swap3A_411] {strides = array<i32>} : memref<48x144xf32, #tpu.memory_space<vmem>>, vector<1x16xf32>,
        %swap3A_413 = vector.shape_cast %swap3A_412 : vector<1x16xf32> to vector<16xf32>
        %swap3A_414 = vector.shape_cast %mul3A_409 : vector<16xf32> to vector<1x16xf32>
        tpu.vector_store %arg11[%swap3A_410, %swap3A_411], %swap3A_414 {strides = array<i32>} : memref<48x144xf32, #tpu.memory_space<vmem>>, vector<1x16xf32>,
        %mul3A_415 = arith.constant 4 : i32
        %mul3A_416 = arith.muli %mul3A_415, %scan3A_185 : i32
        %add3A_417 = arith.constant 2 : i32
        %add3A_418 = arith.addi %mul3A_416, %add3A_417 : i32
        %get3A_419 = arith.index_cast %add3A_418 : i32 to index
        %get3A_420 = arith.constant 128 : index
        %get3A_421 = tpu.vector_load %arg11[%get3A_419, %get3A_420] {strides = array<i32>} : memref<48x144xf32, #tpu.memory_space<vmem>>, vector<1x16xf32>,
        %get3A_422 = vector.shape_cast %get3A_421 : vector<1x16xf32> to vector<16xf32>
        %get3A_423 = arith.index_cast %add3A_418 : i32 to index
        %get3A_424 = arith.constant 0 : index
        %get3A_425 = tpu.vector_load %arg13[%get3A_423, %get3A_424] {strides = array<i32>} : memref<48x16xf32, #tpu.memory_space<vmem>>, vector<1x16xf32>,
        %get3A_426 = vector.shape_cast %get3A_425 : vector<1x16xf32> to vector<16xf32>
        %add3A_427 = arith.addf %get3A_422, %get3A_426 : vector<16xf32>
        %mul3A_428 = arith.constant 2.000000e-01 : f32
        %mul3A_429 = vector.broadcast %mul3A_428 : f32 to vector<16xf32>
        %mul3A_430 = arith.mulf %add3A_427, %mul3A_429 : vector<16xf32>
        %max3A_431 = arith.maximumf %add3A_427, %mul3A_430 : vector<16xf32>
        %exp3A_432 = math.exp %max3A_431 : vector<16xf32>
        %jit3A_433 = arith.constant 0.000000e+00 : f32
        %broadcast_in_dim3A_434 = vector.broadcast %jit3A_433 : f32 to vector<16xf32>
        %select_n3A_435 = arith.select %lt3A_2, %exp3A_432, %broadcast_in_dim3A_434 : vector<16xi1>, vector<16xf32>
        %swap3A_436 = arith.index_cast %add3A_418 : i32 to index
        %swap3A_437 = arith.constant 128 : index
        %swap3A_438 = tpu.vector_load %arg11[%swap3A_436, %swap3A_437] {strides = array<i32>} : memref<48x144xf32, #tpu.memory_space<vmem>>, vector<1x16xf32>,
        %swap3A_439 = vector.shape_cast %swap3A_438 : vector<1x16xf32> to vector<16xf32>
        %swap3A_440 = vector.shape_cast %select_n3A_435 : vector<16xf32> to vector<1x16xf32>
        tpu.vector_store %arg11[%swap3A_436, %swap3A_437], %swap3A_440 {strides = array<i32>} : memref<48x144xf32, #tpu.memory_space<vmem>>, vector<1x16xf32>,
        %slice3A_441 = vector.extract_strided_slice %exp3A_432 {offsets = [0], sizes = [1], strides = [1]} : vector<16xf32> to vector<1xf32>
        %squeeze3A_442 = vector.extract %slice3A_441[0] : f32 from vector<1xf32>
        %broadcast_in_dim3A_443 = vector.broadcast %squeeze3A_442 : f32 to vector<16xf32>
        %get3A_444 = arith.index_cast %add3A_418 : i32 to index
        %get3A_445 = arith.constant 0 : index
        %get3A_446 = tpu.vector_load %arg11[%get3A_444, %get3A_445] {strides = array<i32>} : memref<48x144xf32, #tpu.memory_space<vmem>>, vector<1x16xf32>,
        %get3A_447 = vector.shape_cast %get3A_446 : vector<1x16xf32> to vector<16xf32>
        %mul3A_448 = arith.mulf %get3A_447, %broadcast_in_dim3A_443 : vector<16xf32>
        %swap3A_449 = arith.index_cast %add3A_418 : i32 to index
        %swap3A_450 = arith.constant 0 : index
        %swap3A_451 = tpu.vector_load %arg11[%swap3A_449, %swap3A_450] {strides = array<i32>} : memref<48x144xf32, #tpu.memory_space<vmem>>, vector<1x16xf32>,
        %swap3A_452 = vector.shape_cast %swap3A_451 : vector<1x16xf32> to vector<16xf32>
        %swap3A_453 = vector.shape_cast %mul3A_448 : vector<16xf32> to vector<1x16xf32>
        tpu.vector_store %arg11[%swap3A_449, %swap3A_450], %swap3A_453 {strides = array<i32>} : memref<48x144xf32, #tpu.memory_space<vmem>>, vector<1x16xf32>,
        %get3A_454 = arith.index_cast %add3A_418 : i32 to index
        %get3A_455 = arith.constant 16 : index
        %get3A_456 = tpu.vector_load %arg11[%get3A_454, %get3A_455] {strides = array<i32>} : memref<48x144xf32, #tpu.memory_space<vmem>>, vector<1x16xf32>,
        %get3A_457 = vector.shape_cast %get3A_456 : vector<1x16xf32> to vector<16xf32>
        %mul3A_458 = arith.mulf %get3A_457, %broadcast_in_dim3A_443 : vector<16xf32>
        %swap3A_459 = arith.index_cast %add3A_418 : i32 to index
        %swap3A_460 = arith.constant 16 : index
        %swap3A_461 = tpu.vector_load %arg11[%swap3A_459, %swap3A_460] {strides = array<i32>} : memref<48x144xf32, #tpu.memory_space<vmem>>, vector<1x16xf32>,
        %swap3A_462 = vector.shape_cast %swap3A_461 : vector<1x16xf32> to vector<16xf32>
        %swap3A_463 = vector.shape_cast %mul3A_458 : vector<16xf32> to vector<1x16xf32>
        tpu.vector_store %arg11[%swap3A_459, %swap3A_460], %swap3A_463 {strides = array<i32>} : memref<48x144xf32, #tpu.memory_space<vmem>>, vector<1x16xf32>,
        %slice3A_464 = vector.extract_strided_slice %exp3A_432 {offsets = [1], sizes = [1], strides = [1]} : vector<16xf32> to vector<1xf32>
        %squeeze3A_465 = vector.extract %slice3A_464[0] : f32 from vector<1xf32>
        %broadcast_in_dim3A_466 = vector.broadcast %squeeze3A_465 : f32 to vector<16xf32>
        %get3A_467 = arith.index_cast %add3A_418 : i32 to index
        %get3A_468 = arith.constant 32 : index
        %get3A_469 = tpu.vector_load %arg11[%get3A_467, %get3A_468] {strides = array<i32>} : memref<48x144xf32, #tpu.memory_space<vmem>>, vector<1x16xf32>,
        %get3A_470 = vector.shape_cast %get3A_469 : vector<1x16xf32> to vector<16xf32>
        %mul3A_471 = arith.mulf %get3A_470, %broadcast_in_dim3A_466 : vector<16xf32>
        %swap3A_472 = arith.index_cast %add3A_418 : i32 to index
        %swap3A_473 = arith.constant 32 : index
        %swap3A_474 = tpu.vector_load %arg11[%swap3A_472, %swap3A_473] {strides = array<i32>} : memref<48x144xf32, #tpu.memory_space<vmem>>, vector<1x16xf32>,
        %swap3A_475 = vector.shape_cast %swap3A_474 : vector<1x16xf32> to vector<16xf32>
        %swap3A_476 = vector.shape_cast %mul3A_471 : vector<16xf32> to vector<1x16xf32>
        tpu.vector_store %arg11[%swap3A_472, %swap3A_473], %swap3A_476 {strides = array<i32>} : memref<48x144xf32, #tpu.memory_space<vmem>>, vector<1x16xf32>,
        %get3A_477 = arith.index_cast %add3A_418 : i32 to index
        %get3A_478 = arith.constant 48 : index
        %get3A_479 = tpu.vector_load %arg11[%get3A_477, %get3A_478] {strides = array<i32>} : memref<48x144xf32, #tpu.memory_space<vmem>>, vector<1x16xf32>,
        %get3A_480 = vector.shape_cast %get3A_479 : vector<1x16xf32> to vector<16xf32>
        %mul3A_481 = arith.mulf %get3A_480, %broadcast_in_dim3A_466 : vector<16xf32>
        %swap3A_482 = arith.index_cast %add3A_418 : i32 to index
        %swap3A_483 = arith.constant 48 : index
        %swap3A_484 = tpu.vector_load %arg11[%swap3A_482, %swap3A_483] {strides = array<i32>} : memref<48x144xf32, #tpu.memory_space<vmem>>, vector<1x16xf32>,
        %swap3A_485 = vector.shape_cast %swap3A_484 : vector<1x16xf32> to vector<16xf32>
        %swap3A_486 = vector.shape_cast %mul3A_481 : vector<16xf32> to vector<1x16xf32>
        tpu.vector_store %arg11[%swap3A_482, %swap3A_483], %swap3A_486 {strides = array<i32>} : memref<48x144xf32, #tpu.memory_space<vmem>>, vector<1x16xf32>,
        %slice3A_487 = vector.extract_strided_slice %exp3A_432 {offsets = [2], sizes = [1], strides = [1]} : vector<16xf32> to vector<1xf32>
        %squeeze3A_488 = vector.extract %slice3A_487[0] : f32 from vector<1xf32>
        %broadcast_in_dim3A_489 = vector.broadcast %squeeze3A_488 : f32 to vector<16xf32>
        %get3A_490 = arith.index_cast %add3A_418 : i32 to index
        %get3A_491 = arith.constant 64 : index
        %get3A_492 = tpu.vector_load %arg11[%get3A_490, %get3A_491] {strides = array<i32>} : memref<48x144xf32, #tpu.memory_space<vmem>>, vector<1x16xf32>,
        %get3A_493 = vector.shape_cast %get3A_492 : vector<1x16xf32> to vector<16xf32>
        %mul3A_494 = arith.mulf %get3A_493, %broadcast_in_dim3A_489 : vector<16xf32>
        %swap3A_495 = arith.index_cast %add3A_418 : i32 to index
        %swap3A_496 = arith.constant 64 : index
        %swap3A_497 = tpu.vector_load %arg11[%swap3A_495, %swap3A_496] {strides = array<i32>} : memref<48x144xf32, #tpu.memory_space<vmem>>, vector<1x16xf32>,
        %swap3A_498 = vector.shape_cast %swap3A_497 : vector<1x16xf32> to vector<16xf32>
        %swap3A_499 = vector.shape_cast %mul3A_494 : vector<16xf32> to vector<1x16xf32>
        tpu.vector_store %arg11[%swap3A_495, %swap3A_496], %swap3A_499 {strides = array<i32>} : memref<48x144xf32, #tpu.memory_space<vmem>>, vector<1x16xf32>,
        %get3A_500 = arith.index_cast %add3A_418 : i32 to index
        %get3A_501 = arith.constant 80 : index
        %get3A_502 = tpu.vector_load %arg11[%get3A_500, %get3A_501] {strides = array<i32>} : memref<48x144xf32, #tpu.memory_space<vmem>>, vector<1x16xf32>,
        %get3A_503 = vector.shape_cast %get3A_502 : vector<1x16xf32> to vector<16xf32>
        %mul3A_504 = arith.mulf %get3A_503, %broadcast_in_dim3A_489 : vector<16xf32>
        %swap3A_505 = arith.index_cast %add3A_418 : i32 to index
        %swap3A_506 = arith.constant 80 : index
        %swap3A_507 = tpu.vector_load %arg11[%swap3A_505, %swap3A_506] {strides = array<i32>} : memref<48x144xf32, #tpu.memory_space<vmem>>, vector<1x16xf32>,
        %swap3A_508 = vector.shape_cast %swap3A_507 : vector<1x16xf32> to vector<16xf32>
        %swap3A_509 = vector.shape_cast %mul3A_504 : vector<16xf32> to vector<1x16xf32>
        tpu.vector_store %arg11[%swap3A_505, %swap3A_506], %swap3A_509 {strides = array<i32>} : memref<48x144xf32, #tpu.memory_space<vmem>>, vector<1x16xf32>,
        %slice3A_510 = vector.extract_strided_slice %exp3A_432 {offsets = [3], sizes = [1], strides = [1]} : vector<16xf32> to vector<1xf32>
        %squeeze3A_511 = vector.extract %slice3A_510[0] : f32 from vector<1xf32>
        %broadcast_in_dim3A_512 = vector.broadcast %squeeze3A_511 : f32 to vector<16xf32>
        %get3A_513 = arith.index_cast %add3A_418 : i32 to index
        %get3A_514 = arith.constant 96 : index
        %get3A_515 = tpu.vector_load %arg11[%get3A_513, %get3A_514] {strides = array<i32>} : memref<48x144xf32, #tpu.memory_space<vmem>>, vector<1x16xf32>,
        %get3A_516 = vector.shape_cast %get3A_515 : vector<1x16xf32> to vector<16xf32>
        %mul3A_517 = arith.mulf %get3A_516, %broadcast_in_dim3A_512 : vector<16xf32>
        %swap3A_518 = arith.index_cast %add3A_418 : i32 to index
        %swap3A_519 = arith.constant 96 : index
        %swap3A_520 = tpu.vector_load %arg11[%swap3A_518, %swap3A_519] {strides = array<i32>} : memref<48x144xf32, #tpu.memory_space<vmem>>, vector<1x16xf32>,
        %swap3A_521 = vector.shape_cast %swap3A_520 : vector<1x16xf32> to vector<16xf32>
        %swap3A_522 = vector.shape_cast %mul3A_517 : vector<16xf32> to vector<1x16xf32>
        tpu.vector_store %arg11[%swap3A_518, %swap3A_519], %swap3A_522 {strides = array<i32>} : memref<48x144xf32, #tpu.memory_space<vmem>>, vector<1x16xf32>,
        %get3A_523 = arith.index_cast %add3A_418 : i32 to index
        %get3A_524 = arith.constant 112 : index
        %get3A_525 = tpu.vector_load %arg11[%get3A_523, %get3A_524] {strides = array<i32>} : memref<48x144xf32, #tpu.memory_space<vmem>>, vector<1x16xf32>,
        %get3A_526 = vector.shape_cast %get3A_525 : vector<1x16xf32> to vector<16xf32>
        %mul3A_527 = arith.mulf %get3A_526, %broadcast_in_dim3A_512 : vector<16xf32>
        %swap3A_528 = arith.index_cast %add3A_418 : i32 to index
        %swap3A_529 = arith.constant 112 : index
        %swap3A_530 = tpu.vector_load %arg11[%swap3A_528, %swap3A_529] {strides = array<i32>} : memref<48x144xf32, #tpu.memory_space<vmem>>, vector<1x16xf32>,
        %swap3A_531 = vector.shape_cast %swap3A_530 : vector<1x16xf32> to vector<16xf32>
        %swap3A_532 = vector.shape_cast %mul3A_527 : vector<16xf32> to vector<1x16xf32>
        tpu.vector_store %arg11[%swap3A_528, %swap3A_529], %swap3A_532 {strides = array<i32>} : memref<48x144xf32, #tpu.memory_space<vmem>>, vector<1x16xf32>,
        %mul3A_533 = arith.constant 4 : i32
        %mul3A_534 = arith.muli %mul3A_533, %scan3A_185 : i32
        %add3A_535 = arith.constant 3 : i32
        %add3A_536 = arith.addi %mul3A_534, %add3A_535 : i32
        %get3A_537 = arith.index_cast %add3A_536 : i32 to index
        %get3A_538 = arith.constant 128 : index
        %get3A_539 = tpu.vector_load %arg11[%get3A_537, %get3A_538] {strides = array<i32>} : memref<48x144xf32, #tpu.memory_space<vmem>>, vector<1x16xf32>,
        %get3A_540 = vector.shape_cast %get3A_539 : vector<1x16xf32> to vector<16xf32>
        %get3A_541 = arith.index_cast %add3A_536 : i32 to index
        %get3A_542 = arith.constant 0 : index
        %get3A_543 = tpu.vector_load %arg13[%get3A_541, %get3A_542] {strides = array<i32>} : memref<48x16xf32, #tpu.memory_space<vmem>>, vector<1x16xf32>,
        %get3A_544 = vector.shape_cast %get3A_543 : vector<1x16xf32> to vector<16xf32>
        %add3A_545 = arith.addf %get3A_540, %get3A_544 : vector<16xf32>
        %mul3A_546 = arith.constant 2.000000e-01 : f32
        %mul3A_547 = vector.broadcast %mul3A_546 : f32 to vector<16xf32>
        %mul3A_548 = arith.mulf %add3A_545, %mul3A_547 : vector<16xf32>
        %max3A_549 = arith.maximumf %add3A_545, %mul3A_548 : vector<16xf32>
        %exp3A_550 = math.exp %max3A_549 : vector<16xf32>
        %jit3A_551 = arith.constant 0.000000e+00 : f32
        %broadcast_in_dim3A_552 = vector.broadcast %jit3A_551 : f32 to vector<16xf32>
        %select_n3A_553 = arith.select %lt3A_2, %exp3A_550, %broadcast_in_dim3A_552 : vector<16xi1>, vector<16xf32>
        %swap3A_554 = arith.index_cast %add3A_536 : i32 to index
        %swap3A_555 = arith.constant 128 : index
        %swap3A_556 = tpu.vector_load %arg11[%swap3A_554, %swap3A_555] {strides = array<i32>} : memref<48x144xf32, #tpu.memory_space<vmem>>, vector<1x16xf32>,
        %swap3A_557 = vector.shape_cast %swap3A_556 : vector<1x16xf32> to vector<16xf32>
        %swap3A_558 = vector.shape_cast %select_n3A_553 : vector<16xf32> to vector<1x16xf32>
        tpu.vector_store %arg11[%swap3A_554, %swap3A_555], %swap3A_558 {strides = array<i32>} : memref<48x144xf32, #tpu.memory_space<vmem>>, vector<1x16xf32>,
        %slice3A_559 = vector.extract_strided_slice %exp3A_550 {offsets = [0], sizes = [1], strides = [1]} : vector<16xf32> to vector<1xf32>
        %squeeze3A_560 = vector.extract %slice3A_559[0] : f32 from vector<1xf32>
        %broadcast_in_dim3A_561 = vector.broadcast %squeeze3A_560 : f32 to vector<16xf32>
        %get3A_562 = arith.index_cast %add3A_536 : i32 to index
        %get3A_563 = arith.constant 0 : index
        %get3A_564 = tpu.vector_load %arg11[%get3A_562, %get3A_563] {strides = array<i32>} : memref<48x144xf32, #tpu.memory_space<vmem>>, vector<1x16xf32>,
        %get3A_565 = vector.shape_cast %get3A_564 : vector<1x16xf32> to vector<16xf32>
        %mul3A_566 = arith.mulf %get3A_565, %broadcast_in_dim3A_561 : vector<16xf32>
        %swap3A_567 = arith.index_cast %add3A_536 : i32 to index
        %swap3A_568 = arith.constant 0 : index
        %swap3A_569 = tpu.vector_load %arg11[%swap3A_567, %swap3A_568] {strides = array<i32>} : memref<48x144xf32, #tpu.memory_space<vmem>>, vector<1x16xf32>,
        %swap3A_570 = vector.shape_cast %swap3A_569 : vector<1x16xf32> to vector<16xf32>
        %swap3A_571 = vector.shape_cast %mul3A_566 : vector<16xf32> to vector<1x16xf32>
        tpu.vector_store %arg11[%swap3A_567, %swap3A_568], %swap3A_571 {strides = array<i32>} : memref<48x144xf32, #tpu.memory_space<vmem>>, vector<1x16xf32>,
        %get3A_572 = arith.index_cast %add3A_536 : i32 to index
        %get3A_573 = arith.constant 16 : index
        %get3A_574 = tpu.vector_load %arg11[%get3A_572, %get3A_573] {strides = array<i32>} : memref<48x144xf32, #tpu.memory_space<vmem>>, vector<1x16xf32>,
        %get3A_575 = vector.shape_cast %get3A_574 : vector<1x16xf32> to vector<16xf32>
        %mul3A_576 = arith.mulf %get3A_575, %broadcast_in_dim3A_561 : vector<16xf32>
        %swap3A_577 = arith.index_cast %add3A_536 : i32 to index
        %swap3A_578 = arith.constant 16 : index
        %swap3A_579 = tpu.vector_load %arg11[%swap3A_577, %swap3A_578] {strides = array<i32>} : memref<48x144xf32, #tpu.memory_space<vmem>>, vector<1x16xf32>,
        %swap3A_580 = vector.shape_cast %swap3A_579 : vector<1x16xf32> to vector<16xf32>
        %swap3A_581 = vector.shape_cast %mul3A_576 : vector<16xf32> to vector<1x16xf32>
        tpu.vector_store %arg11[%swap3A_577, %swap3A_578], %swap3A_581 {strides = array<i32>} : memref<48x144xf32, #tpu.memory_space<vmem>>, vector<1x16xf32>,
        %slice3A_582 = vector.extract_strided_slice %exp3A_550 {offsets = [1], sizes = [1], strides = [1]} : vector<16xf32> to vector<1xf32>
        %squeeze3A_583 = vector.extract %slice3A_582[0] : f32 from vector<1xf32>
        %broadcast_in_dim3A_584 = vector.broadcast %squeeze3A_583 : f32 to vector<16xf32>
        %get3A_585 = arith.index_cast %add3A_536 : i32 to index
        %get3A_586 = arith.constant 32 : index
        %get3A_587 = tpu.vector_load %arg11[%get3A_585, %get3A_586] {strides = array<i32>} : memref<48x144xf32, #tpu.memory_space<vmem>>, vector<1x16xf32>,
        %get3A_588 = vector.shape_cast %get3A_587 : vector<1x16xf32> to vector<16xf32>
        %mul3A_589 = arith.mulf %get3A_588, %broadcast_in_dim3A_584 : vector<16xf32>
        %swap3A_590 = arith.index_cast %add3A_536 : i32 to index
        %swap3A_591 = arith.constant 32 : index
        %swap3A_592 = tpu.vector_load %arg11[%swap3A_590, %swap3A_591] {strides = array<i32>} : memref<48x144xf32, #tpu.memory_space<vmem>>, vector<1x16xf32>,
        %swap3A_593 = vector.shape_cast %swap3A_592 : vector<1x16xf32> to vector<16xf32>
        %swap3A_594 = vector.shape_cast %mul3A_589 : vector<16xf32> to vector<1x16xf32>
        tpu.vector_store %arg11[%swap3A_590, %swap3A_591], %swap3A_594 {strides = array<i32>} : memref<48x144xf32, #tpu.memory_space<vmem>>, vector<1x16xf32>,
        %get3A_595 = arith.index_cast %add3A_536 : i32 to index
        %get3A_596 = arith.constant 48 : index
        %get3A_597 = tpu.vector_load %arg11[%get3A_595, %get3A_596] {strides = array<i32>} : memref<48x144xf32, #tpu.memory_space<vmem>>, vector<1x16xf32>,
        %get3A_598 = vector.shape_cast %get3A_597 : vector<1x16xf32> to vector<16xf32>
        %mul3A_599 = arith.mulf %get3A_598, %broadcast_in_dim3A_584 : vector<16xf32>
        %swap3A_600 = arith.index_cast %add3A_536 : i32 to index
        %swap3A_601 = arith.constant 48 : index
        %swap3A_602 = tpu.vector_load %arg11[%swap3A_600, %swap3A_601] {strides = array<i32>} : memref<48x144xf32, #tpu.memory_space<vmem>>, vector<1x16xf32>,
        %swap3A_603 = vector.shape_cast %swap3A_602 : vector<1x16xf32> to vector<16xf32>
        %swap3A_604 = vector.shape_cast %mul3A_599 : vector<16xf32> to vector<1x16xf32>
        tpu.vector_store %arg11[%swap3A_600, %swap3A_601], %swap3A_604 {strides = array<i32>} : memref<48x144xf32, #tpu.memory_space<vmem>>, vector<1x16xf32>,
        %slice3A_605 = vector.extract_strided_slice %exp3A_550 {offsets = [2], sizes = [1], strides = [1]} : vector<16xf32> to vector<1xf32>
        %squeeze3A_606 = vector.extract %slice3A_605[0] : f32 from vector<1xf32>
        %broadcast_in_dim3A_607 = vector.broadcast %squeeze3A_606 : f32 to vector<16xf32>
        %get3A_608 = arith.index_cast %add3A_536 : i32 to index
        %get3A_609 = arith.constant 64 : index
        %get3A_610 = tpu.vector_load %arg11[%get3A_608, %get3A_609] {strides = array<i32>} : memref<48x144xf32, #tpu.memory_space<vmem>>, vector<1x16xf32>,
        %get3A_611 = vector.shape_cast %get3A_610 : vector<1x16xf32> to vector<16xf32>
        %mul3A_612 = arith.mulf %get3A_611, %broadcast_in_dim3A_607 : vector<16xf32>
        %swap3A_613 = arith.index_cast %add3A_536 : i32 to index
        %swap3A_614 = arith.constant 64 : index
        %swap3A_615 = tpu.vector_load %arg11[%swap3A_613, %swap3A_614] {strides = array<i32>} : memref<48x144xf32, #tpu.memory_space<vmem>>, vector<1x16xf32>,
        %swap3A_616 = vector.shape_cast %swap3A_615 : vector<1x16xf32> to vector<16xf32>
        %swap3A_617 = vector.shape_cast %mul3A_612 : vector<16xf32> to vector<1x16xf32>
        tpu.vector_store %arg11[%swap3A_613, %swap3A_614], %swap3A_617 {strides = array<i32>} : memref<48x144xf32, #tpu.memory_space<vmem>>, vector<1x16xf32>,
        %get3A_618 = arith.index_cast %add3A_536 : i32 to index
        %get3A_619 = arith.constant 80 : index
        %get3A_620 = tpu.vector_load %arg11[%get3A_618, %get3A_619] {strides = array<i32>} : memref<48x144xf32, #tpu.memory_space<vmem>>, vector<1x16xf32>,
        %get3A_621 = vector.shape_cast %get3A_620 : vector<1x16xf32> to vector<16xf32>
        %mul3A_622 = arith.mulf %get3A_621, %broadcast_in_dim3A_607 : vector<16xf32>
        %swap3A_623 = arith.index_cast %add3A_536 : i32 to index
        %swap3A_624 = arith.constant 80 : index
        %swap3A_625 = tpu.vector_load %arg11[%swap3A_623, %swap3A_624] {strides = array<i32>} : memref<48x144xf32, #tpu.memory_space<vmem>>, vector<1x16xf32>,
        %swap3A_626 = vector.shape_cast %swap3A_625 : vector<1x16xf32> to vector<16xf32>
        %swap3A_627 = vector.shape_cast %mul3A_622 : vector<16xf32> to vector<1x16xf32>
        tpu.vector_store %arg11[%swap3A_623, %swap3A_624], %swap3A_627 {strides = array<i32>} : memref<48x144xf32, #tpu.memory_space<vmem>>, vector<1x16xf32>,
        %slice3A_628 = vector.extract_strided_slice %exp3A_550 {offsets = [3], sizes = [1], strides = [1]} : vector<16xf32> to vector<1xf32>
        %squeeze3A_629 = vector.extract %slice3A_628[0] : f32 from vector<1xf32>
        %broadcast_in_dim3A_630 = vector.broadcast %squeeze3A_629 : f32 to vector<16xf32>
        %get3A_631 = arith.index_cast %add3A_536 : i32 to index
        %get3A_632 = arith.constant 96 : index
        %get3A_633 = tpu.vector_load %arg11[%get3A_631, %get3A_632] {strides = array<i32>} : memref<48x144xf32, #tpu.memory_space<vmem>>, vector<1x16xf32>,
        %get3A_634 = vector.shape_cast %get3A_633 : vector<1x16xf32> to vector<16xf32>
        %mul3A_635 = arith.mulf %get3A_634, %broadcast_in_dim3A_630 : vector<16xf32>
        %swap3A_636 = arith.index_cast %add3A_536 : i32 to index
        %swap3A_637 = arith.constant 96 : index
        %swap3A_638 = tpu.vector_load %arg11[%swap3A_636, %swap3A_637] {strides = array<i32>} : memref<48x144xf32, #tpu.memory_space<vmem>>, vector<1x16xf32>,
        %swap3A_639 = vector.shape_cast %swap3A_638 : vector<1x16xf32> to vector<16xf32>
        %swap3A_640 = vector.shape_cast %mul3A_635 : vector<16xf32> to vector<1x16xf32>
        tpu.vector_store %arg11[%swap3A_636, %swap3A_637], %swap3A_640 {strides = array<i32>} : memref<48x144xf32, #tpu.memory_space<vmem>>, vector<1x16xf32>,
        %get3A_641 = arith.index_cast %add3A_536 : i32 to index
        %get3A_642 = arith.constant 112 : index
        %get3A_643 = tpu.vector_load %arg11[%get3A_641, %get3A_642] {strides = array<i32>} : memref<48x144xf32, #tpu.memory_space<vmem>>, vector<1x16xf32>,
        %get3A_644 = vector.shape_cast %get3A_643 : vector<1x16xf32> to vector<16xf32>
        %mul3A_645 = arith.mulf %get3A_644, %broadcast_in_dim3A_630 : vector<16xf32>
        %swap3A_646 = arith.index_cast %add3A_536 : i32 to index
        %swap3A_647 = arith.constant 112 : index
        %swap3A_648 = tpu.vector_load %arg11[%swap3A_646, %swap3A_647] {strides = array<i32>} : memref<48x144xf32, #tpu.memory_space<vmem>>, vector<1x16xf32>,
        %swap3A_649 = vector.shape_cast %swap3A_648 : vector<1x16xf32> to vector<16xf32>
        %swap3A_650 = vector.shape_cast %mul3A_645 : vector<16xf32> to vector<1x16xf32>
        tpu.vector_store %arg11[%swap3A_646, %swap3A_647], %swap3A_650 {strides = array<i32>} : memref<48x144xf32, #tpu.memory_space<vmem>>, vector<1x16xf32>,
        %scan3A_651 = arith.constant 0 : i32
        scf.yield %scan3A_651 : i32
      }
      %scan3A_138 = arith.constant 12 : i32
      %dma_start3A_139 = arith.constant 0 : i32
      %dma_start3A_140 = tpu.memref_slice %arg10[%add3A_108, %dma_start3A_139] : memref<210x48xi32, #tpu.memory_space<vmem>> -> memref<1x48xi32, #tpu.memory_space<vmem>>
      %dma_start3A_141 = tpu.memref_squeeze %dma_start3A_140 : memref<1x48xi32, #tpu.memory_space<vmem>> -> memref<48xi32, #tpu.memory_space<vmem>>
      %dma_start3A_142 = arith.constant 0 : i32
      %dma_start3A_143 = arith.constant 0 : i32
      %dma_start3A_144 = tpu.memref_slice %arg8[%dma_start3A_142, %dma_start3A_143] : memref<10112x144xf32, #tpu.memory_space<vmem_shared>> -> memref<10112x144xf32, #tpu.memory_space<vmem_shared>>
      tpu.enqueue_indirect_dma source(%arg11 : memref<48x144xf32, #tpu.memory_space<vmem>>) target(%dma_start3A_144 : memref<10112x144xf32, #tpu.memory_space<vmem_shared>>) offsets(%dma_start3A_141 : memref<48xi32, #tpu.memory_space<vmem>>) semaphore(%arg19 : memref<!tpu.dma_semaphore, #tpu.memory_space<semaphore_mem>>) {add = true}
      %add3A_145 = arith.constant 1 : i32
      %add3A_146 = arith.addi %mul3A_106, %add3A_145 : i32
      %dma_wait3A_147 = arith.constant 0 : i32
      %dma_wait3A_148 = tpu.memref_slice %arg9[%add3A_146, %dma_wait3A_147] : memref<210x48xi32, #tpu.memory_space<vmem>> -> memref<1x48xi32, #tpu.memory_space<vmem>>
      %dma_wait3A_149 = tpu.memref_squeeze %dma_wait3A_148 : memref<1x48xi32, #tpu.memory_space<vmem>> -> memref<48xi32, #tpu.memory_space<vmem>>
      %dma_wait3A_150 = arith.constant 0 : i32
      %dma_wait3A_151 = arith.constant 0 : i32
      %dma_wait3A_152 = tpu.memref_slice %arg2[%dma_wait3A_150, %dma_wait3A_151] : memref<10112x144xf32, #tpu.memory_space<hbm>> -> memref<10112x144xf32, #tpu.memory_space<hbm>>
      tpu.wait_indirect_dma semaphore(%arg16 : memref<!tpu.dma_semaphore, #tpu.memory_space<semaphore_mem>>) src(%dma_wait3A_152 : memref<10112x144xf32, #tpu.memory_space<hbm>>) dst(%arg12 : memref<48x144xf32, #tpu.memory_space<vmem>>)
      %dma_wait3A_153 = arith.constant 0 : i32
      %dma_wait3A_154 = tpu.memref_slice %arg10[%add3A_146, %dma_wait3A_153] : memref<210x48xi32, #tpu.memory_space<vmem>> -> memref<1x48xi32, #tpu.memory_space<vmem>>
      %dma_wait3A_155 = tpu.memref_squeeze %dma_wait3A_154 : memref<1x48xi32, #tpu.memory_space<vmem>> -> memref<48xi32, #tpu.memory_space<vmem>>
      %dma_wait3A_156 = arith.constant 0 : i32
      %dma_wait3A_157 = arith.constant 0 : i32
      %dma_wait3A_158 = tpu.memref_slice %arg3[%dma_wait3A_156, %dma_wait3A_157] : memref<10112x16xf32, #tpu.memory_space<hbm>> -> memref<10112x16xf32, #tpu.memory_space<hbm>>
      tpu.wait_indirect_dma semaphore(%arg18 : memref<!tpu.dma_semaphore, #tpu.memory_space<semaphore_mem>>) src(%dma_wait3A_158 : memref<10112x16xf32, #tpu.memory_space<hbm>>) dst(%arg14 : memref<48x16xf32, #tpu.memory_space<vmem>>)
      %ge3A_159 = arith.constant 1 : i32
      %ge3A_160 = arith.cmpi sge, %add3A_146, %ge3A_159 : i32
      %convert_element_type3A_161 = arith.extui %ge3A_160 : i1 to i32
      %cond3A_162 = arith.constant 0 : i32
      %cond3A_163 = arith.cmpi ne, %convert_element_type3A_161, %cond3A_162 : i32
      scf.if %cond3A_163 {
        %sub3A = arith.constant 1 : i32
        %sub3A_185 = arith.subi %add3A_146, %sub3A : i32
        %dma_wait3A_186 = arith.constant 0 : i32
        %dma_wait3A_187 = arith.constant 0 : i32
        %dma_wait3A_188 = tpu.memref_slice %arg2[%dma_wait3A_186, %dma_wait3A_187] : memref<10112x144xf32, #tpu.memory_space<hbm>> -> memref<48x144xf32, #tpu.memory_space<hbm>>
        %dma_wait3A_189 = arith.constant 0 : i32
        %dma_wait3A_190 = arith.constant 0 : i32
        %dma_wait3A_191 = tpu.memref_slice %arg2[%dma_wait3A_189, %dma_wait3A_190] : memref<10112x144xf32, #tpu.memory_space<hbm>> -> memref<48x144xf32, #tpu.memory_space<hbm>>
        tpu.wait_dma2 semaphore(%arg19 : memref<!tpu.dma_semaphore, #tpu.memory_space<semaphore_mem>>) src(%dma_wait3A_191 : memref<48x144xf32, #tpu.memory_space<hbm>>) dst(%arg11 : memref<48x144xf32, #tpu.memory_space<vmem>>)
      } else {
      }
      %add3A_164 = arith.constant 1 : i32
      %add3A_165 = arith.addi %add3A_146, %add3A_164 : i32
      %lt3A_166 = arith.constant 210 : i32
      %lt3A_167 = arith.cmpi slt, %add3A_165, %lt3A_166 : i32
      %convert_element_type3A_168 = arith.extui %lt3A_167 : i1 to i32
      %cond3A_169 = arith.constant 0 : i32
      %cond3A_170 = arith.cmpi ne, %convert_element_type3A_168, %cond3A_169 : i32
      scf.if %cond3A_170 {
        %add3A_185 = arith.constant 1 : i32
        %add3A_186 = arith.addi %add3A_146, %add3A_185 : i32
        %dma_start3A_187 = arith.constant 0 : i32
        %dma_start3A_188 = tpu.memref_slice %arg9[%add3A_186, %dma_start3A_187] : memref<210x48xi32, #tpu.memory_space<vmem>> -> memref<1x48xi32, #tpu.memory_space<vmem>>
        %dma_start3A_189 = tpu.memref_squeeze %dma_start3A_188 : memref<1x48xi32, #tpu.memory_space<vmem>> -> memref<48xi32, #tpu.memory_space<vmem>>
        %dma_start3A_190 = arith.constant 0 : i32
        %dma_start3A_191 = arith.constant 0 : i32
        %dma_start3A_192 = tpu.memref_slice %arg2[%dma_start3A_190, %dma_start3A_191] : memref<10112x144xf32, #tpu.memory_space<hbm>> -> memref<10112x144xf32, #tpu.memory_space<hbm>>
        tpu.enqueue_indirect_dma source(%dma_start3A_192 : memref<10112x144xf32, #tpu.memory_space<hbm>>) target(%arg11 : memref<48x144xf32, #tpu.memory_space<vmem>>) offsets(%dma_start3A_189 : memref<48xi32, #tpu.memory_space<vmem>>) semaphore(%arg15 : memref<!tpu.dma_semaphore, #tpu.memory_space<semaphore_mem>>)
        %dma_start3A_193 = arith.constant 0 : i32
        %dma_start3A_194 = tpu.memref_slice %arg10[%add3A_186, %dma_start3A_193] : memref<210x48xi32, #tpu.memory_space<vmem>> -> memref<1x48xi32, #tpu.memory_space<vmem>>
        %dma_start3A_195 = tpu.memref_squeeze %dma_start3A_194 : memref<1x48xi32, #tpu.memory_space<vmem>> -> memref<48xi32, #tpu.memory_space<vmem>>
        %dma_start3A_196 = arith.constant 0 : i32
        %dma_start3A_197 = arith.constant 0 : i32
        %dma_start3A_198 = tpu.memref_slice %arg3[%dma_start3A_196, %dma_start3A_197] : memref<10112x16xf32, #tpu.memory_space<hbm>> -> memref<10112x16xf32, #tpu.memory_space<hbm>>
        tpu.enqueue_indirect_dma source(%dma_start3A_198 : memref<10112x16xf32, #tpu.memory_space<hbm>>) target(%arg13 : memref<48x16xf32, #tpu.memory_space<vmem>>) offsets(%dma_start3A_195 : memref<48xi32, #tpu.memory_space<vmem>>) semaphore(%arg17 : memref<!tpu.dma_semaphore, #tpu.memory_space<semaphore_mem>>)
      } else {
      }
      %scan3A_171 = arith.constant 0 : i32
      %scan3A_172 = arith.constant 0 : i32
      %scan3A_173 = arith.constant 12 : i32
      %scan3A_174 = arith.addi %scan3A_172, %scan3A_173 : i32
      %scan3A_175 = arith.constant 1 : i32
      %scan3A_176 = scf.for %scan3A_185 = %scan3A_172 to %scan3A_174 step %scan3A_175 iter_args(%scan3A_186 = %scan3A_171) -> (i32)  : i32 {
        %mul3A_187 = arith.constant 4 : i32
        %mul3A_188 = arith.muli %mul3A_187, %scan3A_185 : i32
        %add3A_189 = arith.constant 0 : i32
        %add3A_190 = arith.addi %mul3A_188, %add3A_189 : i32
        %get3A = arith.index_cast %add3A_190 : i32 to index
        %get3A_191 = arith.constant 128 : index
        %get3A_192 = tpu.vector_load %arg12[%get3A, %get3A_191] {strides = array<i32>} : memref<48x144xf32, #tpu.memory_space<vmem>>, vector<1x16xf32>,
        %get3A_193 = vector.shape_cast %get3A_192 : vector<1x16xf32> to vector<16xf32>
        %get3A_194 = arith.index_cast %add3A_190 : i32 to index
        %get3A_195 = arith.constant 0 : index
        %get3A_196 = tpu.vector_load %arg14[%get3A_194, %get3A_195] {strides = array<i32>} : memref<48x16xf32, #tpu.memory_space<vmem>>, vector<1x16xf32>,
        %get3A_197 = vector.shape_cast %get3A_196 : vector<1x16xf32> to vector<16xf32>
        %add3A_198 = arith.addf %get3A_193, %get3A_197 : vector<16xf32>
        %mul3A_199 = arith.constant 2.000000e-01 : f32
        %mul3A_200 = vector.broadcast %mul3A_199 : f32 to vector<16xf32>
        %mul3A_201 = arith.mulf %add3A_198, %mul3A_200 : vector<16xf32>
        %max3A = arith.maximumf %add3A_198, %mul3A_201 : vector<16xf32>
        %exp3A = math.exp %max3A : vector<16xf32>
        %jit3A = arith.constant 0.000000e+00 : f32
        %broadcast_in_dim3A_202 = vector.broadcast %jit3A : f32 to vector<16xf32>
        %select_n3A = arith.select %lt3A_2, %exp3A, %broadcast_in_dim3A_202 : vector<16xi1>, vector<16xf32>
        %swap3A = arith.index_cast %add3A_190 : i32 to index
        %swap3A_203 = arith.constant 128 : index
        %swap3A_204 = tpu.vector_load %arg12[%swap3A, %swap3A_203] {strides = array<i32>} : memref<48x144xf32, #tpu.memory_space<vmem>>, vector<1x16xf32>,
        %swap3A_205 = vector.shape_cast %swap3A_204 : vector<1x16xf32> to vector<16xf32>
        %swap3A_206 = vector.shape_cast %select_n3A : vector<16xf32> to vector<1x16xf32>
        tpu.vector_store %arg12[%swap3A, %swap3A_203], %swap3A_206 {strides = array<i32>} : memref<48x144xf32, #tpu.memory_space<vmem>>, vector<1x16xf32>,
        %slice3A = vector.extract_strided_slice %exp3A {offsets = [0], sizes = [1], strides = [1]} : vector<16xf32> to vector<1xf32>
        %squeeze3A = vector.extract %slice3A[0] : f32 from vector<1xf32>
        %broadcast_in_dim3A_207 = vector.broadcast %squeeze3A : f32 to vector<16xf32>
        %get3A_208 = arith.index_cast %add3A_190 : i32 to index
        %get3A_209 = arith.constant 0 : index
        %get3A_210 = tpu.vector_load %arg12[%get3A_208, %get3A_209] {strides = array<i32>} : memref<48x144xf32, #tpu.memory_space<vmem>>, vector<1x16xf32>,
        %get3A_211 = vector.shape_cast %get3A_210 : vector<1x16xf32> to vector<16xf32>
        %mul3A_212 = arith.mulf %get3A_211, %broadcast_in_dim3A_207 : vector<16xf32>
        %swap3A_213 = arith.index_cast %add3A_190 : i32 to index
        %swap3A_214 = arith.constant 0 : index
        %swap3A_215 = tpu.vector_load %arg12[%swap3A_213, %swap3A_214] {strides = array<i32>} : memref<48x144xf32, #tpu.memory_space<vmem>>, vector<1x16xf32>,
        %swap3A_216 = vector.shape_cast %swap3A_215 : vector<1x16xf32> to vector<16xf32>
        %swap3A_217 = vector.shape_cast %mul3A_212 : vector<16xf32> to vector<1x16xf32>
        tpu.vector_store %arg12[%swap3A_213, %swap3A_214], %swap3A_217 {strides = array<i32>} : memref<48x144xf32, #tpu.memory_space<vmem>>, vector<1x16xf32>,
        %get3A_218 = arith.index_cast %add3A_190 : i32 to index
        %get3A_219 = arith.constant 16 : index
        %get3A_220 = tpu.vector_load %arg12[%get3A_218, %get3A_219] {strides = array<i32>} : memref<48x144xf32, #tpu.memory_space<vmem>>, vector<1x16xf32>,
        %get3A_221 = vector.shape_cast %get3A_220 : vector<1x16xf32> to vector<16xf32>
        %mul3A_222 = arith.mulf %get3A_221, %broadcast_in_dim3A_207 : vector<16xf32>
        %swap3A_223 = arith.index_cast %add3A_190 : i32 to index
        %swap3A_224 = arith.constant 16 : index
        %swap3A_225 = tpu.vector_load %arg12[%swap3A_223, %swap3A_224] {strides = array<i32>} : memref<48x144xf32, #tpu.memory_space<vmem>>, vector<1x16xf32>,
        %swap3A_226 = vector.shape_cast %swap3A_225 : vector<1x16xf32> to vector<16xf32>
        %swap3A_227 = vector.shape_cast %mul3A_222 : vector<16xf32> to vector<1x16xf32>
        tpu.vector_store %arg12[%swap3A_223, %swap3A_224], %swap3A_227 {strides = array<i32>} : memref<48x144xf32, #tpu.memory_space<vmem>>, vector<1x16xf32>,
        %slice3A_228 = vector.extract_strided_slice %exp3A {offsets = [1], sizes = [1], strides = [1]} : vector<16xf32> to vector<1xf32>
        %squeeze3A_229 = vector.extract %slice3A_228[0] : f32 from vector<1xf32>
        %broadcast_in_dim3A_230 = vector.broadcast %squeeze3A_229 : f32 to vector<16xf32>
        %get3A_231 = arith.index_cast %add3A_190 : i32 to index
        %get3A_232 = arith.constant 32 : index
        %get3A_233 = tpu.vector_load %arg12[%get3A_231, %get3A_232] {strides = array<i32>} : memref<48x144xf32, #tpu.memory_space<vmem>>, vector<1x16xf32>,
        %get3A_234 = vector.shape_cast %get3A_233 : vector<1x16xf32> to vector<16xf32>
        %mul3A_235 = arith.mulf %get3A_234, %broadcast_in_dim3A_230 : vector<16xf32>
        %swap3A_236 = arith.index_cast %add3A_190 : i32 to index
        %swap3A_237 = arith.constant 32 : index
        %swap3A_238 = tpu.vector_load %arg12[%swap3A_236, %swap3A_237] {strides = array<i32>} : memref<48x144xf32, #tpu.memory_space<vmem>>, vector<1x16xf32>,
        %swap3A_239 = vector.shape_cast %swap3A_238 : vector<1x16xf32> to vector<16xf32>
        %swap3A_240 = vector.shape_cast %mul3A_235 : vector<16xf32> to vector<1x16xf32>
        tpu.vector_store %arg12[%swap3A_236, %swap3A_237], %swap3A_240 {strides = array<i32>} : memref<48x144xf32, #tpu.memory_space<vmem>>, vector<1x16xf32>,
        %get3A_241 = arith.index_cast %add3A_190 : i32 to index
        %get3A_242 = arith.constant 48 : index
        %get3A_243 = tpu.vector_load %arg12[%get3A_241, %get3A_242] {strides = array<i32>} : memref<48x144xf32, #tpu.memory_space<vmem>>, vector<1x16xf32>,
        %get3A_244 = vector.shape_cast %get3A_243 : vector<1x16xf32> to vector<16xf32>
        %mul3A_245 = arith.mulf %get3A_244, %broadcast_in_dim3A_230 : vector<16xf32>
        %swap3A_246 = arith.index_cast %add3A_190 : i32 to index
        %swap3A_247 = arith.constant 48 : index
        %swap3A_248 = tpu.vector_load %arg12[%swap3A_246, %swap3A_247] {strides = array<i32>} : memref<48x144xf32, #tpu.memory_space<vmem>>, vector<1x16xf32>,
        %swap3A_249 = vector.shape_cast %swap3A_248 : vector<1x16xf32> to vector<16xf32>
        %swap3A_250 = vector.shape_cast %mul3A_245 : vector<16xf32> to vector<1x16xf32>
        tpu.vector_store %arg12[%swap3A_246, %swap3A_247], %swap3A_250 {strides = array<i32>} : memref<48x144xf32, #tpu.memory_space<vmem>>, vector<1x16xf32>,
        %slice3A_251 = vector.extract_strided_slice %exp3A {offsets = [2], sizes = [1], strides = [1]} : vector<16xf32> to vector<1xf32>
        %squeeze3A_252 = vector.extract %slice3A_251[0] : f32 from vector<1xf32>
        %broadcast_in_dim3A_253 = vector.broadcast %squeeze3A_252 : f32 to vector<16xf32>
        %get3A_254 = arith.index_cast %add3A_190 : i32 to index
        %get3A_255 = arith.constant 64 : index
        %get3A_256 = tpu.vector_load %arg12[%get3A_254, %get3A_255] {strides = array<i32>} : memref<48x144xf32, #tpu.memory_space<vmem>>, vector<1x16xf32>,
        %get3A_257 = vector.shape_cast %get3A_256 : vector<1x16xf32> to vector<16xf32>
        %mul3A_258 = arith.mulf %get3A_257, %broadcast_in_dim3A_253 : vector<16xf32>
        %swap3A_259 = arith.index_cast %add3A_190 : i32 to index
        %swap3A_260 = arith.constant 64 : index
        %swap3A_261 = tpu.vector_load %arg12[%swap3A_259, %swap3A_260] {strides = array<i32>} : memref<48x144xf32, #tpu.memory_space<vmem>>, vector<1x16xf32>,
        %swap3A_262 = vector.shape_cast %swap3A_261 : vector<1x16xf32> to vector<16xf32>
        %swap3A_263 = vector.shape_cast %mul3A_258 : vector<16xf32> to vector<1x16xf32>
        tpu.vector_store %arg12[%swap3A_259, %swap3A_260], %swap3A_263 {strides = array<i32>} : memref<48x144xf32, #tpu.memory_space<vmem>>, vector<1x16xf32>,
        %get3A_264 = arith.index_cast %add3A_190 : i32 to index
        %get3A_265 = arith.constant 80 : index
        %get3A_266 = tpu.vector_load %arg12[%get3A_264, %get3A_265] {strides = array<i32>} : memref<48x144xf32, #tpu.memory_space<vmem>>, vector<1x16xf32>,
        %get3A_267 = vector.shape_cast %get3A_266 : vector<1x16xf32> to vector<16xf32>
        %mul3A_268 = arith.mulf %get3A_267, %broadcast_in_dim3A_253 : vector<16xf32>
        %swap3A_269 = arith.index_cast %add3A_190 : i32 to index
        %swap3A_270 = arith.constant 80 : index
        %swap3A_271 = tpu.vector_load %arg12[%swap3A_269, %swap3A_270] {strides = array<i32>} : memref<48x144xf32, #tpu.memory_space<vmem>>, vector<1x16xf32>,
        %swap3A_272 = vector.shape_cast %swap3A_271 : vector<1x16xf32> to vector<16xf32>
        %swap3A_273 = vector.shape_cast %mul3A_268 : vector<16xf32> to vector<1x16xf32>
        tpu.vector_store %arg12[%swap3A_269, %swap3A_270], %swap3A_273 {strides = array<i32>} : memref<48x144xf32, #tpu.memory_space<vmem>>, vector<1x16xf32>,
        %slice3A_274 = vector.extract_strided_slice %exp3A {offsets = [3], sizes = [1], strides = [1]} : vector<16xf32> to vector<1xf32>
        %squeeze3A_275 = vector.extract %slice3A_274[0] : f32 from vector<1xf32>
        %broadcast_in_dim3A_276 = vector.broadcast %squeeze3A_275 : f32 to vector<16xf32>
        %get3A_277 = arith.index_cast %add3A_190 : i32 to index
        %get3A_278 = arith.constant 96 : index
        %get3A_279 = tpu.vector_load %arg12[%get3A_277, %get3A_278] {strides = array<i32>} : memref<48x144xf32, #tpu.memory_space<vmem>>, vector<1x16xf32>,
        %get3A_280 = vector.shape_cast %get3A_279 : vector<1x16xf32> to vector<16xf32>
        %mul3A_281 = arith.mulf %get3A_280, %broadcast_in_dim3A_276 : vector<16xf32>
        %swap3A_282 = arith.index_cast %add3A_190 : i32 to index
        %swap3A_283 = arith.constant 96 : index
        %swap3A_284 = tpu.vector_load %arg12[%swap3A_282, %swap3A_283] {strides = array<i32>} : memref<48x144xf32, #tpu.memory_space<vmem>>, vector<1x16xf32>,
        %swap3A_285 = vector.shape_cast %swap3A_284 : vector<1x16xf32> to vector<16xf32>
        %swap3A_286 = vector.shape_cast %mul3A_281 : vector<16xf32> to vector<1x16xf32>
        tpu.vector_store %arg12[%swap3A_282, %swap3A_283], %swap3A_286 {strides = array<i32>} : memref<48x144xf32, #tpu.memory_space<vmem>>, vector<1x16xf32>,
        %get3A_287 = arith.index_cast %add3A_190 : i32 to index
        %get3A_288 = arith.constant 112 : index
        %get3A_289 = tpu.vector_load %arg12[%get3A_287, %get3A_288] {strides = array<i32>} : memref<48x144xf32, #tpu.memory_space<vmem>>, vector<1x16xf32>,
        %get3A_290 = vector.shape_cast %get3A_289 : vector<1x16xf32> to vector<16xf32>
        %mul3A_291 = arith.mulf %get3A_290, %broadcast_in_dim3A_276 : vector<16xf32>
        %swap3A_292 = arith.index_cast %add3A_190 : i32 to index
        %swap3A_293 = arith.constant 112 : index
        %swap3A_294 = tpu.vector_load %arg12[%swap3A_292, %swap3A_293] {strides = array<i32>} : memref<48x144xf32, #tpu.memory_space<vmem>>, vector<1x16xf32>,
        %swap3A_295 = vector.shape_cast %swap3A_294 : vector<1x16xf32> to vector<16xf32>
        %swap3A_296 = vector.shape_cast %mul3A_291 : vector<16xf32> to vector<1x16xf32>
        tpu.vector_store %arg12[%swap3A_292, %swap3A_293], %swap3A_296 {strides = array<i32>} : memref<48x144xf32, #tpu.memory_space<vmem>>, vector<1x16xf32>,
        %mul3A_297 = arith.constant 4 : i32
        %mul3A_298 = arith.muli %mul3A_297, %scan3A_185 : i32
        %add3A_299 = arith.constant 1 : i32
        %add3A_300 = arith.addi %mul3A_298, %add3A_299 : i32
        %get3A_301 = arith.index_cast %add3A_300 : i32 to index
        %get3A_302 = arith.constant 128 : index
        %get3A_303 = tpu.vector_load %arg12[%get3A_301, %get3A_302] {strides = array<i32>} : memref<48x144xf32, #tpu.memory_space<vmem>>, vector<1x16xf32>,
        %get3A_304 = vector.shape_cast %get3A_303 : vector<1x16xf32> to vector<16xf32>
        %get3A_305 = arith.index_cast %add3A_300 : i32 to index
        %get3A_306 = arith.constant 0 : index
        %get3A_307 = tpu.vector_load %arg14[%get3A_305, %get3A_306] {strides = array<i32>} : memref<48x16xf32, #tpu.memory_space<vmem>>, vector<1x16xf32>,
        %get3A_308 = vector.shape_cast %get3A_307 : vector<1x16xf32> to vector<16xf32>
        %add3A_309 = arith.addf %get3A_304, %get3A_308 : vector<16xf32>
        %mul3A_310 = arith.constant 2.000000e-01 : f32
        %mul3A_311 = vector.broadcast %mul3A_310 : f32 to vector<16xf32>
        %mul3A_312 = arith.mulf %add3A_309, %mul3A_311 : vector<16xf32>
        %max3A_313 = arith.maximumf %add3A_309, %mul3A_312 : vector<16xf32>
        %exp3A_314 = math.exp %max3A_313 : vector<16xf32>
        %jit3A_315 = arith.constant 0.000000e+00 : f32
        %broadcast_in_dim3A_316 = vector.broadcast %jit3A_315 : f32 to vector<16xf32>
        %select_n3A_317 = arith.select %lt3A_2, %exp3A_314, %broadcast_in_dim3A_316 : vector<16xi1>, vector<16xf32>
        %swap3A_318 = arith.index_cast %add3A_300 : i32 to index
        %swap3A_319 = arith.constant 128 : index
        %swap3A_320 = tpu.vector_load %arg12[%swap3A_318, %swap3A_319] {strides = array<i32>} : memref<48x144xf32, #tpu.memory_space<vmem>>, vector<1x16xf32>,
        %swap3A_321 = vector.shape_cast %swap3A_320 : vector<1x16xf32> to vector<16xf32>
        %swap3A_322 = vector.shape_cast %select_n3A_317 : vector<16xf32> to vector<1x16xf32>
        tpu.vector_store %arg12[%swap3A_318, %swap3A_319], %swap3A_322 {strides = array<i32>} : memref<48x144xf32, #tpu.memory_space<vmem>>, vector<1x16xf32>,
        %slice3A_323 = vector.extract_strided_slice %exp3A_314 {offsets = [0], sizes = [1], strides = [1]} : vector<16xf32> to vector<1xf32>
        %squeeze3A_324 = vector.extract %slice3A_323[0] : f32 from vector<1xf32>
        %broadcast_in_dim3A_325 = vector.broadcast %squeeze3A_324 : f32 to vector<16xf32>
        %get3A_326 = arith.index_cast %add3A_300 : i32 to index
        %get3A_327 = arith.constant 0 : index
        %get3A_328 = tpu.vector_load %arg12[%get3A_326, %get3A_327] {strides = array<i32>} : memref<48x144xf32, #tpu.memory_space<vmem>>, vector<1x16xf32>,
        %get3A_329 = vector.shape_cast %get3A_328 : vector<1x16xf32> to vector<16xf32>
        %mul3A_330 = arith.mulf %get3A_329, %broadcast_in_dim3A_325 : vector<16xf32>
        %swap3A_331 = arith.index_cast %add3A_300 : i32 to index
        %swap3A_332 = arith.constant 0 : index
        %swap3A_333 = tpu.vector_load %arg12[%swap3A_331, %swap3A_332] {strides = array<i32>} : memref<48x144xf32, #tpu.memory_space<vmem>>, vector<1x16xf32>,
        %swap3A_334 = vector.shape_cast %swap3A_333 : vector<1x16xf32> to vector<16xf32>
        %swap3A_335 = vector.shape_cast %mul3A_330 : vector<16xf32> to vector<1x16xf32>
        tpu.vector_store %arg12[%swap3A_331, %swap3A_332], %swap3A_335 {strides = array<i32>} : memref<48x144xf32, #tpu.memory_space<vmem>>, vector<1x16xf32>,
        %get3A_336 = arith.index_cast %add3A_300 : i32 to index
        %get3A_337 = arith.constant 16 : index
        %get3A_338 = tpu.vector_load %arg12[%get3A_336, %get3A_337] {strides = array<i32>} : memref<48x144xf32, #tpu.memory_space<vmem>>, vector<1x16xf32>,
        %get3A_339 = vector.shape_cast %get3A_338 : vector<1x16xf32> to vector<16xf32>
        %mul3A_340 = arith.mulf %get3A_339, %broadcast_in_dim3A_325 : vector<16xf32>
        %swap3A_341 = arith.index_cast %add3A_300 : i32 to index
        %swap3A_342 = arith.constant 16 : index
        %swap3A_343 = tpu.vector_load %arg12[%swap3A_341, %swap3A_342] {strides = array<i32>} : memref<48x144xf32, #tpu.memory_space<vmem>>, vector<1x16xf32>,
        %swap3A_344 = vector.shape_cast %swap3A_343 : vector<1x16xf32> to vector<16xf32>
        %swap3A_345 = vector.shape_cast %mul3A_340 : vector<16xf32> to vector<1x16xf32>
        tpu.vector_store %arg12[%swap3A_341, %swap3A_342], %swap3A_345 {strides = array<i32>} : memref<48x144xf32, #tpu.memory_space<vmem>>, vector<1x16xf32>,
        %slice3A_346 = vector.extract_strided_slice %exp3A_314 {offsets = [1], sizes = [1], strides = [1]} : vector<16xf32> to vector<1xf32>
        %squeeze3A_347 = vector.extract %slice3A_346[0] : f32 from vector<1xf32>
        %broadcast_in_dim3A_348 = vector.broadcast %squeeze3A_347 : f32 to vector<16xf32>
        %get3A_349 = arith.index_cast %add3A_300 : i32 to index
        %get3A_350 = arith.constant 32 : index
        %get3A_351 = tpu.vector_load %arg12[%get3A_349, %get3A_350] {strides = array<i32>} : memref<48x144xf32, #tpu.memory_space<vmem>>, vector<1x16xf32>,
        %get3A_352 = vector.shape_cast %get3A_351 : vector<1x16xf32> to vector<16xf32>
        %mul3A_353 = arith.mulf %get3A_352, %broadcast_in_dim3A_348 : vector<16xf32>
        %swap3A_354 = arith.index_cast %add3A_300 : i32 to index
        %swap3A_355 = arith.constant 32 : index
        %swap3A_356 = tpu.vector_load %arg12[%swap3A_354, %swap3A_355] {strides = array<i32>} : memref<48x144xf32, #tpu.memory_space<vmem>>, vector<1x16xf32>,
        %swap3A_357 = vector.shape_cast %swap3A_356 : vector<1x16xf32> to vector<16xf32>
        %swap3A_358 = vector.shape_cast %mul3A_353 : vector<16xf32> to vector<1x16xf32>
        tpu.vector_store %arg12[%swap3A_354, %swap3A_355], %swap3A_358 {strides = array<i32>} : memref<48x144xf32, #tpu.memory_space<vmem>>, vector<1x16xf32>,
        %get3A_359 = arith.index_cast %add3A_300 : i32 to index
        %get3A_360 = arith.constant 48 : index
        %get3A_361 = tpu.vector_load %arg12[%get3A_359, %get3A_360] {strides = array<i32>} : memref<48x144xf32, #tpu.memory_space<vmem>>, vector<1x16xf32>,
        %get3A_362 = vector.shape_cast %get3A_361 : vector<1x16xf32> to vector<16xf32>
        %mul3A_363 = arith.mulf %get3A_362, %broadcast_in_dim3A_348 : vector<16xf32>
        %swap3A_364 = arith.index_cast %add3A_300 : i32 to index
        %swap3A_365 = arith.constant 48 : index
        %swap3A_366 = tpu.vector_load %arg12[%swap3A_364, %swap3A_365] {strides = array<i32>} : memref<48x144xf32, #tpu.memory_space<vmem>>, vector<1x16xf32>,
        %swap3A_367 = vector.shape_cast %swap3A_366 : vector<1x16xf32> to vector<16xf32>
        %swap3A_368 = vector.shape_cast %mul3A_363 : vector<16xf32> to vector<1x16xf32>
        tpu.vector_store %arg12[%swap3A_364, %swap3A_365], %swap3A_368 {strides = array<i32>} : memref<48x144xf32, #tpu.memory_space<vmem>>, vector<1x16xf32>,
        %slice3A_369 = vector.extract_strided_slice %exp3A_314 {offsets = [2], sizes = [1], strides = [1]} : vector<16xf32> to vector<1xf32>
        %squeeze3A_370 = vector.extract %slice3A_369[0] : f32 from vector<1xf32>
        %broadcast_in_dim3A_371 = vector.broadcast %squeeze3A_370 : f32 to vector<16xf32>
        %get3A_372 = arith.index_cast %add3A_300 : i32 to index
        %get3A_373 = arith.constant 64 : index
        %get3A_374 = tpu.vector_load %arg12[%get3A_372, %get3A_373] {strides = array<i32>} : memref<48x144xf32, #tpu.memory_space<vmem>>, vector<1x16xf32>,
        %get3A_375 = vector.shape_cast %get3A_374 : vector<1x16xf32> to vector<16xf32>
        %mul3A_376 = arith.mulf %get3A_375, %broadcast_in_dim3A_371 : vector<16xf32>
        %swap3A_377 = arith.index_cast %add3A_300 : i32 to index
        %swap3A_378 = arith.constant 64 : index
        %swap3A_379 = tpu.vector_load %arg12[%swap3A_377, %swap3A_378] {strides = array<i32>} : memref<48x144xf32, #tpu.memory_space<vmem>>, vector<1x16xf32>,
        %swap3A_380 = vector.shape_cast %swap3A_379 : vector<1x16xf32> to vector<16xf32>
        %swap3A_381 = vector.shape_cast %mul3A_376 : vector<16xf32> to vector<1x16xf32>
        tpu.vector_store %arg12[%swap3A_377, %swap3A_378], %swap3A_381 {strides = array<i32>} : memref<48x144xf32, #tpu.memory_space<vmem>>, vector<1x16xf32>,
        %get3A_382 = arith.index_cast %add3A_300 : i32 to index
        %get3A_383 = arith.constant 80 : index
        %get3A_384 = tpu.vector_load %arg12[%get3A_382, %get3A_383] {strides = array<i32>} : memref<48x144xf32, #tpu.memory_space<vmem>>, vector<1x16xf32>,
        %get3A_385 = vector.shape_cast %get3A_384 : vector<1x16xf32> to vector<16xf32>
        %mul3A_386 = arith.mulf %get3A_385, %broadcast_in_dim3A_371 : vector<16xf32>
        %swap3A_387 = arith.index_cast %add3A_300 : i32 to index
        %swap3A_388 = arith.constant 80 : index
        %swap3A_389 = tpu.vector_load %arg12[%swap3A_387, %swap3A_388] {strides = array<i32>} : memref<48x144xf32, #tpu.memory_space<vmem>>, vector<1x16xf32>,
        %swap3A_390 = vector.shape_cast %swap3A_389 : vector<1x16xf32> to vector<16xf32>
        %swap3A_391 = vector.shape_cast %mul3A_386 : vector<16xf32> to vector<1x16xf32>
        tpu.vector_store %arg12[%swap3A_387, %swap3A_388], %swap3A_391 {strides = array<i32>} : memref<48x144xf32, #tpu.memory_space<vmem>>, vector<1x16xf32>,
        %slice3A_392 = vector.extract_strided_slice %exp3A_314 {offsets = [3], sizes = [1], strides = [1]} : vector<16xf32> to vector<1xf32>
        %squeeze3A_393 = vector.extract %slice3A_392[0] : f32 from vector<1xf32>
        %broadcast_in_dim3A_394 = vector.broadcast %squeeze3A_393 : f32 to vector<16xf32>
        %get3A_395 = arith.index_cast %add3A_300 : i32 to index
        %get3A_396 = arith.constant 96 : index
        %get3A_397 = tpu.vector_load %arg12[%get3A_395, %get3A_396] {strides = array<i32>} : memref<48x144xf32, #tpu.memory_space<vmem>>, vector<1x16xf32>,
        %get3A_398 = vector.shape_cast %get3A_397 : vector<1x16xf32> to vector<16xf32>
        %mul3A_399 = arith.mulf %get3A_398, %broadcast_in_dim3A_394 : vector<16xf32>
        %swap3A_400 = arith.index_cast %add3A_300 : i32 to index
        %swap3A_401 = arith.constant 96 : index
        %swap3A_402 = tpu.vector_load %arg12[%swap3A_400, %swap3A_401] {strides = array<i32>} : memref<48x144xf32, #tpu.memory_space<vmem>>, vector<1x16xf32>,
        %swap3A_403 = vector.shape_cast %swap3A_402 : vector<1x16xf32> to vector<16xf32>
        %swap3A_404 = vector.shape_cast %mul3A_399 : vector<16xf32> to vector<1x16xf32>
        tpu.vector_store %arg12[%swap3A_400, %swap3A_401], %swap3A_404 {strides = array<i32>} : memref<48x144xf32, #tpu.memory_space<vmem>>, vector<1x16xf32>,
        %get3A_405 = arith.index_cast %add3A_300 : i32 to index
        %get3A_406 = arith.constant 112 : index
        %get3A_407 = tpu.vector_load %arg12[%get3A_405, %get3A_406] {strides = array<i32>} : memref<48x144xf32, #tpu.memory_space<vmem>>, vector<1x16xf32>,
        %get3A_408 = vector.shape_cast %get3A_407 : vector<1x16xf32> to vector<16xf32>
        %mul3A_409 = arith.mulf %get3A_408, %broadcast_in_dim3A_394 : vector<16xf32>
        %swap3A_410 = arith.index_cast %add3A_300 : i32 to index
        %swap3A_411 = arith.constant 112 : index
        %swap3A_412 = tpu.vector_load %arg12[%swap3A_410, %swap3A_411] {strides = array<i32>} : memref<48x144xf32, #tpu.memory_space<vmem>>, vector<1x16xf32>,
        %swap3A_413 = vector.shape_cast %swap3A_412 : vector<1x16xf32> to vector<16xf32>
        %swap3A_414 = vector.shape_cast %mul3A_409 : vector<16xf32> to vector<1x16xf32>
        tpu.vector_store %arg12[%swap3A_410, %swap3A_411], %swap3A_414 {strides = array<i32>} : memref<48x144xf32, #tpu.memory_space<vmem>>, vector<1x16xf32>,
        %mul3A_415 = arith.constant 4 : i32
        %mul3A_416 = arith.muli %mul3A_415, %scan3A_185 : i32
        %add3A_417 = arith.constant 2 : i32
        %add3A_418 = arith.addi %mul3A_416, %add3A_417 : i32
        %get3A_419 = arith.index_cast %add3A_418 : i32 to index
        %get3A_420 = arith.constant 128 : index
        %get3A_421 = tpu.vector_load %arg12[%get3A_419, %get3A_420] {strides = array<i32>} : memref<48x144xf32, #tpu.memory_space<vmem>>, vector<1x16xf32>,
        %get3A_422 = vector.shape_cast %get3A_421 : vector<1x16xf32> to vector<16xf32>
        %get3A_423 = arith.index_cast %add3A_418 : i32 to index
        %get3A_424 = arith.constant 0 : index
        %get3A_425 = tpu.vector_load %arg14[%get3A_423, %get3A_424] {strides = array<i32>} : memref<48x16xf32, #tpu.memory_space<vmem>>, vector<1x16xf32>,
        %get3A_426 = vector.shape_cast %get3A_425 : vector<1x16xf32> to vector<16xf32>
        %add3A_427 = arith.addf %get3A_422, %get3A_426 : vector<16xf32>
        %mul3A_428 = arith.constant 2.000000e-01 : f32
        %mul3A_429 = vector.broadcast %mul3A_428 : f32 to vector<16xf32>
        %mul3A_430 = arith.mulf %add3A_427, %mul3A_429 : vector<16xf32>
        %max3A_431 = arith.maximumf %add3A_427, %mul3A_430 : vector<16xf32>
        %exp3A_432 = math.exp %max3A_431 : vector<16xf32>
        %jit3A_433 = arith.constant 0.000000e+00 : f32
        %broadcast_in_dim3A_434 = vector.broadcast %jit3A_433 : f32 to vector<16xf32>
        %select_n3A_435 = arith.select %lt3A_2, %exp3A_432, %broadcast_in_dim3A_434 : vector<16xi1>, vector<16xf32>
        %swap3A_436 = arith.index_cast %add3A_418 : i32 to index
        %swap3A_437 = arith.constant 128 : index
        %swap3A_438 = tpu.vector_load %arg12[%swap3A_436, %swap3A_437] {strides = array<i32>} : memref<48x144xf32, #tpu.memory_space<vmem>>, vector<1x16xf32>,
        %swap3A_439 = vector.shape_cast %swap3A_438 : vector<1x16xf32> to vector<16xf32>
        %swap3A_440 = vector.shape_cast %select_n3A_435 : vector<16xf32> to vector<1x16xf32>
        tpu.vector_store %arg12[%swap3A_436, %swap3A_437], %swap3A_440 {strides = array<i32>} : memref<48x144xf32, #tpu.memory_space<vmem>>, vector<1x16xf32>,
        %slice3A_441 = vector.extract_strided_slice %exp3A_432 {offsets = [0], sizes = [1], strides = [1]} : vector<16xf32> to vector<1xf32>
        %squeeze3A_442 = vector.extract %slice3A_441[0] : f32 from vector<1xf32>
        %broadcast_in_dim3A_443 = vector.broadcast %squeeze3A_442 : f32 to vector<16xf32>
        %get3A_444 = arith.index_cast %add3A_418 : i32 to index
        %get3A_445 = arith.constant 0 : index
        %get3A_446 = tpu.vector_load %arg12[%get3A_444, %get3A_445] {strides = array<i32>} : memref<48x144xf32, #tpu.memory_space<vmem>>, vector<1x16xf32>,
        %get3A_447 = vector.shape_cast %get3A_446 : vector<1x16xf32> to vector<16xf32>
        %mul3A_448 = arith.mulf %get3A_447, %broadcast_in_dim3A_443 : vector<16xf32>
        %swap3A_449 = arith.index_cast %add3A_418 : i32 to index
        %swap3A_450 = arith.constant 0 : index
        %swap3A_451 = tpu.vector_load %arg12[%swap3A_449, %swap3A_450] {strides = array<i32>} : memref<48x144xf32, #tpu.memory_space<vmem>>, vector<1x16xf32>,
        %swap3A_452 = vector.shape_cast %swap3A_451 : vector<1x16xf32> to vector<16xf32>
        %swap3A_453 = vector.shape_cast %mul3A_448 : vector<16xf32> to vector<1x16xf32>
        tpu.vector_store %arg12[%swap3A_449, %swap3A_450], %swap3A_453 {strides = array<i32>} : memref<48x144xf32, #tpu.memory_space<vmem>>, vector<1x16xf32>,
        %get3A_454 = arith.index_cast %add3A_418 : i32 to index
        %get3A_455 = arith.constant 16 : index
        %get3A_456 = tpu.vector_load %arg12[%get3A_454, %get3A_455] {strides = array<i32>} : memref<48x144xf32, #tpu.memory_space<vmem>>, vector<1x16xf32>,
        %get3A_457 = vector.shape_cast %get3A_456 : vector<1x16xf32> to vector<16xf32>
        %mul3A_458 = arith.mulf %get3A_457, %broadcast_in_dim3A_443 : vector<16xf32>
        %swap3A_459 = arith.index_cast %add3A_418 : i32 to index
        %swap3A_460 = arith.constant 16 : index
        %swap3A_461 = tpu.vector_load %arg12[%swap3A_459, %swap3A_460] {strides = array<i32>} : memref<48x144xf32, #tpu.memory_space<vmem>>, vector<1x16xf32>,
        %swap3A_462 = vector.shape_cast %swap3A_461 : vector<1x16xf32> to vector<16xf32>
        %swap3A_463 = vector.shape_cast %mul3A_458 : vector<16xf32> to vector<1x16xf32>
        tpu.vector_store %arg12[%swap3A_459, %swap3A_460], %swap3A_463 {strides = array<i32>} : memref<48x144xf32, #tpu.memory_space<vmem>>, vector<1x16xf32>,
        %slice3A_464 = vector.extract_strided_slice %exp3A_432 {offsets = [1], sizes = [1], strides = [1]} : vector<16xf32> to vector<1xf32>
        %squeeze3A_465 = vector.extract %slice3A_464[0] : f32 from vector<1xf32>
        %broadcast_in_dim3A_466 = vector.broadcast %squeeze3A_465 : f32 to vector<16xf32>
        %get3A_467 = arith.index_cast %add3A_418 : i32 to index
        %get3A_468 = arith.constant 32 : index
        %get3A_469 = tpu.vector_load %arg12[%get3A_467, %get3A_468] {strides = array<i32>} : memref<48x144xf32, #tpu.memory_space<vmem>>, vector<1x16xf32>,
        %get3A_470 = vector.shape_cast %get3A_469 : vector<1x16xf32> to vector<16xf32>
        %mul3A_471 = arith.mulf %get3A_470, %broadcast_in_dim3A_466 : vector<16xf32>
        %swap3A_472 = arith.index_cast %add3A_418 : i32 to index
        %swap3A_473 = arith.constant 32 : index
        %swap3A_474 = tpu.vector_load %arg12[%swap3A_472, %swap3A_473] {strides = array<i32>} : memref<48x144xf32, #tpu.memory_space<vmem>>, vector<1x16xf32>,
        %swap3A_475 = vector.shape_cast %swap3A_474 : vector<1x16xf32> to vector<16xf32>
        %swap3A_476 = vector.shape_cast %mul3A_471 : vector<16xf32> to vector<1x16xf32>
        tpu.vector_store %arg12[%swap3A_472, %swap3A_473], %swap3A_476 {strides = array<i32>} : memref<48x144xf32, #tpu.memory_space<vmem>>, vector<1x16xf32>,
        %get3A_477 = arith.index_cast %add3A_418 : i32 to index
        %get3A_478 = arith.constant 48 : index
        %get3A_479 = tpu.vector_load %arg12[%get3A_477, %get3A_478] {strides = array<i32>} : memref<48x144xf32, #tpu.memory_space<vmem>>, vector<1x16xf32>,
        %get3A_480 = vector.shape_cast %get3A_479 : vector<1x16xf32> to vector<16xf32>
        %mul3A_481 = arith.mulf %get3A_480, %broadcast_in_dim3A_466 : vector<16xf32>
        %swap3A_482 = arith.index_cast %add3A_418 : i32 to index
        %swap3A_483 = arith.constant 48 : index
        %swap3A_484 = tpu.vector_load %arg12[%swap3A_482, %swap3A_483] {strides = array<i32>} : memref<48x144xf32, #tpu.memory_space<vmem>>, vector<1x16xf32>,
        %swap3A_485 = vector.shape_cast %swap3A_484 : vector<1x16xf32> to vector<16xf32>
        %swap3A_486 = vector.shape_cast %mul3A_481 : vector<16xf32> to vector<1x16xf32>
        tpu.vector_store %arg12[%swap3A_482, %swap3A_483], %swap3A_486 {strides = array<i32>} : memref<48x144xf32, #tpu.memory_space<vmem>>, vector<1x16xf32>,
        %slice3A_487 = vector.extract_strided_slice %exp3A_432 {offsets = [2], sizes = [1], strides = [1]} : vector<16xf32> to vector<1xf32>
        %squeeze3A_488 = vector.extract %slice3A_487[0] : f32 from vector<1xf32>
        %broadcast_in_dim3A_489 = vector.broadcast %squeeze3A_488 : f32 to vector<16xf32>
        %get3A_490 = arith.index_cast %add3A_418 : i32 to index
        %get3A_491 = arith.constant 64 : index
        %get3A_492 = tpu.vector_load %arg12[%get3A_490, %get3A_491] {strides = array<i32>} : memref<48x144xf32, #tpu.memory_space<vmem>>, vector<1x16xf32>,
        %get3A_493 = vector.shape_cast %get3A_492 : vector<1x16xf32> to vector<16xf32>
        %mul3A_494 = arith.mulf %get3A_493, %broadcast_in_dim3A_489 : vector<16xf32>
        %swap3A_495 = arith.index_cast %add3A_418 : i32 to index
        %swap3A_496 = arith.constant 64 : index
        %swap3A_497 = tpu.vector_load %arg12[%swap3A_495, %swap3A_496] {strides = array<i32>} : memref<48x144xf32, #tpu.memory_space<vmem>>, vector<1x16xf32>,
        %swap3A_498 = vector.shape_cast %swap3A_497 : vector<1x16xf32> to vector<16xf32>
        %swap3A_499 = vector.shape_cast %mul3A_494 : vector<16xf32> to vector<1x16xf32>
        tpu.vector_store %arg12[%swap3A_495, %swap3A_496], %swap3A_499 {strides = array<i32>} : memref<48x144xf32, #tpu.memory_space<vmem>>, vector<1x16xf32>,
        %get3A_500 = arith.index_cast %add3A_418 : i32 to index
        %get3A_501 = arith.constant 80 : index
        %get3A_502 = tpu.vector_load %arg12[%get3A_500, %get3A_501] {strides = array<i32>} : memref<48x144xf32, #tpu.memory_space<vmem>>, vector<1x16xf32>,
        %get3A_503 = vector.shape_cast %get3A_502 : vector<1x16xf32> to vector<16xf32>
        %mul3A_504 = arith.mulf %get3A_503, %broadcast_in_dim3A_489 : vector<16xf32>
        %swap3A_505 = arith.index_cast %add3A_418 : i32 to index
        %swap3A_506 = arith.constant 80 : index
        %swap3A_507 = tpu.vector_load %arg12[%swap3A_505, %swap3A_506] {strides = array<i32>} : memref<48x144xf32, #tpu.memory_space<vmem>>, vector<1x16xf32>,
        %swap3A_508 = vector.shape_cast %swap3A_507 : vector<1x16xf32> to vector<16xf32>
        %swap3A_509 = vector.shape_cast %mul3A_504 : vector<16xf32> to vector<1x16xf32>
        tpu.vector_store %arg12[%swap3A_505, %swap3A_506], %swap3A_509 {strides = array<i32>} : memref<48x144xf32, #tpu.memory_space<vmem>>, vector<1x16xf32>,
        %slice3A_510 = vector.extract_strided_slice %exp3A_432 {offsets = [3], sizes = [1], strides = [1]} : vector<16xf32> to vector<1xf32>
        %squeeze3A_511 = vector.extract %slice3A_510[0] : f32 from vector<1xf32>
        %broadcast_in_dim3A_512 = vector.broadcast %squeeze3A_511 : f32 to vector<16xf32>
        %get3A_513 = arith.index_cast %add3A_418 : i32 to index
        %get3A_514 = arith.constant 96 : index
        %get3A_515 = tpu.vector_load %arg12[%get3A_513, %get3A_514] {strides = array<i32>} : memref<48x144xf32, #tpu.memory_space<vmem>>, vector<1x16xf32>,
        %get3A_516 = vector.shape_cast %get3A_515 : vector<1x16xf32> to vector<16xf32>
        %mul3A_517 = arith.mulf %get3A_516, %broadcast_in_dim3A_512 : vector<16xf32>
        %swap3A_518 = arith.index_cast %add3A_418 : i32 to index
        %swap3A_519 = arith.constant 96 : index
        %swap3A_520 = tpu.vector_load %arg12[%swap3A_518, %swap3A_519] {strides = array<i32>} : memref<48x144xf32, #tpu.memory_space<vmem>>, vector<1x16xf32>,
        %swap3A_521 = vector.shape_cast %swap3A_520 : vector<1x16xf32> to vector<16xf32>
        %swap3A_522 = vector.shape_cast %mul3A_517 : vector<16xf32> to vector<1x16xf32>
        tpu.vector_store %arg12[%swap3A_518, %swap3A_519], %swap3A_522 {strides = array<i32>} : memref<48x144xf32, #tpu.memory_space<vmem>>, vector<1x16xf32>,
        %get3A_523 = arith.index_cast %add3A_418 : i32 to index
        %get3A_524 = arith.constant 112 : index
        %get3A_525 = tpu.vector_load %arg12[%get3A_523, %get3A_524] {strides = array<i32>} : memref<48x144xf32, #tpu.memory_space<vmem>>, vector<1x16xf32>,
        %get3A_526 = vector.shape_cast %get3A_525 : vector<1x16xf32> to vector<16xf32>
        %mul3A_527 = arith.mulf %get3A_526, %broadcast_in_dim3A_512 : vector<16xf32>
        %swap3A_528 = arith.index_cast %add3A_418 : i32 to index
        %swap3A_529 = arith.constant 112 : index
        %swap3A_530 = tpu.vector_load %arg12[%swap3A_528, %swap3A_529] {strides = array<i32>} : memref<48x144xf32, #tpu.memory_space<vmem>>, vector<1x16xf32>,
        %swap3A_531 = vector.shape_cast %swap3A_530 : vector<1x16xf32> to vector<16xf32>
        %swap3A_532 = vector.shape_cast %mul3A_527 : vector<16xf32> to vector<1x16xf32>
        tpu.vector_store %arg12[%swap3A_528, %swap3A_529], %swap3A_532 {strides = array<i32>} : memref<48x144xf32, #tpu.memory_space<vmem>>, vector<1x16xf32>,
        %mul3A_533 = arith.constant 4 : i32
        %mul3A_534 = arith.muli %mul3A_533, %scan3A_185 : i32
        %add3A_535 = arith.constant 3 : i32
        %add3A_536 = arith.addi %mul3A_534, %add3A_535 : i32
        %get3A_537 = arith.index_cast %add3A_536 : i32 to index
        %get3A_538 = arith.constant 128 : index
        %get3A_539 = tpu.vector_load %arg12[%get3A_537, %get3A_538] {strides = array<i32>} : memref<48x144xf32, #tpu.memory_space<vmem>>, vector<1x16xf32>,
        %get3A_540 = vector.shape_cast %get3A_539 : vector<1x16xf32> to vector<16xf32>
        %get3A_541 = arith.index_cast %add3A_536 : i32 to index
        %get3A_542 = arith.constant 0 : index
        %get3A_543 = tpu.vector_load %arg14[%get3A_541, %get3A_542] {strides = array<i32>} : memref<48x16xf32, #tpu.memory_space<vmem>>, vector<1x16xf32>,
        %get3A_544 = vector.shape_cast %get3A_543 : vector<1x16xf32> to vector<16xf32>
        %add3A_545 = arith.addf %get3A_540, %get3A_544 : vector<16xf32>
        %mul3A_546 = arith.constant 2.000000e-01 : f32
        %mul3A_547 = vector.broadcast %mul3A_546 : f32 to vector<16xf32>
        %mul3A_548 = arith.mulf %add3A_545, %mul3A_547 : vector<16xf32>
        %max3A_549 = arith.maximumf %add3A_545, %mul3A_548 : vector<16xf32>
        %exp3A_550 = math.exp %max3A_549 : vector<16xf32>
        %jit3A_551 = arith.constant 0.000000e+00 : f32
        %broadcast_in_dim3A_552 = vector.broadcast %jit3A_551 : f32 to vector<16xf32>
        %select_n3A_553 = arith.select %lt3A_2, %exp3A_550, %broadcast_in_dim3A_552 : vector<16xi1>, vector<16xf32>
        %swap3A_554 = arith.index_cast %add3A_536 : i32 to index
        %swap3A_555 = arith.constant 128 : index
        %swap3A_556 = tpu.vector_load %arg12[%swap3A_554, %swap3A_555] {strides = array<i32>} : memref<48x144xf32, #tpu.memory_space<vmem>>, vector<1x16xf32>,
        %swap3A_557 = vector.shape_cast %swap3A_556 : vector<1x16xf32> to vector<16xf32>
        %swap3A_558 = vector.shape_cast %select_n3A_553 : vector<16xf32> to vector<1x16xf32>
        tpu.vector_store %arg12[%swap3A_554, %swap3A_555], %swap3A_558 {strides = array<i32>} : memref<48x144xf32, #tpu.memory_space<vmem>>, vector<1x16xf32>,
        %slice3A_559 = vector.extract_strided_slice %exp3A_550 {offsets = [0], sizes = [1], strides = [1]} : vector<16xf32> to vector<1xf32>
        %squeeze3A_560 = vector.extract %slice3A_559[0] : f32 from vector<1xf32>
        %broadcast_in_dim3A_561 = vector.broadcast %squeeze3A_560 : f32 to vector<16xf32>
        %get3A_562 = arith.index_cast %add3A_536 : i32 to index
        %get3A_563 = arith.constant 0 : index
        %get3A_564 = tpu.vector_load %arg12[%get3A_562, %get3A_563] {strides = array<i32>} : memref<48x144xf32, #tpu.memory_space<vmem>>, vector<1x16xf32>,
        %get3A_565 = vector.shape_cast %get3A_564 : vector<1x16xf32> to vector<16xf32>
        %mul3A_566 = arith.mulf %get3A_565, %broadcast_in_dim3A_561 : vector<16xf32>
        %swap3A_567 = arith.index_cast %add3A_536 : i32 to index
        %swap3A_568 = arith.constant 0 : index
        %swap3A_569 = tpu.vector_load %arg12[%swap3A_567, %swap3A_568] {strides = array<i32>} : memref<48x144xf32, #tpu.memory_space<vmem>>, vector<1x16xf32>,
        %swap3A_570 = vector.shape_cast %swap3A_569 : vector<1x16xf32> to vector<16xf32>
        %swap3A_571 = vector.shape_cast %mul3A_566 : vector<16xf32> to vector<1x16xf32>
        tpu.vector_store %arg12[%swap3A_567, %swap3A_568], %swap3A_571 {strides = array<i32>} : memref<48x144xf32, #tpu.memory_space<vmem>>, vector<1x16xf32>,
        %get3A_572 = arith.index_cast %add3A_536 : i32 to index
        %get3A_573 = arith.constant 16 : index
        %get3A_574 = tpu.vector_load %arg12[%get3A_572, %get3A_573] {strides = array<i32>} : memref<48x144xf32, #tpu.memory_space<vmem>>, vector<1x16xf32>,
        %get3A_575 = vector.shape_cast %get3A_574 : vector<1x16xf32> to vector<16xf32>
        %mul3A_576 = arith.mulf %get3A_575, %broadcast_in_dim3A_561 : vector<16xf32>
        %swap3A_577 = arith.index_cast %add3A_536 : i32 to index
        %swap3A_578 = arith.constant 16 : index
        %swap3A_579 = tpu.vector_load %arg12[%swap3A_577, %swap3A_578] {strides = array<i32>} : memref<48x144xf32, #tpu.memory_space<vmem>>, vector<1x16xf32>,
        %swap3A_580 = vector.shape_cast %swap3A_579 : vector<1x16xf32> to vector<16xf32>
        %swap3A_581 = vector.shape_cast %mul3A_576 : vector<16xf32> to vector<1x16xf32>
        tpu.vector_store %arg12[%swap3A_577, %swap3A_578], %swap3A_581 {strides = array<i32>} : memref<48x144xf32, #tpu.memory_space<vmem>>, vector<1x16xf32>,
        %slice3A_582 = vector.extract_strided_slice %exp3A_550 {offsets = [1], sizes = [1], strides = [1]} : vector<16xf32> to vector<1xf32>
        %squeeze3A_583 = vector.extract %slice3A_582[0] : f32 from vector<1xf32>
        %broadcast_in_dim3A_584 = vector.broadcast %squeeze3A_583 : f32 to vector<16xf32>
        %get3A_585 = arith.index_cast %add3A_536 : i32 to index
        %get3A_586 = arith.constant 32 : index
        %get3A_587 = tpu.vector_load %arg12[%get3A_585, %get3A_586] {strides = array<i32>} : memref<48x144xf32, #tpu.memory_space<vmem>>, vector<1x16xf32>,
        %get3A_588 = vector.shape_cast %get3A_587 : vector<1x16xf32> to vector<16xf32>
        %mul3A_589 = arith.mulf %get3A_588, %broadcast_in_dim3A_584 : vector<16xf32>
        %swap3A_590 = arith.index_cast %add3A_536 : i32 to index
        %swap3A_591 = arith.constant 32 : index
        %swap3A_592 = tpu.vector_load %arg12[%swap3A_590, %swap3A_591] {strides = array<i32>} : memref<48x144xf32, #tpu.memory_space<vmem>>, vector<1x16xf32>,
        %swap3A_593 = vector.shape_cast %swap3A_592 : vector<1x16xf32> to vector<16xf32>
        %swap3A_594 = vector.shape_cast %mul3A_589 : vector<16xf32> to vector<1x16xf32>
        tpu.vector_store %arg12[%swap3A_590, %swap3A_591], %swap3A_594 {strides = array<i32>} : memref<48x144xf32, #tpu.memory_space<vmem>>, vector<1x16xf32>,
        %get3A_595 = arith.index_cast %add3A_536 : i32 to index
        %get3A_596 = arith.constant 48 : index
        %get3A_597 = tpu.vector_load %arg12[%get3A_595, %get3A_596] {strides = array<i32>} : memref<48x144xf32, #tpu.memory_space<vmem>>, vector<1x16xf32>,
        %get3A_598 = vector.shape_cast %get3A_597 : vector<1x16xf32> to vector<16xf32>
        %mul3A_599 = arith.mulf %get3A_598, %broadcast_in_dim3A_584 : vector<16xf32>
        %swap3A_600 = arith.index_cast %add3A_536 : i32 to index
        %swap3A_601 = arith.constant 48 : index
        %swap3A_602 = tpu.vector_load %arg12[%swap3A_600, %swap3A_601] {strides = array<i32>} : memref<48x144xf32, #tpu.memory_space<vmem>>, vector<1x16xf32>,
        %swap3A_603 = vector.shape_cast %swap3A_602 : vector<1x16xf32> to vector<16xf32>
        %swap3A_604 = vector.shape_cast %mul3A_599 : vector<16xf32> to vector<1x16xf32>
        tpu.vector_store %arg12[%swap3A_600, %swap3A_601], %swap3A_604 {strides = array<i32>} : memref<48x144xf32, #tpu.memory_space<vmem>>, vector<1x16xf32>,
        %slice3A_605 = vector.extract_strided_slice %exp3A_550 {offsets = [2], sizes = [1], strides = [1]} : vector<16xf32> to vector<1xf32>
        %squeeze3A_606 = vector.extract %slice3A_605[0] : f32 from vector<1xf32>
        %broadcast_in_dim3A_607 = vector.broadcast %squeeze3A_606 : f32 to vector<16xf32>
        %get3A_608 = arith.index_cast %add3A_536 : i32 to index
        %get3A_609 = arith.constant 64 : index
        %get3A_610 = tpu.vector_load %arg12[%get3A_608, %get3A_609] {strides = array<i32>} : memref<48x144xf32, #tpu.memory_space<vmem>>, vector<1x16xf32>,
        %get3A_611 = vector.shape_cast %get3A_610 : vector<1x16xf32> to vector<16xf32>
        %mul3A_612 = arith.mulf %get3A_611, %broadcast_in_dim3A_607 : vector<16xf32>
        %swap3A_613 = arith.index_cast %add3A_536 : i32 to index
        %swap3A_614 = arith.constant 64 : index
        %swap3A_615 = tpu.vector_load %arg12[%swap3A_613, %swap3A_614] {strides = array<i32>} : memref<48x144xf32, #tpu.memory_space<vmem>>, vector<1x16xf32>,
        %swap3A_616 = vector.shape_cast %swap3A_615 : vector<1x16xf32> to vector<16xf32>
        %swap3A_617 = vector.shape_cast %mul3A_612 : vector<16xf32> to vector<1x16xf32>
        tpu.vector_store %arg12[%swap3A_613, %swap3A_614], %swap3A_617 {strides = array<i32>} : memref<48x144xf32, #tpu.memory_space<vmem>>, vector<1x16xf32>,
        %get3A_618 = arith.index_cast %add3A_536 : i32 to index
        %get3A_619 = arith.constant 80 : index
        %get3A_620 = tpu.vector_load %arg12[%get3A_618, %get3A_619] {strides = array<i32>} : memref<48x144xf32, #tpu.memory_space<vmem>>, vector<1x16xf32>,
        %get3A_621 = vector.shape_cast %get3A_620 : vector<1x16xf32> to vector<16xf32>
        %mul3A_622 = arith.mulf %get3A_621, %broadcast_in_dim3A_607 : vector<16xf32>
        %swap3A_623 = arith.index_cast %add3A_536 : i32 to index
        %swap3A_624 = arith.constant 80 : index
        %swap3A_625 = tpu.vector_load %arg12[%swap3A_623, %swap3A_624] {strides = array<i32>} : memref<48x144xf32, #tpu.memory_space<vmem>>, vector<1x16xf32>,
        %swap3A_626 = vector.shape_cast %swap3A_625 : vector<1x16xf32> to vector<16xf32>
        %swap3A_627 = vector.shape_cast %mul3A_622 : vector<16xf32> to vector<1x16xf32>
        tpu.vector_store %arg12[%swap3A_623, %swap3A_624], %swap3A_627 {strides = array<i32>} : memref<48x144xf32, #tpu.memory_space<vmem>>, vector<1x16xf32>,
        %slice3A_628 = vector.extract_strided_slice %exp3A_550 {offsets = [3], sizes = [1], strides = [1]} : vector<16xf32> to vector<1xf32>
        %squeeze3A_629 = vector.extract %slice3A_628[0] : f32 from vector<1xf32>
        %broadcast_in_dim3A_630 = vector.broadcast %squeeze3A_629 : f32 to vector<16xf32>
        %get3A_631 = arith.index_cast %add3A_536 : i32 to index
        %get3A_632 = arith.constant 96 : index
        %get3A_633 = tpu.vector_load %arg12[%get3A_631, %get3A_632] {strides = array<i32>} : memref<48x144xf32, #tpu.memory_space<vmem>>, vector<1x16xf32>,
        %get3A_634 = vector.shape_cast %get3A_633 : vector<1x16xf32> to vector<16xf32>
        %mul3A_635 = arith.mulf %get3A_634, %broadcast_in_dim3A_630 : vector<16xf32>
        %swap3A_636 = arith.index_cast %add3A_536 : i32 to index
        %swap3A_637 = arith.constant 96 : index
        %swap3A_638 = tpu.vector_load %arg12[%swap3A_636, %swap3A_637] {strides = array<i32>} : memref<48x144xf32, #tpu.memory_space<vmem>>, vector<1x16xf32>,
        %swap3A_639 = vector.shape_cast %swap3A_638 : vector<1x16xf32> to vector<16xf32>
        %swap3A_640 = vector.shape_cast %mul3A_635 : vector<16xf32> to vector<1x16xf32>
        tpu.vector_store %arg12[%swap3A_636, %swap3A_637], %swap3A_640 {strides = array<i32>} : memref<48x144xf32, #tpu.memory_space<vmem>>, vector<1x16xf32>,
        %get3A_641 = arith.index_cast %add3A_536 : i32 to index
        %get3A_642 = arith.constant 112 : index
        %get3A_643 = tpu.vector_load %arg12[%get3A_641, %get3A_642] {strides = array<i32>} : memref<48x144xf32, #tpu.memory_space<vmem>>, vector<1x16xf32>,
        %get3A_644 = vector.shape_cast %get3A_643 : vector<1x16xf32> to vector<16xf32>
        %mul3A_645 = arith.mulf %get3A_644, %broadcast_in_dim3A_630 : vector<16xf32>
        %swap3A_646 = arith.index_cast %add3A_536 : i32 to index
        %swap3A_647 = arith.constant 112 : index
        %swap3A_648 = tpu.vector_load %arg12[%swap3A_646, %swap3A_647] {strides = array<i32>} : memref<48x144xf32, #tpu.memory_space<vmem>>, vector<1x16xf32>,
        %swap3A_649 = vector.shape_cast %swap3A_648 : vector<1x16xf32> to vector<16xf32>
        %swap3A_650 = vector.shape_cast %mul3A_645 : vector<16xf32> to vector<1x16xf32>
        tpu.vector_store %arg12[%swap3A_646, %swap3A_647], %swap3A_650 {strides = array<i32>} : memref<48x144xf32, #tpu.memory_space<vmem>>, vector<1x16xf32>,
        %scan3A_651 = arith.constant 0 : i32
        scf.yield %scan3A_651 : i32
      }
      %scan3A_177 = arith.constant 12 : i32
      %dma_start3A_178 = arith.constant 0 : i32
      %dma_start3A_179 = tpu.memref_slice %arg10[%add3A_146, %dma_start3A_178] : memref<210x48xi32, #tpu.memory_space<vmem>> -> memref<1x48xi32, #tpu.memory_space<vmem>>
      %dma_start3A_180 = tpu.memref_squeeze %dma_start3A_179 : memref<1x48xi32, #tpu.memory_space<vmem>> -> memref<48xi32, #tpu.memory_space<vmem>>
      %dma_start3A_181 = arith.constant 0 : i32
      %dma_start3A_182 = arith.constant 0 : i32
      %dma_start3A_183 = tpu.memref_slice %arg8[%dma_start3A_181, %dma_start3A_182] : memref<10112x144xf32, #tpu.memory_space<vmem_shared>> -> memref<10112x144xf32, #tpu.memory_space<vmem_shared>>
      tpu.enqueue_indirect_dma source(%arg12 : memref<48x144xf32, #tpu.memory_space<vmem>>) target(%dma_start3A_183 : memref<10112x144xf32, #tpu.memory_space<vmem_shared>>) offsets(%dma_start3A_180 : memref<48xi32, #tpu.memory_space<vmem>>) semaphore(%arg20 : memref<!tpu.dma_semaphore, #tpu.memory_space<semaphore_mem>>) {add = true}
      %scan3A_184 = arith.constant 0 : i32
      scf.yield %scan3A_184 : i32
    }
    %scan3A_89 = arith.constant 105 : i32
    %dma_wait3A = arith.constant 0 : i32
    %dma_wait3A_90 = arith.constant 0 : i32
    %dma_wait3A_91 = tpu.memref_slice %arg2[%dma_wait3A, %dma_wait3A_90] : memref<10112x144xf32, #tpu.memory_space<hbm>> -> memref<48x144xf32, #tpu.memory_space<hbm>>
    %dma_wait3A_92 = arith.constant 0 : i32
    %dma_wait3A_93 = arith.constant 0 : i32
    %dma_wait3A_94 = tpu.memref_slice %arg2[%dma_wait3A_92, %dma_wait3A_93] : memref<10112x144xf32, #tpu.memory_space<hbm>> -> memref<48x144xf32, #tpu.memory_space<hbm>>
    tpu.wait_dma2 semaphore(%arg20 : memref<!tpu.dma_semaphore, #tpu.memory_space<semaphore_mem>>) src(%dma_wait3A_94 : memref<48x144xf32, #tpu.memory_space<hbm>>) dst(%arg12 : memref<48x144xf32, #tpu.memory_space<vmem>>)
    %barrier3A_95 = arith.constant 0 : index
    tpu.barrier barrier_id(%barrier3A_95)
    %eq3A = arith.constant 0 : i32
    %eq3A_96 = arith.cmpi eq, %arg0, %eq3A : i32
    %convert_element_type3A = arith.extui %eq3A_96 : i1 to i32
    %cond3A = arith.constant 0 : i32
    %cond3A_97 = arith.cmpi ne, %convert_element_type3A, %cond3A : i32
    scf.if %cond3A_97 {
      %mul3A_103 = arith.constant 632 : i32
      %mul3A_104 = arith.muli %arg1, %mul3A_103 : i32
      %mul3A_105 = arith.constant 632 : i32
      %mul3A_106 = arith.muli %arg1, %mul3A_105 : i32
      "tpu.region"() ({
        %run_scoped3A = tpu.sem_alloc : memref<!tpu.dma_semaphore, #tpu.memory_space<semaphore_mem>>
        %dma_start3A_107 = arith.constant 0 : i32
        %dma_start3A_108 = tpu.memref_slice %arg6[%mul3A_106, %dma_start3A_107] : memref<10112x144xf32, #tpu.memory_space<hbm>> -> memref<632x144xf32, #tpu.memory_space<hbm>>
        %dma_start3A_109 = arith.constant 0 : i32
        %dma_start3A_110 = tpu.memref_slice %arg8[%mul3A_104, %dma_start3A_109] : memref<10112x144xf32, #tpu.memory_space<vmem_shared>> -> memref<632x144xf32, #tpu.memory_space<vmem_shared>>
        tpu.enqueue_dma source(%dma_start3A_110 : memref<632x144xf32, #tpu.memory_space<vmem_shared>>) target(%dma_start3A_108 : memref<632x144xf32, #tpu.memory_space<hbm>>) target_semaphore(%run_scoped3A : memref<!tpu.dma_semaphore, #tpu.memory_space<semaphore_mem>>)
        %dma_wait3A_111 = arith.constant 0 : i32
        %dma_wait3A_112 = tpu.memref_slice %arg6[%mul3A_106, %dma_wait3A_111] : memref<10112x144xf32, #tpu.memory_space<hbm>> -> memref<632x144xf32, #tpu.memory_space<hbm>>
        %dma_wait3A_113 = arith.constant 0 : i32
        %dma_wait3A_114 = tpu.memref_slice %arg8[%mul3A_104, %dma_wait3A_113] : memref<10112x144xf32, #tpu.memory_space<vmem_shared>> -> memref<632x144xf32, #tpu.memory_space<vmem_shared>>
        tpu.wait_dma2 semaphore(%run_scoped3A : memref<!tpu.dma_semaphore, #tpu.memory_space<semaphore_mem>>) src(%dma_wait3A_114 : memref<632x144xf32, #tpu.memory_space<vmem_shared>>) dst(%dma_wait3A_112 : memref<632x144xf32, #tpu.memory_space<hbm>>)
        tpu.yield
      }) : () -> ()
    } else {
    }
    %eq3A_98 = arith.constant 1 : i32
    %eq3A_99 = arith.cmpi eq, %arg0, %eq3A_98 : i32
    %convert_element_type3A_100 = arith.extui %eq3A_99 : i1 to i32
    %cond3A_101 = arith.constant 0 : i32
    %cond3A_102 = arith.cmpi ne, %convert_element_type3A_100, %cond3A_101 : i32
    scf.if %cond3A_102 {
      %mul3A_103 = arith.constant 632 : i32
      %mul3A_104 = arith.muli %arg1, %mul3A_103 : i32
      %mul3A_105 = arith.constant 632 : i32
      %mul3A_106 = arith.muli %arg1, %mul3A_105 : i32
      "tpu.region"() ({
        %run_scoped3A = tpu.sem_alloc : memref<!tpu.dma_semaphore, #tpu.memory_space<semaphore_mem>>
        %dma_start3A_107 = arith.constant 0 : i32
        %dma_start3A_108 = tpu.memref_slice %arg7[%mul3A_106, %dma_start3A_107] : memref<10112x144xf32, #tpu.memory_space<hbm>> -> memref<632x144xf32, #tpu.memory_space<hbm>>
        %dma_start3A_109 = arith.constant 0 : i32
        %dma_start3A_110 = tpu.memref_slice %arg8[%mul3A_104, %dma_start3A_109] : memref<10112x144xf32, #tpu.memory_space<vmem_shared>> -> memref<632x144xf32, #tpu.memory_space<vmem_shared>>
        tpu.enqueue_dma source(%dma_start3A_110 : memref<632x144xf32, #tpu.memory_space<vmem_shared>>) target(%dma_start3A_108 : memref<632x144xf32, #tpu.memory_space<hbm>>) target_semaphore(%run_scoped3A : memref<!tpu.dma_semaphore, #tpu.memory_space<semaphore_mem>>)
        %dma_wait3A_111 = arith.constant 0 : i32
        %dma_wait3A_112 = tpu.memref_slice %arg7[%mul3A_106, %dma_wait3A_111] : memref<10112x144xf32, #tpu.memory_space<hbm>> -> memref<632x144xf32, #tpu.memory_space<hbm>>
        %dma_wait3A_113 = arith.constant 0 : i32
        %dma_wait3A_114 = tpu.memref_slice %arg8[%mul3A_104, %dma_wait3A_113] : memref<10112x144xf32, #tpu.memory_space<vmem_shared>> -> memref<632x144xf32, #tpu.memory_space<vmem_shared>>
        tpu.wait_dma2 semaphore(%run_scoped3A : memref<!tpu.dma_semaphore, #tpu.memory_space<semaphore_mem>>) src(%dma_wait3A_114 : memref<632x144xf32, #tpu.memory_space<vmem_shared>>) dst(%dma_wait3A_112 : memref<632x144xf32, #tpu.memory_space<hbm>>)
        tpu.yield
      }) : () -> ()
    } else {
    }
    return
  }
}

#map = affine_map<(d0, d1) -> (0, 0)>
module attributes {stable_mosaic.version = 14 : i64} {
  func.func @edge_kernel(%arg0: i32, %arg1: i32, %arg2: memref<10112x144xf32, #tpu.memory_space<hbm>>, %arg3: memref<10112x16xf32, #tpu.memory_space<hbm>>, %arg4: memref<6720x48xi32, #tpu.memory_space<hbm>>, %arg5: memref<6720x48xi32, #tpu.memory_space<hbm>>, %arg6: memref<10112x144xf32, #tpu.memory_space<hbm>>, %arg7: memref<10112x144xf32, #tpu.memory_space<hbm>>, %arg8: memref<10112x144xf32, #tpu.memory_space<vmem_shared>>, %arg9: memref<210x48xi32, #tpu.memory_space<vmem>>, %arg10: memref<210x48xi32, #tpu.memory_space<vmem>>, %arg11: memref<48x144xf32, #tpu.memory_space<vmem>>, %arg12: memref<48x144xf32, #tpu.memory_space<vmem>>, %arg13: memref<48x16xf32, #tpu.memory_space<vmem>>, %arg14: memref<48x16xf32, #tpu.memory_space<vmem>>, %arg15: memref<!tpu.dma_semaphore, #tpu.memory_space<semaphore_mem>>, %arg16: memref<!tpu.dma_semaphore, #tpu.memory_space<semaphore_mem>>, %arg17: memref<!tpu.dma_semaphore, #tpu.memory_space<semaphore_mem>>, %arg18: memref<!tpu.dma_semaphore, #tpu.memory_space<semaphore_mem>>, %arg19: memref<!tpu.dma_semaphore, #tpu.memory_space<semaphore_mem>>, %arg20: memref<!tpu.dma_semaphore, #tpu.memory_space<semaphore_mem>>) attributes {dimension_semantics = [#tpu.dimension_semantics<core_parallel>, #tpu.dimension_semantics<subcore_parallel>], iteration_bounds = array<i64: 2, 16>, scalar_prefetch = 0 : i64, scratch_operands = 13 : i64, tpu.core_type = #tpu.core_type<sc_vector_subcore>, window_params = [{transform_indices = #map}, {transform_indices = #map}, {transform_indices = #map}, {transform_indices = #map}, {transform_indices = #map}, {transform_indices = #map}]} {
    %mul3A = arith.constant 2 : i32
    %mul3A_0 = arith.muli %arg1, %mul3A : i32
    %add3A = arith.addi %mul3A_0, %arg0 : i32
    %iota3A = tpu.iota {dimensions = array<i32: 0>} : vector<16xi32>
    %lt3A = arith.constant 4 : i32
    %lt3A_1 = vector.broadcast %lt3A : i32 to vector<16xi32>
    %lt3A_2 = arith.cmpi slt, %iota3A, %lt3A_1 : vector<16xi32>
    %mul3A_3 = arith.constant 210 : i32
    %mul3A_4 = arith.muli %add3A, %mul3A_3 : i32
    "tpu.region"() ({
      %run_scoped3A = tpu.sem_alloc : memref<!tpu.dma_semaphore, #tpu.memory_space<semaphore_mem>>
      %dma_start3A_103 = arith.constant 0 : i32
      %dma_start3A_104 = tpu.memref_slice %arg4[%mul3A_4, %dma_start3A_103] : memref<6720x48xi32, #tpu.memory_space<hbm>> -> memref<210x48xi32, #tpu.memory_space<hbm>>
      %dma_start3A_105 = arith.constant 0 : i32
      %dma_start3A_106 = tpu.memref_slice %arg4[%mul3A_4, %dma_start3A_105] : memref<6720x48xi32, #tpu.memory_space<hbm>> -> memref<210x48xi32, #tpu.memory_space<hbm>>
      tpu.enqueue_dma source(%dma_start3A_106 : memref<210x48xi32, #tpu.memory_space<hbm>>) target(%arg9 : memref<210x48xi32, #tpu.memory_space<vmem>>) target_semaphore(%run_scoped3A : memref<!tpu.dma_semaphore, #tpu.memory_space<semaphore_mem>>)
      %dma_wait3A_107 = arith.constant 0 : i32
      %dma_wait3A_108 = tpu.memref_slice %arg4[%mul3A_4, %dma_wait3A_107] : memref<6720x48xi32, #tpu.memory_space<hbm>> -> memref<210x48xi32, #tpu.memory_space<hbm>>
      %dma_wait3A_109 = arith.constant 0 : i32
      %dma_wait3A_110 = tpu.memref_slice %arg4[%mul3A_4, %dma_wait3A_109] : memref<6720x48xi32, #tpu.memory_space<hbm>> -> memref<210x48xi32, #tpu.memory_space<hbm>>
      tpu.wait_dma2 semaphore(%run_scoped3A : memref<!tpu.dma_semaphore, #tpu.memory_space<semaphore_mem>>) src(%dma_wait3A_110 : memref<210x48xi32, #tpu.memory_space<hbm>>) dst(%arg9 : memref<210x48xi32, #tpu.memory_space<vmem>>)
      tpu.yield
    }) : () -> ()
    %mul3A_5 = arith.constant 210 : i32
    %mul3A_6 = arith.muli %add3A, %mul3A_5 : i32
    "tpu.region"() ({
      %run_scoped3A = tpu.sem_alloc : memref<!tpu.dma_semaphore, #tpu.memory_space<semaphore_mem>>
      %dma_start3A_103 = arith.constant 0 : i32
      %dma_start3A_104 = tpu.memref_slice %arg5[%mul3A_6, %dma_start3A_103] : memref<6720x48xi32, #tpu.memory_space<hbm>> -> memref<210x48xi32, #tpu.memory_space<hbm>>
      %dma_start3A_105 = arith.constant 0 : i32
      %dma_start3A_106 = tpu.memref_slice %arg5[%mul3A_6, %dma_start3A_105] : memref<6720x48xi32, #tpu.memory_space<hbm>> -> memref<210x48xi32, #tpu.memory_space<hbm>>
      tpu.enqueue_dma source(%dma_start3A_106 : memref<210x48xi32, #tpu.memory_space<hbm>>) target(%arg10 : memref<210x48xi32, #tpu.memory_space<vmem>>) target_semaphore(%run_scoped3A : memref<!tpu.dma_semaphore, #tpu.memory_space<semaphore_mem>>)
      %dma_wait3A_107 = arith.constant 0 : i32
      %dma_wait3A_108 = tpu.memref_slice %arg5[%mul3A_6, %dma_wait3A_107] : memref<6720x48xi32, #tpu.memory_space<hbm>> -> memref<210x48xi32, #tpu.memory_space<hbm>>
      %dma_wait3A_109 = arith.constant 0 : i32
      %dma_wait3A_110 = tpu.memref_slice %arg5[%mul3A_6, %dma_wait3A_109] : memref<6720x48xi32, #tpu.memory_space<hbm>> -> memref<210x48xi32, #tpu.memory_space<hbm>>
      tpu.wait_dma2 semaphore(%run_scoped3A : memref<!tpu.dma_semaphore, #tpu.memory_space<semaphore_mem>>) src(%dma_wait3A_110 : memref<210x48xi32, #tpu.memory_space<hbm>>) dst(%arg10 : memref<210x48xi32, #tpu.memory_space<vmem>>)
      tpu.yield
    }) : () -> ()
    %broadcast_in_dim3A = arith.constant 0.000000e+00 : f32
    %broadcast_in_dim3A_7 = vector.broadcast %broadcast_in_dim3A : f32 to vector<16xf32>
    %scan3A = arith.constant 0 : i32
    %scan3A_8 = arith.constant 0 : i32
    %scan3A_9 = arith.constant 48 : i32
    %scan3A_10 = arith.addi %scan3A_8, %scan3A_9 : i32
    %scan3A_11 = arith.constant 1 : i32
    %scan3A_12 = scf.for %scan3A_103 = %scan3A_8 to %scan3A_10 step %scan3A_11 iter_args(%scan3A_104 = %scan3A) -> (i32)  : i32 {
      %swap3A = arith.index_cast %scan3A_103 : i32 to index
      %swap3A_105 = arith.constant 0 : index
      %swap3A_106 = tpu.vector_load %arg11[%swap3A, %swap3A_105] {strides = array<i32>} : memref<48x144xf32, #tpu.memory_space<vmem>>, vector<1x16xf32>,
      %swap3A_107 = vector.shape_cast %swap3A_106 : vector<1x16xf32> to vector<16xf32>
      %swap3A_108 = vector.shape_cast %broadcast_in_dim3A_7 : vector<16xf32> to vector<1x16xf32>
      tpu.vector_store %arg11[%swap3A, %swap3A_105], %swap3A_108 {strides = array<i32>} : memref<48x144xf32, #tpu.memory_space<vmem>>, vector<1x16xf32>,
      %swap3A_109 = arith.index_cast %scan3A_103 : i32 to index
      %swap3A_110 = arith.constant 16 : index
      %swap3A_111 = tpu.vector_load %arg11[%swap3A_109, %swap3A_110] {strides = array<i32>} : memref<48x144xf32, #tpu.memory_space<vmem>>, vector<1x16xf32>,
      %swap3A_112 = vector.shape_cast %swap3A_111 : vector<1x16xf32> to vector<16xf32>
      %swap3A_113 = vector.shape_cast %broadcast_in_dim3A_7 : vector<16xf32> to vector<1x16xf32>
      tpu.vector_store %arg11[%swap3A_109, %swap3A_110], %swap3A_113 {strides = array<i32>} : memref<48x144xf32, #tpu.memory_space<vmem>>, vector<1x16xf32>,
      %swap3A_114 = arith.index_cast %scan3A_103 : i32 to index
      %swap3A_115 = arith.constant 32 : index
      %swap3A_116 = tpu.vector_load %arg11[%swap3A_114, %swap3A_115] {strides = array<i32>} : memref<48x144xf32, #tpu.memory_space<vmem>>, vector<1x16xf32>,
      %swap3A_117 = vector.shape_cast %swap3A_116 : vector<1x16xf32> to vector<16xf32>
      %swap3A_118 = vector.shape_cast %broadcast_in_dim3A_7 : vector<16xf32> to vector<1x16xf32>
      tpu.vector_store %arg11[%swap3A_114, %swap3A_115], %swap3A_118 {strides = array<i32>} : memref<48x144xf32, #tpu.memory_space<vmem>>, vector<1x16xf32>,
      %swap3A_119 = arith.index_cast %scan3A_103 : i32 to index
      %swap3A_120 = arith.constant 48 : index
      %swap3A_121 = tpu.vector_load %arg11[%swap3A_119, %swap3A_120] {strides = array<i32>} : memref<48x144xf32, #tpu.memory_space<vmem>>, vector<1x16xf32>,
      %swap3A_122 = vector.shape_cast %swap3A_121 : vector<1x16xf32> to vector<16xf32>
      %swap3A_123 = vector.shape_cast %broadcast_in_dim3A_7 : vector<16xf32> to vector<1x16xf32>
      tpu.vector_store %arg11[%swap3A_119, %swap3A_120], %swap3A_123 {strides = array<i32>} : memref<48x144xf32, #tpu.memory_space<vmem>>, vector<1x16xf32>,
      %swap3A_124 = arith.index_cast %scan3A_103 : i32 to index
      %swap3A_125 = arith.constant 64 : index
      %swap3A_126 = tpu.vector_load %arg11[%swap3A_124, %swap3A_125] {strides = array<i32>} : memref<48x144xf32, #tpu.memory_space<vmem>>, vector<1x16xf32>,
      %swap3A_127 = vector.shape_cast %swap3A_126 : vector<1x16xf32> to vector<16xf32>
      %swap3A_128 = vector.shape_cast %broadcast_in_dim3A_7 : vector<16xf32> to vector<1x16xf32>
      tpu.vector_store %arg11[%swap3A_124, %swap3A_125], %swap3A_128 {strides = array<i32>} : memref<48x144xf32, #tpu.memory_space<vmem>>, vector<1x16xf32>,
      %swap3A_129 = arith.index_cast %scan3A_103 : i32 to index
      %swap3A_130 = arith.constant 80 : index
      %swap3A_131 = tpu.vector_load %arg11[%swap3A_129, %swap3A_130] {strides = array<i32>} : memref<48x144xf32, #tpu.memory_space<vmem>>, vector<1x16xf32>,
      %swap3A_132 = vector.shape_cast %swap3A_131 : vector<1x16xf32> to vector<16xf32>
      %swap3A_133 = vector.shape_cast %broadcast_in_dim3A_7 : vector<16xf32> to vector<1x16xf32>
      tpu.vector_store %arg11[%swap3A_129, %swap3A_130], %swap3A_133 {strides = array<i32>} : memref<48x144xf32, #tpu.memory_space<vmem>>, vector<1x16xf32>,
      %swap3A_134 = arith.index_cast %scan3A_103 : i32 to index
      %swap3A_135 = arith.constant 96 : index
      %swap3A_136 = tpu.vector_load %arg11[%swap3A_134, %swap3A_135] {strides = array<i32>} : memref<48x144xf32, #tpu.memory_space<vmem>>, vector<1x16xf32>,
      %swap3A_137 = vector.shape_cast %swap3A_136 : vector<1x16xf32> to vector<16xf32>
      %swap3A_138 = vector.shape_cast %broadcast_in_dim3A_7 : vector<16xf32> to vector<1x16xf32>
      tpu.vector_store %arg11[%swap3A_134, %swap3A_135], %swap3A_138 {strides = array<i32>} : memref<48x144xf32, #tpu.memory_space<vmem>>, vector<1x16xf32>,
      %swap3A_139 = arith.index_cast %scan3A_103 : i32 to index
      %swap3A_140 = arith.constant 112 : index
      %swap3A_141 = tpu.vector_load %arg11[%swap3A_139, %swap3A_140] {strides = array<i32>} : memref<48x144xf32, #tpu.memory_space<vmem>>, vector<1x16xf32>,
      %swap3A_142 = vector.shape_cast %swap3A_141 : vector<1x16xf32> to vector<16xf32>
      %swap3A_143 = vector.shape_cast %broadcast_in_dim3A_7 : vector<16xf32> to vector<1x16xf32>
      tpu.vector_store %arg11[%swap3A_139, %swap3A_140], %swap3A_143 {strides = array<i32>} : memref<48x144xf32, #tpu.memory_space<vmem>>, vector<1x16xf32>,
      %swap3A_144 = arith.index_cast %scan3A_103 : i32 to index
      %swap3A_145 = arith.constant 128 : index
      %swap3A_146 = tpu.vector_load %arg11[%swap3A_144, %swap3A_145] {strides = array<i32>} : memref<48x144xf32, #tpu.memory_space<vmem>>, vector<1x16xf32>,
      %swap3A_147 = vector.shape_cast %swap3A_146 : vector<1x16xf32> to vector<16xf32>
      %swap3A_148 = vector.shape_cast %broadcast_in_dim3A_7 : vector<16xf32> to vector<1x16xf32>
      tpu.vector_store %arg11[%swap3A_144, %swap3A_145], %swap3A_148 {strides = array<i32>} : memref<48x144xf32, #tpu.memory_space<vmem>>, vector<1x16xf32>,
      %scan3A_149 = arith.constant 0 : i32
      scf.yield %scan3A_149 : i32
    }
    %scan3A_13 = arith.constant 48 : i32
    %mul3A_14 = arith.constant 632 : i32
    %mul3A_15 = arith.muli %arg1, %mul3A_14 : i32
    %add3A_16 = arith.constant 0 : i32
    %add3A_17 = arith.addi %mul3A_15, %add3A_16 : i32
    "tpu.region"() ({
      %run_scoped3A = tpu.sem_alloc : memref<!tpu.dma_semaphore, #tpu.memory_space<semaphore_mem>>
      %dma_start3A_103 = arith.constant 0 : i32
      %dma_start3A_104 = arith.constant 0 : i32
      %dma_start3A_105 = tpu.memref_slice %arg11[%dma_start3A_103, %dma_start3A_104] : memref<48x144xf32, #tpu.memory_space<vmem>> -> memref<48x144xf32, #tpu.memory_space<vmem>>
      %dma_start3A_106 = arith.constant 0 : i32
      %dma_start3A_107 = tpu.memref_slice %arg8[%add3A_17, %dma_start3A_106] : memref<10112x144xf32, #tpu.memory_space<vmem_shared>> -> memref<48x144xf32, #tpu.memory_space<vmem_shared>>
      %dma_start3A_108 = arith.constant 0 : i32
      %dma_start3A_109 = tpu.memref_slice %arg8[%add3A_17, %dma_start3A_108] : memref<10112x144xf32, #tpu.memory_space<vmem_shared>> -> memref<48x144xf32, #tpu.memory_space<vmem_shared>>
      %dma_start3A_110 = arith.constant 0 : i32
      %dma_start3A_111 = arith.constant 0 : i32
      %dma_start3A_112 = tpu.memref_slice %arg11[%dma_start3A_110, %dma_start3A_111] : memref<48x144xf32, #tpu.memory_space<vmem>> -> memref<48x144xf32, #tpu.memory_space<vmem>>
      tpu.enqueue_dma source(%dma_start3A_112 : memref<48x144xf32, #tpu.memory_space<vmem>>) target(%dma_start3A_109 : memref<48x144xf32, #tpu.memory_space<vmem_shared>>) target_semaphore(%run_scoped3A : memref<!tpu.dma_semaphore, #tpu.memory_space<semaphore_mem>>)
      %dma_wait3A_113 = arith.constant 0 : i32
      %dma_wait3A_114 = arith.constant 0 : i32
      %dma_wait3A_115 = tpu.memref_slice %arg11[%dma_wait3A_113, %dma_wait3A_114] : memref<48x144xf32, #tpu.memory_space<vmem>> -> memref<48x144xf32, #tpu.memory_space<vmem>>
      %dma_wait3A_116 = arith.constant 0 : i32
      %dma_wait3A_117 = tpu.memref_slice %arg8[%add3A_17, %dma_wait3A_116] : memref<10112x144xf32, #tpu.memory_space<vmem_shared>> -> memref<48x144xf32, #tpu.memory_space<vmem_shared>>
      %dma_wait3A_118 = arith.constant 0 : i32
      %dma_wait3A_119 = tpu.memref_slice %arg8[%add3A_17, %dma_wait3A_118] : memref<10112x144xf32, #tpu.memory_space<vmem_shared>> -> memref<48x144xf32, #tpu.memory_space<vmem_shared>>
      %dma_wait3A_120 = arith.constant 0 : i32
      %dma_wait3A_121 = arith.constant 0 : i32
      %dma_wait3A_122 = tpu.memref_slice %arg11[%dma_wait3A_120, %dma_wait3A_121] : memref<48x144xf32, #tpu.memory_space<vmem>> -> memref<48x144xf32, #tpu.memory_space<vmem>>
      tpu.wait_dma2 semaphore(%run_scoped3A : memref<!tpu.dma_semaphore, #tpu.memory_space<semaphore_mem>>) src(%dma_wait3A_122 : memref<48x144xf32, #tpu.memory_space<vmem>>) dst(%dma_wait3A_119 : memref<48x144xf32, #tpu.memory_space<vmem_shared>>)
      tpu.yield
    }) : () -> ()
    %mul3A_18 = arith.constant 632 : i32
    %mul3A_19 = arith.muli %arg1, %mul3A_18 : i32
    %add3A_20 = arith.constant 48 : i32
    %add3A_21 = arith.addi %mul3A_19, %add3A_20 : i32
    "tpu.region"() ({
      %run_scoped3A = tpu.sem_alloc : memref<!tpu.dma_semaphore, #tpu.memory_space<semaphore_mem>>
      %dma_start3A_103 = arith.constant 0 : i32
      %dma_start3A_104 = arith.constant 0 : i32
      %dma_start3A_105 = tpu.memref_slice %arg11[%dma_start3A_103, %dma_start3A_104] : memref<48x144xf32, #tpu.memory_space<vmem>> -> memref<48x144xf32, #tpu.memory_space<vmem>>
      %dma_start3A_106 = arith.constant 0 : i32
      %dma_start3A_107 = tpu.memref_slice %arg8[%add3A_21, %dma_start3A_106] : memref<10112x144xf32, #tpu.memory_space<vmem_shared>> -> memref<48x144xf32, #tpu.memory_space<vmem_shared>>
      %dma_start3A_108 = arith.constant 0 : i32
      %dma_start3A_109 = tpu.memref_slice %arg8[%add3A_21, %dma_start3A_108] : memref<10112x144xf32, #tpu.memory_space<vmem_shared>> -> memref<48x144xf32, #tpu.memory_space<vmem_shared>>
      %dma_start3A_110 = arith.constant 0 : i32
      %dma_start3A_111 = arith.constant 0 : i32
      %dma_start3A_112 = tpu.memref_slice %arg11[%dma_start3A_110, %dma_start3A_111] : memref<48x144xf32, #tpu.memory_space<vmem>> -> memref<48x144xf32, #tpu.memory_space<vmem>>
      tpu.enqueue_dma source(%dma_start3A_112 : memref<48x144xf32, #tpu.memory_space<vmem>>) target(%dma_start3A_109 : memref<48x144xf32, #tpu.memory_space<vmem_shared>>) target_semaphore(%run_scoped3A : memref<!tpu.dma_semaphore, #tpu.memory_space<semaphore_mem>>)
      %dma_wait3A_113 = arith.constant 0 : i32
      %dma_wait3A_114 = arith.constant 0 : i32
      %dma_wait3A_115 = tpu.memref_slice %arg11[%dma_wait3A_113, %dma_wait3A_114] : memref<48x144xf32, #tpu.memory_space<vmem>> -> memref<48x144xf32, #tpu.memory_space<vmem>>
      %dma_wait3A_116 = arith.constant 0 : i32
      %dma_wait3A_117 = tpu.memref_slice %arg8[%add3A_21, %dma_wait3A_116] : memref<10112x144xf32, #tpu.memory_space<vmem_shared>> -> memref<48x144xf32, #tpu.memory_space<vmem_shared>>
      %dma_wait3A_118 = arith.constant 0 : i32
      %dma_wait3A_119 = tpu.memref_slice %arg8[%add3A_21, %dma_wait3A_118] : memref<10112x144xf32, #tpu.memory_space<vmem_shared>> -> memref<48x144xf32, #tpu.memory_space<vmem_shared>>
      %dma_wait3A_120 = arith.constant 0 : i32
      %dma_wait3A_121 = arith.constant 0 : i32
      %dma_wait3A_122 = tpu.memref_slice %arg11[%dma_wait3A_120, %dma_wait3A_121] : memref<48x144xf32, #tpu.memory_space<vmem>> -> memref<48x144xf32, #tpu.memory_space<vmem>>
      tpu.wait_dma2 semaphore(%run_scoped3A : memref<!tpu.dma_semaphore, #tpu.memory_space<semaphore_mem>>) src(%dma_wait3A_122 : memref<48x144xf32, #tpu.memory_space<vmem>>) dst(%dma_wait3A_119 : memref<48x144xf32, #tpu.memory_space<vmem_shared>>)
      tpu.yield
    }) : () -> ()
    %mul3A_22 = arith.constant 632 : i32
    %mul3A_23 = arith.muli %arg1, %mul3A_22 : i32
    %add3A_24 = arith.constant 96 : i32
    %add3A_25 = arith.addi %mul3A_23, %add3A_24 : i32
    "tpu.region"() ({
      %run_scoped3A = tpu.sem_alloc : memref<!tpu.dma_semaphore, #tpu.memory_space<semaphore_mem>>
      %dma_start3A_103 = arith.constant 0 : i32
      %dma_start3A_104 = arith.constant 0 : i32
      %dma_start3A_105 = tpu.memref_slice %arg11[%dma_start3A_103, %dma_start3A_104] : memref<48x144xf32, #tpu.memory_space<vmem>> -> memref<48x144xf32, #tpu.memory_space<vmem>>
      %dma_start3A_106 = arith.constant 0 : i32
      %dma_start3A_107 = tpu.memref_slice %arg8[%add3A_25, %dma_start3A_106] : memref<10112x144xf32, #tpu.memory_space<vmem_shared>> -> memref<48x144xf32, #tpu.memory_space<vmem_shared>>
      %dma_start3A_108 = arith.constant 0 : i32
      %dma_start3A_109 = tpu.memref_slice %arg8[%add3A_25, %dma_start3A_108] : memref<10112x144xf32, #tpu.memory_space<vmem_shared>> -> memref<48x144xf32, #tpu.memory_space<vmem_shared>>
      %dma_start3A_110 = arith.constant 0 : i32
      %dma_start3A_111 = arith.constant 0 : i32
      %dma_start3A_112 = tpu.memref_slice %arg11[%dma_start3A_110, %dma_start3A_111] : memref<48x144xf32, #tpu.memory_space<vmem>> -> memref<48x144xf32, #tpu.memory_space<vmem>>
      tpu.enqueue_dma source(%dma_start3A_112 : memref<48x144xf32, #tpu.memory_space<vmem>>) target(%dma_start3A_109 : memref<48x144xf32, #tpu.memory_space<vmem_shared>>) target_semaphore(%run_scoped3A : memref<!tpu.dma_semaphore, #tpu.memory_space<semaphore_mem>>)
      %dma_wait3A_113 = arith.constant 0 : i32
      %dma_wait3A_114 = arith.constant 0 : i32
      %dma_wait3A_115 = tpu.memref_slice %arg11[%dma_wait3A_113, %dma_wait3A_114] : memref<48x144xf32, #tpu.memory_space<vmem>> -> memref<48x144xf32, #tpu.memory_space<vmem>>
      %dma_wait3A_116 = arith.constant 0 : i32
      %dma_wait3A_117 = tpu.memref_slice %arg8[%add3A_25, %dma_wait3A_116] : memref<10112x144xf32, #tpu.memory_space<vmem_shared>> -> memref<48x144xf32, #tpu.memory_space<vmem_shared>>
      %dma_wait3A_118 = arith.constant 0 : i32
      %dma_wait3A_119 = tpu.memref_slice %arg8[%add3A_25, %dma_wait3A_118] : memref<10112x144xf32, #tpu.memory_space<vmem_shared>> -> memref<48x144xf32, #tpu.memory_space<vmem_shared>>
      %dma_wait3A_120 = arith.constant 0 : i32
      %dma_wait3A_121 = arith.constant 0 : i32
      %dma_wait3A_122 = tpu.memref_slice %arg11[%dma_wait3A_120, %dma_wait3A_121] : memref<48x144xf32, #tpu.memory_space<vmem>> -> memref<48x144xf32, #tpu.memory_space<vmem>>
      tpu.wait_dma2 semaphore(%run_scoped3A : memref<!tpu.dma_semaphore, #tpu.memory_space<semaphore_mem>>) src(%dma_wait3A_122 : memref<48x144xf32, #tpu.memory_space<vmem>>) dst(%dma_wait3A_119 : memref<48x144xf32, #tpu.memory_space<vmem_shared>>)
      tpu.yield
    }) : () -> ()
    %mul3A_26 = arith.constant 632 : i32
    %mul3A_27 = arith.muli %arg1, %mul3A_26 : i32
    %add3A_28 = arith.constant 144 : i32
    %add3A_29 = arith.addi %mul3A_27, %add3A_28 : i32
    "tpu.region"() ({
      %run_scoped3A = tpu.sem_alloc : memref<!tpu.dma_semaphore, #tpu.memory_space<semaphore_mem>>
      %dma_start3A_103 = arith.constant 0 : i32
      %dma_start3A_104 = arith.constant 0 : i32
      %dma_start3A_105 = tpu.memref_slice %arg11[%dma_start3A_103, %dma_start3A_104] : memref<48x144xf32, #tpu.memory_space<vmem>> -> memref<48x144xf32, #tpu.memory_space<vmem>>
      %dma_start3A_106 = arith.constant 0 : i32
      %dma_start3A_107 = tpu.memref_slice %arg8[%add3A_29, %dma_start3A_106] : memref<10112x144xf32, #tpu.memory_space<vmem_shared>> -> memref<48x144xf32, #tpu.memory_space<vmem_shared>>
      %dma_start3A_108 = arith.constant 0 : i32
      %dma_start3A_109 = tpu.memref_slice %arg8[%add3A_29, %dma_start3A_108] : memref<10112x144xf32, #tpu.memory_space<vmem_shared>> -> memref<48x144xf32, #tpu.memory_space<vmem_shared>>
      %dma_start3A_110 = arith.constant 0 : i32
      %dma_start3A_111 = arith.constant 0 : i32
      %dma_start3A_112 = tpu.memref_slice %arg11[%dma_start3A_110, %dma_start3A_111] : memref<48x144xf32, #tpu.memory_space<vmem>> -> memref<48x144xf32, #tpu.memory_space<vmem>>
      tpu.enqueue_dma source(%dma_start3A_112 : memref<48x144xf32, #tpu.memory_space<vmem>>) target(%dma_start3A_109 : memref<48x144xf32, #tpu.memory_space<vmem_shared>>) target_semaphore(%run_scoped3A : memref<!tpu.dma_semaphore, #tpu.memory_space<semaphore_mem>>)
      %dma_wait3A_113 = arith.constant 0 : i32
      %dma_wait3A_114 = arith.constant 0 : i32
      %dma_wait3A_115 = tpu.memref_slice %arg11[%dma_wait3A_113, %dma_wait3A_114] : memref<48x144xf32, #tpu.memory_space<vmem>> -> memref<48x144xf32, #tpu.memory_space<vmem>>
      %dma_wait3A_116 = arith.constant 0 : i32
      %dma_wait3A_117 = tpu.memref_slice %arg8[%add3A_29, %dma_wait3A_116] : memref<10112x144xf32, #tpu.memory_space<vmem_shared>> -> memref<48x144xf32, #tpu.memory_space<vmem_shared>>
      %dma_wait3A_118 = arith.constant 0 : i32
      %dma_wait3A_119 = tpu.memref_slice %arg8[%add3A_29, %dma_wait3A_118] : memref<10112x144xf32, #tpu.memory_space<vmem_shared>> -> memref<48x144xf32, #tpu.memory_space<vmem_shared>>
      %dma_wait3A_120 = arith.constant 0 : i32
      %dma_wait3A_121 = arith.constant 0 : i32
      %dma_wait3A_122 = tpu.memref_slice %arg11[%dma_wait3A_120, %dma_wait3A_121] : memref<48x144xf32, #tpu.memory_space<vmem>> -> memref<48x144xf32, #tpu.memory_space<vmem>>
      tpu.wait_dma2 semaphore(%run_scoped3A : memref<!tpu.dma_semaphore, #tpu.memory_space<semaphore_mem>>) src(%dma_wait3A_122 : memref<48x144xf32, #tpu.memory_space<vmem>>) dst(%dma_wait3A_119 : memref<48x144xf32, #tpu.memory_space<vmem_shared>>)
      tpu.yield
    }) : () -> ()
    %mul3A_30 = arith.constant 632 : i32
    %mul3A_31 = arith.muli %arg1, %mul3A_30 : i32
    %add3A_32 = arith.constant 192 : i32
    %add3A_33 = arith.addi %mul3A_31, %add3A_32 : i32
    "tpu.region"() ({
      %run_scoped3A = tpu.sem_alloc : memref<!tpu.dma_semaphore, #tpu.memory_space<semaphore_mem>>
      %dma_start3A_103 = arith.constant 0 : i32
      %dma_start3A_104 = arith.constant 0 : i32
      %dma_start3A_105 = tpu.memref_slice %arg11[%dma_start3A_103, %dma_start3A_104] : memref<48x144xf32, #tpu.memory_space<vmem>> -> memref<48x144xf32, #tpu.memory_space<vmem>>
      %dma_start3A_106 = arith.constant 0 : i32
      %dma_start3A_107 = tpu.memref_slice %arg8[%add3A_33, %dma_start3A_106] : memref<10112x144xf32, #tpu.memory_space<vmem_shared>> -> memref<48x144xf32, #tpu.memory_space<vmem_shared>>
      %dma_start3A_108 = arith.constant 0 : i32
      %dma_start3A_109 = tpu.memref_slice %arg8[%add3A_33, %dma_start3A_108] : memref<10112x144xf32, #tpu.memory_space<vmem_shared>> -> memref<48x144xf32, #tpu.memory_space<vmem_shared>>
      %dma_start3A_110 = arith.constant 0 : i32
      %dma_start3A_111 = arith.constant 0 : i32
      %dma_start3A_112 = tpu.memref_slice %arg11[%dma_start3A_110, %dma_start3A_111] : memref<48x144xf32, #tpu.memory_space<vmem>> -> memref<48x144xf32, #tpu.memory_space<vmem>>
      tpu.enqueue_dma source(%dma_start3A_112 : memref<48x144xf32, #tpu.memory_space<vmem>>) target(%dma_start3A_109 : memref<48x144xf32, #tpu.memory_space<vmem_shared>>) target_semaphore(%run_scoped3A : memref<!tpu.dma_semaphore, #tpu.memory_space<semaphore_mem>>)
      %dma_wait3A_113 = arith.constant 0 : i32
      %dma_wait3A_114 = arith.constant 0 : i32
      %dma_wait3A_115 = tpu.memref_slice %arg11[%dma_wait3A_113, %dma_wait3A_114] : memref<48x144xf32, #tpu.memory_space<vmem>> -> memref<48x144xf32, #tpu.memory_space<vmem>>
      %dma_wait3A_116 = arith.constant 0 : i32
      %dma_wait3A_117 = tpu.memref_slice %arg8[%add3A_33, %dma_wait3A_116] : memref<10112x144xf32, #tpu.memory_space<vmem_shared>> -> memref<48x144xf32, #tpu.memory_space<vmem_shared>>
      %dma_wait3A_118 = arith.constant 0 : i32
      %dma_wait3A_119 = tpu.memref_slice %arg8[%add3A_33, %dma_wait3A_118] : memref<10112x144xf32, #tpu.memory_space<vmem_shared>> -> memref<48x144xf32, #tpu.memory_space<vmem_shared>>
      %dma_wait3A_120 = arith.constant 0 : i32
      %dma_wait3A_121 = arith.constant 0 : i32
      %dma_wait3A_122 = tpu.memref_slice %arg11[%dma_wait3A_120, %dma_wait3A_121] : memref<48x144xf32, #tpu.memory_space<vmem>> -> memref<48x144xf32, #tpu.memory_space<vmem>>
      tpu.wait_dma2 semaphore(%run_scoped3A : memref<!tpu.dma_semaphore, #tpu.memory_space<semaphore_mem>>) src(%dma_wait3A_122 : memref<48x144xf32, #tpu.memory_space<vmem>>) dst(%dma_wait3A_119 : memref<48x144xf32, #tpu.memory_space<vmem_shared>>)
      tpu.yield
    }) : () -> ()
    %mul3A_34 = arith.constant 632 : i32
    %mul3A_35 = arith.muli %arg1, %mul3A_34 : i32
    %add3A_36 = arith.constant 240 : i32
    %add3A_37 = arith.addi %mul3A_35, %add3A_36 : i32
    "tpu.region"() ({
      %run_scoped3A = tpu.sem_alloc : memref<!tpu.dma_semaphore, #tpu.memory_space<semaphore_mem>>
      %dma_start3A_103 = arith.constant 0 : i32
      %dma_start3A_104 = arith.constant 0 : i32
      %dma_start3A_105 = tpu.memref_slice %arg11[%dma_start3A_103, %dma_start3A_104] : memref<48x144xf32, #tpu.memory_space<vmem>> -> memref<48x144xf32, #tpu.memory_space<vmem>>
      %dma_start3A_106 = arith.constant 0 : i32
      %dma_start3A_107 = tpu.memref_slice %arg8[%add3A_37, %dma_start3A_106] : memref<10112x144xf32, #tpu.memory_space<vmem_shared>> -> memref<48x144xf32, #tpu.memory_space<vmem_shared>>
      %dma_start3A_108 = arith.constant 0 : i32
      %dma_start3A_109 = tpu.memref_slice %arg8[%add3A_37, %dma_start3A_108] : memref<10112x144xf32, #tpu.memory_space<vmem_shared>> -> memref<48x144xf32, #tpu.memory_space<vmem_shared>>
      %dma_start3A_110 = arith.constant 0 : i32
      %dma_start3A_111 = arith.constant 0 : i32
      %dma_start3A_112 = tpu.memref_slice %arg11[%dma_start3A_110, %dma_start3A_111] : memref<48x144xf32, #tpu.memory_space<vmem>> -> memref<48x144xf32, #tpu.memory_space<vmem>>
      tpu.enqueue_dma source(%dma_start3A_112 : memref<48x144xf32, #tpu.memory_space<vmem>>) target(%dma_start3A_109 : memref<48x144xf32, #tpu.memory_space<vmem_shared>>) target_semaphore(%run_scoped3A : memref<!tpu.dma_semaphore, #tpu.memory_space<semaphore_mem>>)
      %dma_wait3A_113 = arith.constant 0 : i32
      %dma_wait3A_114 = arith.constant 0 : i32
      %dma_wait3A_115 = tpu.memref_slice %arg11[%dma_wait3A_113, %dma_wait3A_114] : memref<48x144xf32, #tpu.memory_space<vmem>> -> memref<48x144xf32, #tpu.memory_space<vmem>>
      %dma_wait3A_116 = arith.constant 0 : i32
      %dma_wait3A_117 = tpu.memref_slice %arg8[%add3A_37, %dma_wait3A_116] : memref<10112x144xf32, #tpu.memory_space<vmem_shared>> -> memref<48x144xf32, #tpu.memory_space<vmem_shared>>
      %dma_wait3A_118 = arith.constant 0 : i32
      %dma_wait3A_119 = tpu.memref_slice %arg8[%add3A_37, %dma_wait3A_118] : memref<10112x144xf32, #tpu.memory_space<vmem_shared>> -> memref<48x144xf32, #tpu.memory_space<vmem_shared>>
      %dma_wait3A_120 = arith.constant 0 : i32
      %dma_wait3A_121 = arith.constant 0 : i32
      %dma_wait3A_122 = tpu.memref_slice %arg11[%dma_wait3A_120, %dma_wait3A_121] : memref<48x144xf32, #tpu.memory_space<vmem>> -> memref<48x144xf32, #tpu.memory_space<vmem>>
      tpu.wait_dma2 semaphore(%run_scoped3A : memref<!tpu.dma_semaphore, #tpu.memory_space<semaphore_mem>>) src(%dma_wait3A_122 : memref<48x144xf32, #tpu.memory_space<vmem>>) dst(%dma_wait3A_119 : memref<48x144xf32, #tpu.memory_space<vmem_shared>>)
      tpu.yield
    }) : () -> ()
    %mul3A_38 = arith.constant 632 : i32
    %mul3A_39 = arith.muli %arg1, %mul3A_38 : i32
    %add3A_40 = arith.constant 288 : i32
    %add3A_41 = arith.addi %mul3A_39, %add3A_40 : i32
    "tpu.region"() ({
      %run_scoped3A = tpu.sem_alloc : memref<!tpu.dma_semaphore, #tpu.memory_space<semaphore_mem>>
      %dma_start3A_103 = arith.constant 0 : i32
      %dma_start3A_104 = arith.constant 0 : i32
      %dma_start3A_105 = tpu.memref_slice %arg11[%dma_start3A_103, %dma_start3A_104] : memref<48x144xf32, #tpu.memory_space<vmem>> -> memref<48x144xf32, #tpu.memory_space<vmem>>
      %dma_start3A_106 = arith.constant 0 : i32
      %dma_start3A_107 = tpu.memref_slice %arg8[%add3A_41, %dma_start3A_106] : memref<10112x144xf32, #tpu.memory_space<vmem_shared>> -> memref<48x144xf32, #tpu.memory_space<vmem_shared>>
      %dma_start3A_108 = arith.constant 0 : i32
      %dma_start3A_109 = tpu.memref_slice %arg8[%add3A_41, %dma_start3A_108] : memref<10112x144xf32, #tpu.memory_space<vmem_shared>> -> memref<48x144xf32, #tpu.memory_space<vmem_shared>>
      %dma_start3A_110 = arith.constant 0 : i32
      %dma_start3A_111 = arith.constant 0 : i32
      %dma_start3A_112 = tpu.memref_slice %arg11[%dma_start3A_110, %dma_start3A_111] : memref<48x144xf32, #tpu.memory_space<vmem>> -> memref<48x144xf32, #tpu.memory_space<vmem>>
      tpu.enqueue_dma source(%dma_start3A_112 : memref<48x144xf32, #tpu.memory_space<vmem>>) target(%dma_start3A_109 : memref<48x144xf32, #tpu.memory_space<vmem_shared>>) target_semaphore(%run_scoped3A : memref<!tpu.dma_semaphore, #tpu.memory_space<semaphore_mem>>)
      %dma_wait3A_113 = arith.constant 0 : i32
      %dma_wait3A_114 = arith.constant 0 : i32
      %dma_wait3A_115 = tpu.memref_slice %arg11[%dma_wait3A_113, %dma_wait3A_114] : memref<48x144xf32, #tpu.memory_space<vmem>> -> memref<48x144xf32, #tpu.memory_space<vmem>>
      %dma_wait3A_116 = arith.constant 0 : i32
      %dma_wait3A_117 = tpu.memref_slice %arg8[%add3A_41, %dma_wait3A_116] : memref<10112x144xf32, #tpu.memory_space<vmem_shared>> -> memref<48x144xf32, #tpu.memory_space<vmem_shared>>
      %dma_wait3A_118 = arith.constant 0 : i32
      %dma_wait3A_119 = tpu.memref_slice %arg8[%add3A_41, %dma_wait3A_118] : memref<10112x144xf32, #tpu.memory_space<vmem_shared>> -> memref<48x144xf32, #tpu.memory_space<vmem_shared>>
      %dma_wait3A_120 = arith.constant 0 : i32
      %dma_wait3A_121 = arith.constant 0 : i32
      %dma_wait3A_122 = tpu.memref_slice %arg11[%dma_wait3A_120, %dma_wait3A_121] : memref<48x144xf32, #tpu.memory_space<vmem>> -> memref<48x144xf32, #tpu.memory_space<vmem>>
      tpu.wait_dma2 semaphore(%run_scoped3A : memref<!tpu.dma_semaphore, #tpu.memory_space<semaphore_mem>>) src(%dma_wait3A_122 : memref<48x144xf32, #tpu.memory_space<vmem>>) dst(%dma_wait3A_119 : memref<48x144xf32, #tpu.memory_space<vmem_shared>>)
      tpu.yield
    }) : () -> ()
    %mul3A_42 = arith.constant 632 : i32
    %mul3A_43 = arith.muli %arg1, %mul3A_42 : i32
    %add3A_44 = arith.constant 336 : i32
    %add3A_45 = arith.addi %mul3A_43, %add3A_44 : i32
    "tpu.region"() ({
      %run_scoped3A = tpu.sem_alloc : memref<!tpu.dma_semaphore, #tpu.memory_space<semaphore_mem>>
      %dma_start3A_103 = arith.constant 0 : i32
      %dma_start3A_104 = arith.constant 0 : i32
      %dma_start3A_105 = tpu.memref_slice %arg11[%dma_start3A_103, %dma_start3A_104] : memref<48x144xf32, #tpu.memory_space<vmem>> -> memref<48x144xf32, #tpu.memory_space<vmem>>
      %dma_start3A_106 = arith.constant 0 : i32
      %dma_start3A_107 = tpu.memref_slice %arg8[%add3A_45, %dma_start3A_106] : memref<10112x144xf32, #tpu.memory_space<vmem_shared>> -> memref<48x144xf32, #tpu.memory_space<vmem_shared>>
      %dma_start3A_108 = arith.constant 0 : i32
      %dma_start3A_109 = tpu.memref_slice %arg8[%add3A_45, %dma_start3A_108] : memref<10112x144xf32, #tpu.memory_space<vmem_shared>> -> memref<48x144xf32, #tpu.memory_space<vmem_shared>>
      %dma_start3A_110 = arith.constant 0 : i32
      %dma_start3A_111 = arith.constant 0 : i32
      %dma_start3A_112 = tpu.memref_slice %arg11[%dma_start3A_110, %dma_start3A_111] : memref<48x144xf32, #tpu.memory_space<vmem>> -> memref<48x144xf32, #tpu.memory_space<vmem>>
      tpu.enqueue_dma source(%dma_start3A_112 : memref<48x144xf32, #tpu.memory_space<vmem>>) target(%dma_start3A_109 : memref<48x144xf32, #tpu.memory_space<vmem_shared>>) target_semaphore(%run_scoped3A : memref<!tpu.dma_semaphore, #tpu.memory_space<semaphore_mem>>)
      %dma_wait3A_113 = arith.constant 0 : i32
      %dma_wait3A_114 = arith.constant 0 : i32
      %dma_wait3A_115 = tpu.memref_slice %arg11[%dma_wait3A_113, %dma_wait3A_114] : memref<48x144xf32, #tpu.memory_space<vmem>> -> memref<48x144xf32, #tpu.memory_space<vmem>>
      %dma_wait3A_116 = arith.constant 0 : i32
      %dma_wait3A_117 = tpu.memref_slice %arg8[%add3A_45, %dma_wait3A_116] : memref<10112x144xf32, #tpu.memory_space<vmem_shared>> -> memref<48x144xf32, #tpu.memory_space<vmem_shared>>
      %dma_wait3A_118 = arith.constant 0 : i32
      %dma_wait3A_119 = tpu.memref_slice %arg8[%add3A_45, %dma_wait3A_118] : memref<10112x144xf32, #tpu.memory_space<vmem_shared>> -> memref<48x144xf32, #tpu.memory_space<vmem_shared>>
      %dma_wait3A_120 = arith.constant 0 : i32
      %dma_wait3A_121 = arith.constant 0 : i32
      %dma_wait3A_122 = tpu.memref_slice %arg11[%dma_wait3A_120, %dma_wait3A_121] : memref<48x144xf32, #tpu.memory_space<vmem>> -> memref<48x144xf32, #tpu.memory_space<vmem>>
      tpu.wait_dma2 semaphore(%run_scoped3A : memref<!tpu.dma_semaphore, #tpu.memory_space<semaphore_mem>>) src(%dma_wait3A_122 : memref<48x144xf32, #tpu.memory_space<vmem>>) dst(%dma_wait3A_119 : memref<48x144xf32, #tpu.memory_space<vmem_shared>>)
      tpu.yield
    }) : () -> ()
    %mul3A_46 = arith.constant 632 : i32
    %mul3A_47 = arith.muli %arg1, %mul3A_46 : i32
    %add3A_48 = arith.constant 384 : i32
    %add3A_49 = arith.addi %mul3A_47, %add3A_48 : i32
    "tpu.region"() ({
      %run_scoped3A = tpu.sem_alloc : memref<!tpu.dma_semaphore, #tpu.memory_space<semaphore_mem>>
      %dma_start3A_103 = arith.constant 0 : i32
      %dma_start3A_104 = arith.constant 0 : i32
      %dma_start3A_105 = tpu.memref_slice %arg11[%dma_start3A_103, %dma_start3A_104] : memref<48x144xf32, #tpu.memory_space<vmem>> -> memref<48x144xf32, #tpu.memory_space<vmem>>
      %dma_start3A_106 = arith.constant 0 : i32
      %dma_start3A_107 = tpu.memref_slice %arg8[%add3A_49, %dma_start3A_106] : memref<10112x144xf32, #tpu.memory_space<vmem_shared>> -> memref<48x144xf32, #tpu.memory_space<vmem_shared>>
      %dma_start3A_108 = arith.constant 0 : i32
      %dma_start3A_109 = tpu.memref_slice %arg8[%add3A_49, %dma_start3A_108] : memref<10112x144xf32, #tpu.memory_space<vmem_shared>> -> memref<48x144xf32, #tpu.memory_space<vmem_shared>>
      %dma_start3A_110 = arith.constant 0 : i32
      %dma_start3A_111 = arith.constant 0 : i32
      %dma_start3A_112 = tpu.memref_slice %arg11[%dma_start3A_110, %dma_start3A_111] : memref<48x144xf32, #tpu.memory_space<vmem>> -> memref<48x144xf32, #tpu.memory_space<vmem>>
      tpu.enqueue_dma source(%dma_start3A_112 : memref<48x144xf32, #tpu.memory_space<vmem>>) target(%dma_start3A_109 : memref<48x144xf32, #tpu.memory_space<vmem_shared>>) target_semaphore(%run_scoped3A : memref<!tpu.dma_semaphore, #tpu.memory_space<semaphore_mem>>)
      %dma_wait3A_113 = arith.constant 0 : i32
      %dma_wait3A_114 = arith.constant 0 : i32
      %dma_wait3A_115 = tpu.memref_slice %arg11[%dma_wait3A_113, %dma_wait3A_114] : memref<48x144xf32, #tpu.memory_space<vmem>> -> memref<48x144xf32, #tpu.memory_space<vmem>>
      %dma_wait3A_116 = arith.constant 0 : i32
      %dma_wait3A_117 = tpu.memref_slice %arg8[%add3A_49, %dma_wait3A_116] : memref<10112x144xf32, #tpu.memory_space<vmem_shared>> -> memref<48x144xf32, #tpu.memory_space<vmem_shared>>
      %dma_wait3A_118 = arith.constant 0 : i32
      %dma_wait3A_119 = tpu.memref_slice %arg8[%add3A_49, %dma_wait3A_118] : memref<10112x144xf32, #tpu.memory_space<vmem_shared>> -> memref<48x144xf32, #tpu.memory_space<vmem_shared>>
      %dma_wait3A_120 = arith.constant 0 : i32
      %dma_wait3A_121 = arith.constant 0 : i32
      %dma_wait3A_122 = tpu.memref_slice %arg11[%dma_wait3A_120, %dma_wait3A_121] : memref<48x144xf32, #tpu.memory_space<vmem>> -> memref<48x144xf32, #tpu.memory_space<vmem>>
      tpu.wait_dma2 semaphore(%run_scoped3A : memref<!tpu.dma_semaphore, #tpu.memory_space<semaphore_mem>>) src(%dma_wait3A_122 : memref<48x144xf32, #tpu.memory_space<vmem>>) dst(%dma_wait3A_119 : memref<48x144xf32, #tpu.memory_space<vmem_shared>>)
      tpu.yield
    }) : () -> ()
    %mul3A_50 = arith.constant 632 : i32
    %mul3A_51 = arith.muli %arg1, %mul3A_50 : i32
    %add3A_52 = arith.constant 432 : i32
    %add3A_53 = arith.addi %mul3A_51, %add3A_52 : i32
    "tpu.region"() ({
      %run_scoped3A = tpu.sem_alloc : memref<!tpu.dma_semaphore, #tpu.memory_space<semaphore_mem>>
      %dma_start3A_103 = arith.constant 0 : i32
      %dma_start3A_104 = arith.constant 0 : i32
      %dma_start3A_105 = tpu.memref_slice %arg11[%dma_start3A_103, %dma_start3A_104] : memref<48x144xf32, #tpu.memory_space<vmem>> -> memref<48x144xf32, #tpu.memory_space<vmem>>
      %dma_start3A_106 = arith.constant 0 : i32
      %dma_start3A_107 = tpu.memref_slice %arg8[%add3A_53, %dma_start3A_106] : memref<10112x144xf32, #tpu.memory_space<vmem_shared>> -> memref<48x144xf32, #tpu.memory_space<vmem_shared>>
      %dma_start3A_108 = arith.constant 0 : i32
      %dma_start3A_109 = tpu.memref_slice %arg8[%add3A_53, %dma_start3A_108] : memref<10112x144xf32, #tpu.memory_space<vmem_shared>> -> memref<48x144xf32, #tpu.memory_space<vmem_shared>>
      %dma_start3A_110 = arith.constant 0 : i32
      %dma_start3A_111 = arith.constant 0 : i32
      %dma_start3A_112 = tpu.memref_slice %arg11[%dma_start3A_110, %dma_start3A_111] : memref<48x144xf32, #tpu.memory_space<vmem>> -> memref<48x144xf32, #tpu.memory_space<vmem>>
      tpu.enqueue_dma source(%dma_start3A_112 : memref<48x144xf32, #tpu.memory_space<vmem>>) target(%dma_start3A_109 : memref<48x144xf32, #tpu.memory_space<vmem_shared>>) target_semaphore(%run_scoped3A : memref<!tpu.dma_semaphore, #tpu.memory_space<semaphore_mem>>)
      %dma_wait3A_113 = arith.constant 0 : i32
      %dma_wait3A_114 = arith.constant 0 : i32
      %dma_wait3A_115 = tpu.memref_slice %arg11[%dma_wait3A_113, %dma_wait3A_114] : memref<48x144xf32, #tpu.memory_space<vmem>> -> memref<48x144xf32, #tpu.memory_space<vmem>>
      %dma_wait3A_116 = arith.constant 0 : i32
      %dma_wait3A_117 = tpu.memref_slice %arg8[%add3A_53, %dma_wait3A_116] : memref<10112x144xf32, #tpu.memory_space<vmem_shared>> -> memref<48x144xf32, #tpu.memory_space<vmem_shared>>
      %dma_wait3A_118 = arith.constant 0 : i32
      %dma_wait3A_119 = tpu.memref_slice %arg8[%add3A_53, %dma_wait3A_118] : memref<10112x144xf32, #tpu.memory_space<vmem_shared>> -> memref<48x144xf32, #tpu.memory_space<vmem_shared>>
      %dma_wait3A_120 = arith.constant 0 : i32
      %dma_wait3A_121 = arith.constant 0 : i32
      %dma_wait3A_122 = tpu.memref_slice %arg11[%dma_wait3A_120, %dma_wait3A_121] : memref<48x144xf32, #tpu.memory_space<vmem>> -> memref<48x144xf32, #tpu.memory_space<vmem>>
      tpu.wait_dma2 semaphore(%run_scoped3A : memref<!tpu.dma_semaphore, #tpu.memory_space<semaphore_mem>>) src(%dma_wait3A_122 : memref<48x144xf32, #tpu.memory_space<vmem>>) dst(%dma_wait3A_119 : memref<48x144xf32, #tpu.memory_space<vmem_shared>>)
      tpu.yield
    }) : () -> ()
    %mul3A_54 = arith.constant 632 : i32
    %mul3A_55 = arith.muli %arg1, %mul3A_54 : i32
    %add3A_56 = arith.constant 480 : i32
    %add3A_57 = arith.addi %mul3A_55, %add3A_56 : i32
    "tpu.region"() ({
      %run_scoped3A = tpu.sem_alloc : memref<!tpu.dma_semaphore, #tpu.memory_space<semaphore_mem>>
      %dma_start3A_103 = arith.constant 0 : i32
      %dma_start3A_104 = arith.constant 0 : i32
      %dma_start3A_105 = tpu.memref_slice %arg11[%dma_start3A_103, %dma_start3A_104] : memref<48x144xf32, #tpu.memory_space<vmem>> -> memref<48x144xf32, #tpu.memory_space<vmem>>
      %dma_start3A_106 = arith.constant 0 : i32
      %dma_start3A_107 = tpu.memref_slice %arg8[%add3A_57, %dma_start3A_106] : memref<10112x144xf32, #tpu.memory_space<vmem_shared>> -> memref<48x144xf32, #tpu.memory_space<vmem_shared>>
      %dma_start3A_108 = arith.constant 0 : i32
      %dma_start3A_109 = tpu.memref_slice %arg8[%add3A_57, %dma_start3A_108] : memref<10112x144xf32, #tpu.memory_space<vmem_shared>> -> memref<48x144xf32, #tpu.memory_space<vmem_shared>>
      %dma_start3A_110 = arith.constant 0 : i32
      %dma_start3A_111 = arith.constant 0 : i32
      %dma_start3A_112 = tpu.memref_slice %arg11[%dma_start3A_110, %dma_start3A_111] : memref<48x144xf32, #tpu.memory_space<vmem>> -> memref<48x144xf32, #tpu.memory_space<vmem>>
      tpu.enqueue_dma source(%dma_start3A_112 : memref<48x144xf32, #tpu.memory_space<vmem>>) target(%dma_start3A_109 : memref<48x144xf32, #tpu.memory_space<vmem_shared>>) target_semaphore(%run_scoped3A : memref<!tpu.dma_semaphore, #tpu.memory_space<semaphore_mem>>)
      %dma_wait3A_113 = arith.constant 0 : i32
      %dma_wait3A_114 = arith.constant 0 : i32
      %dma_wait3A_115 = tpu.memref_slice %arg11[%dma_wait3A_113, %dma_wait3A_114] : memref<48x144xf32, #tpu.memory_space<vmem>> -> memref<48x144xf32, #tpu.memory_space<vmem>>
      %dma_wait3A_116 = arith.constant 0 : i32
      %dma_wait3A_117 = tpu.memref_slice %arg8[%add3A_57, %dma_wait3A_116] : memref<10112x144xf32, #tpu.memory_space<vmem_shared>> -> memref<48x144xf32, #tpu.memory_space<vmem_shared>>
      %dma_wait3A_118 = arith.constant 0 : i32
      %dma_wait3A_119 = tpu.memref_slice %arg8[%add3A_57, %dma_wait3A_118] : memref<10112x144xf32, #tpu.memory_space<vmem_shared>> -> memref<48x144xf32, #tpu.memory_space<vmem_shared>>
      %dma_wait3A_120 = arith.constant 0 : i32
      %dma_wait3A_121 = arith.constant 0 : i32
      %dma_wait3A_122 = tpu.memref_slice %arg11[%dma_wait3A_120, %dma_wait3A_121] : memref<48x144xf32, #tpu.memory_space<vmem>> -> memref<48x144xf32, #tpu.memory_space<vmem>>
      tpu.wait_dma2 semaphore(%run_scoped3A : memref<!tpu.dma_semaphore, #tpu.memory_space<semaphore_mem>>) src(%dma_wait3A_122 : memref<48x144xf32, #tpu.memory_space<vmem>>) dst(%dma_wait3A_119 : memref<48x144xf32, #tpu.memory_space<vmem_shared>>)
      tpu.yield
    }) : () -> ()
    %mul3A_58 = arith.constant 632 : i32
    %mul3A_59 = arith.muli %arg1, %mul3A_58 : i32
    %add3A_60 = arith.constant 528 : i32
    %add3A_61 = arith.addi %mul3A_59, %add3A_60 : i32
    "tpu.region"() ({
      %run_scoped3A = tpu.sem_alloc : memref<!tpu.dma_semaphore, #tpu.memory_space<semaphore_mem>>
      %dma_start3A_103 = arith.constant 0 : i32
      %dma_start3A_104 = arith.constant 0 : i32
      %dma_start3A_105 = tpu.memref_slice %arg11[%dma_start3A_103, %dma_start3A_104] : memref<48x144xf32, #tpu.memory_space<vmem>> -> memref<48x144xf32, #tpu.memory_space<vmem>>
      %dma_start3A_106 = arith.constant 0 : i32
      %dma_start3A_107 = tpu.memref_slice %arg8[%add3A_61, %dma_start3A_106] : memref<10112x144xf32, #tpu.memory_space<vmem_shared>> -> memref<48x144xf32, #tpu.memory_space<vmem_shared>>
      %dma_start3A_108 = arith.constant 0 : i32
      %dma_start3A_109 = tpu.memref_slice %arg8[%add3A_61, %dma_start3A_108] : memref<10112x144xf32, #tpu.memory_space<vmem_shared>> -> memref<48x144xf32, #tpu.memory_space<vmem_shared>>
      %dma_start3A_110 = arith.constant 0 : i32
      %dma_start3A_111 = arith.constant 0 : i32
      %dma_start3A_112 = tpu.memref_slice %arg11[%dma_start3A_110, %dma_start3A_111] : memref<48x144xf32, #tpu.memory_space<vmem>> -> memref<48x144xf32, #tpu.memory_space<vmem>>
      tpu.enqueue_dma source(%dma_start3A_112 : memref<48x144xf32, #tpu.memory_space<vmem>>) target(%dma_start3A_109 : memref<48x144xf32, #tpu.memory_space<vmem_shared>>) target_semaphore(%run_scoped3A : memref<!tpu.dma_semaphore, #tpu.memory_space<semaphore_mem>>)
      %dma_wait3A_113 = arith.constant 0 : i32
      %dma_wait3A_114 = arith.constant 0 : i32
      %dma_wait3A_115 = tpu.memref_slice %arg11[%dma_wait3A_113, %dma_wait3A_114] : memref<48x144xf32, #tpu.memory_space<vmem>> -> memref<48x144xf32, #tpu.memory_space<vmem>>
      %dma_wait3A_116 = arith.constant 0 : i32
      %dma_wait3A_117 = tpu.memref_slice %arg8[%add3A_61, %dma_wait3A_116] : memref<10112x144xf32, #tpu.memory_space<vmem_shared>> -> memref<48x144xf32, #tpu.memory_space<vmem_shared>>
      %dma_wait3A_118 = arith.constant 0 : i32
      %dma_wait3A_119 = tpu.memref_slice %arg8[%add3A_61, %dma_wait3A_118] : memref<10112x144xf32, #tpu.memory_space<vmem_shared>> -> memref<48x144xf32, #tpu.memory_space<vmem_shared>>
      %dma_wait3A_120 = arith.constant 0 : i32
      %dma_wait3A_121 = arith.constant 0 : i32
      %dma_wait3A_122 = tpu.memref_slice %arg11[%dma_wait3A_120, %dma_wait3A_121] : memref<48x144xf32, #tpu.memory_space<vmem>> -> memref<48x144xf32, #tpu.memory_space<vmem>>
      tpu.wait_dma2 semaphore(%run_scoped3A : memref<!tpu.dma_semaphore, #tpu.memory_space<semaphore_mem>>) src(%dma_wait3A_122 : memref<48x144xf32, #tpu.memory_space<vmem>>) dst(%dma_wait3A_119 : memref<48x144xf32, #tpu.memory_space<vmem_shared>>)
      tpu.yield
    }) : () -> ()
    %mul3A_62 = arith.constant 632 : i32
    %mul3A_63 = arith.muli %arg1, %mul3A_62 : i32
    %add3A_64 = arith.constant 576 : i32
    %add3A_65 = arith.addi %mul3A_63, %add3A_64 : i32
    "tpu.region"() ({
      %run_scoped3A = tpu.sem_alloc : memref<!tpu.dma_semaphore, #tpu.memory_space<semaphore_mem>>
      %dma_start3A_103 = arith.constant 0 : i32
      %dma_start3A_104 = arith.constant 0 : i32
      %dma_start3A_105 = tpu.memref_slice %arg11[%dma_start3A_103, %dma_start3A_104] : memref<48x144xf32, #tpu.memory_space<vmem>> -> memref<48x144xf32, #tpu.memory_space<vmem>>
      %dma_start3A_106 = arith.constant 0 : i32
      %dma_start3A_107 = tpu.memref_slice %arg8[%add3A_65, %dma_start3A_106] : memref<10112x144xf32, #tpu.memory_space<vmem_shared>> -> memref<48x144xf32, #tpu.memory_space<vmem_shared>>
      %dma_start3A_108 = arith.constant 0 : i32
      %dma_start3A_109 = tpu.memref_slice %arg8[%add3A_65, %dma_start3A_108] : memref<10112x144xf32, #tpu.memory_space<vmem_shared>> -> memref<48x144xf32, #tpu.memory_space<vmem_shared>>
      %dma_start3A_110 = arith.constant 0 : i32
      %dma_start3A_111 = arith.constant 0 : i32
      %dma_start3A_112 = tpu.memref_slice %arg11[%dma_start3A_110, %dma_start3A_111] : memref<48x144xf32, #tpu.memory_space<vmem>> -> memref<48x144xf32, #tpu.memory_space<vmem>>
      tpu.enqueue_dma source(%dma_start3A_112 : memref<48x144xf32, #tpu.memory_space<vmem>>) target(%dma_start3A_109 : memref<48x144xf32, #tpu.memory_space<vmem_shared>>) target_semaphore(%run_scoped3A : memref<!tpu.dma_semaphore, #tpu.memory_space<semaphore_mem>>)
      %dma_wait3A_113 = arith.constant 0 : i32
      %dma_wait3A_114 = arith.constant 0 : i32
      %dma_wait3A_115 = tpu.memref_slice %arg11[%dma_wait3A_113, %dma_wait3A_114] : memref<48x144xf32, #tpu.memory_space<vmem>> -> memref<48x144xf32, #tpu.memory_space<vmem>>
      %dma_wait3A_116 = arith.constant 0 : i32
      %dma_wait3A_117 = tpu.memref_slice %arg8[%add3A_65, %dma_wait3A_116] : memref<10112x144xf32, #tpu.memory_space<vmem_shared>> -> memref<48x144xf32, #tpu.memory_space<vmem_shared>>
      %dma_wait3A_118 = arith.constant 0 : i32
      %dma_wait3A_119 = tpu.memref_slice %arg8[%add3A_65, %dma_wait3A_118] : memref<10112x144xf32, #tpu.memory_space<vmem_shared>> -> memref<48x144xf32, #tpu.memory_space<vmem_shared>>
      %dma_wait3A_120 = arith.constant 0 : i32
      %dma_wait3A_121 = arith.constant 0 : i32
      %dma_wait3A_122 = tpu.memref_slice %arg11[%dma_wait3A_120, %dma_wait3A_121] : memref<48x144xf32, #tpu.memory_space<vmem>> -> memref<48x144xf32, #tpu.memory_space<vmem>>
      tpu.wait_dma2 semaphore(%run_scoped3A : memref<!tpu.dma_semaphore, #tpu.memory_space<semaphore_mem>>) src(%dma_wait3A_122 : memref<48x144xf32, #tpu.memory_space<vmem>>) dst(%dma_wait3A_119 : memref<48x144xf32, #tpu.memory_space<vmem_shared>>)
      tpu.yield
    }) : () -> ()
    %mul3A_66 = arith.constant 632 : i32
    %mul3A_67 = arith.muli %arg1, %mul3A_66 : i32
    %add3A_68 = arith.constant 624 : i32
    %add3A_69 = arith.addi %mul3A_67, %add3A_68 : i32
    "tpu.region"() ({
      %run_scoped3A = tpu.sem_alloc : memref<!tpu.dma_semaphore, #tpu.memory_space<semaphore_mem>>
      %dma_start3A_103 = arith.constant 0 : i32
      %dma_start3A_104 = arith.constant 0 : i32
      %dma_start3A_105 = tpu.memref_slice %arg11[%dma_start3A_103, %dma_start3A_104] : memref<48x144xf32, #tpu.memory_space<vmem>> -> memref<8x144xf32, #tpu.memory_space<vmem>>
      %dma_start3A_106 = arith.constant 0 : i32
      %dma_start3A_107 = tpu.memref_slice %arg8[%add3A_69, %dma_start3A_106] : memref<10112x144xf32, #tpu.memory_space<vmem_shared>> -> memref<8x144xf32, #tpu.memory_space<vmem_shared>>
      %dma_start3A_108 = arith.constant 0 : i32
      %dma_start3A_109 = tpu.memref_slice %arg8[%add3A_69, %dma_start3A_108] : memref<10112x144xf32, #tpu.memory_space<vmem_shared>> -> memref<8x144xf32, #tpu.memory_space<vmem_shared>>
      %dma_start3A_110 = arith.constant 0 : i32
      %dma_start3A_111 = arith.constant 0 : i32
      %dma_start3A_112 = tpu.memref_slice %arg11[%dma_start3A_110, %dma_start3A_111] : memref<48x144xf32, #tpu.memory_space<vmem>> -> memref<8x144xf32, #tpu.memory_space<vmem>>
      tpu.enqueue_dma source(%dma_start3A_112 : memref<8x144xf32, #tpu.memory_space<vmem>>) target(%dma_start3A_109 : memref<8x144xf32, #tpu.memory_space<vmem_shared>>) target_semaphore(%run_scoped3A : memref<!tpu.dma_semaphore, #tpu.memory_space<semaphore_mem>>)
      %dma_wait3A_113 = arith.constant 0 : i32
      %dma_wait3A_114 = arith.constant 0 : i32
      %dma_wait3A_115 = tpu.memref_slice %arg11[%dma_wait3A_113, %dma_wait3A_114] : memref<48x144xf32, #tpu.memory_space<vmem>> -> memref<8x144xf32, #tpu.memory_space<vmem>>
      %dma_wait3A_116 = arith.constant 0 : i32
      %dma_wait3A_117 = tpu.memref_slice %arg8[%add3A_69, %dma_wait3A_116] : memref<10112x144xf32, #tpu.memory_space<vmem_shared>> -> memref<8x144xf32, #tpu.memory_space<vmem_shared>>
      %dma_wait3A_118 = arith.constant 0 : i32
      %dma_wait3A_119 = tpu.memref_slice %arg8[%add3A_69, %dma_wait3A_118] : memref<10112x144xf32, #tpu.memory_space<vmem_shared>> -> memref<8x144xf32, #tpu.memory_space<vmem_shared>>
      %dma_wait3A_120 = arith.constant 0 : i32
      %dma_wait3A_121 = arith.constant 0 : i32
      %dma_wait3A_122 = tpu.memref_slice %arg11[%dma_wait3A_120, %dma_wait3A_121] : memref<48x144xf32, #tpu.memory_space<vmem>> -> memref<8x144xf32, #tpu.memory_space<vmem>>
      tpu.wait_dma2 semaphore(%run_scoped3A : memref<!tpu.dma_semaphore, #tpu.memory_space<semaphore_mem>>) src(%dma_wait3A_122 : memref<8x144xf32, #tpu.memory_space<vmem>>) dst(%dma_wait3A_119 : memref<8x144xf32, #tpu.memory_space<vmem_shared>>)
      tpu.yield
    }) : () -> ()
    %barrier3A = arith.constant 0 : index
    tpu.barrier barrier_id(%barrier3A)
    %dma_start3A = arith.constant 0 : i32
    %dma_start3A_70 = arith.constant 0 : i32
    %dma_start3A_71 = tpu.memref_slice %arg9[%dma_start3A, %dma_start3A_70] : memref<210x48xi32, #tpu.memory_space<vmem>> -> memref<1x48xi32, #tpu.memory_space<vmem>>
    %dma_start3A_72 = tpu.memref_squeeze %dma_start3A_71 : memref<1x48xi32, #tpu.memory_space<vmem>> -> memref<48xi32, #tpu.memory_space<vmem>>
    %dma_start3A_73 = arith.constant 0 : i32
    %dma_start3A_74 = arith.constant 0 : i32
    %dma_start3A_75 = tpu.memref_slice %arg2[%dma_start3A_73, %dma_start3A_74] : memref<10112x144xf32, #tpu.memory_space<hbm>> -> memref<10112x144xf32, #tpu.memory_space<hbm>>
    tpu.enqueue_indirect_dma source(%dma_start3A_75 : memref<10112x144xf32, #tpu.memory_space<hbm>>) target(%arg11 : memref<48x144xf32, #tpu.memory_space<vmem>>) offsets(%dma_start3A_72 : memref<48xi32, #tpu.memory_space<vmem>>) semaphore(%arg15 : memref<!tpu.dma_semaphore, #tpu.memory_space<semaphore_mem>>)
    %dma_start3A_76 = arith.constant 0 : i32
    %dma_start3A_77 = arith.constant 0 : i32
    %dma_start3A_78 = tpu.memref_slice %arg10[%dma_start3A_76, %dma_start3A_77] : memref<210x48xi32, #tpu.memory_space<vmem>> -> memref<1x48xi32, #tpu.memory_space<vmem>>
    %dma_start3A_79 = tpu.memref_squeeze %dma_start3A_78 : memref<1x48xi32, #tpu.memory_space<vmem>> -> memref<48xi32, #tpu.memory_space<vmem>>
    %dma_start3A_80 = arith.constant 0 : i32
    %dma_start3A_81 = arith.constant 0 : i32
    %dma_start3A_82 = tpu.memref_slice %arg3[%dma_start3A_80, %dma_start3A_81] : memref<10112x16xf32, #tpu.memory_space<hbm>> -> memref<10112x16xf32, #tpu.memory_space<hbm>>
    tpu.enqueue_indirect_dma source(%dma_start3A_82 : memref<10112x16xf32, #tpu.memory_space<hbm>>) target(%arg13 : memref<48x16xf32, #tpu.memory_space<vmem>>) offsets(%dma_start3A_79 : memref<48xi32, #tpu.memory_space<vmem>>) semaphore(%arg17 : memref<!tpu.dma_semaphore, #tpu.memory_space<semaphore_mem>>)
    %scan3A_83 = arith.constant 0 : i32
    %scan3A_84 = arith.constant 0 : i32
    %scan3A_85 = arith.constant 105 : i32
    %scan3A_86 = arith.addi %scan3A_84, %scan3A_85 : i32
    %scan3A_87 = arith.constant 1 : i32
    %scan3A_88 = scf.for %scan3A_103 = %scan3A_84 to %scan3A_86 step %scan3A_87 iter_args(%scan3A_104 = %scan3A_83) -> (i32)  : i32 {
      %mul3A_105 = arith.constant 2 : i32
      %mul3A_106 = arith.muli %scan3A_103, %mul3A_105 : i32
      %add3A_107 = arith.constant 0 : i32
      %add3A_108 = arith.addi %mul3A_106, %add3A_107 : i32
      %dma_wait3A_109 = arith.constant 0 : i32
      %dma_wait3A_110 = tpu.memref_slice %arg9[%add3A_108, %dma_wait3A_109] : memref<210x48xi32, #tpu.memory_space<vmem>> -> memref<1x48xi32, #tpu.memory_space<vmem>>
      %dma_wait3A_111 = tpu.memref_squeeze %dma_wait3A_110 : memref<1x48xi32, #tpu.memory_space<vmem>> -> memref<48xi32, #tpu.memory_space<vmem>>
      %dma_wait3A_112 = arith.constant 0 : i32
      %dma_wait3A_113 = arith.constant 0 : i32
      %dma_wait3A_114 = tpu.memref_slice %arg2[%dma_wait3A_112, %dma_wait3A_113] : memref<10112x144xf32, #tpu.memory_space<hbm>> -> memref<10112x144xf32, #tpu.memory_space<hbm>>
      tpu.wait_indirect_dma semaphore(%arg15 : memref<!tpu.dma_semaphore, #tpu.memory_space<semaphore_mem>>) src(%dma_wait3A_114 : memref<10112x144xf32, #tpu.memory_space<hbm>>) dst(%arg11 : memref<48x144xf32, #tpu.memory_space<vmem>>)
      %dma_wait3A_115 = arith.constant 0 : i32
      %dma_wait3A_116 = tpu.memref_slice %arg10[%add3A_108, %dma_wait3A_115] : memref<210x48xi32, #tpu.memory_space<vmem>> -> memref<1x48xi32, #tpu.memory_space<vmem>>
      %dma_wait3A_117 = tpu.memref_squeeze %dma_wait3A_116 : memref<1x48xi32, #tpu.memory_space<vmem>> -> memref<48xi32, #tpu.memory_space<vmem>>
      %dma_wait3A_118 = arith.constant 0 : i32
      %dma_wait3A_119 = arith.constant 0 : i32
      %dma_wait3A_120 = tpu.memref_slice %arg3[%dma_wait3A_118, %dma_wait3A_119] : memref<10112x16xf32, #tpu.memory_space<hbm>> -> memref<10112x16xf32, #tpu.memory_space<hbm>>
      tpu.wait_indirect_dma semaphore(%arg17 : memref<!tpu.dma_semaphore, #tpu.memory_space<semaphore_mem>>) src(%dma_wait3A_120 : memref<10112x16xf32, #tpu.memory_space<hbm>>) dst(%arg13 : memref<48x16xf32, #tpu.memory_space<vmem>>)
      %ge3A = arith.constant 1 : i32
      %ge3A_121 = arith.cmpi sge, %add3A_108, %ge3A : i32
      %convert_element_type3A_122 = arith.extui %ge3A_121 : i1 to i32
      %cond3A_123 = arith.constant 0 : i32
      %cond3A_124 = arith.cmpi ne, %convert_element_type3A_122, %cond3A_123 : i32
      scf.if %cond3A_124 {
        %sub3A = arith.constant 1 : i32
        %sub3A_185 = arith.subi %add3A_108, %sub3A : i32
        %dma_wait3A_186 = arith.constant 0 : i32
        %dma_wait3A_187 = arith.constant 0 : i32
        %dma_wait3A_188 = tpu.memref_slice %arg2[%dma_wait3A_186, %dma_wait3A_187] : memref<10112x144xf32, #tpu.memory_space<hbm>> -> memref<48x144xf32, #tpu.memory_space<hbm>>
        %dma_wait3A_189 = arith.constant 0 : i32
        %dma_wait3A_190 = arith.constant 0 : i32
        %dma_wait3A_191 = tpu.memref_slice %arg2[%dma_wait3A_189, %dma_wait3A_190] : memref<10112x144xf32, #tpu.memory_space<hbm>> -> memref<48x144xf32, #tpu.memory_space<hbm>>
        tpu.wait_dma2 semaphore(%arg20 : memref<!tpu.dma_semaphore, #tpu.memory_space<semaphore_mem>>) src(%dma_wait3A_191 : memref<48x144xf32, #tpu.memory_space<hbm>>) dst(%arg12 : memref<48x144xf32, #tpu.memory_space<vmem>>)
      } else {
      }
      %add3A_125 = arith.constant 1 : i32
      %add3A_126 = arith.addi %add3A_108, %add3A_125 : i32
      %lt3A_127 = arith.constant 210 : i32
      %lt3A_128 = arith.cmpi slt, %add3A_126, %lt3A_127 : i32
      %convert_element_type3A_129 = arith.extui %lt3A_128 : i1 to i32
      %cond3A_130 = arith.constant 0 : i32
      %cond3A_131 = arith.cmpi ne, %convert_element_type3A_129, %cond3A_130 : i32
      scf.if %cond3A_131 {
        %add3A_185 = arith.constant 1 : i32
        %add3A_186 = arith.addi %add3A_108, %add3A_185 : i32
        %dma_start3A_187 = arith.constant 0 : i32
        %dma_start3A_188 = tpu.memref_slice %arg9[%add3A_186, %dma_start3A_187] : memref<210x48xi32, #tpu.memory_space<vmem>> -> memref<1x48xi32, #tpu.memory_space<vmem>>
        %dma_start3A_189 = tpu.memref_squeeze %dma_start3A_188 : memref<1x48xi32, #tpu.memory_space<vmem>> -> memref<48xi32, #tpu.memory_space<vmem>>
        %dma_start3A_190 = arith.constant 0 : i32
        %dma_start3A_191 = arith.constant 0 : i32
        %dma_start3A_192 = tpu.memref_slice %arg2[%dma_start3A_190, %dma_start3A_191] : memref<10112x144xf32, #tpu.memory_space<hbm>> -> memref<10112x144xf32, #tpu.memory_space<hbm>>
        tpu.enqueue_indirect_dma source(%dma_start3A_192 : memref<10112x144xf32, #tpu.memory_space<hbm>>) target(%arg12 : memref<48x144xf32, #tpu.memory_space<vmem>>) offsets(%dma_start3A_189 : memref<48xi32, #tpu.memory_space<vmem>>) semaphore(%arg16 : memref<!tpu.dma_semaphore, #tpu.memory_space<semaphore_mem>>)
        %dma_start3A_193 = arith.constant 0 : i32
        %dma_start3A_194 = tpu.memref_slice %arg10[%add3A_186, %dma_start3A_193] : memref<210x48xi32, #tpu.memory_space<vmem>> -> memref<1x48xi32, #tpu.memory_space<vmem>>
        %dma_start3A_195 = tpu.memref_squeeze %dma_start3A_194 : memref<1x48xi32, #tpu.memory_space<vmem>> -> memref<48xi32, #tpu.memory_space<vmem>>
        %dma_start3A_196 = arith.constant 0 : i32
        %dma_start3A_197 = arith.constant 0 : i32
        %dma_start3A_198 = tpu.memref_slice %arg3[%dma_start3A_196, %dma_start3A_197] : memref<10112x16xf32, #tpu.memory_space<hbm>> -> memref<10112x16xf32, #tpu.memory_space<hbm>>
        tpu.enqueue_indirect_dma source(%dma_start3A_198 : memref<10112x16xf32, #tpu.memory_space<hbm>>) target(%arg14 : memref<48x16xf32, #tpu.memory_space<vmem>>) offsets(%dma_start3A_195 : memref<48xi32, #tpu.memory_space<vmem>>) semaphore(%arg18 : memref<!tpu.dma_semaphore, #tpu.memory_space<semaphore_mem>>)
      } else {
      }
      %scan3A_132 = arith.constant 0 : i32
      %scan3A_133 = arith.constant 0 : i32
      %scan3A_134 = arith.constant 12 : i32
      %scan3A_135 = arith.addi %scan3A_133, %scan3A_134 : i32
      %scan3A_136 = arith.constant 1 : i32
      %scan3A_137 = scf.for %scan3A_185 = %scan3A_133 to %scan3A_135 step %scan3A_136 iter_args(%scan3A_186 = %scan3A_132) -> (i32)  : i32 {
        %mul3A_187 = arith.constant 4 : i32
        %mul3A_188 = arith.muli %mul3A_187, %scan3A_185 : i32
        %add3A_189 = arith.constant 0 : i32
        %add3A_190 = arith.addi %mul3A_188, %add3A_189 : i32
        %get3A = arith.index_cast %add3A_190 : i32 to index
        %get3A_191 = arith.constant 128 : index
        %get3A_192 = tpu.vector_load %arg11[%get3A, %get3A_191] {strides = array<i32>} : memref<48x144xf32, #tpu.memory_space<vmem>>, vector<1x16xf32>,
        %get3A_193 = vector.shape_cast %get3A_192 : vector<1x16xf32> to vector<16xf32>
        %get3A_194 = arith.index_cast %add3A_190 : i32 to index
        %get3A_195 = arith.constant 0 : index
        %get3A_196 = tpu.vector_load %arg13[%get3A_194, %get3A_195] {strides = array<i32>} : memref<48x16xf32, #tpu.memory_space<vmem>>, vector<1x16xf32>,
        %get3A_197 = vector.shape_cast %get3A_196 : vector<1x16xf32> to vector<16xf32>
        %add3A_198 = arith.addf %get3A_193, %get3A_197 : vector<16xf32>
        %mul3A_199 = arith.constant 2.000000e-01 : f32
        %mul3A_200 = vector.broadcast %mul3A_199 : f32 to vector<16xf32>
        %mul3A_201 = arith.mulf %add3A_198, %mul3A_200 : vector<16xf32>
        %max3A = arith.maximumf %add3A_198, %mul3A_201 : vector<16xf32>
        %exp3A = math.exp %max3A : vector<16xf32>
        %jit3A = arith.constant 0.000000e+00 : f32
        %broadcast_in_dim3A_202 = vector.broadcast %jit3A : f32 to vector<16xf32>
        %select_n3A = arith.select %lt3A_2, %exp3A, %broadcast_in_dim3A_202 : vector<16xi1>, vector<16xf32>
        %swap3A = arith.index_cast %add3A_190 : i32 to index
        %swap3A_203 = arith.constant 128 : index
        %swap3A_204 = tpu.vector_load %arg11[%swap3A, %swap3A_203] {strides = array<i32>} : memref<48x144xf32, #tpu.memory_space<vmem>>, vector<1x16xf32>,
        %swap3A_205 = vector.shape_cast %swap3A_204 : vector<1x16xf32> to vector<16xf32>
        %swap3A_206 = vector.shape_cast %select_n3A : vector<16xf32> to vector<1x16xf32>
        tpu.vector_store %arg11[%swap3A, %swap3A_203], %swap3A_206 {strides = array<i32>} : memref<48x144xf32, #tpu.memory_space<vmem>>, vector<1x16xf32>,
        %slice3A = vector.extract_strided_slice %exp3A {offsets = [0], sizes = [1], strides = [1]} : vector<16xf32> to vector<1xf32>
        %squeeze3A = vector.extract %slice3A[0] : f32 from vector<1xf32>
        %broadcast_in_dim3A_207 = vector.broadcast %squeeze3A : f32 to vector<16xf32>
        %get3A_208 = arith.index_cast %add3A_190 : i32 to index
        %get3A_209 = arith.constant 0 : index
        %get3A_210 = tpu.vector_load %arg11[%get3A_208, %get3A_209] {strides = array<i32>} : memref<48x144xf32, #tpu.memory_space<vmem>>, vector<1x16xf32>,
        %get3A_211 = vector.shape_cast %get3A_210 : vector<1x16xf32> to vector<16xf32>
        %mul3A_212 = arith.mulf %get3A_211, %broadcast_in_dim3A_207 : vector<16xf32>
        %swap3A_213 = arith.index_cast %add3A_190 : i32 to index
        %swap3A_214 = arith.constant 0 : index
        %swap3A_215 = tpu.vector_load %arg11[%swap3A_213, %swap3A_214] {strides = array<i32>} : memref<48x144xf32, #tpu.memory_space<vmem>>, vector<1x16xf32>,
        %swap3A_216 = vector.shape_cast %swap3A_215 : vector<1x16xf32> to vector<16xf32>
        %swap3A_217 = vector.shape_cast %mul3A_212 : vector<16xf32> to vector<1x16xf32>
        tpu.vector_store %arg11[%swap3A_213, %swap3A_214], %swap3A_217 {strides = array<i32>} : memref<48x144xf32, #tpu.memory_space<vmem>>, vector<1x16xf32>,
        %get3A_218 = arith.index_cast %add3A_190 : i32 to index
        %get3A_219 = arith.constant 16 : index
        %get3A_220 = tpu.vector_load %arg11[%get3A_218, %get3A_219] {strides = array<i32>} : memref<48x144xf32, #tpu.memory_space<vmem>>, vector<1x16xf32>,
        %get3A_221 = vector.shape_cast %get3A_220 : vector<1x16xf32> to vector<16xf32>
        %mul3A_222 = arith.mulf %get3A_221, %broadcast_in_dim3A_207 : vector<16xf32>
        %swap3A_223 = arith.index_cast %add3A_190 : i32 to index
        %swap3A_224 = arith.constant 16 : index
        %swap3A_225 = tpu.vector_load %arg11[%swap3A_223, %swap3A_224] {strides = array<i32>} : memref<48x144xf32, #tpu.memory_space<vmem>>, vector<1x16xf32>,
        %swap3A_226 = vector.shape_cast %swap3A_225 : vector<1x16xf32> to vector<16xf32>
        %swap3A_227 = vector.shape_cast %mul3A_222 : vector<16xf32> to vector<1x16xf32>
        tpu.vector_store %arg11[%swap3A_223, %swap3A_224], %swap3A_227 {strides = array<i32>} : memref<48x144xf32, #tpu.memory_space<vmem>>, vector<1x16xf32>,
        %slice3A_228 = vector.extract_strided_slice %exp3A {offsets = [1], sizes = [1], strides = [1]} : vector<16xf32> to vector<1xf32>
        %squeeze3A_229 = vector.extract %slice3A_228[0] : f32 from vector<1xf32>
        %broadcast_in_dim3A_230 = vector.broadcast %squeeze3A_229 : f32 to vector<16xf32>
        %get3A_231 = arith.index_cast %add3A_190 : i32 to index
        %get3A_232 = arith.constant 32 : index
        %get3A_233 = tpu.vector_load %arg11[%get3A_231, %get3A_232] {strides = array<i32>} : memref<48x144xf32, #tpu.memory_space<vmem>>, vector<1x16xf32>,
        %get3A_234 = vector.shape_cast %get3A_233 : vector<1x16xf32> to vector<16xf32>
        %mul3A_235 = arith.mulf %get3A_234, %broadcast_in_dim3A_230 : vector<16xf32>
        %swap3A_236 = arith.index_cast %add3A_190 : i32 to index
        %swap3A_237 = arith.constant 32 : index
        %swap3A_238 = tpu.vector_load %arg11[%swap3A_236, %swap3A_237] {strides = array<i32>} : memref<48x144xf32, #tpu.memory_space<vmem>>, vector<1x16xf32>,
        %swap3A_239 = vector.shape_cast %swap3A_238 : vector<1x16xf32> to vector<16xf32>
        %swap3A_240 = vector.shape_cast %mul3A_235 : vector<16xf32> to vector<1x16xf32>
        tpu.vector_store %arg11[%swap3A_236, %swap3A_237], %swap3A_240 {strides = array<i32>} : memref<48x144xf32, #tpu.memory_space<vmem>>, vector<1x16xf32>,
        %get3A_241 = arith.index_cast %add3A_190 : i32 to index
        %get3A_242 = arith.constant 48 : index
        %get3A_243 = tpu.vector_load %arg11[%get3A_241, %get3A_242] {strides = array<i32>} : memref<48x144xf32, #tpu.memory_space<vmem>>, vector<1x16xf32>,
        %get3A_244 = vector.shape_cast %get3A_243 : vector<1x16xf32> to vector<16xf32>
        %mul3A_245 = arith.mulf %get3A_244, %broadcast_in_dim3A_230 : vector<16xf32>
        %swap3A_246 = arith.index_cast %add3A_190 : i32 to index
        %swap3A_247 = arith.constant 48 : index
        %swap3A_248 = tpu.vector_load %arg11[%swap3A_246, %swap3A_247] {strides = array<i32>} : memref<48x144xf32, #tpu.memory_space<vmem>>, vector<1x16xf32>,
        %swap3A_249 = vector.shape_cast %swap3A_248 : vector<1x16xf32> to vector<16xf32>
        %swap3A_250 = vector.shape_cast %mul3A_245 : vector<16xf32> to vector<1x16xf32>
        tpu.vector_store %arg11[%swap3A_246, %swap3A_247], %swap3A_250 {strides = array<i32>} : memref<48x144xf32, #tpu.memory_space<vmem>>, vector<1x16xf32>,
        %slice3A_251 = vector.extract_strided_slice %exp3A {offsets = [2], sizes = [1], strides = [1]} : vector<16xf32> to vector<1xf32>
        %squeeze3A_252 = vector.extract %slice3A_251[0] : f32 from vector<1xf32>
        %broadcast_in_dim3A_253 = vector.broadcast %squeeze3A_252 : f32 to vector<16xf32>
        %get3A_254 = arith.index_cast %add3A_190 : i32 to index
        %get3A_255 = arith.constant 64 : index
        %get3A_256 = tpu.vector_load %arg11[%get3A_254, %get3A_255] {strides = array<i32>} : memref<48x144xf32, #tpu.memory_space<vmem>>, vector<1x16xf32>,
        %get3A_257 = vector.shape_cast %get3A_256 : vector<1x16xf32> to vector<16xf32>
        %mul3A_258 = arith.mulf %get3A_257, %broadcast_in_dim3A_253 : vector<16xf32>
        %swap3A_259 = arith.index_cast %add3A_190 : i32 to index
        %swap3A_260 = arith.constant 64 : index
        %swap3A_261 = tpu.vector_load %arg11[%swap3A_259, %swap3A_260] {strides = array<i32>} : memref<48x144xf32, #tpu.memory_space<vmem>>, vector<1x16xf32>,
        %swap3A_262 = vector.shape_cast %swap3A_261 : vector<1x16xf32> to vector<16xf32>
        %swap3A_263 = vector.shape_cast %mul3A_258 : vector<16xf32> to vector<1x16xf32>
        tpu.vector_store %arg11[%swap3A_259, %swap3A_260], %swap3A_263 {strides = array<i32>} : memref<48x144xf32, #tpu.memory_space<vmem>>, vector<1x16xf32>,
        %get3A_264 = arith.index_cast %add3A_190 : i32 to index
        %get3A_265 = arith.constant 80 : index
        %get3A_266 = tpu.vector_load %arg11[%get3A_264, %get3A_265] {strides = array<i32>} : memref<48x144xf32, #tpu.memory_space<vmem>>, vector<1x16xf32>,
        %get3A_267 = vector.shape_cast %get3A_266 : vector<1x16xf32> to vector<16xf32>
        %mul3A_268 = arith.mulf %get3A_267, %broadcast_in_dim3A_253 : vector<16xf32>
        %swap3A_269 = arith.index_cast %add3A_190 : i32 to index
        %swap3A_270 = arith.constant 80 : index
        %swap3A_271 = tpu.vector_load %arg11[%swap3A_269, %swap3A_270] {strides = array<i32>} : memref<48x144xf32, #tpu.memory_space<vmem>>, vector<1x16xf32>,
        %swap3A_272 = vector.shape_cast %swap3A_271 : vector<1x16xf32> to vector<16xf32>
        %swap3A_273 = vector.shape_cast %mul3A_268 : vector<16xf32> to vector<1x16xf32>
        tpu.vector_store %arg11[%swap3A_269, %swap3A_270], %swap3A_273 {strides = array<i32>} : memref<48x144xf32, #tpu.memory_space<vmem>>, vector<1x16xf32>,
        %slice3A_274 = vector.extract_strided_slice %exp3A {offsets = [3], sizes = [1], strides = [1]} : vector<16xf32> to vector<1xf32>
        %squeeze3A_275 = vector.extract %slice3A_274[0] : f32 from vector<1xf32>
        %broadcast_in_dim3A_276 = vector.broadcast %squeeze3A_275 : f32 to vector<16xf32>
        %get3A_277 = arith.index_cast %add3A_190 : i32 to index
        %get3A_278 = arith.constant 96 : index
        %get3A_279 = tpu.vector_load %arg11[%get3A_277, %get3A_278] {strides = array<i32>} : memref<48x144xf32, #tpu.memory_space<vmem>>, vector<1x16xf32>,
        %get3A_280 = vector.shape_cast %get3A_279 : vector<1x16xf32> to vector<16xf32>
        %mul3A_281 = arith.mulf %get3A_280, %broadcast_in_dim3A_276 : vector<16xf32>
        %swap3A_282 = arith.index_cast %add3A_190 : i32 to index
        %swap3A_283 = arith.constant 96 : index
        %swap3A_284 = tpu.vector_load %arg11[%swap3A_282, %swap3A_283] {strides = array<i32>} : memref<48x144xf32, #tpu.memory_space<vmem>>, vector<1x16xf32>,
        %swap3A_285 = vector.shape_cast %swap3A_284 : vector<1x16xf32> to vector<16xf32>
        %swap3A_286 = vector.shape_cast %mul3A_281 : vector<16xf32> to vector<1x16xf32>
        tpu.vector_store %arg11[%swap3A_282, %swap3A_283], %swap3A_286 {strides = array<i32>} : memref<48x144xf32, #tpu.memory_space<vmem>>, vector<1x16xf32>,
        %get3A_287 = arith.index_cast %add3A_190 : i32 to index
        %get3A_288 = arith.constant 112 : index
        %get3A_289 = tpu.vector_load %arg11[%get3A_287, %get3A_288] {strides = array<i32>} : memref<48x144xf32, #tpu.memory_space<vmem>>, vector<1x16xf32>,
        %get3A_290 = vector.shape_cast %get3A_289 : vector<1x16xf32> to vector<16xf32>
        %mul3A_291 = arith.mulf %get3A_290, %broadcast_in_dim3A_276 : vector<16xf32>
        %swap3A_292 = arith.index_cast %add3A_190 : i32 to index
        %swap3A_293 = arith.constant 112 : index
        %swap3A_294 = tpu.vector_load %arg11[%swap3A_292, %swap3A_293] {strides = array<i32>} : memref<48x144xf32, #tpu.memory_space<vmem>>, vector<1x16xf32>,
        %swap3A_295 = vector.shape_cast %swap3A_294 : vector<1x16xf32> to vector<16xf32>
        %swap3A_296 = vector.shape_cast %mul3A_291 : vector<16xf32> to vector<1x16xf32>
        tpu.vector_store %arg11[%swap3A_292, %swap3A_293], %swap3A_296 {strides = array<i32>} : memref<48x144xf32, #tpu.memory_space<vmem>>, vector<1x16xf32>,
        %mul3A_297 = arith.constant 4 : i32
        %mul3A_298 = arith.muli %mul3A_297, %scan3A_185 : i32
        %add3A_299 = arith.constant 1 : i32
        %add3A_300 = arith.addi %mul3A_298, %add3A_299 : i32
        %get3A_301 = arith.index_cast %add3A_300 : i32 to index
        %get3A_302 = arith.constant 128 : index
        %get3A_303 = tpu.vector_load %arg11[%get3A_301, %get3A_302] {strides = array<i32>} : memref<48x144xf32, #tpu.memory_space<vmem>>, vector<1x16xf32>,
        %get3A_304 = vector.shape_cast %get3A_303 : vector<1x16xf32> to vector<16xf32>
        %get3A_305 = arith.index_cast %add3A_300 : i32 to index
        %get3A_306 = arith.constant 0 : index
        %get3A_307 = tpu.vector_load %arg13[%get3A_305, %get3A_306] {strides = array<i32>} : memref<48x16xf32, #tpu.memory_space<vmem>>, vector<1x16xf32>,
        %get3A_308 = vector.shape_cast %get3A_307 : vector<1x16xf32> to vector<16xf32>
        %add3A_309 = arith.addf %get3A_304, %get3A_308 : vector<16xf32>
        %mul3A_310 = arith.constant 2.000000e-01 : f32
        %mul3A_311 = vector.broadcast %mul3A_310 : f32 to vector<16xf32>
        %mul3A_312 = arith.mulf %add3A_309, %mul3A_311 : vector<16xf32>
        %max3A_313 = arith.maximumf %add3A_309, %mul3A_312 : vector<16xf32>
        %exp3A_314 = math.exp %max3A_313 : vector<16xf32>
        %jit3A_315 = arith.constant 0.000000e+00 : f32
        %broadcast_in_dim3A_316 = vector.broadcast %jit3A_315 : f32 to vector<16xf32>
        %select_n3A_317 = arith.select %lt3A_2, %exp3A_314, %broadcast_in_dim3A_316 : vector<16xi1>, vector<16xf32>
        %swap3A_318 = arith.index_cast %add3A_300 : i32 to index
        %swap3A_319 = arith.constant 128 : index
        %swap3A_320 = tpu.vector_load %arg11[%swap3A_318, %swap3A_319] {strides = array<i32>} : memref<48x144xf32, #tpu.memory_space<vmem>>, vector<1x16xf32>,
        %swap3A_321 = vector.shape_cast %swap3A_320 : vector<1x16xf32> to vector<16xf32>
        %swap3A_322 = vector.shape_cast %select_n3A_317 : vector<16xf32> to vector<1x16xf32>
        tpu.vector_store %arg11[%swap3A_318, %swap3A_319], %swap3A_322 {strides = array<i32>} : memref<48x144xf32, #tpu.memory_space<vmem>>, vector<1x16xf32>,
        %slice3A_323 = vector.extract_strided_slice %exp3A_314 {offsets = [0], sizes = [1], strides = [1]} : vector<16xf32> to vector<1xf32>
        %squeeze3A_324 = vector.extract %slice3A_323[0] : f32 from vector<1xf32>
        %broadcast_in_dim3A_325 = vector.broadcast %squeeze3A_324 : f32 to vector<16xf32>
        %get3A_326 = arith.index_cast %add3A_300 : i32 to index
        %get3A_327 = arith.constant 0 : index
        %get3A_328 = tpu.vector_load %arg11[%get3A_326, %get3A_327] {strides = array<i32>} : memref<48x144xf32, #tpu.memory_space<vmem>>, vector<1x16xf32>,
        %get3A_329 = vector.shape_cast %get3A_328 : vector<1x16xf32> to vector<16xf32>
        %mul3A_330 = arith.mulf %get3A_329, %broadcast_in_dim3A_325 : vector<16xf32>
        %swap3A_331 = arith.index_cast %add3A_300 : i32 to index
        %swap3A_332 = arith.constant 0 : index
        %swap3A_333 = tpu.vector_load %arg11[%swap3A_331, %swap3A_332] {strides = array<i32>} : memref<48x144xf32, #tpu.memory_space<vmem>>, vector<1x16xf32>,
        %swap3A_334 = vector.shape_cast %swap3A_333 : vector<1x16xf32> to vector<16xf32>
        %swap3A_335 = vector.shape_cast %mul3A_330 : vector<16xf32> to vector<1x16xf32>
        tpu.vector_store %arg11[%swap3A_331, %swap3A_332], %swap3A_335 {strides = array<i32>} : memref<48x144xf32, #tpu.memory_space<vmem>>, vector<1x16xf32>,
        %get3A_336 = arith.index_cast %add3A_300 : i32 to index
        %get3A_337 = arith.constant 16 : index
        %get3A_338 = tpu.vector_load %arg11[%get3A_336, %get3A_337] {strides = array<i32>} : memref<48x144xf32, #tpu.memory_space<vmem>>, vector<1x16xf32>,
        %get3A_339 = vector.shape_cast %get3A_338 : vector<1x16xf32> to vector<16xf32>
        %mul3A_340 = arith.mulf %get3A_339, %broadcast_in_dim3A_325 : vector<16xf32>
        %swap3A_341 = arith.index_cast %add3A_300 : i32 to index
        %swap3A_342 = arith.constant 16 : index
        %swap3A_343 = tpu.vector_load %arg11[%swap3A_341, %swap3A_342] {strides = array<i32>} : memref<48x144xf32, #tpu.memory_space<vmem>>, vector<1x16xf32>,
        %swap3A_344 = vector.shape_cast %swap3A_343 : vector<1x16xf32> to vector<16xf32>
        %swap3A_345 = vector.shape_cast %mul3A_340 : vector<16xf32> to vector<1x16xf32>
        tpu.vector_store %arg11[%swap3A_341, %swap3A_342], %swap3A_345 {strides = array<i32>} : memref<48x144xf32, #tpu.memory_space<vmem>>, vector<1x16xf32>,
        %slice3A_346 = vector.extract_strided_slice %exp3A_314 {offsets = [1], sizes = [1], strides = [1]} : vector<16xf32> to vector<1xf32>
        %squeeze3A_347 = vector.extract %slice3A_346[0] : f32 from vector<1xf32>
        %broadcast_in_dim3A_348 = vector.broadcast %squeeze3A_347 : f32 to vector<16xf32>
        %get3A_349 = arith.index_cast %add3A_300 : i32 to index
        %get3A_350 = arith.constant 32 : index
        %get3A_351 = tpu.vector_load %arg11[%get3A_349, %get3A_350] {strides = array<i32>} : memref<48x144xf32, #tpu.memory_space<vmem>>, vector<1x16xf32>,
        %get3A_352 = vector.shape_cast %get3A_351 : vector<1x16xf32> to vector<16xf32>
        %mul3A_353 = arith.mulf %get3A_352, %broadcast_in_dim3A_348 : vector<16xf32>
        %swap3A_354 = arith.index_cast %add3A_300 : i32 to index
        %swap3A_355 = arith.constant 32 : index
        %swap3A_356 = tpu.vector_load %arg11[%swap3A_354, %swap3A_355] {strides = array<i32>} : memref<48x144xf32, #tpu.memory_space<vmem>>, vector<1x16xf32>,
        %swap3A_357 = vector.shape_cast %swap3A_356 : vector<1x16xf32> to vector<16xf32>
        %swap3A_358 = vector.shape_cast %mul3A_353 : vector<16xf32> to vector<1x16xf32>
        tpu.vector_store %arg11[%swap3A_354, %swap3A_355], %swap3A_358 {strides = array<i32>} : memref<48x144xf32, #tpu.memory_space<vmem>>, vector<1x16xf32>,
        %get3A_359 = arith.index_cast %add3A_300 : i32 to index
        %get3A_360 = arith.constant 48 : index
        %get3A_361 = tpu.vector_load %arg11[%get3A_359, %get3A_360] {strides = array<i32>} : memref<48x144xf32, #tpu.memory_space<vmem>>, vector<1x16xf32>,
        %get3A_362 = vector.shape_cast %get3A_361 : vector<1x16xf32> to vector<16xf32>
        %mul3A_363 = arith.mulf %get3A_362, %broadcast_in_dim3A_348 : vector<16xf32>
        %swap3A_364 = arith.index_cast %add3A_300 : i32 to index
        %swap3A_365 = arith.constant 48 : index
        %swap3A_366 = tpu.vector_load %arg11[%swap3A_364, %swap3A_365] {strides = array<i32>} : memref<48x144xf32, #tpu.memory_space<vmem>>, vector<1x16xf32>,
        %swap3A_367 = vector.shape_cast %swap3A_366 : vector<1x16xf32> to vector<16xf32>
        %swap3A_368 = vector.shape_cast %mul3A_363 : vector<16xf32> to vector<1x16xf32>
        tpu.vector_store %arg11[%swap3A_364, %swap3A_365], %swap3A_368 {strides = array<i32>} : memref<48x144xf32, #tpu.memory_space<vmem>>, vector<1x16xf32>,
        %slice3A_369 = vector.extract_strided_slice %exp3A_314 {offsets = [2], sizes = [1], strides = [1]} : vector<16xf32> to vector<1xf32>
        %squeeze3A_370 = vector.extract %slice3A_369[0] : f32 from vector<1xf32>
        %broadcast_in_dim3A_371 = vector.broadcast %squeeze3A_370 : f32 to vector<16xf32>
        %get3A_372 = arith.index_cast %add3A_300 : i32 to index
        %get3A_373 = arith.constant 64 : index
        %get3A_374 = tpu.vector_load %arg11[%get3A_372, %get3A_373] {strides = array<i32>} : memref<48x144xf32, #tpu.memory_space<vmem>>, vector<1x16xf32>,
        %get3A_375 = vector.shape_cast %get3A_374 : vector<1x16xf32> to vector<16xf32>
        %mul3A_376 = arith.mulf %get3A_375, %broadcast_in_dim3A_371 : vector<16xf32>
        %swap3A_377 = arith.index_cast %add3A_300 : i32 to index
        %swap3A_378 = arith.constant 64 : index
        %swap3A_379 = tpu.vector_load %arg11[%swap3A_377, %swap3A_378] {strides = array<i32>} : memref<48x144xf32, #tpu.memory_space<vmem>>, vector<1x16xf32>,
        %swap3A_380 = vector.shape_cast %swap3A_379 : vector<1x16xf32> to vector<16xf32>
        %swap3A_381 = vector.shape_cast %mul3A_376 : vector<16xf32> to vector<1x16xf32>
        tpu.vector_store %arg11[%swap3A_377, %swap3A_378], %swap3A_381 {strides = array<i32>} : memref<48x144xf32, #tpu.memory_space<vmem>>, vector<1x16xf32>,
        %get3A_382 = arith.index_cast %add3A_300 : i32 to index
        %get3A_383 = arith.constant 80 : index
        %get3A_384 = tpu.vector_load %arg11[%get3A_382, %get3A_383] {strides = array<i32>} : memref<48x144xf32, #tpu.memory_space<vmem>>, vector<1x16xf32>,
        %get3A_385 = vector.shape_cast %get3A_384 : vector<1x16xf32> to vector<16xf32>
        %mul3A_386 = arith.mulf %get3A_385, %broadcast_in_dim3A_371 : vector<16xf32>
        %swap3A_387 = arith.index_cast %add3A_300 : i32 to index
        %swap3A_388 = arith.constant 80 : index
        %swap3A_389 = tpu.vector_load %arg11[%swap3A_387, %swap3A_388] {strides = array<i32>} : memref<48x144xf32, #tpu.memory_space<vmem>>, vector<1x16xf32>,
        %swap3A_390 = vector.shape_cast %swap3A_389 : vector<1x16xf32> to vector<16xf32>
        %swap3A_391 = vector.shape_cast %mul3A_386 : vector<16xf32> to vector<1x16xf32>
        tpu.vector_store %arg11[%swap3A_387, %swap3A_388], %swap3A_391 {strides = array<i32>} : memref<48x144xf32, #tpu.memory_space<vmem>>, vector<1x16xf32>,
        %slice3A_392 = vector.extract_strided_slice %exp3A_314 {offsets = [3], sizes = [1], strides = [1]} : vector<16xf32> to vector<1xf32>
        %squeeze3A_393 = vector.extract %slice3A_392[0] : f32 from vector<1xf32>
        %broadcast_in_dim3A_394 = vector.broadcast %squeeze3A_393 : f32 to vector<16xf32>
        %get3A_395 = arith.index_cast %add3A_300 : i32 to index
        %get3A_396 = arith.constant 96 : index
        %get3A_397 = tpu.vector_load %arg11[%get3A_395, %get3A_396] {strides = array<i32>} : memref<48x144xf32, #tpu.memory_space<vmem>>, vector<1x16xf32>,
        %get3A_398 = vector.shape_cast %get3A_397 : vector<1x16xf32> to vector<16xf32>
        %mul3A_399 = arith.mulf %get3A_398, %broadcast_in_dim3A_394 : vector<16xf32>
        %swap3A_400 = arith.index_cast %add3A_300 : i32 to index
        %swap3A_401 = arith.constant 96 : index
        %swap3A_402 = tpu.vector_load %arg11[%swap3A_400, %swap3A_401] {strides = array<i32>} : memref<48x144xf32, #tpu.memory_space<vmem>>, vector<1x16xf32>,
        %swap3A_403 = vector.shape_cast %swap3A_402 : vector<1x16xf32> to vector<16xf32>
        %swap3A_404 = vector.shape_cast %mul3A_399 : vector<16xf32> to vector<1x16xf32>
        tpu.vector_store %arg11[%swap3A_400, %swap3A_401], %swap3A_404 {strides = array<i32>} : memref<48x144xf32, #tpu.memory_space<vmem>>, vector<1x16xf32>,
        %get3A_405 = arith.index_cast %add3A_300 : i32 to index
        %get3A_406 = arith.constant 112 : index
        %get3A_407 = tpu.vector_load %arg11[%get3A_405, %get3A_406] {strides = array<i32>} : memref<48x144xf32, #tpu.memory_space<vmem>>, vector<1x16xf32>,
        %get3A_408 = vector.shape_cast %get3A_407 : vector<1x16xf32> to vector<16xf32>
        %mul3A_409 = arith.mulf %get3A_408, %broadcast_in_dim3A_394 : vector<16xf32>
        %swap3A_410 = arith.index_cast %add3A_300 : i32 to index
        %swap3A_411 = arith.constant 112 : index
        %swap3A_412 = tpu.vector_load %arg11[%swap3A_410, %swap3A_411] {strides = array<i32>} : memref<48x144xf32, #tpu.memory_space<vmem>>, vector<1x16xf32>,
        %swap3A_413 = vector.shape_cast %swap3A_412 : vector<1x16xf32> to vector<16xf32>
        %swap3A_414 = vector.shape_cast %mul3A_409 : vector<16xf32> to vector<1x16xf32>
        tpu.vector_store %arg11[%swap3A_410, %swap3A_411], %swap3A_414 {strides = array<i32>} : memref<48x144xf32, #tpu.memory_space<vmem>>, vector<1x16xf32>,
        %mul3A_415 = arith.constant 4 : i32
        %mul3A_416 = arith.muli %mul3A_415, %scan3A_185 : i32
        %add3A_417 = arith.constant 2 : i32
        %add3A_418 = arith.addi %mul3A_416, %add3A_417 : i32
        %get3A_419 = arith.index_cast %add3A_418 : i32 to index
        %get3A_420 = arith.constant 128 : index
        %get3A_421 = tpu.vector_load %arg11[%get3A_419, %get3A_420] {strides = array<i32>} : memref<48x144xf32, #tpu.memory_space<vmem>>, vector<1x16xf32>,
        %get3A_422 = vector.shape_cast %get3A_421 : vector<1x16xf32> to vector<16xf32>
        %get3A_423 = arith.index_cast %add3A_418 : i32 to index
        %get3A_424 = arith.constant 0 : index
        %get3A_425 = tpu.vector_load %arg13[%get3A_423, %get3A_424] {strides = array<i32>} : memref<48x16xf32, #tpu.memory_space<vmem>>, vector<1x16xf32>,
        %get3A_426 = vector.shape_cast %get3A_425 : vector<1x16xf32> to vector<16xf32>
        %add3A_427 = arith.addf %get3A_422, %get3A_426 : vector<16xf32>
        %mul3A_428 = arith.constant 2.000000e-01 : f32
        %mul3A_429 = vector.broadcast %mul3A_428 : f32 to vector<16xf32>
        %mul3A_430 = arith.mulf %add3A_427, %mul3A_429 : vector<16xf32>
        %max3A_431 = arith.maximumf %add3A_427, %mul3A_430 : vector<16xf32>
        %exp3A_432 = math.exp %max3A_431 : vector<16xf32>
        %jit3A_433 = arith.constant 0.000000e+00 : f32
        %broadcast_in_dim3A_434 = vector.broadcast %jit3A_433 : f32 to vector<16xf32>
        %select_n3A_435 = arith.select %lt3A_2, %exp3A_432, %broadcast_in_dim3A_434 : vector<16xi1>, vector<16xf32>
        %swap3A_436 = arith.index_cast %add3A_418 : i32 to index
        %swap3A_437 = arith.constant 128 : index
        %swap3A_438 = tpu.vector_load %arg11[%swap3A_436, %swap3A_437] {strides = array<i32>} : memref<48x144xf32, #tpu.memory_space<vmem>>, vector<1x16xf32>,
        %swap3A_439 = vector.shape_cast %swap3A_438 : vector<1x16xf32> to vector<16xf32>
        %swap3A_440 = vector.shape_cast %select_n3A_435 : vector<16xf32> to vector<1x16xf32>
        tpu.vector_store %arg11[%swap3A_436, %swap3A_437], %swap3A_440 {strides = array<i32>} : memref<48x144xf32, #tpu.memory_space<vmem>>, vector<1x16xf32>,
        %slice3A_441 = vector.extract_strided_slice %exp3A_432 {offsets = [0], sizes = [1], strides = [1]} : vector<16xf32> to vector<1xf32>
        %squeeze3A_442 = vector.extract %slice3A_441[0] : f32 from vector<1xf32>
        %broadcast_in_dim3A_443 = vector.broadcast %squeeze3A_442 : f32 to vector<16xf32>
        %get3A_444 = arith.index_cast %add3A_418 : i32 to index
        %get3A_445 = arith.constant 0 : index
        %get3A_446 = tpu.vector_load %arg11[%get3A_444, %get3A_445] {strides = array<i32>} : memref<48x144xf32, #tpu.memory_space<vmem>>, vector<1x16xf32>,
        %get3A_447 = vector.shape_cast %get3A_446 : vector<1x16xf32> to vector<16xf32>
        %mul3A_448 = arith.mulf %get3A_447, %broadcast_in_dim3A_443 : vector<16xf32>
        %swap3A_449 = arith.index_cast %add3A_418 : i32 to index
        %swap3A_450 = arith.constant 0 : index
        %swap3A_451 = tpu.vector_load %arg11[%swap3A_449, %swap3A_450] {strides = array<i32>} : memref<48x144xf32, #tpu.memory_space<vmem>>, vector<1x16xf32>,
        %swap3A_452 = vector.shape_cast %swap3A_451 : vector<1x16xf32> to vector<16xf32>
        %swap3A_453 = vector.shape_cast %mul3A_448 : vector<16xf32> to vector<1x16xf32>
        tpu.vector_store %arg11[%swap3A_449, %swap3A_450], %swap3A_453 {strides = array<i32>} : memref<48x144xf32, #tpu.memory_space<vmem>>, vector<1x16xf32>,
        %get3A_454 = arith.index_cast %add3A_418 : i32 to index
        %get3A_455 = arith.constant 16 : index
        %get3A_456 = tpu.vector_load %arg11[%get3A_454, %get3A_455] {strides = array<i32>} : memref<48x144xf32, #tpu.memory_space<vmem>>, vector<1x16xf32>,
        %get3A_457 = vector.shape_cast %get3A_456 : vector<1x16xf32> to vector<16xf32>
        %mul3A_458 = arith.mulf %get3A_457, %broadcast_in_dim3A_443 : vector<16xf32>
        %swap3A_459 = arith.index_cast %add3A_418 : i32 to index
        %swap3A_460 = arith.constant 16 : index
        %swap3A_461 = tpu.vector_load %arg11[%swap3A_459, %swap3A_460] {strides = array<i32>} : memref<48x144xf32, #tpu.memory_space<vmem>>, vector<1x16xf32>,
        %swap3A_462 = vector.shape_cast %swap3A_461 : vector<1x16xf32> to vector<16xf32>
        %swap3A_463 = vector.shape_cast %mul3A_458 : vector<16xf32> to vector<1x16xf32>
        tpu.vector_store %arg11[%swap3A_459, %swap3A_460], %swap3A_463 {strides = array<i32>} : memref<48x144xf32, #tpu.memory_space<vmem>>, vector<1x16xf32>,
        %slice3A_464 = vector.extract_strided_slice %exp3A_432 {offsets = [1], sizes = [1], strides = [1]} : vector<16xf32> to vector<1xf32>
        %squeeze3A_465 = vector.extract %slice3A_464[0] : f32 from vector<1xf32>
        %broadcast_in_dim3A_466 = vector.broadcast %squeeze3A_465 : f32 to vector<16xf32>
        %get3A_467 = arith.index_cast %add3A_418 : i32 to index
        %get3A_468 = arith.constant 32 : index
        %get3A_469 = tpu.vector_load %arg11[%get3A_467, %get3A_468] {strides = array<i32>} : memref<48x144xf32, #tpu.memory_space<vmem>>, vector<1x16xf32>,
        %get3A_470 = vector.shape_cast %get3A_469 : vector<1x16xf32> to vector<16xf32>
        %mul3A_471 = arith.mulf %get3A_470, %broadcast_in_dim3A_466 : vector<16xf32>
        %swap3A_472 = arith.index_cast %add3A_418 : i32 to index
        %swap3A_473 = arith.constant 32 : index
        %swap3A_474 = tpu.vector_load %arg11[%swap3A_472, %swap3A_473] {strides = array<i32>} : memref<48x144xf32, #tpu.memory_space<vmem>>, vector<1x16xf32>,
        %swap3A_475 = vector.shape_cast %swap3A_474 : vector<1x16xf32> to vector<16xf32>
        %swap3A_476 = vector.shape_cast %mul3A_471 : vector<16xf32> to vector<1x16xf32>
        tpu.vector_store %arg11[%swap3A_472, %swap3A_473], %swap3A_476 {strides = array<i32>} : memref<48x144xf32, #tpu.memory_space<vmem>>, vector<1x16xf32>,
        %get3A_477 = arith.index_cast %add3A_418 : i32 to index
        %get3A_478 = arith.constant 48 : index
        %get3A_479 = tpu.vector_load %arg11[%get3A_477, %get3A_478] {strides = array<i32>} : memref<48x144xf32, #tpu.memory_space<vmem>>, vector<1x16xf32>,
        %get3A_480 = vector.shape_cast %get3A_479 : vector<1x16xf32> to vector<16xf32>
        %mul3A_481 = arith.mulf %get3A_480, %broadcast_in_dim3A_466 : vector<16xf32>
        %swap3A_482 = arith.index_cast %add3A_418 : i32 to index
        %swap3A_483 = arith.constant 48 : index
        %swap3A_484 = tpu.vector_load %arg11[%swap3A_482, %swap3A_483] {strides = array<i32>} : memref<48x144xf32, #tpu.memory_space<vmem>>, vector<1x16xf32>,
        %swap3A_485 = vector.shape_cast %swap3A_484 : vector<1x16xf32> to vector<16xf32>
        %swap3A_486 = vector.shape_cast %mul3A_481 : vector<16xf32> to vector<1x16xf32>
        tpu.vector_store %arg11[%swap3A_482, %swap3A_483], %swap3A_486 {strides = array<i32>} : memref<48x144xf32, #tpu.memory_space<vmem>>, vector<1x16xf32>,
        %slice3A_487 = vector.extract_strided_slice %exp3A_432 {offsets = [2], sizes = [1], strides = [1]} : vector<16xf32> to vector<1xf32>
        %squeeze3A_488 = vector.extract %slice3A_487[0] : f32 from vector<1xf32>
        %broadcast_in_dim3A_489 = vector.broadcast %squeeze3A_488 : f32 to vector<16xf32>
        %get3A_490 = arith.index_cast %add3A_418 : i32 to index
        %get3A_491 = arith.constant 64 : index
        %get3A_492 = tpu.vector_load %arg11[%get3A_490, %get3A_491] {strides = array<i32>} : memref<48x144xf32, #tpu.memory_space<vmem>>, vector<1x16xf32>,
        %get3A_493 = vector.shape_cast %get3A_492 : vector<1x16xf32> to vector<16xf32>
        %mul3A_494 = arith.mulf %get3A_493, %broadcast_in_dim3A_489 : vector<16xf32>
        %swap3A_495 = arith.index_cast %add3A_418 : i32 to index
        %swap3A_496 = arith.constant 64 : index
        %swap3A_497 = tpu.vector_load %arg11[%swap3A_495, %swap3A_496] {strides = array<i32>} : memref<48x144xf32, #tpu.memory_space<vmem>>, vector<1x16xf32>,
        %swap3A_498 = vector.shape_cast %swap3A_497 : vector<1x16xf32> to vector<16xf32>
        %swap3A_499 = vector.shape_cast %mul3A_494 : vector<16xf32> to vector<1x16xf32>
        tpu.vector_store %arg11[%swap3A_495, %swap3A_496], %swap3A_499 {strides = array<i32>} : memref<48x144xf32, #tpu.memory_space<vmem>>, vector<1x16xf32>,
        %get3A_500 = arith.index_cast %add3A_418 : i32 to index
        %get3A_501 = arith.constant 80 : index
        %get3A_502 = tpu.vector_load %arg11[%get3A_500, %get3A_501] {strides = array<i32>} : memref<48x144xf32, #tpu.memory_space<vmem>>, vector<1x16xf32>,
        %get3A_503 = vector.shape_cast %get3A_502 : vector<1x16xf32> to vector<16xf32>
        %mul3A_504 = arith.mulf %get3A_503, %broadcast_in_dim3A_489 : vector<16xf32>
        %swap3A_505 = arith.index_cast %add3A_418 : i32 to index
        %swap3A_506 = arith.constant 80 : index
        %swap3A_507 = tpu.vector_load %arg11[%swap3A_505, %swap3A_506] {strides = array<i32>} : memref<48x144xf32, #tpu.memory_space<vmem>>, vector<1x16xf32>,
        %swap3A_508 = vector.shape_cast %swap3A_507 : vector<1x16xf32> to vector<16xf32>
        %swap3A_509 = vector.shape_cast %mul3A_504 : vector<16xf32> to vector<1x16xf32>
        tpu.vector_store %arg11[%swap3A_505, %swap3A_506], %swap3A_509 {strides = array<i32>} : memref<48x144xf32, #tpu.memory_space<vmem>>, vector<1x16xf32>,
        %slice3A_510 = vector.extract_strided_slice %exp3A_432 {offsets = [3], sizes = [1], strides = [1]} : vector<16xf32> to vector<1xf32>
        %squeeze3A_511 = vector.extract %slice3A_510[0] : f32 from vector<1xf32>
        %broadcast_in_dim3A_512 = vector.broadcast %squeeze3A_511 : f32 to vector<16xf32>
        %get3A_513 = arith.index_cast %add3A_418 : i32 to index
        %get3A_514 = arith.constant 96 : index
        %get3A_515 = tpu.vector_load %arg11[%get3A_513, %get3A_514] {strides = array<i32>} : memref<48x144xf32, #tpu.memory_space<vmem>>, vector<1x16xf32>,
        %get3A_516 = vector.shape_cast %get3A_515 : vector<1x16xf32> to vector<16xf32>
        %mul3A_517 = arith.mulf %get3A_516, %broadcast_in_dim3A_512 : vector<16xf32>
        %swap3A_518 = arith.index_cast %add3A_418 : i32 to index
        %swap3A_519 = arith.constant 96 : index
        %swap3A_520 = tpu.vector_load %arg11[%swap3A_518, %swap3A_519] {strides = array<i32>} : memref<48x144xf32, #tpu.memory_space<vmem>>, vector<1x16xf32>,
        %swap3A_521 = vector.shape_cast %swap3A_520 : vector<1x16xf32> to vector<16xf32>
        %swap3A_522 = vector.shape_cast %mul3A_517 : vector<16xf32> to vector<1x16xf32>
        tpu.vector_store %arg11[%swap3A_518, %swap3A_519], %swap3A_522 {strides = array<i32>} : memref<48x144xf32, #tpu.memory_space<vmem>>, vector<1x16xf32>,
        %get3A_523 = arith.index_cast %add3A_418 : i32 to index
        %get3A_524 = arith.constant 112 : index
        %get3A_525 = tpu.vector_load %arg11[%get3A_523, %get3A_524] {strides = array<i32>} : memref<48x144xf32, #tpu.memory_space<vmem>>, vector<1x16xf32>,
        %get3A_526 = vector.shape_cast %get3A_525 : vector<1x16xf32> to vector<16xf32>
        %mul3A_527 = arith.mulf %get3A_526, %broadcast_in_dim3A_512 : vector<16xf32>
        %swap3A_528 = arith.index_cast %add3A_418 : i32 to index
        %swap3A_529 = arith.constant 112 : index
        %swap3A_530 = tpu.vector_load %arg11[%swap3A_528, %swap3A_529] {strides = array<i32>} : memref<48x144xf32, #tpu.memory_space<vmem>>, vector<1x16xf32>,
        %swap3A_531 = vector.shape_cast %swap3A_530 : vector<1x16xf32> to vector<16xf32>
        %swap3A_532 = vector.shape_cast %mul3A_527 : vector<16xf32> to vector<1x16xf32>
        tpu.vector_store %arg11[%swap3A_528, %swap3A_529], %swap3A_532 {strides = array<i32>} : memref<48x144xf32, #tpu.memory_space<vmem>>, vector<1x16xf32>,
        %mul3A_533 = arith.constant 4 : i32
        %mul3A_534 = arith.muli %mul3A_533, %scan3A_185 : i32
        %add3A_535 = arith.constant 3 : i32
        %add3A_536 = arith.addi %mul3A_534, %add3A_535 : i32
        %get3A_537 = arith.index_cast %add3A_536 : i32 to index
        %get3A_538 = arith.constant 128 : index
        %get3A_539 = tpu.vector_load %arg11[%get3A_537, %get3A_538] {strides = array<i32>} : memref<48x144xf32, #tpu.memory_space<vmem>>, vector<1x16xf32>,
        %get3A_540 = vector.shape_cast %get3A_539 : vector<1x16xf32> to vector<16xf32>
        %get3A_541 = arith.index_cast %add3A_536 : i32 to index
        %get3A_542 = arith.constant 0 : index
        %get3A_543 = tpu.vector_load %arg13[%get3A_541, %get3A_542] {strides = array<i32>} : memref<48x16xf32, #tpu.memory_space<vmem>>, vector<1x16xf32>,
        %get3A_544 = vector.shape_cast %get3A_543 : vector<1x16xf32> to vector<16xf32>
        %add3A_545 = arith.addf %get3A_540, %get3A_544 : vector<16xf32>
        %mul3A_546 = arith.constant 2.000000e-01 : f32
        %mul3A_547 = vector.broadcast %mul3A_546 : f32 to vector<16xf32>
        %mul3A_548 = arith.mulf %add3A_545, %mul3A_547 : vector<16xf32>
        %max3A_549 = arith.maximumf %add3A_545, %mul3A_548 : vector<16xf32>
        %exp3A_550 = math.exp %max3A_549 : vector<16xf32>
        %jit3A_551 = arith.constant 0.000000e+00 : f32
        %broadcast_in_dim3A_552 = vector.broadcast %jit3A_551 : f32 to vector<16xf32>
        %select_n3A_553 = arith.select %lt3A_2, %exp3A_550, %broadcast_in_dim3A_552 : vector<16xi1>, vector<16xf32>
        %swap3A_554 = arith.index_cast %add3A_536 : i32 to index
        %swap3A_555 = arith.constant 128 : index
        %swap3A_556 = tpu.vector_load %arg11[%swap3A_554, %swap3A_555] {strides = array<i32>} : memref<48x144xf32, #tpu.memory_space<vmem>>, vector<1x16xf32>,
        %swap3A_557 = vector.shape_cast %swap3A_556 : vector<1x16xf32> to vector<16xf32>
        %swap3A_558 = vector.shape_cast %select_n3A_553 : vector<16xf32> to vector<1x16xf32>
        tpu.vector_store %arg11[%swap3A_554, %swap3A_555], %swap3A_558 {strides = array<i32>} : memref<48x144xf32, #tpu.memory_space<vmem>>, vector<1x16xf32>,
        %slice3A_559 = vector.extract_strided_slice %exp3A_550 {offsets = [0], sizes = [1], strides = [1]} : vector<16xf32> to vector<1xf32>
        %squeeze3A_560 = vector.extract %slice3A_559[0] : f32 from vector<1xf32>
        %broadcast_in_dim3A_561 = vector.broadcast %squeeze3A_560 : f32 to vector<16xf32>
        %get3A_562 = arith.index_cast %add3A_536 : i32 to index
        %get3A_563 = arith.constant 0 : index
        %get3A_564 = tpu.vector_load %arg11[%get3A_562, %get3A_563] {strides = array<i32>} : memref<48x144xf32, #tpu.memory_space<vmem>>, vector<1x16xf32>,
        %get3A_565 = vector.shape_cast %get3A_564 : vector<1x16xf32> to vector<16xf32>
        %mul3A_566 = arith.mulf %get3A_565, %broadcast_in_dim3A_561 : vector<16xf32>
        %swap3A_567 = arith.index_cast %add3A_536 : i32 to index
        %swap3A_568 = arith.constant 0 : index
        %swap3A_569 = tpu.vector_load %arg11[%swap3A_567, %swap3A_568] {strides = array<i32>} : memref<48x144xf32, #tpu.memory_space<vmem>>, vector<1x16xf32>,
        %swap3A_570 = vector.shape_cast %swap3A_569 : vector<1x16xf32> to vector<16xf32>
        %swap3A_571 = vector.shape_cast %mul3A_566 : vector<16xf32> to vector<1x16xf32>
        tpu.vector_store %arg11[%swap3A_567, %swap3A_568], %swap3A_571 {strides = array<i32>} : memref<48x144xf32, #tpu.memory_space<vmem>>, vector<1x16xf32>,
        %get3A_572 = arith.index_cast %add3A_536 : i32 to index
        %get3A_573 = arith.constant 16 : index
        %get3A_574 = tpu.vector_load %arg11[%get3A_572, %get3A_573] {strides = array<i32>} : memref<48x144xf32, #tpu.memory_space<vmem>>, vector<1x16xf32>,
        %get3A_575 = vector.shape_cast %get3A_574 : vector<1x16xf32> to vector<16xf32>
        %mul3A_576 = arith.mulf %get3A_575, %broadcast_in_dim3A_561 : vector<16xf32>
        %swap3A_577 = arith.index_cast %add3A_536 : i32 to index
        %swap3A_578 = arith.constant 16 : index
        %swap3A_579 = tpu.vector_load %arg11[%swap3A_577, %swap3A_578] {strides = array<i32>} : memref<48x144xf32, #tpu.memory_space<vmem>>, vector<1x16xf32>,
        %swap3A_580 = vector.shape_cast %swap3A_579 : vector<1x16xf32> to vector<16xf32>
        %swap3A_581 = vector.shape_cast %mul3A_576 : vector<16xf32> to vector<1x16xf32>
        tpu.vector_store %arg11[%swap3A_577, %swap3A_578], %swap3A_581 {strides = array<i32>} : memref<48x144xf32, #tpu.memory_space<vmem>>, vector<1x16xf32>,
        %slice3A_582 = vector.extract_strided_slice %exp3A_550 {offsets = [1], sizes = [1], strides = [1]} : vector<16xf32> to vector<1xf32>
        %squeeze3A_583 = vector.extract %slice3A_582[0] : f32 from vector<1xf32>
        %broadcast_in_dim3A_584 = vector.broadcast %squeeze3A_583 : f32 to vector<16xf32>
        %get3A_585 = arith.index_cast %add3A_536 : i32 to index
        %get3A_586 = arith.constant 32 : index
        %get3A_587 = tpu.vector_load %arg11[%get3A_585, %get3A_586] {strides = array<i32>} : memref<48x144xf32, #tpu.memory_space<vmem>>, vector<1x16xf32>,
        %get3A_588 = vector.shape_cast %get3A_587 : vector<1x16xf32> to vector<16xf32>
        %mul3A_589 = arith.mulf %get3A_588, %broadcast_in_dim3A_584 : vector<16xf32>
        %swap3A_590 = arith.index_cast %add3A_536 : i32 to index
        %swap3A_591 = arith.constant 32 : index
        %swap3A_592 = tpu.vector_load %arg11[%swap3A_590, %swap3A_591] {strides = array<i32>} : memref<48x144xf32, #tpu.memory_space<vmem>>, vector<1x16xf32>,
        %swap3A_593 = vector.shape_cast %swap3A_592 : vector<1x16xf32> to vector<16xf32>
        %swap3A_594 = vector.shape_cast %mul3A_589 : vector<16xf32> to vector<1x16xf32>
        tpu.vector_store %arg11[%swap3A_590, %swap3A_591], %swap3A_594 {strides = array<i32>} : memref<48x144xf32, #tpu.memory_space<vmem>>, vector<1x16xf32>,
        %get3A_595 = arith.index_cast %add3A_536 : i32 to index
        %get3A_596 = arith.constant 48 : index
        %get3A_597 = tpu.vector_load %arg11[%get3A_595, %get3A_596] {strides = array<i32>} : memref<48x144xf32, #tpu.memory_space<vmem>>, vector<1x16xf32>,
        %get3A_598 = vector.shape_cast %get3A_597 : vector<1x16xf32> to vector<16xf32>
        %mul3A_599 = arith.mulf %get3A_598, %broadcast_in_dim3A_584 : vector<16xf32>
        %swap3A_600 = arith.index_cast %add3A_536 : i32 to index
        %swap3A_601 = arith.constant 48 : index
        %swap3A_602 = tpu.vector_load %arg11[%swap3A_600, %swap3A_601] {strides = array<i32>} : memref<48x144xf32, #tpu.memory_space<vmem>>, vector<1x16xf32>,
        %swap3A_603 = vector.shape_cast %swap3A_602 : vector<1x16xf32> to vector<16xf32>
        %swap3A_604 = vector.shape_cast %mul3A_599 : vector<16xf32> to vector<1x16xf32>
        tpu.vector_store %arg11[%swap3A_600, %swap3A_601], %swap3A_604 {strides = array<i32>} : memref<48x144xf32, #tpu.memory_space<vmem>>, vector<1x16xf32>,
        %slice3A_605 = vector.extract_strided_slice %exp3A_550 {offsets = [2], sizes = [1], strides = [1]} : vector<16xf32> to vector<1xf32>
        %squeeze3A_606 = vector.extract %slice3A_605[0] : f32 from vector<1xf32>
        %broadcast_in_dim3A_607 = vector.broadcast %squeeze3A_606 : f32 to vector<16xf32>
        %get3A_608 = arith.index_cast %add3A_536 : i32 to index
        %get3A_609 = arith.constant 64 : index
        %get3A_610 = tpu.vector_load %arg11[%get3A_608, %get3A_609] {strides = array<i32>} : memref<48x144xf32, #tpu.memory_space<vmem>>, vector<1x16xf32>,
        %get3A_611 = vector.shape_cast %get3A_610 : vector<1x16xf32> to vector<16xf32>
        %mul3A_612 = arith.mulf %get3A_611, %broadcast_in_dim3A_607 : vector<16xf32>
        %swap3A_613 = arith.index_cast %add3A_536 : i32 to index
        %swap3A_614 = arith.constant 64 : index
        %swap3A_615 = tpu.vector_load %arg11[%swap3A_613, %swap3A_614] {strides = array<i32>} : memref<48x144xf32, #tpu.memory_space<vmem>>, vector<1x16xf32>,
        %swap3A_616 = vector.shape_cast %swap3A_615 : vector<1x16xf32> to vector<16xf32>
        %swap3A_617 = vector.shape_cast %mul3A_612 : vector<16xf32> to vector<1x16xf32>
        tpu.vector_store %arg11[%swap3A_613, %swap3A_614], %swap3A_617 {strides = array<i32>} : memref<48x144xf32, #tpu.memory_space<vmem>>, vector<1x16xf32>,
        %get3A_618 = arith.index_cast %add3A_536 : i32 to index
        %get3A_619 = arith.constant 80 : index
        %get3A_620 = tpu.vector_load %arg11[%get3A_618, %get3A_619] {strides = array<i32>} : memref<48x144xf32, #tpu.memory_space<vmem>>, vector<1x16xf32>,
        %get3A_621 = vector.shape_cast %get3A_620 : vector<1x16xf32> to vector<16xf32>
        %mul3A_622 = arith.mulf %get3A_621, %broadcast_in_dim3A_607 : vector<16xf32>
        %swap3A_623 = arith.index_cast %add3A_536 : i32 to index
        %swap3A_624 = arith.constant 80 : index
        %swap3A_625 = tpu.vector_load %arg11[%swap3A_623, %swap3A_624] {strides = array<i32>} : memref<48x144xf32, #tpu.memory_space<vmem>>, vector<1x16xf32>,
        %swap3A_626 = vector.shape_cast %swap3A_625 : vector<1x16xf32> to vector<16xf32>
        %swap3A_627 = vector.shape_cast %mul3A_622 : vector<16xf32> to vector<1x16xf32>
        tpu.vector_store %arg11[%swap3A_623, %swap3A_624], %swap3A_627 {strides = array<i32>} : memref<48x144xf32, #tpu.memory_space<vmem>>, vector<1x16xf32>,
        %slice3A_628 = vector.extract_strided_slice %exp3A_550 {offsets = [3], sizes = [1], strides = [1]} : vector<16xf32> to vector<1xf32>
        %squeeze3A_629 = vector.extract %slice3A_628[0] : f32 from vector<1xf32>
        %broadcast_in_dim3A_630 = vector.broadcast %squeeze3A_629 : f32 to vector<16xf32>
        %get3A_631 = arith.index_cast %add3A_536 : i32 to index
        %get3A_632 = arith.constant 96 : index
        %get3A_633 = tpu.vector_load %arg11[%get3A_631, %get3A_632] {strides = array<i32>} : memref<48x144xf32, #tpu.memory_space<vmem>>, vector<1x16xf32>,
        %get3A_634 = vector.shape_cast %get3A_633 : vector<1x16xf32> to vector<16xf32>
        %mul3A_635 = arith.mulf %get3A_634, %broadcast_in_dim3A_630 : vector<16xf32>
        %swap3A_636 = arith.index_cast %add3A_536 : i32 to index
        %swap3A_637 = arith.constant 96 : index
        %swap3A_638 = tpu.vector_load %arg11[%swap3A_636, %swap3A_637] {strides = array<i32>} : memref<48x144xf32, #tpu.memory_space<vmem>>, vector<1x16xf32>,
        %swap3A_639 = vector.shape_cast %swap3A_638 : vector<1x16xf32> to vector<16xf32>
        %swap3A_640 = vector.shape_cast %mul3A_635 : vector<16xf32> to vector<1x16xf32>
        tpu.vector_store %arg11[%swap3A_636, %swap3A_637], %swap3A_640 {strides = array<i32>} : memref<48x144xf32, #tpu.memory_space<vmem>>, vector<1x16xf32>,
        %get3A_641 = arith.index_cast %add3A_536 : i32 to index
        %get3A_642 = arith.constant 112 : index
        %get3A_643 = tpu.vector_load %arg11[%get3A_641, %get3A_642] {strides = array<i32>} : memref<48x144xf32, #tpu.memory_space<vmem>>, vector<1x16xf32>,
        %get3A_644 = vector.shape_cast %get3A_643 : vector<1x16xf32> to vector<16xf32>
        %mul3A_645 = arith.mulf %get3A_644, %broadcast_in_dim3A_630 : vector<16xf32>
        %swap3A_646 = arith.index_cast %add3A_536 : i32 to index
        %swap3A_647 = arith.constant 112 : index
        %swap3A_648 = tpu.vector_load %arg11[%swap3A_646, %swap3A_647] {strides = array<i32>} : memref<48x144xf32, #tpu.memory_space<vmem>>, vector<1x16xf32>,
        %swap3A_649 = vector.shape_cast %swap3A_648 : vector<1x16xf32> to vector<16xf32>
        %swap3A_650 = vector.shape_cast %mul3A_645 : vector<16xf32> to vector<1x16xf32>
        tpu.vector_store %arg11[%swap3A_646, %swap3A_647], %swap3A_650 {strides = array<i32>} : memref<48x144xf32, #tpu.memory_space<vmem>>, vector<1x16xf32>,
        %scan3A_651 = arith.constant 0 : i32
        scf.yield %scan3A_651 : i32
      }
      %scan3A_138 = arith.constant 12 : i32
      %dma_start3A_139 = arith.constant 0 : i32
      %dma_start3A_140 = tpu.memref_slice %arg10[%add3A_108, %dma_start3A_139] : memref<210x48xi32, #tpu.memory_space<vmem>> -> memref<1x48xi32, #tpu.memory_space<vmem>>
      %dma_start3A_141 = tpu.memref_squeeze %dma_start3A_140 : memref<1x48xi32, #tpu.memory_space<vmem>> -> memref<48xi32, #tpu.memory_space<vmem>>
      %dma_start3A_142 = arith.constant 0 : i32
      %dma_start3A_143 = arith.constant 0 : i32
      %dma_start3A_144 = tpu.memref_slice %arg8[%dma_start3A_142, %dma_start3A_143] : memref<10112x144xf32, #tpu.memory_space<vmem_shared>> -> memref<10112x144xf32, #tpu.memory_space<vmem_shared>>
      tpu.enqueue_indirect_dma source(%arg11 : memref<48x144xf32, #tpu.memory_space<vmem>>) target(%dma_start3A_144 : memref<10112x144xf32, #tpu.memory_space<vmem_shared>>) offsets(%dma_start3A_141 : memref<48xi32, #tpu.memory_space<vmem>>) semaphore(%arg19 : memref<!tpu.dma_semaphore, #tpu.memory_space<semaphore_mem>>) {add = true}
      %add3A_145 = arith.constant 1 : i32
      %add3A_146 = arith.addi %mul3A_106, %add3A_145 : i32
      %dma_wait3A_147 = arith.constant 0 : i32
      %dma_wait3A_148 = tpu.memref_slice %arg9[%add3A_146, %dma_wait3A_147] : memref<210x48xi32, #tpu.memory_space<vmem>> -> memref<1x48xi32, #tpu.memory_space<vmem>>
      %dma_wait3A_149 = tpu.memref_squeeze %dma_wait3A_148 : memref<1x48xi32, #tpu.memory_space<vmem>> -> memref<48xi32, #tpu.memory_space<vmem>>
      %dma_wait3A_150 = arith.constant 0 : i32
      %dma_wait3A_151 = arith.constant 0 : i32
      %dma_wait3A_152 = tpu.memref_slice %arg2[%dma_wait3A_150, %dma_wait3A_151] : memref<10112x144xf32, #tpu.memory_space<hbm>> -> memref<10112x144xf32, #tpu.memory_space<hbm>>
      tpu.wait_indirect_dma semaphore(%arg16 : memref<!tpu.dma_semaphore, #tpu.memory_space<semaphore_mem>>) src(%dma_wait3A_152 : memref<10112x144xf32, #tpu.memory_space<hbm>>) dst(%arg12 : memref<48x144xf32, #tpu.memory_space<vmem>>)
      %dma_wait3A_153 = arith.constant 0 : i32
      %dma_wait3A_154 = tpu.memref_slice %arg10[%add3A_146, %dma_wait3A_153] : memref<210x48xi32, #tpu.memory_space<vmem>> -> memref<1x48xi32, #tpu.memory_space<vmem>>
      %dma_wait3A_155 = tpu.memref_squeeze %dma_wait3A_154 : memref<1x48xi32, #tpu.memory_space<vmem>> -> memref<48xi32, #tpu.memory_space<vmem>>
      %dma_wait3A_156 = arith.constant 0 : i32
      %dma_wait3A_157 = arith.constant 0 : i32
      %dma_wait3A_158 = tpu.memref_slice %arg3[%dma_wait3A_156, %dma_wait3A_157] : memref<10112x16xf32, #tpu.memory_space<hbm>> -> memref<10112x16xf32, #tpu.memory_space<hbm>>
      tpu.wait_indirect_dma semaphore(%arg18 : memref<!tpu.dma_semaphore, #tpu.memory_space<semaphore_mem>>) src(%dma_wait3A_158 : memref<10112x16xf32, #tpu.memory_space<hbm>>) dst(%arg14 : memref<48x16xf32, #tpu.memory_space<vmem>>)
      %ge3A_159 = arith.constant 1 : i32
      %ge3A_160 = arith.cmpi sge, %add3A_146, %ge3A_159 : i32
      %convert_element_type3A_161 = arith.extui %ge3A_160 : i1 to i32
      %cond3A_162 = arith.constant 0 : i32
      %cond3A_163 = arith.cmpi ne, %convert_element_type3A_161, %cond3A_162 : i32
      scf.if %cond3A_163 {
        %sub3A = arith.constant 1 : i32
        %sub3A_185 = arith.subi %add3A_146, %sub3A : i32
        %dma_wait3A_186 = arith.constant 0 : i32
        %dma_wait3A_187 = arith.constant 0 : i32
        %dma_wait3A_188 = tpu.memref_slice %arg2[%dma_wait3A_186, %dma_wait3A_187] : memref<10112x144xf32, #tpu.memory_space<hbm>> -> memref<48x144xf32, #tpu.memory_space<hbm>>
        %dma_wait3A_189 = arith.constant 0 : i32
        %dma_wait3A_190 = arith.constant 0 : i32
        %dma_wait3A_191 = tpu.memref_slice %arg2[%dma_wait3A_189, %dma_wait3A_190] : memref<10112x144xf32, #tpu.memory_space<hbm>> -> memref<48x144xf32, #tpu.memory_space<hbm>>
        tpu.wait_dma2 semaphore(%arg19 : memref<!tpu.dma_semaphore, #tpu.memory_space<semaphore_mem>>) src(%dma_wait3A_191 : memref<48x144xf32, #tpu.memory_space<hbm>>) dst(%arg11 : memref<48x144xf32, #tpu.memory_space<vmem>>)
      } else {
      }
      %add3A_164 = arith.constant 1 : i32
      %add3A_165 = arith.addi %add3A_146, %add3A_164 : i32
      %lt3A_166 = arith.constant 210 : i32
      %lt3A_167 = arith.cmpi slt, %add3A_165, %lt3A_166 : i32
      %convert_element_type3A_168 = arith.extui %lt3A_167 : i1 to i32
      %cond3A_169 = arith.constant 0 : i32
      %cond3A_170 = arith.cmpi ne, %convert_element_type3A_168, %cond3A_169 : i32
      scf.if %cond3A_170 {
        %add3A_185 = arith.constant 1 : i32
        %add3A_186 = arith.addi %add3A_146, %add3A_185 : i32
        %dma_start3A_187 = arith.constant 0 : i32
        %dma_start3A_188 = tpu.memref_slice %arg9[%add3A_186, %dma_start3A_187] : memref<210x48xi32, #tpu.memory_space<vmem>> -> memref<1x48xi32, #tpu.memory_space<vmem>>
        %dma_start3A_189 = tpu.memref_squeeze %dma_start3A_188 : memref<1x48xi32, #tpu.memory_space<vmem>> -> memref<48xi32, #tpu.memory_space<vmem>>
        %dma_start3A_190 = arith.constant 0 : i32
        %dma_start3A_191 = arith.constant 0 : i32
        %dma_start3A_192 = tpu.memref_slice %arg2[%dma_start3A_190, %dma_start3A_191] : memref<10112x144xf32, #tpu.memory_space<hbm>> -> memref<10112x144xf32, #tpu.memory_space<hbm>>
        tpu.enqueue_indirect_dma source(%dma_start3A_192 : memref<10112x144xf32, #tpu.memory_space<hbm>>) target(%arg11 : memref<48x144xf32, #tpu.memory_space<vmem>>) offsets(%dma_start3A_189 : memref<48xi32, #tpu.memory_space<vmem>>) semaphore(%arg15 : memref<!tpu.dma_semaphore, #tpu.memory_space<semaphore_mem>>)
        %dma_start3A_193 = arith.constant 0 : i32
        %dma_start3A_194 = tpu.memref_slice %arg10[%add3A_186, %dma_start3A_193] : memref<210x48xi32, #tpu.memory_space<vmem>> -> memref<1x48xi32, #tpu.memory_space<vmem>>
        %dma_start3A_195 = tpu.memref_squeeze %dma_start3A_194 : memref<1x48xi32, #tpu.memory_space<vmem>> -> memref<48xi32, #tpu.memory_space<vmem>>
        %dma_start3A_196 = arith.constant 0 : i32
        %dma_start3A_197 = arith.constant 0 : i32
        %dma_start3A_198 = tpu.memref_slice %arg3[%dma_start3A_196, %dma_start3A_197] : memref<10112x16xf32, #tpu.memory_space<hbm>> -> memref<10112x16xf32, #tpu.memory_space<hbm>>
        tpu.enqueue_indirect_dma source(%dma_start3A_198 : memref<10112x16xf32, #tpu.memory_space<hbm>>) target(%arg13 : memref<48x16xf32, #tpu.memory_space<vmem>>) offsets(%dma_start3A_195 : memref<48xi32, #tpu.memory_space<vmem>>) semaphore(%arg17 : memref<!tpu.dma_semaphore, #tpu.memory_space<semaphore_mem>>)
      } else {
      }
      %scan3A_171 = arith.constant 0 : i32
      %scan3A_172 = arith.constant 0 : i32
      %scan3A_173 = arith.constant 12 : i32
      %scan3A_174 = arith.addi %scan3A_172, %scan3A_173 : i32
      %scan3A_175 = arith.constant 1 : i32
      %scan3A_176 = scf.for %scan3A_185 = %scan3A_172 to %scan3A_174 step %scan3A_175 iter_args(%scan3A_186 = %scan3A_171) -> (i32)  : i32 {
        %mul3A_187 = arith.constant 4 : i32
        %mul3A_188 = arith.muli %mul3A_187, %scan3A_185 : i32
        %add3A_189 = arith.constant 0 : i32
        %add3A_190 = arith.addi %mul3A_188, %add3A_189 : i32
        %get3A = arith.index_cast %add3A_190 : i32 to index
        %get3A_191 = arith.constant 128 : index
        %get3A_192 = tpu.vector_load %arg12[%get3A, %get3A_191] {strides = array<i32>} : memref<48x144xf32, #tpu.memory_space<vmem>>, vector<1x16xf32>,
        %get3A_193 = vector.shape_cast %get3A_192 : vector<1x16xf32> to vector<16xf32>
        %get3A_194 = arith.index_cast %add3A_190 : i32 to index
        %get3A_195 = arith.constant 0 : index
        %get3A_196 = tpu.vector_load %arg14[%get3A_194, %get3A_195] {strides = array<i32>} : memref<48x16xf32, #tpu.memory_space<vmem>>, vector<1x16xf32>,
        %get3A_197 = vector.shape_cast %get3A_196 : vector<1x16xf32> to vector<16xf32>
        %add3A_198 = arith.addf %get3A_193, %get3A_197 : vector<16xf32>
        %mul3A_199 = arith.constant 2.000000e-01 : f32
        %mul3A_200 = vector.broadcast %mul3A_199 : f32 to vector<16xf32>
        %mul3A_201 = arith.mulf %add3A_198, %mul3A_200 : vector<16xf32>
        %max3A = arith.maximumf %add3A_198, %mul3A_201 : vector<16xf32>
        %exp3A = math.exp %max3A : vector<16xf32>
        %jit3A = arith.constant 0.000000e+00 : f32
        %broadcast_in_dim3A_202 = vector.broadcast %jit3A : f32 to vector<16xf32>
        %select_n3A = arith.select %lt3A_2, %exp3A, %broadcast_in_dim3A_202 : vector<16xi1>, vector<16xf32>
        %swap3A = arith.index_cast %add3A_190 : i32 to index
        %swap3A_203 = arith.constant 128 : index
        %swap3A_204 = tpu.vector_load %arg12[%swap3A, %swap3A_203] {strides = array<i32>} : memref<48x144xf32, #tpu.memory_space<vmem>>, vector<1x16xf32>,
        %swap3A_205 = vector.shape_cast %swap3A_204 : vector<1x16xf32> to vector<16xf32>
        %swap3A_206 = vector.shape_cast %select_n3A : vector<16xf32> to vector<1x16xf32>
        tpu.vector_store %arg12[%swap3A, %swap3A_203], %swap3A_206 {strides = array<i32>} : memref<48x144xf32, #tpu.memory_space<vmem>>, vector<1x16xf32>,
        %slice3A = vector.extract_strided_slice %exp3A {offsets = [0], sizes = [1], strides = [1]} : vector<16xf32> to vector<1xf32>
        %squeeze3A = vector.extract %slice3A[0] : f32 from vector<1xf32>
        %broadcast_in_dim3A_207 = vector.broadcast %squeeze3A : f32 to vector<16xf32>
        %get3A_208 = arith.index_cast %add3A_190 : i32 to index
        %get3A_209 = arith.constant 0 : index
        %get3A_210 = tpu.vector_load %arg12[%get3A_208, %get3A_209] {strides = array<i32>} : memref<48x144xf32, #tpu.memory_space<vmem>>, vector<1x16xf32>,
        %get3A_211 = vector.shape_cast %get3A_210 : vector<1x16xf32> to vector<16xf32>
        %mul3A_212 = arith.mulf %get3A_211, %broadcast_in_dim3A_207 : vector<16xf32>
        %swap3A_213 = arith.index_cast %add3A_190 : i32 to index
        %swap3A_214 = arith.constant 0 : index
        %swap3A_215 = tpu.vector_load %arg12[%swap3A_213, %swap3A_214] {strides = array<i32>} : memref<48x144xf32, #tpu.memory_space<vmem>>, vector<1x16xf32>,
        %swap3A_216 = vector.shape_cast %swap3A_215 : vector<1x16xf32> to vector<16xf32>
        %swap3A_217 = vector.shape_cast %mul3A_212 : vector<16xf32> to vector<1x16xf32>
        tpu.vector_store %arg12[%swap3A_213, %swap3A_214], %swap3A_217 {strides = array<i32>} : memref<48x144xf32, #tpu.memory_space<vmem>>, vector<1x16xf32>,
        %get3A_218 = arith.index_cast %add3A_190 : i32 to index
        %get3A_219 = arith.constant 16 : index
        %get3A_220 = tpu.vector_load %arg12[%get3A_218, %get3A_219] {strides = array<i32>} : memref<48x144xf32, #tpu.memory_space<vmem>>, vector<1x16xf32>,
        %get3A_221 = vector.shape_cast %get3A_220 : vector<1x16xf32> to vector<16xf32>
        %mul3A_222 = arith.mulf %get3A_221, %broadcast_in_dim3A_207 : vector<16xf32>
        %swap3A_223 = arith.index_cast %add3A_190 : i32 to index
        %swap3A_224 = arith.constant 16 : index
        %swap3A_225 = tpu.vector_load %arg12[%swap3A_223, %swap3A_224] {strides = array<i32>} : memref<48x144xf32, #tpu.memory_space<vmem>>, vector<1x16xf32>,
        %swap3A_226 = vector.shape_cast %swap3A_225 : vector<1x16xf32> to vector<16xf32>
        %swap3A_227 = vector.shape_cast %mul3A_222 : vector<16xf32> to vector<1x16xf32>
        tpu.vector_store %arg12[%swap3A_223, %swap3A_224], %swap3A_227 {strides = array<i32>} : memref<48x144xf32, #tpu.memory_space<vmem>>, vector<1x16xf32>,
        %slice3A_228 = vector.extract_strided_slice %exp3A {offsets = [1], sizes = [1], strides = [1]} : vector<16xf32> to vector<1xf32>
        %squeeze3A_229 = vector.extract %slice3A_228[0] : f32 from vector<1xf32>
        %broadcast_in_dim3A_230 = vector.broadcast %squeeze3A_229 : f32 to vector<16xf32>
        %get3A_231 = arith.index_cast %add3A_190 : i32 to index
        %get3A_232 = arith.constant 32 : index
        %get3A_233 = tpu.vector_load %arg12[%get3A_231, %get3A_232] {strides = array<i32>} : memref<48x144xf32, #tpu.memory_space<vmem>>, vector<1x16xf32>,
        %get3A_234 = vector.shape_cast %get3A_233 : vector<1x16xf32> to vector<16xf32>
        %mul3A_235 = arith.mulf %get3A_234, %broadcast_in_dim3A_230 : vector<16xf32>
        %swap3A_236 = arith.index_cast %add3A_190 : i32 to index
        %swap3A_237 = arith.constant 32 : index
        %swap3A_238 = tpu.vector_load %arg12[%swap3A_236, %swap3A_237] {strides = array<i32>} : memref<48x144xf32, #tpu.memory_space<vmem>>, vector<1x16xf32>,
        %swap3A_239 = vector.shape_cast %swap3A_238 : vector<1x16xf32> to vector<16xf32>
        %swap3A_240 = vector.shape_cast %mul3A_235 : vector<16xf32> to vector<1x16xf32>
        tpu.vector_store %arg12[%swap3A_236, %swap3A_237], %swap3A_240 {strides = array<i32>} : memref<48x144xf32, #tpu.memory_space<vmem>>, vector<1x16xf32>,
        %get3A_241 = arith.index_cast %add3A_190 : i32 to index
        %get3A_242 = arith.constant 48 : index
        %get3A_243 = tpu.vector_load %arg12[%get3A_241, %get3A_242] {strides = array<i32>} : memref<48x144xf32, #tpu.memory_space<vmem>>, vector<1x16xf32>,
        %get3A_244 = vector.shape_cast %get3A_243 : vector<1x16xf32> to vector<16xf32>
        %mul3A_245 = arith.mulf %get3A_244, %broadcast_in_dim3A_230 : vector<16xf32>
        %swap3A_246 = arith.index_cast %add3A_190 : i32 to index
        %swap3A_247 = arith.constant 48 : index
        %swap3A_248 = tpu.vector_load %arg12[%swap3A_246, %swap3A_247] {strides = array<i32>} : memref<48x144xf32, #tpu.memory_space<vmem>>, vector<1x16xf32>,
        %swap3A_249 = vector.shape_cast %swap3A_248 : vector<1x16xf32> to vector<16xf32>
        %swap3A_250 = vector.shape_cast %mul3A_245 : vector<16xf32> to vector<1x16xf32>
        tpu.vector_store %arg12[%swap3A_246, %swap3A_247], %swap3A_250 {strides = array<i32>} : memref<48x144xf32, #tpu.memory_space<vmem>>, vector<1x16xf32>,
        %slice3A_251 = vector.extract_strided_slice %exp3A {offsets = [2], sizes = [1], strides = [1]} : vector<16xf32> to vector<1xf32>
        %squeeze3A_252 = vector.extract %slice3A_251[0] : f32 from vector<1xf32>
        %broadcast_in_dim3A_253 = vector.broadcast %squeeze3A_252 : f32 to vector<16xf32>
        %get3A_254 = arith.index_cast %add3A_190 : i32 to index
        %get3A_255 = arith.constant 64 : index
        %get3A_256 = tpu.vector_load %arg12[%get3A_254, %get3A_255] {strides = array<i32>} : memref<48x144xf32, #tpu.memory_space<vmem>>, vector<1x16xf32>,
        %get3A_257 = vector.shape_cast %get3A_256 : vector<1x16xf32> to vector<16xf32>
        %mul3A_258 = arith.mulf %get3A_257, %broadcast_in_dim3A_253 : vector<16xf32>
        %swap3A_259 = arith.index_cast %add3A_190 : i32 to index
        %swap3A_260 = arith.constant 64 : index
        %swap3A_261 = tpu.vector_load %arg12[%swap3A_259, %swap3A_260] {strides = array<i32>} : memref<48x144xf32, #tpu.memory_space<vmem>>, vector<1x16xf32>,
        %swap3A_262 = vector.shape_cast %swap3A_261 : vector<1x16xf32> to vector<16xf32>
        %swap3A_263 = vector.shape_cast %mul3A_258 : vector<16xf32> to vector<1x16xf32>
        tpu.vector_store %arg12[%swap3A_259, %swap3A_260], %swap3A_263 {strides = array<i32>} : memref<48x144xf32, #tpu.memory_space<vmem>>, vector<1x16xf32>,
        %get3A_264 = arith.index_cast %add3A_190 : i32 to index
        %get3A_265 = arith.constant 80 : index
        %get3A_266 = tpu.vector_load %arg12[%get3A_264, %get3A_265] {strides = array<i32>} : memref<48x144xf32, #tpu.memory_space<vmem>>, vector<1x16xf32>,
        %get3A_267 = vector.shape_cast %get3A_266 : vector<1x16xf32> to vector<16xf32>
        %mul3A_268 = arith.mulf %get3A_267, %broadcast_in_dim3A_253 : vector<16xf32>
        %swap3A_269 = arith.index_cast %add3A_190 : i32 to index
        %swap3A_270 = arith.constant 80 : index
        %swap3A_271 = tpu.vector_load %arg12[%swap3A_269, %swap3A_270] {strides = array<i32>} : memref<48x144xf32, #tpu.memory_space<vmem>>, vector<1x16xf32>,
        %swap3A_272 = vector.shape_cast %swap3A_271 : vector<1x16xf32> to vector<16xf32>
        %swap3A_273 = vector.shape_cast %mul3A_268 : vector<16xf32> to vector<1x16xf32>
        tpu.vector_store %arg12[%swap3A_269, %swap3A_270], %swap3A_273 {strides = array<i32>} : memref<48x144xf32, #tpu.memory_space<vmem>>, vector<1x16xf32>,
        %slice3A_274 = vector.extract_strided_slice %exp3A {offsets = [3], sizes = [1], strides = [1]} : vector<16xf32> to vector<1xf32>
        %squeeze3A_275 = vector.extract %slice3A_274[0] : f32 from vector<1xf32>
        %broadcast_in_dim3A_276 = vector.broadcast %squeeze3A_275 : f32 to vector<16xf32>
        %get3A_277 = arith.index_cast %add3A_190 : i32 to index
        %get3A_278 = arith.constant 96 : index
        %get3A_279 = tpu.vector_load %arg12[%get3A_277, %get3A_278] {strides = array<i32>} : memref<48x144xf32, #tpu.memory_space<vmem>>, vector<1x16xf32>,
        %get3A_280 = vector.shape_cast %get3A_279 : vector<1x16xf32> to vector<16xf32>
        %mul3A_281 = arith.mulf %get3A_280, %broadcast_in_dim3A_276 : vector<16xf32>
        %swap3A_282 = arith.index_cast %add3A_190 : i32 to index
        %swap3A_283 = arith.constant 96 : index
        %swap3A_284 = tpu.vector_load %arg12[%swap3A_282, %swap3A_283] {strides = array<i32>} : memref<48x144xf32, #tpu.memory_space<vmem>>, vector<1x16xf32>,
        %swap3A_285 = vector.shape_cast %swap3A_284 : vector<1x16xf32> to vector<16xf32>
        %swap3A_286 = vector.shape_cast %mul3A_281 : vector<16xf32> to vector<1x16xf32>
        tpu.vector_store %arg12[%swap3A_282, %swap3A_283], %swap3A_286 {strides = array<i32>} : memref<48x144xf32, #tpu.memory_space<vmem>>, vector<1x16xf32>,
        %get3A_287 = arith.index_cast %add3A_190 : i32 to index
        %get3A_288 = arith.constant 112 : index
        %get3A_289 = tpu.vector_load %arg12[%get3A_287, %get3A_288] {strides = array<i32>} : memref<48x144xf32, #tpu.memory_space<vmem>>, vector<1x16xf32>,
        %get3A_290 = vector.shape_cast %get3A_289 : vector<1x16xf32> to vector<16xf32>
        %mul3A_291 = arith.mulf %get3A_290, %broadcast_in_dim3A_276 : vector<16xf32>
        %swap3A_292 = arith.index_cast %add3A_190 : i32 to index
        %swap3A_293 = arith.constant 112 : index
        %swap3A_294 = tpu.vector_load %arg12[%swap3A_292, %swap3A_293] {strides = array<i32>} : memref<48x144xf32, #tpu.memory_space<vmem>>, vector<1x16xf32>,
        %swap3A_295 = vector.shape_cast %swap3A_294 : vector<1x16xf32> to vector<16xf32>
        %swap3A_296 = vector.shape_cast %mul3A_291 : vector<16xf32> to vector<1x16xf32>
        tpu.vector_store %arg12[%swap3A_292, %swap3A_293], %swap3A_296 {strides = array<i32>} : memref<48x144xf32, #tpu.memory_space<vmem>>, vector<1x16xf32>,
        %mul3A_297 = arith.constant 4 : i32
        %mul3A_298 = arith.muli %mul3A_297, %scan3A_185 : i32
        %add3A_299 = arith.constant 1 : i32
        %add3A_300 = arith.addi %mul3A_298, %add3A_299 : i32
        %get3A_301 = arith.index_cast %add3A_300 : i32 to index
        %get3A_302 = arith.constant 128 : index
        %get3A_303 = tpu.vector_load %arg12[%get3A_301, %get3A_302] {strides = array<i32>} : memref<48x144xf32, #tpu.memory_space<vmem>>, vector<1x16xf32>,
        %get3A_304 = vector.shape_cast %get3A_303 : vector<1x16xf32> to vector<16xf32>
        %get3A_305 = arith.index_cast %add3A_300 : i32 to index
        %get3A_306 = arith.constant 0 : index
        %get3A_307 = tpu.vector_load %arg14[%get3A_305, %get3A_306] {strides = array<i32>} : memref<48x16xf32, #tpu.memory_space<vmem>>, vector<1x16xf32>,
        %get3A_308 = vector.shape_cast %get3A_307 : vector<1x16xf32> to vector<16xf32>
        %add3A_309 = arith.addf %get3A_304, %get3A_308 : vector<16xf32>
        %mul3A_310 = arith.constant 2.000000e-01 : f32
        %mul3A_311 = vector.broadcast %mul3A_310 : f32 to vector<16xf32>
        %mul3A_312 = arith.mulf %add3A_309, %mul3A_311 : vector<16xf32>
        %max3A_313 = arith.maximumf %add3A_309, %mul3A_312 : vector<16xf32>
        %exp3A_314 = math.exp %max3A_313 : vector<16xf32>
        %jit3A_315 = arith.constant 0.000000e+00 : f32
        %broadcast_in_dim3A_316 = vector.broadcast %jit3A_315 : f32 to vector<16xf32>
        %select_n3A_317 = arith.select %lt3A_2, %exp3A_314, %broadcast_in_dim3A_316 : vector<16xi1>, vector<16xf32>
        %swap3A_318 = arith.index_cast %add3A_300 : i32 to index
        %swap3A_319 = arith.constant 128 : index
        %swap3A_320 = tpu.vector_load %arg12[%swap3A_318, %swap3A_319] {strides = array<i32>} : memref<48x144xf32, #tpu.memory_space<vmem>>, vector<1x16xf32>,
        %swap3A_321 = vector.shape_cast %swap3A_320 : vector<1x16xf32> to vector<16xf32>
        %swap3A_322 = vector.shape_cast %select_n3A_317 : vector<16xf32> to vector<1x16xf32>
        tpu.vector_store %arg12[%swap3A_318, %swap3A_319], %swap3A_322 {strides = array<i32>} : memref<48x144xf32, #tpu.memory_space<vmem>>, vector<1x16xf32>,
        %slice3A_323 = vector.extract_strided_slice %exp3A_314 {offsets = [0], sizes = [1], strides = [1]} : vector<16xf32> to vector<1xf32>
        %squeeze3A_324 = vector.extract %slice3A_323[0] : f32 from vector<1xf32>
        %broadcast_in_dim3A_325 = vector.broadcast %squeeze3A_324 : f32 to vector<16xf32>
        %get3A_326 = arith.index_cast %add3A_300 : i32 to index
        %get3A_327 = arith.constant 0 : index
        %get3A_328 = tpu.vector_load %arg12[%get3A_326, %get3A_327] {strides = array<i32>} : memref<48x144xf32, #tpu.memory_space<vmem>>, vector<1x16xf32>,
        %get3A_329 = vector.shape_cast %get3A_328 : vector<1x16xf32> to vector<16xf32>
        %mul3A_330 = arith.mulf %get3A_329, %broadcast_in_dim3A_325 : vector<16xf32>
        %swap3A_331 = arith.index_cast %add3A_300 : i32 to index
        %swap3A_332 = arith.constant 0 : index
        %swap3A_333 = tpu.vector_load %arg12[%swap3A_331, %swap3A_332] {strides = array<i32>} : memref<48x144xf32, #tpu.memory_space<vmem>>, vector<1x16xf32>,
        %swap3A_334 = vector.shape_cast %swap3A_333 : vector<1x16xf32> to vector<16xf32>
        %swap3A_335 = vector.shape_cast %mul3A_330 : vector<16xf32> to vector<1x16xf32>
        tpu.vector_store %arg12[%swap3A_331, %swap3A_332], %swap3A_335 {strides = array<i32>} : memref<48x144xf32, #tpu.memory_space<vmem>>, vector<1x16xf32>,
        %get3A_336 = arith.index_cast %add3A_300 : i32 to index
        %get3A_337 = arith.constant 16 : index
        %get3A_338 = tpu.vector_load %arg12[%get3A_336, %get3A_337] {strides = array<i32>} : memref<48x144xf32, #tpu.memory_space<vmem>>, vector<1x16xf32>,
        %get3A_339 = vector.shape_cast %get3A_338 : vector<1x16xf32> to vector<16xf32>
        %mul3A_340 = arith.mulf %get3A_339, %broadcast_in_dim3A_325 : vector<16xf32>
        %swap3A_341 = arith.index_cast %add3A_300 : i32 to index
        %swap3A_342 = arith.constant 16 : index
        %swap3A_343 = tpu.vector_load %arg12[%swap3A_341, %swap3A_342] {strides = array<i32>} : memref<48x144xf32, #tpu.memory_space<vmem>>, vector<1x16xf32>,
        %swap3A_344 = vector.shape_cast %swap3A_343 : vector<1x16xf32> to vector<16xf32>
        %swap3A_345 = vector.shape_cast %mul3A_340 : vector<16xf32> to vector<1x16xf32>
        tpu.vector_store %arg12[%swap3A_341, %swap3A_342], %swap3A_345 {strides = array<i32>} : memref<48x144xf32, #tpu.memory_space<vmem>>, vector<1x16xf32>,
        %slice3A_346 = vector.extract_strided_slice %exp3A_314 {offsets = [1], sizes = [1], strides = [1]} : vector<16xf32> to vector<1xf32>
        %squeeze3A_347 = vector.extract %slice3A_346[0] : f32 from vector<1xf32>
        %broadcast_in_dim3A_348 = vector.broadcast %squeeze3A_347 : f32 to vector<16xf32>
        %get3A_349 = arith.index_cast %add3A_300 : i32 to index
        %get3A_350 = arith.constant 32 : index
        %get3A_351 = tpu.vector_load %arg12[%get3A_349, %get3A_350] {strides = array<i32>} : memref<48x144xf32, #tpu.memory_space<vmem>>, vector<1x16xf32>,
        %get3A_352 = vector.shape_cast %get3A_351 : vector<1x16xf32> to vector<16xf32>
        %mul3A_353 = arith.mulf %get3A_352, %broadcast_in_dim3A_348 : vector<16xf32>
        %swap3A_354 = arith.index_cast %add3A_300 : i32 to index
        %swap3A_355 = arith.constant 32 : index
        %swap3A_356 = tpu.vector_load %arg12[%swap3A_354, %swap3A_355] {strides = array<i32>} : memref<48x144xf32, #tpu.memory_space<vmem>>, vector<1x16xf32>,
        %swap3A_357 = vector.shape_cast %swap3A_356 : vector<1x16xf32> to vector<16xf32>
        %swap3A_358 = vector.shape_cast %mul3A_353 : vector<16xf32> to vector<1x16xf32>
        tpu.vector_store %arg12[%swap3A_354, %swap3A_355], %swap3A_358 {strides = array<i32>} : memref<48x144xf32, #tpu.memory_space<vmem>>, vector<1x16xf32>,
        %get3A_359 = arith.index_cast %add3A_300 : i32 to index
        %get3A_360 = arith.constant 48 : index
        %get3A_361 = tpu.vector_load %arg12[%get3A_359, %get3A_360] {strides = array<i32>} : memref<48x144xf32, #tpu.memory_space<vmem>>, vector<1x16xf32>,
        %get3A_362 = vector.shape_cast %get3A_361 : vector<1x16xf32> to vector<16xf32>
        %mul3A_363 = arith.mulf %get3A_362, %broadcast_in_dim3A_348 : vector<16xf32>
        %swap3A_364 = arith.index_cast %add3A_300 : i32 to index
        %swap3A_365 = arith.constant 48 : index
        %swap3A_366 = tpu.vector_load %arg12[%swap3A_364, %swap3A_365] {strides = array<i32>} : memref<48x144xf32, #tpu.memory_space<vmem>>, vector<1x16xf32>,
        %swap3A_367 = vector.shape_cast %swap3A_366 : vector<1x16xf32> to vector<16xf32>
        %swap3A_368 = vector.shape_cast %mul3A_363 : vector<16xf32> to vector<1x16xf32>
        tpu.vector_store %arg12[%swap3A_364, %swap3A_365], %swap3A_368 {strides = array<i32>} : memref<48x144xf32, #tpu.memory_space<vmem>>, vector<1x16xf32>,
        %slice3A_369 = vector.extract_strided_slice %exp3A_314 {offsets = [2], sizes = [1], strides = [1]} : vector<16xf32> to vector<1xf32>
        %squeeze3A_370 = vector.extract %slice3A_369[0] : f32 from vector<1xf32>
        %broadcast_in_dim3A_371 = vector.broadcast %squeeze3A_370 : f32 to vector<16xf32>
        %get3A_372 = arith.index_cast %add3A_300 : i32 to index
        %get3A_373 = arith.constant 64 : index
        %get3A_374 = tpu.vector_load %arg12[%get3A_372, %get3A_373] {strides = array<i32>} : memref<48x144xf32, #tpu.memory_space<vmem>>, vector<1x16xf32>,
        %get3A_375 = vector.shape_cast %get3A_374 : vector<1x16xf32> to vector<16xf32>
        %mul3A_376 = arith.mulf %get3A_375, %broadcast_in_dim3A_371 : vector<16xf32>
        %swap3A_377 = arith.index_cast %add3A_300 : i32 to index
        %swap3A_378 = arith.constant 64 : index
        %swap3A_379 = tpu.vector_load %arg12[%swap3A_377, %swap3A_378] {strides = array<i32>} : memref<48x144xf32, #tpu.memory_space<vmem>>, vector<1x16xf32>,
        %swap3A_380 = vector.shape_cast %swap3A_379 : vector<1x16xf32> to vector<16xf32>
        %swap3A_381 = vector.shape_cast %mul3A_376 : vector<16xf32> to vector<1x16xf32>
        tpu.vector_store %arg12[%swap3A_377, %swap3A_378], %swap3A_381 {strides = array<i32>} : memref<48x144xf32, #tpu.memory_space<vmem>>, vector<1x16xf32>,
        %get3A_382 = arith.index_cast %add3A_300 : i32 to index
        %get3A_383 = arith.constant 80 : index
        %get3A_384 = tpu.vector_load %arg12[%get3A_382, %get3A_383] {strides = array<i32>} : memref<48x144xf32, #tpu.memory_space<vmem>>, vector<1x16xf32>,
        %get3A_385 = vector.shape_cast %get3A_384 : vector<1x16xf32> to vector<16xf32>
        %mul3A_386 = arith.mulf %get3A_385, %broadcast_in_dim3A_371 : vector<16xf32>
        %swap3A_387 = arith.index_cast %add3A_300 : i32 to index
        %swap3A_388 = arith.constant 80 : index
        %swap3A_389 = tpu.vector_load %arg12[%swap3A_387, %swap3A_388] {strides = array<i32>} : memref<48x144xf32, #tpu.memory_space<vmem>>, vector<1x16xf32>,
        %swap3A_390 = vector.shape_cast %swap3A_389 : vector<1x16xf32> to vector<16xf32>
        %swap3A_391 = vector.shape_cast %mul3A_386 : vector<16xf32> to vector<1x16xf32>
        tpu.vector_store %arg12[%swap3A_387, %swap3A_388], %swap3A_391 {strides = array<i32>} : memref<48x144xf32, #tpu.memory_space<vmem>>, vector<1x16xf32>,
        %slice3A_392 = vector.extract_strided_slice %exp3A_314 {offsets = [3], sizes = [1], strides = [1]} : vector<16xf32> to vector<1xf32>
        %squeeze3A_393 = vector.extract %slice3A_392[0] : f32 from vector<1xf32>
        %broadcast_in_dim3A_394 = vector.broadcast %squeeze3A_393 : f32 to vector<16xf32>
        %get3A_395 = arith.index_cast %add3A_300 : i32 to index
        %get3A_396 = arith.constant 96 : index
        %get3A_397 = tpu.vector_load %arg12[%get3A_395, %get3A_396] {strides = array<i32>} : memref<48x144xf32, #tpu.memory_space<vmem>>, vector<1x16xf32>,
        %get3A_398 = vector.shape_cast %get3A_397 : vector<1x16xf32> to vector<16xf32>
        %mul3A_399 = arith.mulf %get3A_398, %broadcast_in_dim3A_394 : vector<16xf32>
        %swap3A_400 = arith.index_cast %add3A_300 : i32 to index
        %swap3A_401 = arith.constant 96 : index
        %swap3A_402 = tpu.vector_load %arg12[%swap3A_400, %swap3A_401] {strides = array<i32>} : memref<48x144xf32, #tpu.memory_space<vmem>>, vector<1x16xf32>,
        %swap3A_403 = vector.shape_cast %swap3A_402 : vector<1x16xf32> to vector<16xf32>
        %swap3A_404 = vector.shape_cast %mul3A_399 : vector<16xf32> to vector<1x16xf32>
        tpu.vector_store %arg12[%swap3A_400, %swap3A_401], %swap3A_404 {strides = array<i32>} : memref<48x144xf32, #tpu.memory_space<vmem>>, vector<1x16xf32>,
        %get3A_405 = arith.index_cast %add3A_300 : i32 to index
        %get3A_406 = arith.constant 112 : index
        %get3A_407 = tpu.vector_load %arg12[%get3A_405, %get3A_406] {strides = array<i32>} : memref<48x144xf32, #tpu.memory_space<vmem>>, vector<1x16xf32>,
        %get3A_408 = vector.shape_cast %get3A_407 : vector<1x16xf32> to vector<16xf32>
        %mul3A_409 = arith.mulf %get3A_408, %broadcast_in_dim3A_394 : vector<16xf32>
        %swap3A_410 = arith.index_cast %add3A_300 : i32 to index
        %swap3A_411 = arith.constant 112 : index
        %swap3A_412 = tpu.vector_load %arg12[%swap3A_410, %swap3A_411] {strides = array<i32>} : memref<48x144xf32, #tpu.memory_space<vmem>>, vector<1x16xf32>,
        %swap3A_413 = vector.shape_cast %swap3A_412 : vector<1x16xf32> to vector<16xf32>
        %swap3A_414 = vector.shape_cast %mul3A_409 : vector<16xf32> to vector<1x16xf32>
        tpu.vector_store %arg12[%swap3A_410, %swap3A_411], %swap3A_414 {strides = array<i32>} : memref<48x144xf32, #tpu.memory_space<vmem>>, vector<1x16xf32>,
        %mul3A_415 = arith.constant 4 : i32
        %mul3A_416 = arith.muli %mul3A_415, %scan3A_185 : i32
        %add3A_417 = arith.constant 2 : i32
        %add3A_418 = arith.addi %mul3A_416, %add3A_417 : i32
        %get3A_419 = arith.index_cast %add3A_418 : i32 to index
        %get3A_420 = arith.constant 128 : index
        %get3A_421 = tpu.vector_load %arg12[%get3A_419, %get3A_420] {strides = array<i32>} : memref<48x144xf32, #tpu.memory_space<vmem>>, vector<1x16xf32>,
        %get3A_422 = vector.shape_cast %get3A_421 : vector<1x16xf32> to vector<16xf32>
        %get3A_423 = arith.index_cast %add3A_418 : i32 to index
        %get3A_424 = arith.constant 0 : index
        %get3A_425 = tpu.vector_load %arg14[%get3A_423, %get3A_424] {strides = array<i32>} : memref<48x16xf32, #tpu.memory_space<vmem>>, vector<1x16xf32>,
        %get3A_426 = vector.shape_cast %get3A_425 : vector<1x16xf32> to vector<16xf32>
        %add3A_427 = arith.addf %get3A_422, %get3A_426 : vector<16xf32>
        %mul3A_428 = arith.constant 2.000000e-01 : f32
        %mul3A_429 = vector.broadcast %mul3A_428 : f32 to vector<16xf32>
        %mul3A_430 = arith.mulf %add3A_427, %mul3A_429 : vector<16xf32>
        %max3A_431 = arith.maximumf %add3A_427, %mul3A_430 : vector<16xf32>
        %exp3A_432 = math.exp %max3A_431 : vector<16xf32>
        %jit3A_433 = arith.constant 0.000000e+00 : f32
        %broadcast_in_dim3A_434 = vector.broadcast %jit3A_433 : f32 to vector<16xf32>
        %select_n3A_435 = arith.select %lt3A_2, %exp3A_432, %broadcast_in_dim3A_434 : vector<16xi1>, vector<16xf32>
        %swap3A_436 = arith.index_cast %add3A_418 : i32 to index
        %swap3A_437 = arith.constant 128 : index
        %swap3A_438 = tpu.vector_load %arg12[%swap3A_436, %swap3A_437] {strides = array<i32>} : memref<48x144xf32, #tpu.memory_space<vmem>>, vector<1x16xf32>,
        %swap3A_439 = vector.shape_cast %swap3A_438 : vector<1x16xf32> to vector<16xf32>
        %swap3A_440 = vector.shape_cast %select_n3A_435 : vector<16xf32> to vector<1x16xf32>
        tpu.vector_store %arg12[%swap3A_436, %swap3A_437], %swap3A_440 {strides = array<i32>} : memref<48x144xf32, #tpu.memory_space<vmem>>, vector<1x16xf32>,
        %slice3A_441 = vector.extract_strided_slice %exp3A_432 {offsets = [0], sizes = [1], strides = [1]} : vector<16xf32> to vector<1xf32>
        %squeeze3A_442 = vector.extract %slice3A_441[0] : f32 from vector<1xf32>
        %broadcast_in_dim3A_443 = vector.broadcast %squeeze3A_442 : f32 to vector<16xf32>
        %get3A_444 = arith.index_cast %add3A_418 : i32 to index
        %get3A_445 = arith.constant 0 : index
        %get3A_446 = tpu.vector_load %arg12[%get3A_444, %get3A_445] {strides = array<i32>} : memref<48x144xf32, #tpu.memory_space<vmem>>, vector<1x16xf32>,
        %get3A_447 = vector.shape_cast %get3A_446 : vector<1x16xf32> to vector<16xf32>
        %mul3A_448 = arith.mulf %get3A_447, %broadcast_in_dim3A_443 : vector<16xf32>
        %swap3A_449 = arith.index_cast %add3A_418 : i32 to index
        %swap3A_450 = arith.constant 0 : index
        %swap3A_451 = tpu.vector_load %arg12[%swap3A_449, %swap3A_450] {strides = array<i32>} : memref<48x144xf32, #tpu.memory_space<vmem>>, vector<1x16xf32>,
        %swap3A_452 = vector.shape_cast %swap3A_451 : vector<1x16xf32> to vector<16xf32>
        %swap3A_453 = vector.shape_cast %mul3A_448 : vector<16xf32> to vector<1x16xf32>
        tpu.vector_store %arg12[%swap3A_449, %swap3A_450], %swap3A_453 {strides = array<i32>} : memref<48x144xf32, #tpu.memory_space<vmem>>, vector<1x16xf32>,
        %get3A_454 = arith.index_cast %add3A_418 : i32 to index
        %get3A_455 = arith.constant 16 : index
        %get3A_456 = tpu.vector_load %arg12[%get3A_454, %get3A_455] {strides = array<i32>} : memref<48x144xf32, #tpu.memory_space<vmem>>, vector<1x16xf32>,
        %get3A_457 = vector.shape_cast %get3A_456 : vector<1x16xf32> to vector<16xf32>
        %mul3A_458 = arith.mulf %get3A_457, %broadcast_in_dim3A_443 : vector<16xf32>
        %swap3A_459 = arith.index_cast %add3A_418 : i32 to index
        %swap3A_460 = arith.constant 16 : index
        %swap3A_461 = tpu.vector_load %arg12[%swap3A_459, %swap3A_460] {strides = array<i32>} : memref<48x144xf32, #tpu.memory_space<vmem>>, vector<1x16xf32>,
        %swap3A_462 = vector.shape_cast %swap3A_461 : vector<1x16xf32> to vector<16xf32>
        %swap3A_463 = vector.shape_cast %mul3A_458 : vector<16xf32> to vector<1x16xf32>
        tpu.vector_store %arg12[%swap3A_459, %swap3A_460], %swap3A_463 {strides = array<i32>} : memref<48x144xf32, #tpu.memory_space<vmem>>, vector<1x16xf32>,
        %slice3A_464 = vector.extract_strided_slice %exp3A_432 {offsets = [1], sizes = [1], strides = [1]} : vector<16xf32> to vector<1xf32>
        %squeeze3A_465 = vector.extract %slice3A_464[0] : f32 from vector<1xf32>
        %broadcast_in_dim3A_466 = vector.broadcast %squeeze3A_465 : f32 to vector<16xf32>
        %get3A_467 = arith.index_cast %add3A_418 : i32 to index
        %get3A_468 = arith.constant 32 : index
        %get3A_469 = tpu.vector_load %arg12[%get3A_467, %get3A_468] {strides = array<i32>} : memref<48x144xf32, #tpu.memory_space<vmem>>, vector<1x16xf32>,
        %get3A_470 = vector.shape_cast %get3A_469 : vector<1x16xf32> to vector<16xf32>
        %mul3A_471 = arith.mulf %get3A_470, %broadcast_in_dim3A_466 : vector<16xf32>
        %swap3A_472 = arith.index_cast %add3A_418 : i32 to index
        %swap3A_473 = arith.constant 32 : index
        %swap3A_474 = tpu.vector_load %arg12[%swap3A_472, %swap3A_473] {strides = array<i32>} : memref<48x144xf32, #tpu.memory_space<vmem>>, vector<1x16xf32>,
        %swap3A_475 = vector.shape_cast %swap3A_474 : vector<1x16xf32> to vector<16xf32>
        %swap3A_476 = vector.shape_cast %mul3A_471 : vector<16xf32> to vector<1x16xf32>
        tpu.vector_store %arg12[%swap3A_472, %swap3A_473], %swap3A_476 {strides = array<i32>} : memref<48x144xf32, #tpu.memory_space<vmem>>, vector<1x16xf32>,
        %get3A_477 = arith.index_cast %add3A_418 : i32 to index
        %get3A_478 = arith.constant 48 : index
        %get3A_479 = tpu.vector_load %arg12[%get3A_477, %get3A_478] {strides = array<i32>} : memref<48x144xf32, #tpu.memory_space<vmem>>, vector<1x16xf32>,
        %get3A_480 = vector.shape_cast %get3A_479 : vector<1x16xf32> to vector<16xf32>
        %mul3A_481 = arith.mulf %get3A_480, %broadcast_in_dim3A_466 : vector<16xf32>
        %swap3A_482 = arith.index_cast %add3A_418 : i32 to index
        %swap3A_483 = arith.constant 48 : index
        %swap3A_484 = tpu.vector_load %arg12[%swap3A_482, %swap3A_483] {strides = array<i32>} : memref<48x144xf32, #tpu.memory_space<vmem>>, vector<1x16xf32>,
        %swap3A_485 = vector.shape_cast %swap3A_484 : vector<1x16xf32> to vector<16xf32>
        %swap3A_486 = vector.shape_cast %mul3A_481 : vector<16xf32> to vector<1x16xf32>
        tpu.vector_store %arg12[%swap3A_482, %swap3A_483], %swap3A_486 {strides = array<i32>} : memref<48x144xf32, #tpu.memory_space<vmem>>, vector<1x16xf32>,
        %slice3A_487 = vector.extract_strided_slice %exp3A_432 {offsets = [2], sizes = [1], strides = [1]} : vector<16xf32> to vector<1xf32>
        %squeeze3A_488 = vector.extract %slice3A_487[0] : f32 from vector<1xf32>
        %broadcast_in_dim3A_489 = vector.broadcast %squeeze3A_488 : f32 to vector<16xf32>
        %get3A_490 = arith.index_cast %add3A_418 : i32 to index
        %get3A_491 = arith.constant 64 : index
        %get3A_492 = tpu.vector_load %arg12[%get3A_490, %get3A_491] {strides = array<i32>} : memref<48x144xf32, #tpu.memory_space<vmem>>, vector<1x16xf32>,
        %get3A_493 = vector.shape_cast %get3A_492 : vector<1x16xf32> to vector<16xf32>
        %mul3A_494 = arith.mulf %get3A_493, %broadcast_in_dim3A_489 : vector<16xf32>
        %swap3A_495 = arith.index_cast %add3A_418 : i32 to index
        %swap3A_496 = arith.constant 64 : index
        %swap3A_497 = tpu.vector_load %arg12[%swap3A_495, %swap3A_496] {strides = array<i32>} : memref<48x144xf32, #tpu.memory_space<vmem>>, vector<1x16xf32>,
        %swap3A_498 = vector.shape_cast %swap3A_497 : vector<1x16xf32> to vector<16xf32>
        %swap3A_499 = vector.shape_cast %mul3A_494 : vector<16xf32> to vector<1x16xf32>
        tpu.vector_store %arg12[%swap3A_495, %swap3A_496], %swap3A_499 {strides = array<i32>} : memref<48x144xf32, #tpu.memory_space<vmem>>, vector<1x16xf32>,
        %get3A_500 = arith.index_cast %add3A_418 : i32 to index
        %get3A_501 = arith.constant 80 : index
        %get3A_502 = tpu.vector_load %arg12[%get3A_500, %get3A_501] {strides = array<i32>} : memref<48x144xf32, #tpu.memory_space<vmem>>, vector<1x16xf32>,
        %get3A_503 = vector.shape_cast %get3A_502 : vector<1x16xf32> to vector<16xf32>
        %mul3A_504 = arith.mulf %get3A_503, %broadcast_in_dim3A_489 : vector<16xf32>
        %swap3A_505 = arith.index_cast %add3A_418 : i32 to index
        %swap3A_506 = arith.constant 80 : index
        %swap3A_507 = tpu.vector_load %arg12[%swap3A_505, %swap3A_506] {strides = array<i32>} : memref<48x144xf32, #tpu.memory_space<vmem>>, vector<1x16xf32>,
        %swap3A_508 = vector.shape_cast %swap3A_507 : vector<1x16xf32> to vector<16xf32>
        %swap3A_509 = vector.shape_cast %mul3A_504 : vector<16xf32> to vector<1x16xf32>
        tpu.vector_store %arg12[%swap3A_505, %swap3A_506], %swap3A_509 {strides = array<i32>} : memref<48x144xf32, #tpu.memory_space<vmem>>, vector<1x16xf32>,
        %slice3A_510 = vector.extract_strided_slice %exp3A_432 {offsets = [3], sizes = [1], strides = [1]} : vector<16xf32> to vector<1xf32>
        %squeeze3A_511 = vector.extract %slice3A_510[0] : f32 from vector<1xf32>
        %broadcast_in_dim3A_512 = vector.broadcast %squeeze3A_511 : f32 to vector<16xf32>
        %get3A_513 = arith.index_cast %add3A_418 : i32 to index
        %get3A_514 = arith.constant 96 : index
        %get3A_515 = tpu.vector_load %arg12[%get3A_513, %get3A_514] {strides = array<i32>} : memref<48x144xf32, #tpu.memory_space<vmem>>, vector<1x16xf32>,
        %get3A_516 = vector.shape_cast %get3A_515 : vector<1x16xf32> to vector<16xf32>
        %mul3A_517 = arith.mulf %get3A_516, %broadcast_in_dim3A_512 : vector<16xf32>
        %swap3A_518 = arith.index_cast %add3A_418 : i32 to index
        %swap3A_519 = arith.constant 96 : index
        %swap3A_520 = tpu.vector_load %arg12[%swap3A_518, %swap3A_519] {strides = array<i32>} : memref<48x144xf32, #tpu.memory_space<vmem>>, vector<1x16xf32>,
        %swap3A_521 = vector.shape_cast %swap3A_520 : vector<1x16xf32> to vector<16xf32>
        %swap3A_522 = vector.shape_cast %mul3A_517 : vector<16xf32> to vector<1x16xf32>
        tpu.vector_store %arg12[%swap3A_518, %swap3A_519], %swap3A_522 {strides = array<i32>} : memref<48x144xf32, #tpu.memory_space<vmem>>, vector<1x16xf32>,
        %get3A_523 = arith.index_cast %add3A_418 : i32 to index
        %get3A_524 = arith.constant 112 : index
        %get3A_525 = tpu.vector_load %arg12[%get3A_523, %get3A_524] {strides = array<i32>} : memref<48x144xf32, #tpu.memory_space<vmem>>, vector<1x16xf32>,
        %get3A_526 = vector.shape_cast %get3A_525 : vector<1x16xf32> to vector<16xf32>
        %mul3A_527 = arith.mulf %get3A_526, %broadcast_in_dim3A_512 : vector<16xf32>
        %swap3A_528 = arith.index_cast %add3A_418 : i32 to index
        %swap3A_529 = arith.constant 112 : index
        %swap3A_530 = tpu.vector_load %arg12[%swap3A_528, %swap3A_529] {strides = array<i32>} : memref<48x144xf32, #tpu.memory_space<vmem>>, vector<1x16xf32>,
        %swap3A_531 = vector.shape_cast %swap3A_530 : vector<1x16xf32> to vector<16xf32>
        %swap3A_532 = vector.shape_cast %mul3A_527 : vector<16xf32> to vector<1x16xf32>
        tpu.vector_store %arg12[%swap3A_528, %swap3A_529], %swap3A_532 {strides = array<i32>} : memref<48x144xf32, #tpu.memory_space<vmem>>, vector<1x16xf32>,
        %mul3A_533 = arith.constant 4 : i32
        %mul3A_534 = arith.muli %mul3A_533, %scan3A_185 : i32
        %add3A_535 = arith.constant 3 : i32
        %add3A_536 = arith.addi %mul3A_534, %add3A_535 : i32
        %get3A_537 = arith.index_cast %add3A_536 : i32 to index
        %get3A_538 = arith.constant 128 : index
        %get3A_539 = tpu.vector_load %arg12[%get3A_537, %get3A_538] {strides = array<i32>} : memref<48x144xf32, #tpu.memory_space<vmem>>, vector<1x16xf32>,
        %get3A_540 = vector.shape_cast %get3A_539 : vector<1x16xf32> to vector<16xf32>
        %get3A_541 = arith.index_cast %add3A_536 : i32 to index
        %get3A_542 = arith.constant 0 : index
        %get3A_543 = tpu.vector_load %arg14[%get3A_541, %get3A_542] {strides = array<i32>} : memref<48x16xf32, #tpu.memory_space<vmem>>, vector<1x16xf32>,
        %get3A_544 = vector.shape_cast %get3A_543 : vector<1x16xf32> to vector<16xf32>
        %add3A_545 = arith.addf %get3A_540, %get3A_544 : vector<16xf32>
        %mul3A_546 = arith.constant 2.000000e-01 : f32
        %mul3A_547 = vector.broadcast %mul3A_546 : f32 to vector<16xf32>
        %mul3A_548 = arith.mulf %add3A_545, %mul3A_547 : vector<16xf32>
        %max3A_549 = arith.maximumf %add3A_545, %mul3A_548 : vector<16xf32>
        %exp3A_550 = math.exp %max3A_549 : vector<16xf32>
        %jit3A_551 = arith.constant 0.000000e+00 : f32
        %broadcast_in_dim3A_552 = vector.broadcast %jit3A_551 : f32 to vector<16xf32>
        %select_n3A_553 = arith.select %lt3A_2, %exp3A_550, %broadcast_in_dim3A_552 : vector<16xi1>, vector<16xf32>
        %swap3A_554 = arith.index_cast %add3A_536 : i32 to index
        %swap3A_555 = arith.constant 128 : index
        %swap3A_556 = tpu.vector_load %arg12[%swap3A_554, %swap3A_555] {strides = array<i32>} : memref<48x144xf32, #tpu.memory_space<vmem>>, vector<1x16xf32>,
        %swap3A_557 = vector.shape_cast %swap3A_556 : vector<1x16xf32> to vector<16xf32>
        %swap3A_558 = vector.shape_cast %select_n3A_553 : vector<16xf32> to vector<1x16xf32>
        tpu.vector_store %arg12[%swap3A_554, %swap3A_555], %swap3A_558 {strides = array<i32>} : memref<48x144xf32, #tpu.memory_space<vmem>>, vector<1x16xf32>,
        %slice3A_559 = vector.extract_strided_slice %exp3A_550 {offsets = [0], sizes = [1], strides = [1]} : vector<16xf32> to vector<1xf32>
        %squeeze3A_560 = vector.extract %slice3A_559[0] : f32 from vector<1xf32>
        %broadcast_in_dim3A_561 = vector.broadcast %squeeze3A_560 : f32 to vector<16xf32>
        %get3A_562 = arith.index_cast %add3A_536 : i32 to index
        %get3A_563 = arith.constant 0 : index
        %get3A_564 = tpu.vector_load %arg12[%get3A_562, %get3A_563] {strides = array<i32>} : memref<48x144xf32, #tpu.memory_space<vmem>>, vector<1x16xf32>,
        %get3A_565 = vector.shape_cast %get3A_564 : vector<1x16xf32> to vector<16xf32>
        %mul3A_566 = arith.mulf %get3A_565, %broadcast_in_dim3A_561 : vector<16xf32>
        %swap3A_567 = arith.index_cast %add3A_536 : i32 to index
        %swap3A_568 = arith.constant 0 : index
        %swap3A_569 = tpu.vector_load %arg12[%swap3A_567, %swap3A_568] {strides = array<i32>} : memref<48x144xf32, #tpu.memory_space<vmem>>, vector<1x16xf32>,
        %swap3A_570 = vector.shape_cast %swap3A_569 : vector<1x16xf32> to vector<16xf32>
        %swap3A_571 = vector.shape_cast %mul3A_566 : vector<16xf32> to vector<1x16xf32>
        tpu.vector_store %arg12[%swap3A_567, %swap3A_568], %swap3A_571 {strides = array<i32>} : memref<48x144xf32, #tpu.memory_space<vmem>>, vector<1x16xf32>,
        %get3A_572 = arith.index_cast %add3A_536 : i32 to index
        %get3A_573 = arith.constant 16 : index
        %get3A_574 = tpu.vector_load %arg12[%get3A_572, %get3A_573] {strides = array<i32>} : memref<48x144xf32, #tpu.memory_space<vmem>>, vector<1x16xf32>,
        %get3A_575 = vector.shape_cast %get3A_574 : vector<1x16xf32> to vector<16xf32>
        %mul3A_576 = arith.mulf %get3A_575, %broadcast_in_dim3A_561 : vector<16xf32>
        %swap3A_577 = arith.index_cast %add3A_536 : i32 to index
        %swap3A_578 = arith.constant 16 : index
        %swap3A_579 = tpu.vector_load %arg12[%swap3A_577, %swap3A_578] {strides = array<i32>} : memref<48x144xf32, #tpu.memory_space<vmem>>, vector<1x16xf32>,
        %swap3A_580 = vector.shape_cast %swap3A_579 : vector<1x16xf32> to vector<16xf32>
        %swap3A_581 = vector.shape_cast %mul3A_576 : vector<16xf32> to vector<1x16xf32>
        tpu.vector_store %arg12[%swap3A_577, %swap3A_578], %swap3A_581 {strides = array<i32>} : memref<48x144xf32, #tpu.memory_space<vmem>>, vector<1x16xf32>,
        %slice3A_582 = vector.extract_strided_slice %exp3A_550 {offsets = [1], sizes = [1], strides = [1]} : vector<16xf32> to vector<1xf32>
        %squeeze3A_583 = vector.extract %slice3A_582[0] : f32 from vector<1xf32>
        %broadcast_in_dim3A_584 = vector.broadcast %squeeze3A_583 : f32 to vector<16xf32>
        %get3A_585 = arith.index_cast %add3A_536 : i32 to index
        %get3A_586 = arith.constant 32 : index
        %get3A_587 = tpu.vector_load %arg12[%get3A_585, %get3A_586] {strides = array<i32>} : memref<48x144xf32, #tpu.memory_space<vmem>>, vector<1x16xf32>,
        %get3A_588 = vector.shape_cast %get3A_587 : vector<1x16xf32> to vector<16xf32>
        %mul3A_589 = arith.mulf %get3A_588, %broadcast_in_dim3A_584 : vector<16xf32>
        %swap3A_590 = arith.index_cast %add3A_536 : i32 to index
        %swap3A_591 = arith.constant 32 : index
        %swap3A_592 = tpu.vector_load %arg12[%swap3A_590, %swap3A_591] {strides = array<i32>} : memref<48x144xf32, #tpu.memory_space<vmem>>, vector<1x16xf32>,
        %swap3A_593 = vector.shape_cast %swap3A_592 : vector<1x16xf32> to vector<16xf32>
        %swap3A_594 = vector.shape_cast %mul3A_589 : vector<16xf32> to vector<1x16xf32>
        tpu.vector_store %arg12[%swap3A_590, %swap3A_591], %swap3A_594 {strides = array<i32>} : memref<48x144xf32, #tpu.memory_space<vmem>>, vector<1x16xf32>,
        %get3A_595 = arith.index_cast %add3A_536 : i32 to index
        %get3A_596 = arith.constant 48 : index
        %get3A_597 = tpu.vector_load %arg12[%get3A_595, %get3A_596] {strides = array<i32>} : memref<48x144xf32, #tpu.memory_space<vmem>>, vector<1x16xf32>,
        %get3A_598 = vector.shape_cast %get3A_597 : vector<1x16xf32> to vector<16xf32>
        %mul3A_599 = arith.mulf %get3A_598, %broadcast_in_dim3A_584 : vector<16xf32>
        %swap3A_600 = arith.index_cast %add3A_536 : i32 to index
        %swap3A_601 = arith.constant 48 : index
        %swap3A_602 = tpu.vector_load %arg12[%swap3A_600, %swap3A_601] {strides = array<i32>} : memref<48x144xf32, #tpu.memory_space<vmem>>, vector<1x16xf32>,
        %swap3A_603 = vector.shape_cast %swap3A_602 : vector<1x16xf32> to vector<16xf32>
        %swap3A_604 = vector.shape_cast %mul3A_599 : vector<16xf32> to vector<1x16xf32>
        tpu.vector_store %arg12[%swap3A_600, %swap3A_601], %swap3A_604 {strides = array<i32>} : memref<48x144xf32, #tpu.memory_space<vmem>>, vector<1x16xf32>,
        %slice3A_605 = vector.extract_strided_slice %exp3A_550 {offsets = [2], sizes = [1], strides = [1]} : vector<16xf32> to vector<1xf32>
        %squeeze3A_606 = vector.extract %slice3A_605[0] : f32 from vector<1xf32>
        %broadcast_in_dim3A_607 = vector.broadcast %squeeze3A_606 : f32 to vector<16xf32>
        %get3A_608 = arith.index_cast %add3A_536 : i32 to index
        %get3A_609 = arith.constant 64 : index
        %get3A_610 = tpu.vector_load %arg12[%get3A_608, %get3A_609] {strides = array<i32>} : memref<48x144xf32, #tpu.memory_space<vmem>>, vector<1x16xf32>,
        %get3A_611 = vector.shape_cast %get3A_610 : vector<1x16xf32> to vector<16xf32>
        %mul3A_612 = arith.mulf %get3A_611, %broadcast_in_dim3A_607 : vector<16xf32>
        %swap3A_613 = arith.index_cast %add3A_536 : i32 to index
        %swap3A_614 = arith.constant 64 : index
        %swap3A_615 = tpu.vector_load %arg12[%swap3A_613, %swap3A_614] {strides = array<i32>} : memref<48x144xf32, #tpu.memory_space<vmem>>, vector<1x16xf32>,
        %swap3A_616 = vector.shape_cast %swap3A_615 : vector<1x16xf32> to vector<16xf32>
        %swap3A_617 = vector.shape_cast %mul3A_612 : vector<16xf32> to vector<1x16xf32>
        tpu.vector_store %arg12[%swap3A_613, %swap3A_614], %swap3A_617 {strides = array<i32>} : memref<48x144xf32, #tpu.memory_space<vmem>>, vector<1x16xf32>,
        %get3A_618 = arith.index_cast %add3A_536 : i32 to index
        %get3A_619 = arith.constant 80 : index
        %get3A_620 = tpu.vector_load %arg12[%get3A_618, %get3A_619] {strides = array<i32>} : memref<48x144xf32, #tpu.memory_space<vmem>>, vector<1x16xf32>,
        %get3A_621 = vector.shape_cast %get3A_620 : vector<1x16xf32> to vector<16xf32>
        %mul3A_622 = arith.mulf %get3A_621, %broadcast_in_dim3A_607 : vector<16xf32>
        %swap3A_623 = arith.index_cast %add3A_536 : i32 to index
        %swap3A_624 = arith.constant 80 : index
        %swap3A_625 = tpu.vector_load %arg12[%swap3A_623, %swap3A_624] {strides = array<i32>} : memref<48x144xf32, #tpu.memory_space<vmem>>, vector<1x16xf32>,
        %swap3A_626 = vector.shape_cast %swap3A_625 : vector<1x16xf32> to vector<16xf32>
        %swap3A_627 = vector.shape_cast %mul3A_622 : vector<16xf32> to vector<1x16xf32>
        tpu.vector_store %arg12[%swap3A_623, %swap3A_624], %swap3A_627 {strides = array<i32>} : memref<48x144xf32, #tpu.memory_space<vmem>>, vector<1x16xf32>,
        %slice3A_628 = vector.extract_strided_slice %exp3A_550 {offsets = [3], sizes = [1], strides = [1]} : vector<16xf32> to vector<1xf32>
        %squeeze3A_629 = vector.extract %slice3A_628[0] : f32 from vector<1xf32>
        %broadcast_in_dim3A_630 = vector.broadcast %squeeze3A_629 : f32 to vector<16xf32>
        %get3A_631 = arith.index_cast %add3A_536 : i32 to index
        %get3A_632 = arith.constant 96 : index
        %get3A_633 = tpu.vector_load %arg12[%get3A_631, %get3A_632] {strides = array<i32>} : memref<48x144xf32, #tpu.memory_space<vmem>>, vector<1x16xf32>,
        %get3A_634 = vector.shape_cast %get3A_633 : vector<1x16xf32> to vector<16xf32>
        %mul3A_635 = arith.mulf %get3A_634, %broadcast_in_dim3A_630 : vector<16xf32>
        %swap3A_636 = arith.index_cast %add3A_536 : i32 to index
        %swap3A_637 = arith.constant 96 : index
        %swap3A_638 = tpu.vector_load %arg12[%swap3A_636, %swap3A_637] {strides = array<i32>} : memref<48x144xf32, #tpu.memory_space<vmem>>, vector<1x16xf32>,
        %swap3A_639 = vector.shape_cast %swap3A_638 : vector<1x16xf32> to vector<16xf32>
        %swap3A_640 = vector.shape_cast %mul3A_635 : vector<16xf32> to vector<1x16xf32>
        tpu.vector_store %arg12[%swap3A_636, %swap3A_637], %swap3A_640 {strides = array<i32>} : memref<48x144xf32, #tpu.memory_space<vmem>>, vector<1x16xf32>,
        %get3A_641 = arith.index_cast %add3A_536 : i32 to index
        %get3A_642 = arith.constant 112 : index
        %get3A_643 = tpu.vector_load %arg12[%get3A_641, %get3A_642] {strides = array<i32>} : memref<48x144xf32, #tpu.memory_space<vmem>>, vector<1x16xf32>,
        %get3A_644 = vector.shape_cast %get3A_643 : vector<1x16xf32> to vector<16xf32>
        %mul3A_645 = arith.mulf %get3A_644, %broadcast_in_dim3A_630 : vector<16xf32>
        %swap3A_646 = arith.index_cast %add3A_536 : i32 to index
        %swap3A_647 = arith.constant 112 : index
        %swap3A_648 = tpu.vector_load %arg12[%swap3A_646, %swap3A_647] {strides = array<i32>} : memref<48x144xf32, #tpu.memory_space<vmem>>, vector<1x16xf32>,
        %swap3A_649 = vector.shape_cast %swap3A_648 : vector<1x16xf32> to vector<16xf32>
        %swap3A_650 = vector.shape_cast %mul3A_645 : vector<16xf32> to vector<1x16xf32>
        tpu.vector_store %arg12[%swap3A_646, %swap3A_647], %swap3A_650 {strides = array<i32>} : memref<48x144xf32, #tpu.memory_space<vmem>>, vector<1x16xf32>,
        %scan3A_651 = arith.constant 0 : i32
        scf.yield %scan3A_651 : i32
      }
      %scan3A_177 = arith.constant 12 : i32
      %dma_start3A_178 = arith.constant 0 : i32
      %dma_start3A_179 = tpu.memref_slice %arg10[%add3A_146, %dma_start3A_178] : memref<210x48xi32, #tpu.memory_space<vmem>> -> memref<1x48xi32, #tpu.memory_space<vmem>>
      %dma_start3A_180 = tpu.memref_squeeze %dma_start3A_179 : memref<1x48xi32, #tpu.memory_space<vmem>> -> memref<48xi32, #tpu.memory_space<vmem>>
      %dma_start3A_181 = arith.constant 0 : i32
      %dma_start3A_182 = arith.constant 0 : i32
      %dma_start3A_183 = tpu.memref_slice %arg8[%dma_start3A_181, %dma_start3A_182] : memref<10112x144xf32, #tpu.memory_space<vmem_shared>> -> memref<10112x144xf32, #tpu.memory_space<vmem_shared>>
      tpu.enqueue_indirect_dma source(%arg12 : memref<48x144xf32, #tpu.memory_space<vmem>>) target(%dma_start3A_183 : memref<10112x144xf32, #tpu.memory_space<vmem_shared>>) offsets(%dma_start3A_180 : memref<48xi32, #tpu.memory_space<vmem>>) semaphore(%arg20 : memref<!tpu.dma_semaphore, #tpu.memory_space<semaphore_mem>>) {add = true}
      %scan3A_184 = arith.constant 0 : i32
      scf.yield %scan3A_184 : i32
    }
    %scan3A_89 = arith.constant 105 : i32
    %dma_wait3A = arith.constant 0 : i32
    %dma_wait3A_90 = arith.constant 0 : i32
    %dma_wait3A_91 = tpu.memref_slice %arg2[%dma_wait3A, %dma_wait3A_90] : memref<10112x144xf32, #tpu.memory_space<hbm>> -> memref<48x144xf32, #tpu.memory_space<hbm>>
    %dma_wait3A_92 = arith.constant 0 : i32
    %dma_wait3A_93 = arith.constant 0 : i32
    %dma_wait3A_94 = tpu.memref_slice %arg2[%dma_wait3A_92, %dma_wait3A_93] : memref<10112x144xf32, #tpu.memory_space<hbm>> -> memref<48x144xf32, #tpu.memory_space<hbm>>
    tpu.wait_dma2 semaphore(%arg20 : memref<!tpu.dma_semaphore, #tpu.memory_space<semaphore_mem>>) src(%dma_wait3A_94 : memref<48x144xf32, #tpu.memory_space<hbm>>) dst(%arg12 : memref<48x144xf32, #tpu.memory_space<vmem>>)
    %barrier3A_95 = arith.constant 0 : index
    tpu.barrier barrier_id(%barrier3A_95)
    %eq3A = arith.constant 0 : i32
    %eq3A_96 = arith.cmpi eq, %arg0, %eq3A : i32
    %convert_element_type3A = arith.extui %eq3A_96 : i1 to i32
    %cond3A = arith.constant 0 : i32
    %cond3A_97 = arith.cmpi ne, %convert_element_type3A, %cond3A : i32
    scf.if %cond3A_97 {
      %mul3A_103 = arith.constant 632 : i32
      %mul3A_104 = arith.muli %arg1, %mul3A_103 : i32
      %mul3A_105 = arith.constant 632 : i32
      %mul3A_106 = arith.muli %arg1, %mul3A_105 : i32
      "tpu.region"() ({
        %run_scoped3A = tpu.sem_alloc : memref<!tpu.dma_semaphore, #tpu.memory_space<semaphore_mem>>
        %dma_start3A_107 = arith.constant 0 : i32
        %dma_start3A_108 = tpu.memref_slice %arg6[%mul3A_106, %dma_start3A_107] : memref<10112x144xf32, #tpu.memory_space<hbm>> -> memref<632x144xf32, #tpu.memory_space<hbm>>
        %dma_start3A_109 = arith.constant 0 : i32
        %dma_start3A_110 = tpu.memref_slice %arg8[%mul3A_104, %dma_start3A_109] : memref<10112x144xf32, #tpu.memory_space<vmem_shared>> -> memref<632x144xf32, #tpu.memory_space<vmem_shared>>
        tpu.enqueue_dma source(%dma_start3A_110 : memref<632x144xf32, #tpu.memory_space<vmem_shared>>) target(%dma_start3A_108 : memref<632x144xf32, #tpu.memory_space<hbm>>) target_semaphore(%run_scoped3A : memref<!tpu.dma_semaphore, #tpu.memory_space<semaphore_mem>>)
        %dma_wait3A_111 = arith.constant 0 : i32
        %dma_wait3A_112 = tpu.memref_slice %arg6[%mul3A_106, %dma_wait3A_111] : memref<10112x144xf32, #tpu.memory_space<hbm>> -> memref<632x144xf32, #tpu.memory_space<hbm>>
        %dma_wait3A_113 = arith.constant 0 : i32
        %dma_wait3A_114 = tpu.memref_slice %arg8[%mul3A_104, %dma_wait3A_113] : memref<10112x144xf32, #tpu.memory_space<vmem_shared>> -> memref<632x144xf32, #tpu.memory_space<vmem_shared>>
        tpu.wait_dma2 semaphore(%run_scoped3A : memref<!tpu.dma_semaphore, #tpu.memory_space<semaphore_mem>>) src(%dma_wait3A_114 : memref<632x144xf32, #tpu.memory_space<vmem_shared>>) dst(%dma_wait3A_112 : memref<632x144xf32, #tpu.memory_space<hbm>>)
        tpu.yield
      }) : () -> ()
    } else {
    }
    %eq3A_98 = arith.constant 1 : i32
    %eq3A_99 = arith.cmpi eq, %arg0, %eq3A_98 : i32
    %convert_element_type3A_100 = arith.extui %eq3A_99 : i1 to i32
    %cond3A_101 = arith.constant 0 : i32
    %cond3A_102 = arith.cmpi ne, %convert_element_type3A_100, %cond3A_101 : i32
    scf.if %cond3A_102 {
      %mul3A_103 = arith.constant 632 : i32
      %mul3A_104 = arith.muli %arg1, %mul3A_103 : i32
      %mul3A_105 = arith.constant 632 : i32
      %mul3A_106 = arith.muli %arg1, %mul3A_105 : i32
      "tpu.region"() ({
        %run_scoped3A = tpu.sem_alloc : memref<!tpu.dma_semaphore, #tpu.memory_space<semaphore_mem>>
        %dma_start3A_107 = arith.constant 0 : i32
        %dma_start3A_108 = tpu.memref_slice %arg7[%mul3A_106, %dma_start3A_107] : memref<10112x144xf32, #tpu.memory_space<hbm>> -> memref<632x144xf32, #tpu.memory_space<hbm>>
        %dma_start3A_109 = arith.constant 0 : i32
        %dma_start3A_110 = tpu.memref_slice %arg8[%mul3A_104, %dma_start3A_109] : memref<10112x144xf32, #tpu.memory_space<vmem_shared>> -> memref<632x144xf32, #tpu.memory_space<vmem_shared>>
        tpu.enqueue_dma source(%dma_start3A_110 : memref<632x144xf32, #tpu.memory_space<vmem_shared>>) target(%dma_start3A_108 : memref<632x144xf32, #tpu.memory_space<hbm>>) target_semaphore(%run_scoped3A : memref<!tpu.dma_semaphore, #tpu.memory_space<semaphore_mem>>)
        %dma_wait3A_111 = arith.constant 0 : i32
        %dma_wait3A_112 = tpu.memref_slice %arg7[%mul3A_106, %dma_wait3A_111] : memref<10112x144xf32, #tpu.memory_space<hbm>> -> memref<632x144xf32, #tpu.memory_space<hbm>>
        %dma_wait3A_113 = arith.constant 0 : i32
        %dma_wait3A_114 = tpu.memref_slice %arg8[%mul3A_104, %dma_wait3A_113] : memref<10112x144xf32, #tpu.memory_space<vmem_shared>> -> memref<632x144xf32, #tpu.memory_space<vmem_shared>>
        tpu.wait_dma2 semaphore(%run_scoped3A : memref<!tpu.dma_semaphore, #tpu.memory_space<semaphore_mem>>) src(%dma_wait3A_114 : memref<632x144xf32, #tpu.memory_space<vmem_shared>>) dst(%dma_wait3A_112 : memref<632x144xf32, #tpu.memory_space<hbm>>)
        tpu.yield
      }) : () -> ()
    } else {
    }
    return
  }
}

module attributes {stable_mosaic.version = 14 : i64} {
  func.func @_s1_body(%arg0: i32, %arg1: memref<1264x128xf32, #tpu.memory_space<vmem>>, %arg2: memref<128x128xf32, #tpu.memory_space<vmem>>, %arg3: memref<1x128xf32, #tpu.memory_space<vmem>>, %arg4: memref<1x128xf32, #tpu.memory_space<vmem>>, %arg5: memref<1x128xf32, #tpu.memory_space<vmem>>, %arg6: memref<128x128xf32, #tpu.memory_space<vmem>>, %arg7: memref<128x8xf32, #tpu.memory_space<vmem>>, %arg8: memref<1264x144xf32, #tpu.memory_space<vmem>>, %arg9: memref<1264x16xf32, #tpu.memory_space<vmem>>) attributes {dimension_semantics = [#tpu.dimension_semantics<arbitrary>], iteration_bounds = array<i64: 8>, scalar_prefetch = 0 : i64, scratch_operands = 0 : i64, tpu.core_type = #tpu.core_type<tc>, window_params = [{transform_indices = @transform_0, window_bounds = array<i64: 1264, 128>}, {pipeline_mode = #tpu.pipeline_mode<synchronous>, transform_indices = @transform_1, window_bounds = array<i64: 128, 128>}, {pipeline_mode = #tpu.pipeline_mode<synchronous>, transform_indices = @transform_2, window_bounds = array<i64: 1, 128>}, {pipeline_mode = #tpu.pipeline_mode<synchronous>, transform_indices = @transform_3, window_bounds = array<i64: 1, 128>}, {pipeline_mode = #tpu.pipeline_mode<synchronous>, transform_indices = @transform_4, window_bounds = array<i64: 1, 128>}, {pipeline_mode = #tpu.pipeline_mode<synchronous>, transform_indices = @transform_5, window_bounds = array<i64: 128, 128>}, {pipeline_mode = #tpu.pipeline_mode<synchronous>, transform_indices = @transform_6, window_bounds = array<i64: 128, 8>}, {transform_indices = @transform_7, window_bounds = array<i64: 1264, 144>}, {transform_indices = @transform_8, window_bounds = array<i64: 1264, 16>}]} {
    %get3A = arith.constant 0 : index
    %get3A_0 = arith.constant 0 : index
    %get3A_1 = vector.load %arg1[%get3A, %get3A_0] : memref<1264x128xf32, #tpu.memory_space<vmem>>, vector<1264x128xf32>
    %get3A_2 = arith.constant 0 : index
    %get3A_3 = arith.constant 0 : index
    %get3A_4 = vector.load %arg2[%get3A_2, %get3A_3] : memref<128x128xf32, #tpu.memory_space<vmem>>, vector<128x128xf32>
    %dot_general3A = arith.constant dense<0.000000e+00> : vector<1264x128xf32>
    %dot_general3A_5 = tpu.matmul %get3A_1, %get3A_4, %dot_general3A {dimension_numbers = #tpu.dot_dimension_numbers<[1], [0], [0], [1], [0, 0, 1, 1], [], []>, transpose_lhs_hint = false} : vector<1264x128xf32>, vector<128x128xf32>, vector<1264x128xf32> -> vector<1264x128xf32>
    %get3A_6 = arith.constant 0 : index
    %get3A_7 = arith.constant 0 : index
    %get3A_8 = vector.load %arg3[%get3A_6, %get3A_7] : memref<1x128xf32, #tpu.memory_space<vmem>>, vector<1x128xf32>
    %add3A = vector.broadcast %get3A_8 : vector<1x128xf32> to vector<1264x128xf32>
    %add3A_9 = arith.addf %dot_general3A_5, %add3A : vector<1264x128xf32>
    %get3A_10 = arith.constant 0 : index
    %get3A_11 = arith.constant 0 : index
    %get3A_12 = vector.load %arg4[%get3A_10, %get3A_11] : memref<1x128xf32, #tpu.memory_space<vmem>>, vector<1x128xf32>
    %get3A_13 = arith.constant 0 : index
    %get3A_14 = arith.constant 0 : index
    %get3A_15 = vector.load %arg5[%get3A_13, %get3A_14] : memref<1x128xf32, #tpu.memory_space<vmem>>, vector<1x128xf32>
    %reduce_sum3A = arith.constant dense<0.000000e+00> : vector<1264xf32>
    %reduce_sum3A_16 = vector.multi_reduction <add>, %add3A_9, %reduce_sum3A [1] : vector<1264x128xf32> to vector<1264xf32>
    %broadcast_in_dim3A = vector.shape_cast %reduce_sum3A_16 : vector<1264xf32> to vector<1264x1xf32>
    %div3A = arith.constant 1.280000e+02 : f32
    %div3A_17 = vector.broadcast %div3A : f32 to vector<1264x1xf32>
    %div3A_18 = arith.divf %broadcast_in_dim3A, %div3A_17 : vector<1264x1xf32>
    %sub3A = vector.broadcast %div3A_18 : vector<1264x1xf32> to vector<1264x128xf32>
    %sub3A_19 = arith.subf %add3A_9, %sub3A : vector<1264x128xf32>
    %integer_pow3A = arith.mulf %sub3A_19, %sub3A_19 : vector<1264x128xf32>
    %reduce_sum3A_20 = arith.constant dense<0.000000e+00> : vector<1264xf32>
    %reduce_sum3A_21 = vector.multi_reduction <add>, %integer_pow3A, %reduce_sum3A_20 [1] : vector<1264x128xf32> to vector<1264xf32>
    %broadcast_in_dim3A_22 = vector.shape_cast %reduce_sum3A_21 : vector<1264xf32> to vector<1264x1xf32>
    %div3A_23 = arith.constant 1.280000e+02 : f32
    %div3A_24 = vector.broadcast %div3A_23 : f32 to vector<1264x1xf32>
    %div3A_25 = arith.divf %broadcast_in_dim3A_22, %div3A_24 : vector<1264x1xf32>
    %sub3A_26 = vector.broadcast %div3A_18 : vector<1264x1xf32> to vector<1264x128xf32>
    %sub3A_27 = arith.subf %add3A_9, %sub3A_26 : vector<1264x128xf32>
    %add3A_28 = arith.constant 9.99999974E-6 : f32
    %add3A_29 = vector.broadcast %add3A_28 : f32 to vector<1264x1xf32>
    %add3A_30 = arith.addf %div3A_25, %add3A_29 : vector<1264x1xf32>
    %rsqrt3A = math.rsqrt %add3A_30 : vector<1264x1xf32>
    %mul3A = vector.broadcast %rsqrt3A : vector<1264x1xf32> to vector<1264x128xf32>
    %mul3A_31 = arith.mulf %sub3A_27, %mul3A : vector<1264x128xf32>
    %mul3A_32 = vector.broadcast %get3A_12 : vector<1x128xf32> to vector<1264x128xf32>
    %mul3A_33 = arith.mulf %mul3A_31, %mul3A_32 : vector<1264x128xf32>
    %add3A_34 = vector.broadcast %get3A_15 : vector<1x128xf32> to vector<1264x128xf32>
    %add3A_35 = arith.addf %mul3A_33, %add3A_34 : vector<1264x128xf32>
    %mul3A_36 = arith.constant 5.000000e-01 : f32
    %mul3A_37 = vector.broadcast %mul3A_36 : f32 to vector<1264x128xf32>
    %mul3A_38 = arith.mulf %mul3A_37, %add3A_35 : vector<1264x128xf32>
    %mul3A_39 = arith.constant 0.707106769 : f32
    %mul3A_40 = vector.broadcast %mul3A_39 : f32 to vector<1264x128xf32>
    %mul3A_41 = arith.mulf %add3A_35, %mul3A_40 : vector<1264x128xf32>
    %erf3A = math.erf %mul3A_41 : vector<1264x128xf32>
    %add3A_42 = arith.constant 1.000000e+00 : f32
    %add3A_43 = vector.broadcast %add3A_42 : f32 to vector<1264x128xf32>
    %add3A_44 = arith.addf %add3A_43, %erf3A : vector<1264x128xf32>
    %mul3A_45 = arith.mulf %mul3A_38, %add3A_44 : vector<1264x128xf32>
    %get3A_46 = arith.constant 0 : index
    %get3A_47 = arith.constant 0 : index
    %get3A_48 = vector.load %arg6[%get3A_46, %get3A_47] : memref<128x128xf32, #tpu.memory_space<vmem>>, vector<128x128xf32>
    %dot_general3A_49 = arith.constant dense<0.000000e+00> : vector<1264x128xf32>
    %dot_general3A_50 = tpu.matmul %mul3A_45, %get3A_48, %dot_general3A_49 {dimension_numbers = #tpu.dot_dimension_numbers<[1], [0], [0], [1], [0, 0, 1, 1], [], []>, transpose_lhs_hint = false} : vector<1264x128xf32>, vector<128x128xf32>, vector<1264x128xf32> -> vector<1264x128xf32>
    %get3A_51 = arith.constant 0 : index
    %get3A_52 = arith.constant 0 : index
    %get3A_53 = vector.load %arg7[%get3A_51, %get3A_52] : memref<128x8xf32, #tpu.memory_space<vmem>>, vector<128x8xf32>
    %dot_general3A_54 = arith.constant dense<0.000000e+00> : vector<1264x8xf32>
    %dot_general3A_55 = tpu.matmul %dot_general3A_50, %get3A_53, %dot_general3A_54 {dimension_numbers = #tpu.dot_dimension_numbers<[1], [0], [0], [1], [0, 0, 1, 1], [], []>, transpose_lhs_hint = false} : vector<1264x128xf32>, vector<128x8xf32>, vector<1264x8xf32> -> vector<1264x8xf32>
    %broadcast_in_dim3A_56 = arith.constant 0.000000e+00 : f32
    %broadcast_in_dim3A_57 = vector.broadcast %broadcast_in_dim3A_56 : f32 to vector<1264x12xf32>
    %broadcast_in_dim3A_58 = arith.constant 0.000000e+00 : f32
    %broadcast_in_dim3A_59 = vector.broadcast %broadcast_in_dim3A_58 : f32 to vector<1264x12xf32>
    %slice3A = vector.extract_strided_slice %dot_general3A_55 {offsets = [0, 0], sizes = [1264, 4], strides = [1, 1]} : vector<1264x8xf32> to vector<1264x4xf32>
    %concatenate3A = tpu.concatenate %dot_general3A_50, %slice3A, %broadcast_in_dim3A_57 in 1 : vector<1264x128xf32>, vector<1264x4xf32>, vector<1264x12xf32> -> vector<1264x144xf32>
    %slice3A_60 = vector.extract_strided_slice %dot_general3A_55 {offsets = [0, 4], sizes = [1264, 4], strides = [1, 1]} : vector<1264x8xf32> to vector<1264x4xf32>
    %concatenate3A_61 = tpu.concatenate %slice3A_60, %broadcast_in_dim3A_59 in 1 : vector<1264x4xf32>, vector<1264x12xf32> -> vector<1264x16xf32>
    %swap3A = arith.constant 0 : index
    %swap3A_62 = arith.constant 0 : index
    %swap3A_63 = vector.load %arg8[%swap3A, %swap3A_62] : memref<1264x144xf32, #tpu.memory_space<vmem>>, vector<1264x144xf32>
    tpu.vector_store %arg8[%swap3A, %swap3A_62], %concatenate3A {strides = array<i32>} : memref<1264x144xf32, #tpu.memory_space<vmem>>, vector<1264x144xf32>,
    %swap3A_64 = arith.constant 0 : index
    %swap3A_65 = arith.constant 0 : index
    %swap3A_66 = vector.load %arg9[%swap3A_64, %swap3A_65] : memref<1264x16xf32, #tpu.memory_space<vmem>>, vector<1264x16xf32>
    tpu.vector_store %arg9[%swap3A_64, %swap3A_65], %concatenate3A_61 {strides = array<i32>} : memref<1264x16xf32, #tpu.memory_space<vmem>>, vector<1264x16xf32>,
    return
  }
  func.func @transform_0(%arg0: i32) -> (i32, i32) {
    %c0_i32 = arith.constant 0 : i32
    %c0_i32_0 = arith.constant 0 : i32
    return %arg0, %c0_i32 : i32, i32
  }
  func.func @transform_1(%arg0: i32) -> (i32, i32) {
    %c0_i32 = arith.constant 0 : i32
    %c0_i32_0 = arith.constant 0 : i32
    %c0_i32_1 = arith.constant 0 : i32
    return %c0_i32, %c0_i32_0 : i32, i32
  }
  func.func @transform_2(%arg0: i32) -> (i32, i32) {
    %c0_i32 = arith.constant 0 : i32
    %c0_i32_0 = arith.constant 0 : i32
    %c0_i32_1 = arith.constant 0 : i32
    return %c0_i32, %c0_i32_0 : i32, i32
  }
  func.func @transform_3(%arg0: i32) -> (i32, i32) {
    %c0_i32 = arith.constant 0 : i32
    %c0_i32_0 = arith.constant 0 : i32
    %c0_i32_1 = arith.constant 0 : i32
    return %c0_i32, %c0_i32_0 : i32, i32
  }
  func.func @transform_4(%arg0: i32) -> (i32, i32) {
    %c0_i32 = arith.constant 0 : i32
    %c0_i32_0 = arith.constant 0 : i32
    %c0_i32_1 = arith.constant 0 : i32
    return %c0_i32, %c0_i32_0 : i32, i32
  }
  func.func @transform_5(%arg0: i32) -> (i32, i32) {
    %c0_i32 = arith.constant 0 : i32
    %c0_i32_0 = arith.constant 0 : i32
    %c0_i32_1 = arith.constant 0 : i32
    return %c0_i32, %c0_i32_0 : i32, i32
  }
  func.func @transform_6(%arg0: i32) -> (i32, i32) {
    %c0_i32 = arith.constant 0 : i32
    %c0_i32_0 = arith.constant 0 : i32
    %c0_i32_1 = arith.constant 0 : i32
    return %c0_i32, %c0_i32_0 : i32, i32
  }
  func.func @transform_7(%arg0: i32) -> (i32, i32) {
    %c0_i32 = arith.constant 0 : i32
    %c0_i32_0 = arith.constant 0 : i32
    return %arg0, %c0_i32 : i32, i32
  }
  func.func @transform_8(%arg0: i32) -> (i32, i32) {
    %c0_i32 = arith.constant 0 : i32
    %c0_i32_0 = arith.constant 0 : i32
    return %arg0, %c0_i32 : i32, i32
  }
}

module attributes {stable_mosaic.version = 14 : i64} {
  func.func @_s2_body(%arg0: i32, %arg1: memref<1264x144xf32, #tpu.memory_space<vmem>>, %arg2: memref<1264x144xf32, #tpu.memory_space<vmem>>, %arg3: memref<1x128xf32, #tpu.memory_space<vmem>>, %arg4: memref<1x128xf32, #tpu.memory_space<vmem>>, %arg5: memref<1x128xf32, #tpu.memory_space<vmem>>, %arg6: memref<128x128xf32, #tpu.memory_space<vmem>>, %arg7: memref<128x8xf32, #tpu.memory_space<vmem>>, %arg8: memref<1264x144xf32, #tpu.memory_space<vmem>>, %arg9: memref<1264x16xf32, #tpu.memory_space<vmem>>) attributes {dimension_semantics = [#tpu.dimension_semantics<arbitrary>], iteration_bounds = array<i64: 8>, scalar_prefetch = 0 : i64, scratch_operands = 0 : i64, tpu.core_type = #tpu.core_type<tc>, window_params = [{transform_indices = @transform_0, window_bounds = array<i64: 1264, 144>}, {transform_indices = @transform_1, window_bounds = array<i64: 1264, 144>}, {pipeline_mode = #tpu.pipeline_mode<synchronous>, transform_indices = @transform_2, window_bounds = array<i64: 1, 128>}, {pipeline_mode = #tpu.pipeline_mode<synchronous>, transform_indices = @transform_3, window_bounds = array<i64: 1, 128>}, {pipeline_mode = #tpu.pipeline_mode<synchronous>, transform_indices = @transform_4, window_bounds = array<i64: 1, 128>}, {pipeline_mode = #tpu.pipeline_mode<synchronous>, transform_indices = @transform_5, window_bounds = array<i64: 128, 128>}, {pipeline_mode = #tpu.pipeline_mode<synchronous>, transform_indices = @transform_6, window_bounds = array<i64: 128, 8>}, {transform_indices = @transform_7, window_bounds = array<i64: 1264, 144>}, {transform_indices = @transform_8, window_bounds = array<i64: 1264, 16>}]} {
    %get3A = arith.constant 0 : index
    %get3A_0 = arith.constant 0 : index
    %get3A_1 = vector.load %arg1[%get3A, %get3A_0] : memref<1264x144xf32, #tpu.memory_space<vmem>>, vector<1264x144xf32>
    %get3A_2 = arith.constant 0 : index
    %get3A_3 = arith.constant 0 : index
    %get3A_4 = vector.load %arg2[%get3A_2, %get3A_3] : memref<1264x144xf32, #tpu.memory_space<vmem>>, vector<1264x144xf32>
    %get3A_5 = arith.constant 0 : index
    %get3A_6 = arith.constant 0 : index
    %get3A_7 = vector.load %arg3[%get3A_5, %get3A_6] : memref<1x128xf32, #tpu.memory_space<vmem>>, vector<1x128xf32>
    %slice3A = vector.extract_strided_slice %get3A_1 {offsets = [0, 0], sizes = [1264, 128], strides = [1, 1]} : vector<1264x144xf32> to vector<1264x128xf32>
    %slice3A_8 = vector.extract_strided_slice %get3A_4 {offsets = [0, 0], sizes = [1264, 128], strides = [1, 1]} : vector<1264x144xf32> to vector<1264x128xf32>
    %add3A = arith.addf %slice3A, %slice3A_8 : vector<1264x128xf32>
    %slice3A_9 = vector.extract_strided_slice %get3A_1 {offsets = [0, 128], sizes = [1264, 4], strides = [1, 1]} : vector<1264x144xf32> to vector<1264x4xf32>
    %slice3A_10 = vector.extract_strided_slice %get3A_4 {offsets = [0, 128], sizes = [1264, 4], strides = [1, 1]} : vector<1264x144xf32> to vector<1264x4xf32>
    %add3A_11 = arith.addf %slice3A_9, %slice3A_10 : vector<1264x4xf32>
    %slice3A_12 = vector.extract_strided_slice %add3A_11 {offsets = [0, 0], sizes = [1264, 1], strides = [1, 1]} : vector<1264x4xf32> to vector<1264x1xf32>
    %add3A_13 = arith.constant 1.000000e-16 : f32
    %add3A_14 = vector.broadcast %add3A_13 : f32 to vector<1264x1xf32>
    %add3A_15 = arith.addf %slice3A_12, %add3A_14 : vector<1264x1xf32>
    %slice3A_16 = vector.extract_strided_slice %add3A {offsets = [0, 0], sizes = [1264, 32], strides = [1, 1]} : vector<1264x128xf32> to vector<1264x32xf32>
    %div3A = vector.broadcast %add3A_15 : vector<1264x1xf32> to vector<1264x32xf32>
    %div3A_17 = arith.divf %slice3A_16, %div3A : vector<1264x32xf32>
    %slice3A_18 = vector.extract_strided_slice %add3A_11 {offsets = [0, 1], sizes = [1264, 1], strides = [1, 1]} : vector<1264x4xf32> to vector<1264x1xf32>
    %add3A_19 = arith.constant 1.000000e-16 : f32
    %add3A_20 = vector.broadcast %add3A_19 : f32 to vector<1264x1xf32>
    %add3A_21 = arith.addf %slice3A_18, %add3A_20 : vector<1264x1xf32>
    %slice3A_22 = vector.extract_strided_slice %add3A {offsets = [0, 32], sizes = [1264, 32], strides = [1, 1]} : vector<1264x128xf32> to vector<1264x32xf32>
    %div3A_23 = vector.broadcast %add3A_21 : vector<1264x1xf32> to vector<1264x32xf32>
    %div3A_24 = arith.divf %slice3A_22, %div3A_23 : vector<1264x32xf32>
    %slice3A_25 = vector.extract_strided_slice %add3A_11 {offsets = [0, 2], sizes = [1264, 1], strides = [1, 1]} : vector<1264x4xf32> to vector<1264x1xf32>
    %add3A_26 = arith.constant 1.000000e-16 : f32
    %add3A_27 = vector.broadcast %add3A_26 : f32 to vector<1264x1xf32>
    %add3A_28 = arith.addf %slice3A_25, %add3A_27 : vector<1264x1xf32>
    %slice3A_29 = vector.extract_strided_slice %add3A {offsets = [0, 64], sizes = [1264, 32], strides = [1, 1]} : vector<1264x128xf32> to vector<1264x32xf32>
    %div3A_30 = vector.broadcast %add3A_28 : vector<1264x1xf32> to vector<1264x32xf32>
    %div3A_31 = arith.divf %slice3A_29, %div3A_30 : vector<1264x32xf32>
    %slice3A_32 = vector.extract_strided_slice %add3A_11 {offsets = [0, 3], sizes = [1264, 1], strides = [1, 1]} : vector<1264x4xf32> to vector<1264x1xf32>
    %add3A_33 = arith.constant 1.000000e-16 : f32
    %add3A_34 = vector.broadcast %add3A_33 : f32 to vector<1264x1xf32>
    %add3A_35 = arith.addf %slice3A_32, %add3A_34 : vector<1264x1xf32>
    %slice3A_36 = vector.extract_strided_slice %add3A {offsets = [0, 96], sizes = [1264, 32], strides = [1, 1]} : vector<1264x128xf32> to vector<1264x32xf32>
    %div3A_37 = vector.broadcast %add3A_35 : vector<1264x1xf32> to vector<1264x32xf32>
    %div3A_38 = arith.divf %slice3A_36, %div3A_37 : vector<1264x32xf32>
    %concatenate3A = tpu.concatenate %div3A_17, %div3A_24, %div3A_31, %div3A_38 in 1 : vector<1264x32xf32>, vector<1264x32xf32>, vector<1264x32xf32>, vector<1264x32xf32> -> vector<1264x128xf32>
    %add3A_39 = vector.broadcast %get3A_7 : vector<1x128xf32> to vector<1264x128xf32>
    %add3A_40 = arith.addf %concatenate3A, %add3A_39 : vector<1264x128xf32>
    %get3A_41 = arith.constant 0 : index
    %get3A_42 = arith.constant 0 : index
    %get3A_43 = vector.load %arg4[%get3A_41, %get3A_42] : memref<1x128xf32, #tpu.memory_space<vmem>>, vector<1x128xf32>
    %get3A_44 = arith.constant 0 : index
    %get3A_45 = arith.constant 0 : index
    %get3A_46 = vector.load %arg5[%get3A_44, %get3A_45] : memref<1x128xf32, #tpu.memory_space<vmem>>, vector<1x128xf32>
    %reduce_sum3A = arith.constant dense<0.000000e+00> : vector<1264xf32>
    %reduce_sum3A_47 = vector.multi_reduction <add>, %add3A_40, %reduce_sum3A [1] : vector<1264x128xf32> to vector<1264xf32>
    %broadcast_in_dim3A = vector.shape_cast %reduce_sum3A_47 : vector<1264xf32> to vector<1264x1xf32>
    %div3A_48 = arith.constant 1.280000e+02 : f32
    %div3A_49 = vector.broadcast %div3A_48 : f32 to vector<1264x1xf32>
    %div3A_50 = arith.divf %broadcast_in_dim3A, %div3A_49 : vector<1264x1xf32>
    %sub3A = vector.broadcast %div3A_50 : vector<1264x1xf32> to vector<1264x128xf32>
    %sub3A_51 = arith.subf %add3A_40, %sub3A : vector<1264x128xf32>
    %integer_pow3A = arith.mulf %sub3A_51, %sub3A_51 : vector<1264x128xf32>
    %reduce_sum3A_52 = arith.constant dense<0.000000e+00> : vector<1264xf32>
    %reduce_sum3A_53 = vector.multi_reduction <add>, %integer_pow3A, %reduce_sum3A_52 [1] : vector<1264x128xf32> to vector<1264xf32>
    %broadcast_in_dim3A_54 = vector.shape_cast %reduce_sum3A_53 : vector<1264xf32> to vector<1264x1xf32>
    %div3A_55 = arith.constant 1.280000e+02 : f32
    %div3A_56 = vector.broadcast %div3A_55 : f32 to vector<1264x1xf32>
    %div3A_57 = arith.divf %broadcast_in_dim3A_54, %div3A_56 : vector<1264x1xf32>
    %sub3A_58 = vector.broadcast %div3A_50 : vector<1264x1xf32> to vector<1264x128xf32>
    %sub3A_59 = arith.subf %add3A_40, %sub3A_58 : vector<1264x128xf32>
    %add3A_60 = arith.constant 9.99999974E-6 : f32
    %add3A_61 = vector.broadcast %add3A_60 : f32 to vector<1264x1xf32>
    %add3A_62 = arith.addf %div3A_57, %add3A_61 : vector<1264x1xf32>
    %rsqrt3A = math.rsqrt %add3A_62 : vector<1264x1xf32>
    %mul3A = vector.broadcast %rsqrt3A : vector<1264x1xf32> to vector<1264x128xf32>
    %mul3A_63 = arith.mulf %sub3A_59, %mul3A : vector<1264x128xf32>
    %mul3A_64 = vector.broadcast %get3A_43 : vector<1x128xf32> to vector<1264x128xf32>
    %mul3A_65 = arith.mulf %mul3A_63, %mul3A_64 : vector<1264x128xf32>
    %add3A_66 = vector.broadcast %get3A_46 : vector<1x128xf32> to vector<1264x128xf32>
    %add3A_67 = arith.addf %mul3A_65, %add3A_66 : vector<1264x128xf32>
    %mul3A_68 = arith.constant 5.000000e-01 : f32
    %mul3A_69 = vector.broadcast %mul3A_68 : f32 to vector<1264x128xf32>
    %mul3A_70 = arith.mulf %mul3A_69, %add3A_67 : vector<1264x128xf32>
    %mul3A_71 = arith.constant 0.707106769 : f32
    %mul3A_72 = vector.broadcast %mul3A_71 : f32 to vector<1264x128xf32>
    %mul3A_73 = arith.mulf %add3A_67, %mul3A_72 : vector<1264x128xf32>
    %erf3A = math.erf %mul3A_73 : vector<1264x128xf32>
    %add3A_74 = arith.constant 1.000000e+00 : f32
    %add3A_75 = vector.broadcast %add3A_74 : f32 to vector<1264x128xf32>
    %add3A_76 = arith.addf %add3A_75, %erf3A : vector<1264x128xf32>
    %mul3A_77 = arith.mulf %mul3A_70, %add3A_76 : vector<1264x128xf32>
    %get3A_78 = arith.constant 0 : index
    %get3A_79 = arith.constant 0 : index
    %get3A_80 = vector.load %arg6[%get3A_78, %get3A_79] : memref<128x128xf32, #tpu.memory_space<vmem>>, vector<128x128xf32>
    %dot_general3A = arith.constant dense<0.000000e+00> : vector<1264x128xf32>
    %dot_general3A_81 = tpu.matmul %mul3A_77, %get3A_80, %dot_general3A {dimension_numbers = #tpu.dot_dimension_numbers<[1], [0], [0], [1], [0, 0, 1, 1], [], []>, transpose_lhs_hint = false} : vector<1264x128xf32>, vector<128x128xf32>, vector<1264x128xf32> -> vector<1264x128xf32>
    %get3A_82 = arith.constant 0 : index
    %get3A_83 = arith.constant 0 : index
    %get3A_84 = vector.load %arg7[%get3A_82, %get3A_83] : memref<128x8xf32, #tpu.memory_space<vmem>>, vector<128x8xf32>
    %dot_general3A_85 = arith.constant dense<0.000000e+00> : vector<1264x8xf32>
    %dot_general3A_86 = tpu.matmul %dot_general3A_81, %get3A_84, %dot_general3A_85 {dimension_numbers = #tpu.dot_dimension_numbers<[1], [0], [0], [1], [0, 0, 1, 1], [], []>, transpose_lhs_hint = false} : vector<1264x128xf32>, vector<128x8xf32>, vector<1264x8xf32> -> vector<1264x8xf32>
    %broadcast_in_dim3A_87 = arith.constant 0.000000e+00 : f32
    %broadcast_in_dim3A_88 = vector.broadcast %broadcast_in_dim3A_87 : f32 to vector<1264x12xf32>
    %broadcast_in_dim3A_89 = arith.constant 0.000000e+00 : f32
    %broadcast_in_dim3A_90 = vector.broadcast %broadcast_in_dim3A_89 : f32 to vector<1264x12xf32>
    %slice3A_91 = vector.extract_strided_slice %dot_general3A_86 {offsets = [0, 0], sizes = [1264, 4], strides = [1, 1]} : vector<1264x8xf32> to vector<1264x4xf32>
    %concatenate3A_92 = tpu.concatenate %dot_general3A_81, %slice3A_91, %broadcast_in_dim3A_88 in 1 : vector<1264x128xf32>, vector<1264x4xf32>, vector<1264x12xf32> -> vector<1264x144xf32>
    %slice3A_93 = vector.extract_strided_slice %dot_general3A_86 {offsets = [0, 4], sizes = [1264, 4], strides = [1, 1]} : vector<1264x8xf32> to vector<1264x4xf32>
    %concatenate3A_94 = tpu.concatenate %slice3A_93, %broadcast_in_dim3A_90 in 1 : vector<1264x4xf32>, vector<1264x12xf32> -> vector<1264x16xf32>
    %swap3A = arith.constant 0 : index
    %swap3A_95 = arith.constant 0 : index
    %swap3A_96 = vector.load %arg8[%swap3A, %swap3A_95] : memref<1264x144xf32, #tpu.memory_space<vmem>>, vector<1264x144xf32>
    tpu.vector_store %arg8[%swap3A, %swap3A_95], %concatenate3A_92 {strides = array<i32>} : memref<1264x144xf32, #tpu.memory_space<vmem>>, vector<1264x144xf32>,
    %swap3A_97 = arith.constant 0 : index
    %swap3A_98 = arith.constant 0 : index
    %swap3A_99 = vector.load %arg9[%swap3A_97, %swap3A_98] : memref<1264x16xf32, #tpu.memory_space<vmem>>, vector<1264x16xf32>
    tpu.vector_store %arg9[%swap3A_97, %swap3A_98], %concatenate3A_94 {strides = array<i32>} : memref<1264x16xf32, #tpu.memory_space<vmem>>, vector<1264x16xf32>,
    return
  }
  func.func @transform_0(%arg0: i32) -> (i32, i32) {
    %c0_i32 = arith.constant 0 : i32
    %c0_i32_0 = arith.constant 0 : i32
    return %arg0, %c0_i32 : i32, i32
  }
  func.func @transform_1(%arg0: i32) -> (i32, i32) {
    %c0_i32 = arith.constant 0 : i32
    %c0_i32_0 = arith.constant 0 : i32
    return %arg0, %c0_i32 : i32, i32
  }
  func.func @transform_2(%arg0: i32) -> (i32, i32) {
    %c0_i32 = arith.constant 0 : i32
    %c0_i32_0 = arith.constant 0 : i32
    %c0_i32_1 = arith.constant 0 : i32
    return %c0_i32, %c0_i32_0 : i32, i32
  }
  func.func @transform_3(%arg0: i32) -> (i32, i32) {
    %c0_i32 = arith.constant 0 : i32
    %c0_i32_0 = arith.constant 0 : i32
    %c0_i32_1 = arith.constant 0 : i32
    return %c0_i32, %c0_i32_0 : i32, i32
  }
  func.func @transform_4(%arg0: i32) -> (i32, i32) {
    %c0_i32 = arith.constant 0 : i32
    %c0_i32_0 = arith.constant 0 : i32
    %c0_i32_1 = arith.constant 0 : i32
    return %c0_i32, %c0_i32_0 : i32, i32
  }
  func.func @transform_5(%arg0: i32) -> (i32, i32) {
    %c0_i32 = arith.constant 0 : i32
    %c0_i32_0 = arith.constant 0 : i32
    %c0_i32_1 = arith.constant 0 : i32
    return %c0_i32, %c0_i32_0 : i32, i32
  }
  func.func @transform_6(%arg0: i32) -> (i32, i32) {
    %c0_i32 = arith.constant 0 : i32
    %c0_i32_0 = arith.constant 0 : i32
    %c0_i32_1 = arith.constant 0 : i32
    return %c0_i32, %c0_i32_0 : i32, i32
  }
  func.func @transform_7(%arg0: i32) -> (i32, i32) {
    %c0_i32 = arith.constant 0 : i32
    %c0_i32_0 = arith.constant 0 : i32
    return %arg0, %c0_i32 : i32, i32
  }
  func.func @transform_8(%arg0: i32) -> (i32, i32) {
    %c0_i32 = arith.constant 0 : i32
    %c0_i32_0 = arith.constant 0 : i32
    return %arg0, %c0_i32 : i32, i32
  }
}

module attributes {stable_mosaic.version = 14 : i64} {
  func.func @_s3_body(%arg0: i32, %arg1: memref<1264x144xf32, #tpu.memory_space<vmem>>, %arg2: memref<1264x144xf32, #tpu.memory_space<vmem>>, %arg3: memref<1x128xf32, #tpu.memory_space<vmem>>, %arg4: memref<128x64xf32, #tpu.memory_space<vmem>>, %arg5: memref<1x64xf32, #tpu.memory_space<vmem>>, %arg6: memref<1264x64xf32, #tpu.memory_space<vmem>>) attributes {dimension_semantics = [#tpu.dimension_semantics<arbitrary>], iteration_bounds = array<i64: 8>, scalar_prefetch = 0 : i64, scratch_operands = 0 : i64, tpu.core_type = #tpu.core_type<tc>, window_params = [{transform_indices = @transform_0, window_bounds = array<i64: 1264, 144>}, {transform_indices = @transform_1, window_bounds = array<i64: 1264, 144>}, {pipeline_mode = #tpu.pipeline_mode<synchronous>, transform_indices = @transform_2, window_bounds = array<i64: 1, 128>}, {pipeline_mode = #tpu.pipeline_mode<synchronous>, transform_indices = @transform_3, window_bounds = array<i64: 128, 64>}, {pipeline_mode = #tpu.pipeline_mode<synchronous>, transform_indices = @transform_4, window_bounds = array<i64: 1, 64>}, {transform_indices = @transform_5, window_bounds = array<i64: 1264, 64>}]} {
    %get3A = arith.constant 0 : index
    %get3A_0 = arith.constant 0 : index
    %get3A_1 = vector.load %arg1[%get3A, %get3A_0] : memref<1264x144xf32, #tpu.memory_space<vmem>>, vector<1264x144xf32>
    %get3A_2 = arith.constant 0 : index
    %get3A_3 = arith.constant 0 : index
    %get3A_4 = vector.load %arg2[%get3A_2, %get3A_3] : memref<1264x144xf32, #tpu.memory_space<vmem>>, vector<1264x144xf32>
    %get3A_5 = arith.constant 0 : index
    %get3A_6 = arith.constant 0 : index
    %get3A_7 = vector.load %arg3[%get3A_5, %get3A_6] : memref<1x128xf32, #tpu.memory_space<vmem>>, vector<1x128xf32>
    %slice3A = vector.extract_strided_slice %get3A_1 {offsets = [0, 0], sizes = [1264, 128], strides = [1, 1]} : vector<1264x144xf32> to vector<1264x128xf32>
    %slice3A_8 = vector.extract_strided_slice %get3A_4 {offsets = [0, 0], sizes = [1264, 128], strides = [1, 1]} : vector<1264x144xf32> to vector<1264x128xf32>
    %add3A = arith.addf %slice3A, %slice3A_8 : vector<1264x128xf32>
    %slice3A_9 = vector.extract_strided_slice %get3A_1 {offsets = [0, 128], sizes = [1264, 4], strides = [1, 1]} : vector<1264x144xf32> to vector<1264x4xf32>
    %slice3A_10 = vector.extract_strided_slice %get3A_4 {offsets = [0, 128], sizes = [1264, 4], strides = [1, 1]} : vector<1264x144xf32> to vector<1264x4xf32>
    %add3A_11 = arith.addf %slice3A_9, %slice3A_10 : vector<1264x4xf32>
    %slice3A_12 = vector.extract_strided_slice %add3A_11 {offsets = [0, 0], sizes = [1264, 1], strides = [1, 1]} : vector<1264x4xf32> to vector<1264x1xf32>
    %add3A_13 = arith.constant 1.000000e-16 : f32
    %add3A_14 = vector.broadcast %add3A_13 : f32 to vector<1264x1xf32>
    %add3A_15 = arith.addf %slice3A_12, %add3A_14 : vector<1264x1xf32>
    %slice3A_16 = vector.extract_strided_slice %add3A {offsets = [0, 0], sizes = [1264, 32], strides = [1, 1]} : vector<1264x128xf32> to vector<1264x32xf32>
    %div3A = vector.broadcast %add3A_15 : vector<1264x1xf32> to vector<1264x32xf32>
    %div3A_17 = arith.divf %slice3A_16, %div3A : vector<1264x32xf32>
    %slice3A_18 = vector.extract_strided_slice %add3A_11 {offsets = [0, 1], sizes = [1264, 1], strides = [1, 1]} : vector<1264x4xf32> to vector<1264x1xf32>
    %add3A_19 = arith.constant 1.000000e-16 : f32
    %add3A_20 = vector.broadcast %add3A_19 : f32 to vector<1264x1xf32>
    %add3A_21 = arith.addf %slice3A_18, %add3A_20 : vector<1264x1xf32>
    %slice3A_22 = vector.extract_strided_slice %add3A {offsets = [0, 32], sizes = [1264, 32], strides = [1, 1]} : vector<1264x128xf32> to vector<1264x32xf32>
    %div3A_23 = vector.broadcast %add3A_21 : vector<1264x1xf32> to vector<1264x32xf32>
    %div3A_24 = arith.divf %slice3A_22, %div3A_23 : vector<1264x32xf32>
    %slice3A_25 = vector.extract_strided_slice %add3A_11 {offsets = [0, 2], sizes = [1264, 1], strides = [1, 1]} : vector<1264x4xf32> to vector<1264x1xf32>
    %add3A_26 = arith.constant 1.000000e-16 : f32
    %add3A_27 = vector.broadcast %add3A_26 : f32 to vector<1264x1xf32>
    %add3A_28 = arith.addf %slice3A_25, %add3A_27 : vector<1264x1xf32>
    %slice3A_29 = vector.extract_strided_slice %add3A {offsets = [0, 64], sizes = [1264, 32], strides = [1, 1]} : vector<1264x128xf32> to vector<1264x32xf32>
    %div3A_30 = vector.broadcast %add3A_28 : vector<1264x1xf32> to vector<1264x32xf32>
    %div3A_31 = arith.divf %slice3A_29, %div3A_30 : vector<1264x32xf32>
    %slice3A_32 = vector.extract_strided_slice %add3A_11 {offsets = [0, 3], sizes = [1264, 1], strides = [1, 1]} : vector<1264x4xf32> to vector<1264x1xf32>
    %add3A_33 = arith.constant 1.000000e-16 : f32
    %add3A_34 = vector.broadcast %add3A_33 : f32 to vector<1264x1xf32>
    %add3A_35 = arith.addf %slice3A_32, %add3A_34 : vector<1264x1xf32>
    %slice3A_36 = vector.extract_strided_slice %add3A {offsets = [0, 96], sizes = [1264, 32], strides = [1, 1]} : vector<1264x128xf32> to vector<1264x32xf32>
    %div3A_37 = vector.broadcast %add3A_35 : vector<1264x1xf32> to vector<1264x32xf32>
    %div3A_38 = arith.divf %slice3A_36, %div3A_37 : vector<1264x32xf32>
    %concatenate3A = tpu.concatenate %div3A_17, %div3A_24, %div3A_31, %div3A_38 in 1 : vector<1264x32xf32>, vector<1264x32xf32>, vector<1264x32xf32>, vector<1264x32xf32> -> vector<1264x128xf32>
    %add3A_39 = vector.broadcast %get3A_7 : vector<1x128xf32> to vector<1264x128xf32>
    %add3A_40 = arith.addf %concatenate3A, %add3A_39 : vector<1264x128xf32>
    %get3A_41 = arith.constant 0 : index
    %get3A_42 = arith.constant 0 : index
    %get3A_43 = vector.load %arg4[%get3A_41, %get3A_42] : memref<128x64xf32, #tpu.memory_space<vmem>>, vector<128x64xf32>
    %dot_general3A = arith.constant dense<0.000000e+00> : vector<1264x64xf32>
    %dot_general3A_44 = tpu.matmul %add3A_40, %get3A_43, %dot_general3A {dimension_numbers = #tpu.dot_dimension_numbers<[1], [0], [0], [1], [0, 0, 1, 1], [], []>, transpose_lhs_hint = false} : vector<1264x128xf32>, vector<128x64xf32>, vector<1264x64xf32> -> vector<1264x64xf32>
    %get3A_45 = arith.constant 0 : index
    %get3A_46 = arith.constant 0 : index
    %get3A_47 = vector.load %arg5[%get3A_45, %get3A_46] : memref<1x64xf32, #tpu.memory_space<vmem>>, vector<1x64xf32>
    %add3A_48 = vector.broadcast %get3A_47 : vector<1x64xf32> to vector<1264x64xf32>
    %add3A_49 = arith.addf %dot_general3A_44, %add3A_48 : vector<1264x64xf32>
    %swap3A = arith.constant 0 : index
    %swap3A_50 = arith.constant 0 : index
    %swap3A_51 = vector.load %arg6[%swap3A, %swap3A_50] : memref<1264x64xf32, #tpu.memory_space<vmem>>, vector<1264x64xf32>
    tpu.vector_store %arg6[%swap3A, %swap3A_50], %add3A_49 {strides = array<i32>} : memref<1264x64xf32, #tpu.memory_space<vmem>>, vector<1264x64xf32>,
    return
  }
  func.func @transform_0(%arg0: i32) -> (i32, i32) {
    %c0_i32 = arith.constant 0 : i32
    %c0_i32_0 = arith.constant 0 : i32
    return %arg0, %c0_i32 : i32, i32
  }
  func.func @transform_1(%arg0: i32) -> (i32, i32) {
    %c0_i32 = arith.constant 0 : i32
    %c0_i32_0 = arith.constant 0 : i32
    return %arg0, %c0_i32 : i32, i32
  }
  func.func @transform_2(%arg0: i32) -> (i32, i32) {
    %c0_i32 = arith.constant 0 : i32
    %c0_i32_0 = arith.constant 0 : i32
    %c0_i32_1 = arith.constant 0 : i32
    return %c0_i32, %c0_i32_0 : i32, i32
  }
  func.func @transform_3(%arg0: i32) -> (i32, i32) {
    %c0_i32 = arith.constant 0 : i32
    %c0_i32_0 = arith.constant 0 : i32
    %c0_i32_1 = arith.constant 0 : i32
    return %c0_i32, %c0_i32_0 : i32, i32
  }
  func.func @transform_4(%arg0: i32) -> (i32, i32) {
    %c0_i32 = arith.constant 0 : i32
    %c0_i32_0 = arith.constant 0 : i32
    %c0_i32_1 = arith.constant 0 : i32
    return %c0_i32, %c0_i32_0 : i32, i32
  }
  func.func @transform_5(%arg0: i32) -> (i32, i32) {
    %c0_i32 = arith.constant 0 : i32
    %c0_i32_0 = arith.constant 0 : i32
    return %arg0, %c0_i32 : i32, i32
  }
}

</mosaic_0001>

<sc_bundles>
// kernel: kernel.10.cloned.1.call-start
scs
__scs_entry_jumppad:
0x0: {  	(pc) =	sbr.rel $0x88, $3  }
0x1: {  	(tag) =	ssettag $0x0;
	lr =	simm.s32 $0x1  }
0x2: {  	[smem:$0x3F8F] =	sst lr;
	_ =	strace $0xD0000000  }
0x3: {  	_ = 	snop  }
0x4: {  	_ = 	snop  }
0x5: {  	_ = 	snop  }
0x6: {  	_ = 	snop  }
0x7: {  	_ = 	snop  }
__scs_overlays_trampoline_lowered:
0x8: {  	[smem:$0x3F9E] =	sst s0  }
0x9: {  	[smem:$0x3F9F] =	sst s1  }
0xa: {  	[smem:$0x3FA0] =	sst s2  }
0xb: {  	[smem:$0x3FA1] =	sst s3  }
0xc: {  	[smem:$0x3FA2] =	sst s4  }
0xd: {  	[smem:$0x3FA3] =	sst s5  }
0xe: {  	[smem:$0x3FA4] =	sst s6  }
0xf: {  	[smem:$0x3FA5] =	sst s7  }
0x10: {  	[smem:$0x3FA6] =	sst s8  }
0x11: {  	[smem:$0x3FA7] =	sst s9;
	s0 =	simm.s32 @!p0 $0x0  }
0x12: {  	s1 =	sld [smem:$0x3F8D];
	s0 =	simm.s32 @p0 $0x1  }
0x13: {  	[smem:$0x3FA8] =	sst s0;
	s0 =	simm.s32 @!p1 $0x0  }
0x14: {  	s2 =	sld [smem:$0x3F8C];
	s0 =	simm.s32 @p1 $0x1  }
0x15: {  	[smem:$0x3FA9] =	sst s0;
	s0 =	simm.s32 @!p2 $0x0  }
0x16: {  	s3 =	sld [smem:$0x3FDB];
	s0 =	simm.s32 @p2 $0x1  }
0x17: {  	s4 =	simm.s32 $0x1BF5;
	[smem:$0x3FAB] =	sst s0  }
0x18: {  	s0 =	sld [smem:$0x3F8E];
	_ =	swait.ge [sflag:s4], $0x0  }
0x19: {  	s7 =	sld [smem:$0x3F8F]  }
0x1a: {  	s8 =	sadd.s32 $0xFFFFE003, lr  }
0x1b: {  	s9 =	sadd.s32 $0xFFFFFEF7, lr;
	s5 =	simm.s32 $0xFFFFFFFF;
	p2 =	slt.u32 s8, $0xFFFFF086  }
0x1c: {  	p1 =	slt.u32 s9, $0xF7A;
	s5 =	simm.s32 @!p2 $0x0  }
0x1d: {  	s5 =	simm.s32 @p1 $0x1;
	p0 =	seq.s32 s7, s2  }
0x1e: {  	s7 =	smul.u32 @!p0 $0xF7A, s2;
	p2 =	seq.s32 @!p0 s5, $0x0  }
0x1f: {  	s9 =	smul.u32 $0xF7A, s1;
	s8 =	simm.s32 @!p0 $0x1BF5;
	p2 =	por !p2, p0  }
0x20: {  	[sflag:s8] =	ssyncset.s32 @!p0 $0xFFFFF086;
	s6 =	sadd.s32 @!p0 s3, s7;
	s7 =	simm.s32 @!p0 $0x108  }
0x21: {  	s3 =	sadd.s32 s3, s9;
	s6 =	sadd.s32 @!p0 $0x88, s6;
	s7 =	simm.s32 @p2 $0x1082  }
0x22: {  	[simem:s7], [sflag:s8] =	dma.local @!p0 [hbm:s6], $0xF7A  }
0x23: {  	s9 =	sor.u32 $0xD0000000, s2;
	s6 =	simm.s32 $0x108;
	_ =	swait.ge @!p0 [sflag:s8], $0x0  }
0x24: {  	s3 =	sadd.s32 $0x88, s3;
	s6 =	simm.s32 @!p1 $0x1082;
	[sflag:s4] =	ssyncset.s32 $0xFFFFF086  }
0x25: {  	[simem:s6], [sflag:s4] =	dma.local [hbm:s3], $0xF7A  }
0x26: {  	[smem:$0x3F8F] =	sst s1;
	(tag) =	ssettag s2;
	_ =	strace s9  }
0x27: {  	s1 =	sld [smem:$0x3F9F]  }
0x28: {  	s2 =	sld [smem:$0x3FA0]  }
0x29: {  	s4 =	sld [smem:$0x3FA2]  }
0x2a: {  	p0 =	seq.s32 s5, $0x0;
	s5 =	sld [smem:$0x3FA3]  }
0x2b: {  	s6 =	sld [smem:$0x3FA4]  }
0x2c: {  	s7 =	sld [smem:$0x3FA5]  }
0x2d: {  	s3 =	simm.s32 $0x108;
	s8 =	sld [smem:$0x3FA6]  }
0x2e: {  	s3 =	simm.s32 @!p0 $0x1082;
	s9 =	sld [smem:$0x3FA7]  }
0x2f: {  	lr =	sadd.s32 s0, s3;
	s0 =	sld [smem:$0x3F9E]  }
0x30: {  	s3 =	sld [smem:$0x3FA1]  }
0x31: {  	[smem:$0x3FAA] =	sst s10  }
0x32: {  	s10 =	sld [smem:$0x3FA8];
	_ =	sdelay $0x3  }
0x33: {  	p0 =	seq.s32 s10, $0x1;
	s10 =	sld [smem:$0x3FAA];
	_ =	sdelay $0x3  }
0x34: {  	[smem:$0x3FAA] =	sst s10  }
0x35: {  	s10 =	sld [smem:$0x3FA9];
	_ =	sdelay $0x3  }
0x36: {  	p1 =	seq.s32 s10, $0x1;
	s10 =	sld [smem:$0x3FAA];
	_ =	sdelay $0x3  }
0x37: {  	[smem:$0x3FAA] =	sst s10  }
0x38: {  	s10 =	sld [smem:$0x3FAB]  }
0x39: {  	_ = 	snop;
	(pc) =	sbr.ind lr, $3  }
0x3a: {  	_ = 	snop  }
0x3b: {  	_ = 	snop  }
0x3c: {  	p2 =	seq.s32 s10, $0x1;
	s10 =	sld [smem:$0x3FAA]  }
0x3d: {  	_ =	shalt  }
0x3e: {  	_ =	shalt  }
0x3f: {  	_ =	shalt  }
0x40: {  	_ =	shalt  }
0x41: {  	_ =	shalt  }
0x42: {  	_ =	shalt  }
0x43: {  	_ =	shalt  }
0x44: {  	_ =	shalt  }
0x45: {  	_ =	shalt  }
0x46: {  	_ =	shalt  }
0x47: {  	_ =	shalt  }
0x48: {  	_ =	shalt  }
0x49: {  	_ =	shalt  }
0x4a: {  	_ =	shalt  }
0x4b: {  	_ =	shalt  }
0x4c: {  	_ =	shalt  }
0x4d: {  	_ =	shalt  }
0x4e: {  	_ =	shalt  }
0x4f: {  	_ =	shalt  }
0x50: {  	_ =	shalt  }
0x51: {  	_ =	shalt  }
0x52: {  	_ =	shalt  }
0x53: {  	_ =	shalt  }
0x54: {  	_ =	shalt  }
0x55: {  	_ =	shalt  }
0x56: {  	_ =	shalt  }
0x57: {  	_ =	shalt  }
0x58: {  	_ =	shalt  }
0x59: {  	_ =	shalt  }
0x5a: {  	_ =	shalt  }
0x5b: {  	_ =	shalt  }
0x5c: {  	_ =	shalt  }
0x5d: {  	_ =	shalt  }
0x5e: {  	_ =	shalt  }
0x5f: {  	_ =	shalt  }
0x60: {  	_ =	shalt  }
0x61: {  	_ =	shalt  }
0x62: {  	_ =	shalt  }
0x63: {  	_ =	shalt  }
0x64: {  	_ =	shalt  }
0x65: {  	_ =	shalt  }
0x66: {  	_ =	shalt  }
0x67: {  	_ =	shalt  }
0x68: {  	_ =	shalt  }
0x69: {  	_ =	shalt  }
0x6a: {  	_ =	shalt  }
0x6b: {  	_ =	shalt  }
0x6c: {  	_ =	shalt  }
0x6d: {  	_ =	shalt  }
0x6e: {  	_ =	shalt  }
0x6f: {  	_ =	shalt  }
0x70: {  	_ =	shalt  }
0x71: {  	_ =	shalt  }
0x72: {  	_ =	shalt  }
0x73: {  	_ =	shalt  }
0x74: {  	_ =	shalt  }
0x75: {  	_ =	shalt  }
0x76: {  	_ =	shalt  }
0x77: {  	_ =	shalt  }
0x78: {  	_ =	shalt  }
0x79: {  	_ =	shalt  }
0x7a: {  	_ =	shalt  }
0x7b: {  	_ =	shalt  }
0x7c: {  	_ =	shalt  }
0x7d: {  	_ =	shalt  }
0x7e: {  	_ =	shalt  }
0x7f: {  	_ =	shalt  }
0x80: {  	_ =	shalt  }
0x81: {  	_ =	shalt  }
0x82: {  	_ =	shalt  }
0x83: {  	_ =	shalt  }
0x84: {  	_ =	shalt  }
0x85: {  	_ =	shalt  }
0x86: {  	_ =	shalt  }
0x87: {  	_ =	shalt  }
.Lfunc_end0:
.L_simem_size_0:
called_computation.1_lowered:
.L_overlay_start_0:
0x88: {  	s2 =	sld [smem:$0x3FD9]  }
0x89: {  	s3 =	sld [smem:$0x3FFE];
	_ =	sdelay $0x1  }
0x8a: {  	s1 =	srdreg.scid  }
0x8b: {  	s0 =	sand.u32 $0x1, s1  }
0x8c: {  	s17 =	sshll.u32 s0, $0xA;
	s2 =	sadd.s32 s3, s2  }
0x8d: {  	s2 =	sadd.s32 s2, s17  }
0x8e: {  	[smem:$0x3FB6] =	sst s2  }
0x8f: {  	_ = 	snop  }
0x90: {  	s2 =	sld [smem:$0x3FD0];
	(tm) =	ssettm $0x1  }
0x91: {  	s18 =	sld [smem:$0x3FFB];
	_ =	sdelay $0x3  }
0x92: {  	_ =	strace s18  }
0x93: {  	s3 =	sld [smem:$0x3FFC];
	_ =	sdelay $0x3  }
0x94: {  	_ =	strace s3  }
0x95: {  	s3 =	sld [smem:$0x3FFD];
	_ =	sdelay $0x3  }
0x96: {  	_ =	strace s3  }
0x97: {  	_ =	strace $0x8FFFFFFF  }
0x98: {  	s19 =	sld [smem:$0x3FDB];
	_ =	sdelay $0x1  }
0x99: {  	s4 =	simm.s32 $_scs_section_size  }
0x9a: {  	s5 =	simm.s32 $_size__tile_overlayer_lowered;
	s6 =	simm.s32 $_tile_overlayer_lowered  }
0x9b: {  	s22 =	simm.s32 $0x1BFF;
	s21 =	sshll.u32 s6, $0x1;
	s3 =	sadd.s32 s4, s19  }
0x9c: {  	s7 =	simm.s32 $0x0;
	s20 =	sshll.u32 s5, $0x1;
	s5 =	sadd.s32 s21, s3  }
0x9d: {  	[timem:s7], [sflag:s22] =	dma.local [hbm:s5], s20  }
0x9e: {  	_ =	swait.ge [sflag:s22], s20  }
0x9f: {  	s4 =	ssub.s32 $0x0, s20;
	[sflag:s22] =	ssyncset.done $0x0  }
0xa0: {  	[sflag:s22] =	ssyncadd.s32 s4;
	_ =	sdelay $0x1  }
0xa1: {  	s23 =	simm.s32 $0x1B8B  }
0xa2: {  	_ =	swait.ge [sflag:s23], $0x1  }
0xa3: {  	[sflag:s23] =	ssyncset.done $0x0  }
0xa4: {  	s25 =	simm.s32 $0x1B8E;
	s24 =	sld [smem:$0x3FFE];
	[sflag:s23] =	ssyncadd.s32 $0xFFFFFFFF  }
0xa5: {  	s26 =	simm.s32 $execute0_lowered;
	[smem:$0x3FD2] =	sst s25  }
0xa6: {  	s5 =	sshll.u32 s26, $0x1;
	_ =	strace $0x80000049;
	[dreg:$0x1] =	wrdreg $0xFFFFFFFF  }
0xa7: {  	s28 =	simm.s32 $_size_execute0_lowered;
	s3 =	sadd.s32 s3, s5;
	[dreg:$0x0] =	wrdreg $0x0  }
0xa8: {  	s5 =	sshll.u32 s28, $0x1;
	[dreg:$0x2] =	wrdreg s3  }
0xa9: {  	[dreg:$0x3] =	wrdreg s5  }
0xaa: {  	[dreg:$0x4] =	wrdreg $0xC0  }
0xab: {  	_ =	task [dreg:s7], $0x5FFFF  }
0xac: {  	[dreg:$0x1] =	wrdreg $0xFFFFFFFF  }
0xad: {  	[dreg:$0x0] =	wrdreg $0x60  }
0xae: {  	[dreg:$0x2] =	wrdreg s24  }
0xaf: {  	[dreg:$0x3] =	wrdreg s2  }
0xb0: {  	[dreg:$0x4] =	wrdreg $0x0  }
0xb1: {  	[dreg:$0x5] =	wrdreg $0x9  }
0xb2: {  	_ =	task.clear_ibuf [dreg:s7], $0x6FFFF;
	_ =	strace $0x90000049  }
0xb3: {  	s29 =	simm.s32 $0x9;
	_ =	strace $0x8000004B  }
0xb4: {  	_ =	swait.ge [sflag:s29], $0x1  }
0xb5: {  	[sflag:s29] =	ssyncadd.s32 $0xFFFFFFFF  }
0xb6: {  	_ =	strace $0x9000004B  }
0xb7: {  	_ =	sfence  }
0xb8: {  	s30 =	sld [smem:$0x0];
	_ =	sdelay $0x2  }
0xb9: {  	s31 =	sshll.u32 s1, $0xD;
	s1 =	sshrl.u32 s1, $0x2  }
0xba: {  	s3 =	sand.u32 $0x4000, s31;
	s1 =	sadd.s32 s1, s30  }
0xbb: {  	s0 =	sor.u32 s3, s0;
	s1 =	sshll.u32 s1, $0x11  }
0xbc: {  	s0 =	sor.u32 s1, s0  }
0xbd: {  	s0 =	sadd.s32 $0x8F2B, s0  }
0xbe: {  	[sflag:s0] =	ssyncadd.remote.s32 $0x1  }
0xbf: {  	_ =	sfence.sel $0xFFFF  }
0xc0: {  	[dreg:$0x0] =	wrdreg $0xFFFFFFFF;
	(pc) =	sbr.abs _section_cstart, $3  }
0xc1: {  	[dreg:$0x1] =	wrdreg $0xFFFFFFFF  }
0xc2: {  	_ =	task.clear_ibuf [dreg:s7], $0x2FFFF;
	_ =	strace $0x9FFFFFFF  }
0xc3: {  	(tm) =	ssettm $0x7FFFFFFF  }
tec
execute0_lowered:
.L_overlay_start_1:
0x0: {  	(tag) =	ssettag $0x1  }
0x1: {  	s0 =	rddreg [dreg:$0x0]  }
0x2: {  	s1 =	rddreg [dreg:$0x1]  }
0x3: {  	s2 =	rddreg [dreg:$0x2]  }
0x4: {  	s3 =	srdreg.scid;
	s11 =	stileid.u32  }
0x5: {  	s5 =	simm.s32 $0x0;
	s13 =	simm.s32 $0x16380;
	s28 =	simm.s32 $0x1B240  }
0x6: {  	s29 =	simm.s32 $0x30;
	s31 =	simm.s32 $0x1;
	s30 =	simm.s32 $0x1CD40  }
0x7: {  	s3 =	sand.u32 $0x1, s3;
	s4 =	sshll.u32 s11, $0x1;
	s8 =	smul.u32 $0x58E00, s11  }
0x8: {  	[smem:$0x7FF] =	sst s5;
	s5 =	sadd.s32 $0x2FE00, s0;
	s14 =	smul.u32 $0x16380, s11  }
0x9: {  	s4 =	sor.u32 s3, s4;
	_ =	strace $0x8000004A;
	s7 =	ssub.s32 $0x2, s3  }
0xa: {  	p0 =	seq.s32 s3, $0x1;
	s3 =	simm.s32 $0x3EC00;
	s6 =	smul.u32 $0x4EC, s4  }
0xb: {  	s4 =	sadd.s32 $0x3600, s0;
	s10 =	sshrl.u32 s7, $0x1;
	s8 =	sshrl.u32 s8, $0x2  }
0xc: {  	s3 =	simm.s32 @!p0 $0x6B400;
	s26 =	sshrl.u32 s14, $0x3;
	s7 =	ssub.s32 s7, s10  }
0xd: {  	s15 =	sadd.s32 s8, s2;
	s8 =	sadd.s32 s14, s2;
	s14 =	simm.s32 $0x18AE0  }
0xe: {  	s10 =	simm.s32 $0x0;
	s9 =	sadd.s32 s6, s0;
	s1 =	sadd.s32 s1, s6  }
0xf: {  	s19 =	sadd.s32 $0x1B00, s15;
	s20 =	sadd.s32 $0x3600, s15;
	[dreg:$0x5] =	wrdreg s1  }
0x10: {  	s21 =	sadd.s32 $0x5100, s15;
	s22 =	sadd.s32 $0x6C00, s15;
	[dreg:$0x6] =	wrdreg s19  }
0x11: {  	s23 =	sadd.s32 $0x8700, s15;
	s24 =	sadd.s32 $0xA200, s15;
	[dreg:$0x7] =	wrdreg s20  }
0x12: {  	s25 =	sadd.s32 $0xBD00, s15;
	s16 =	sadd.s32 $0xD800, s15;
	[dreg:$0x8] =	wrdreg s21  }
0x13: {  	s17 =	sadd.s32 $0xF300, s15;
	s18 =	sadd.s32 $0x10E00, s15;
	[dreg:$0x9] =	wrdreg s22  }
0x14: {  	s0 =	sadd.s32 s3, s0;
	s3 =	simm.s32 $0x2;
	[dreg:$0xa] =	wrdreg s23  }
0x15: {  	s6 =	simm.s32 $0x4;
	s9 =	sadd.s32 $0x34E00, s9;
	[dreg:$0xb] =	wrdreg s24  }
0x16: {  	[dreg:$0xc] =	wrdreg s25;
	s19 =	sadd.s32 $0x12900, s15;
	s20 =	sadd.s32 $0x14400, s15  }
0x17: {  	s21 =	sadd.s32 $0x15F00, s15;
	s22 =	smax.u32 s7, $0x1;
	s23 =	sadd.s32 s0, s26  }
0x18: {  	s25 =	simm.s32 $0x7;
	s0 =	simm.s32 $0x3;
	s1 =	simm.s32 $0x1EB40  }
0x19: {  	v0 =	vimm.f32 $0.0e+00;
	vm0 =	vmmov $0xf;
	s7 =	simm.s32 $0x5;
	[dreg:$0x4] =	wrdreg s9;
	s9 =	simm.s32 $0x6  }
.LBB2_1:
0x1a: {  	s11 =	simm.s32 $0x0;
	s12 =	rddreg [dreg:$0x4]  }
0x1b: {  	[tilespmem:s13], [sflag:$0x7] =	stream.linear.gather [hbm4b:s12+s11], $0x2760, $0x38;
	[tilespmem:$0x1EE40] =	vst v63  }
0x1c: {  	_ =	swait.ge [sflag:s25], $0x2760  }
0x1d: {  	[sflag:s25] =	ssyncset.done $0x0  }
0x1e: {  	s26 =	rddreg [dreg:$0x5];
	[sflag:s25] =	ssyncadd.s32 $0xFFFFD8A0  }
0x1f: {  	[tilespmem:s14], [sflag:$0x7] =	stream.linear.gather [hbm4b:s26+s11], $0x2760, $0x38;
	[tilespmem:$0x1EE40] =	vst v63  }
0x20: {  	_ =	swait.ge [sflag:s25], $0x2760  }
0x21: {  	[sflag:s25] =	ssyncset.done $0x0  }
0x22: {  	s12 =	simm.s32 $0x240;
	s11 =	simm.s32 $0x0;
	[sflag:s25] =	ssyncadd.s32 $0xFFFFD8A0  }
.LBB2_2:
0x23: {  	p0 =	sne.s32 s12, $0x69C0;
	[tilespmem:s11+$0x1B2C0] =	vst v0  }
0x24: {  	[tilespmem:s11+$0x1B240] =	vst v0  }
0x25: {  	[tilespmem:s11+$0x1B250] =	vst v0  }
0x26: {  	[tilespmem:s11+$0x1B260] =	vst v0  }
.Ltmp0:
0x27: {  	[tilespmem:s11+$0x1B270] =	vst v0;
	(pc) =	sbr.rel @p0 .LBB2_2-.Ltmp0, $4  }
0x28: {  	[tilespmem:s11+$0x1B280] =	vst v0  }
0x29: {  	[tilespmem:s11+$0x1B290] =	vst v0  }
0x2a: {  	[tilespmem:s11+$0x1B2A0] =	vst v0  }
0x2b: {  	[tilespmem:s11+$0x1B2B0] =	vst v0;
	s11 =	sshra.s32 s12, $0x2;
	s12 =	sadd.s32 $0x240, s12  }
0x2c: {  	[tilespmem:s11+$0x1B2C0] =	vst v0  }
0x2d: {  	[tilespmem:s11+$0x1B240] =	vst v0  }
0x2e: {  	[tilespmem:s11+$0x1B250] =	vst v0  }
0x2f: {  	[tilespmem:s11+$0x1B260] =	vst v0  }
0x30: {  	[tilespmem:s11+$0x1B270] =	vst v0  }
0x31: {  	[tilespmem:s11+$0x1B280] =	vst v0  }
0x32: {  	[tilespmem:s11+$0x1B290] =	vst v0  }
0x33: {  	[tilespmem:s11+$0x1B2A0] =	vst v0  }
0x34: {  	[tilespmem:s11+$0x1B2B0] =	vst v0  }
0x35: {  	[spmem:s8] =	stream.linear.scatter [tilespmem:s28], [sflag:$0x7], $0x1B00, $0x38;
	[tilespmem:$0x1EE40] =	vst v63  }
0x36: {  	_ =	swait.ge [sflag:s25], $0x1B00  }
0x37: {  	[sflag:s25] =	ssyncset.done $0x0  }
0x38: {  	s12 =	rddreg [dreg:$0x6];
	[sflag:s25] =	ssyncadd.s32 $0xFFFFE500  }
0x39: {  	[spmem:s12] =	stream.linear.scatter [tilespmem:s28], [sflag:$0x7], $0x1B00, $0x38;
	[tilespmem:$0x1EE40] =	vst v63  }
0x3a: {  	_ =	swait.ge [sflag:s25], $0x1B00  }
0x3b: {  	[sflag:s25] =	ssyncset.done $0x0  }
0x3c: {  	s15 =	rddreg [dreg:$0x7];
	[sflag:s25] =	ssyncadd.s32 $0xFFFFE500  }
0x3d: {  	[spmem:s15] =	stream.linear.scatter [tilespmem:s28], [sflag:$0x7], $0x1B00, $0x38;
	[tilespmem:$0x1EE40] =	vst v63  }
0x3e: {  	_ =	swait.ge [sflag:s25], $0x1B00  }
0x3f: {  	[sflag:s25] =	ssyncset.done $0x0  }
0x40: {  	s24 =	rddreg [dreg:$0x8];
	[sflag:s25] =	ssyncadd.s32 $0xFFFFE500  }
0x41: {  	[spmem:s24] =	stream.linear.scatter [tilespmem:s28], [sflag:$0x7], $0x1B00, $0x38;
	[tilespmem:$0x1EE40] =	vst v63  }
0x42: {  	_ =	swait.ge [sflag:s25], $0x1B00  }
0x43: {  	[sflag:s25] =	ssyncset.done $0x0  }
0x44: {  	s26 =	rddreg [dreg:$0x9];
	[sflag:s25] =	ssyncadd.s32 $0xFFFFE500  }
0x45: {  	[spmem:s26] =	stream.linear.scatter [tilespmem:s28], [sflag:$0x7], $0x1B00, $0x38;
	[tilespmem:$0x1EE40] =	vst v63  }
0x46: {  	_ =	swait.ge [sflag:s25], $0x1B00  }
0x47: {  	[sflag:s25] =	ssyncset.done $0x0  }
0x48: {  	s12 =	rddreg [dreg:$0xa];
	[sflag:s25] =	ssyncadd.s32 $0xFFFFE500  }
0x49: {  	[spmem:s12] =	stream.linear.scatter [tilespmem:s28], [sflag:$0x7], $0x1B00, $0x38;
	[tilespmem:$0x1EE40] =	vst v63  }
0x4a: {  	_ =	swait.ge [sflag:s25], $0x1B00  }
0x4b: {  	[sflag:s25] =	ssyncset.done $0x0  }
0x4c: {  	s15 =	rddreg [dreg:$0xb];
	[sflag:s25] =	ssyncadd.s32 $0xFFFFE500  }
0x4d: {  	[spmem:s15] =	stream.linear.scatter [tilespmem:s28], [sflag:$0x7], $0x1B00, $0x38;
	[tilespmem:$0x1EE40] =	vst v63  }
0x4e: {  	_ =	swait.ge [sflag:s25], $0x1B00  }
0x4f: {  	[sflag:s25] =	ssyncset.done $0x0  }
0x50: {  	s24 =	rddreg [dreg:$0xc];
	[sflag:s25] =	ssyncadd.s32 $0xFFFFE500  }
0x51: {  	[spmem:s24] =	stream.linear.scatter [tilespmem:s28], [sflag:$0x7], $0x1B00, $0x38;
	[tilespmem:$0x1EE40] =	vst v63  }
0x52: {  	_ =	swait.ge [sflag:s25], $0x1B00  }
0x53: {  	[sflag:s25] =	ssyncset.done $0x0  }
0x54: {  	[sflag:s25] =	ssyncadd.s32 $0xFFFFE500  }
0x55: {  	[spmem:s16] =	stream.linear.scatter [tilespmem:s28], [sflag:$0x7], $0x1B00, $0x38;
	[tilespmem:$0x1EE40] =	vst v63  }
0x56: {  	_ =	swait.ge [sflag:s25], $0x1B00  }
0x57: {  	[sflag:s25] =	ssyncset.done $0x0  }
0x58: {  	[sflag:s25] =	ssyncadd.s32 $0xFFFFE500  }
0x59: {  	[spmem:s17] =	stream.linear.scatter [tilespmem:s28], [sflag:$0x7], $0x1B00, $0x38;
	[tilespmem:$0x1EE40] =	vst v63  }
0x5a: {  	_ =	swait.ge [sflag:s25], $0x1B00  }
0x5b: {  	[sflag:s25] =	ssyncset.done $0x0  }
0x5c: {  	[sflag:s25] =	ssyncadd.s32 $0xFFFFE500  }
0x5d: {  	[spmem:s18] =	stream.linear.scatter [tilespmem:s28], [sflag:$0x7], $0x1B00, $0x38;
	[tilespmem:$0x1EE40] =	vst v63  }
0x5e: {  	_ =	swait.ge [sflag:s25], $0x1B00  }
0x5f: {  	[sflag:s25] =	ssyncset.done $0x0  }
0x60: {  	[sflag:s25] =	ssyncadd.s32 $0xFFFFE500  }
0x61: {  	[spmem:s19] =	stream.linear.scatter [tilespmem:s28], [sflag:$0x7], $0x1B00, $0x38;
	[tilespmem:$0x1EE40] =	vst v63  }
0x62: {  	_ =	swait.ge [sflag:s25], $0x1B00  }
0x63: {  	[sflag:s25] =	ssyncset.done $0x0  }
0x64: {  	[sflag:s25] =	ssyncadd.s32 $0xFFFFE500  }
0x65: {  	[spmem:s20] =	stream.linear.scatter [tilespmem:s28], [sflag:$0x7], $0x1B00, $0x38;
	[tilespmem:$0x1EE40] =	vst v63  }
0x66: {  	_ =	swait.ge [sflag:s25], $0x1B00  }
0x67: {  	[sflag:s25] =	ssyncset.done $0x0  }
0x68: {  	[sflag:s25] =	ssyncadd.s32 $0xFFFFE500  }
0x69: {  	[spmem:s21] =	stream.linear.scatter [tilespmem:s28], [sflag:$0x7], $0x480, $0x38;
	[tilespmem:$0x1EE40] =	vst v63  }
0x6a: {  	_ =	swait.ge [sflag:s25], $0x480  }
0x6b: {  	[sflag:s25] =	ssyncset.done $0x0  }
0x6c: {  	[sflag:s25] =	ssyncadd.s32 $0xFFFFFB80  }
0x6d: {  	[bflag:$0x0] =	sbarrier.arrive $0xFFFF  }
0x6e: {  	[tilespmem:s28], [sflag:$0x1] =	stream.indirect.gather [hbm4b:s4+s29], $0x90, s13, s29, $0xb8;
	[tilespmem:$0x1EE40] =	vst v63  }
0x6f: {  	s11 =	simm.s32 $0x0;
	s26 =	simm.s32 $0x1E840  }
0x70: {  	[tilespmem:s26], [sflag:$0x3] =	stream.indirect.gather [hbm4b:s5+s29], $0x10, s14, s29, $0xb8;
	[tilespmem:$0x1EE40] =	vst v63  }
.LBB2_4:
0x71: {  	_ =	swait.ge [sflag:s31], $0x1B00  }
0x72: {  	[sflag:s31] =	ssyncset.done $0x0  }
0x73: {  	[sflag:s31] =	ssyncadd.s32 $0xFFFFE500  }
0x74: {  	_ =	swait.ge [sflag:s0], $0x300  }
0x75: {  	s12 =	sshll.u32 s11, $0x1;
	p0 =	seq.s32 s11, $0x0;
	[sflag:s0] =	ssyncset.done $0x0  }
0x76: {  	s13 =	simm.s32 @!p0 $0x6;
	s24 =	sor.u32 $0x1, s12;
	[sflag:s0] =	ssyncadd.s32 $0xFFFFFD00  }
0x77: {  	s12 =	smul.u32 $0x30, s24;
	_ =	swait.ge @!p0 [sflag:s13], $0x1B00  }
0x78: {  	[sflag:s13] =	ssyncset.done @!p0 $0x0  }
0x79: {  	s26 =	sadd.s32 $0x16380, s12;
	[sflag:s13] =	ssyncadd.s32 @!p0 $0xFFFFE500  }
0x7a: {  	[tilespmem:s30], [sflag:$0x2] =	stream.indirect.gather [hbm4b:s4+s29], $0x90, s26, s29, $0xb8;
	[tilespmem:$0x1EE40] =	vst v63  }
0x7b: {  	s12 =	sadd.s32 $0x18AE0, s12  }
0x7c: {  	[tilespmem:s1], [sflag:$0x4] =	stream.indirect.gather [hbm4b:s5+s29], $0x10, s12, s29, $0xb8;
	[tilespmem:$0x1EE40] =	vst v63  }
0x7d: {  	s12 =	simm.s32 $0x1B360  }
0x7e: {  	s13 =	simm.s32 $0x30;
	v1 =	vld [tilespmem:s12+$0xFFFFFF60]  }
0x7f: {  	v2 =	vld [tilespmem:s13+$0x1E810];
	_ =	sdelay $0x4  }
0x80: {  	v1 =	vadd.f32 v2, v1;
	_ =	sdelay $0x1  }
0x81: {  	v2 =	vmul.f32 $2.000000030e-01, v1;
	_ =	sdelay $0x1  }
0x82: {  	v1 =	vmax.f32 v1, v2  }
0x83: {  	v1 =	vmul.f32 $1.442695020e+00, v1;
	_ =	sdelay $0x1  }
0x84: {  	(erf) = vpow2.f32 v1;
	_ =	sdelay $0x6  }
0x85: {  	v1 =	vld [tilespmem:s12+$0xFFFFFF50]  }
0x86: {  	v2 =	vld [tilespmem:s12+$0xFFFFFF30]  }
0x87: {  	v3 =	vld [tilespmem:s12+$0xFFFFFEE0];
	v4 =	vpop (erf)  }
0x88: {  	v5 =	vld [tilespmem:s12+$0xFFFFFF20];
	v6 =	vbroadcast v4, $0x3  }
0x89: {  	v7 =	vld [tilespmem:s12+$0xFFFFFF00];
	v8 =	vbroadcast v4, $0x2  }
0x8a: {  	v9 =	vld [tilespmem:s12+$0xFFFFFF40];
	v10 =	vnsel vm0, $0x0, v4;
	v11 =	vbroadcast v4, $0x0;
	v1 =	vmul.f32 v1, v6  }
0x8b: {  	v12 =	vld [tilespmem:s12+$0xFFFFFF10];
	[tilespmem:s12+$0xFFFFFF60] =	vst v10;
	v2 =	vmul.f32 v2, v8  }
0x8c: {  	v51 =	vld [tilespmem:s12+$0xFFFFFEF0];
	v4 =	vbroadcast v4, $0x1;
	v3 =	vmul.f32 v11, v3;
	[tilespmem:s12+$0xFFFFFF50] =	vst v1  }
0x8d: {  	v1 =	vmul.f32 v5, v8;
	[tilespmem:s12+$0xFFFFFF30] =	vst v2  }
0x8e: {  	v2 =	vmul.f32 v4, v7;
	[tilespmem:s12+$0xFFFFFEE0] =	vst v3  }
0x8f: {  	v3 =	vmul.f32 v9, v6;
	[tilespmem:s12+$0xFFFFFF20] =	vst v1  }
0x90: {  	v1 =	vmul.f32 v12, v4;
	[tilespmem:s12+$0xFFFFFF00] =	vst v2  }
0x91: {  	v2 =	vmul.f32 v11, v51;
	[tilespmem:s12+$0xFFFFFF40] =	vst v3  }
0x92: {  	[tilespmem:s12+$0xFFFFFF10] =	vst v1  }
0x93: {  	[tilespmem:s12+$0xFFFFFEF0] =	vst v2;
	v1 =	vld [tilespmem:s12+$0xFFFFFFF0]  }
0x94: {  	v2 =	vld [tilespmem:s13+$0x1E820];
	_ =	sdelay $0x4  }
0x95: {  	v1 =	vadd.f32 v2, v1;
	_ =	sdelay $0x1  }
0x96: {  	v2 =	vmul.f32 $2.000000030e-01, v1;
	_ =	sdelay $0x1  }
0x97: {  	v1 =	vmax.f32 v1, v2  }
0x98: {  	v1 =	vmul.f32 $1.442695020e+00, v1;
	_ =	sdelay $0x1  }
0x99: {  	(erf) = vpow2.f32 v1;
	_ =	sdelay $0x6  }
0x9a: {  	v2 =	vld [tilespmem:s12+$0xFFFFFF70]  }
0x9b: {  	v3 =	vld [tilespmem:s12+$0xFFFFFFC0]  }
0x9c: {  	v4 =	vld [tilespmem:s12+$0xFFFFFFD0];
	v5 =	vpop (erf)  }
0x9d: {  	v1 =	vld [tilespmem:s12+$0xFFFFFFE0];
	v7 =	vbroadcast v5, $0x0  }
0x9e: {  	v6 =	vld [tilespmem:s12+$0xFFFFFF80];
	v53 =	vbroadcast v5, $0x2  }
0x9f: {  	v52 =	vld [tilespmem:s12+$0xFFFFFFA0];
	v55 =	vnsel vm0, $0x0, v5;
	v56 =	vbroadcast v5, $0x3;
	v2 =	vmul.f32 v7, v2  }
0xa0: {  	v54 =	vld [tilespmem:s12+$0xFFFFFF90];
	[tilespmem:s12+$0xFFFFFFF0] =	vst v55;
	v3 =	vmul.f32 v3, v53  }
0xa1: {  	v13 =	vld [tilespmem:s12+$0xFFFFFFB0];
	v4 =	vmul.f32 v4, v56;
	[tilespmem:s12+$0xFFFFFF70] =	vst v2  }
0xa2: {  	v5 =	vbroadcast v5, $0x1;
	v1 =	vmul.f32 v1, v56;
	[tilespmem:s12+$0xFFFFFFC0] =	vst v3  }
0xa3: {  	v2 =	vmul.f32 v7, v6;
	[tilespmem:s12+$0xFFFFFFD0] =	vst v4  }
0xa4: {  	v3 =	vmul.f32 v52, v5;
	[tilespmem:s12+$0xFFFFFFE0] =	vst v1  }
0xa5: {  	v4 =	vmul.f32 v5, v54;
	[tilespmem:s12+$0xFFFFFF80] =	vst v2  }
0xa6: {  	v2 =	vmul.f32 v13, v53;
	[tilespmem:s12+$0xFFFFFFA0] =	vst v3  }
0xa7: {  	[tilespmem:s12+$0xFFFFFF90] =	vst v4  }
0xa8: {  	v1 =	vld [tilespmem:s12+$0x80];
	[tilespmem:s12+$0xFFFFFFB0] =	vst v2  }
0xa9: {  	v2 =	vld [tilespmem:s13+$0x1E830];
	_ =	sdelay $0x4  }
0xaa: {  	v1 =	vadd.f32 v2, v1;
	_ =	sdelay $0x1  }
0xab: {  	v2 =	vmul.f32 $2.000000030e-01, v1;
	_ =	sdelay $0x1  }
0xac: {  	v1 =	vmax.f32 v1, v2  }
0xad: {  	v1 =	vmul.f32 $1.442695020e+00, v1;
	_ =	sdelay $0x1  }
0xae: {  	(erf) = vpow2.f32 v1;
	_ =	sdelay $0x3  }
0xaf: {  	v57 =	vld [tilespmem:s12+$0x20]  }
0xb0: {  	v59 =	vld [tilespmem:s12+$0x40]  }
0xb1: {  	v3 =	vld [tilespmem:s12+$0x0]  }
0xb2: {  	v4 =	vld [tilespmem:s12+$0x10]  }
0xb3: {  	v2 =	vld [tilespmem:s12+$0x60]  }
0xb4: {  	v1 =	vld [tilespmem:s12+$0x50];
	v7 =	vpop (erf)  }
0xb5: {  	v6 =	vld [tilespmem:s12+$0x30];
	v58 =	vbroadcast v7, $0x0  }
0xb6: {  	v5 =	vld [tilespmem:s12+$0x70];
	v60 =	vbroadcast v7, $0x2  }
0xb7: {  	v61 =	vnsel vm0, $0x0, v7;
	v62 =	vbroadcast v7, $0x3;
	v14 =	vmul.f32 v58, v3  }
0xb8: {  	v7 =	vbroadcast v7, $0x1;
	[tilespmem:s12+$0x80] =	vst v61;
	v4 =	vmul.f32 v58, v4  }
0xb9: {  	v63 =	vmul.f32 v1, v60;
	v3 =	vmul.f32 v2, v62;
	[tilespmem:s12+$0x0] =	vst v14  }
0xba: {  	v1 =	vmul.f32 v7, v57;
	v2 =	vmul.f32 v6, v7;
	[tilespmem:s12+$0x10] =	vst v4  }
0xbb: {  	s14 =	simm.s32 $0x1B360;
	s26 =	simm.s32 $0x1C0;
	v5 =	vmul.f32 v5, v62;
	v4 =	vmul.f32 v59, v60;
	[tilespmem:s12+$0x50] =	vst v63  }
.LBB2_5:
0xbc: {  	p0 =	sne.s32 s26, $0xBC0  }
0xbd: {  	[tilespmem:s12+$0x60] =	vst v3;
	s14 =	sadd.s32 $0x240, s14;
	s15 =	smov.u32 s26;
	s26 =	sadd.s32 $0x100, s26  }
0xbe: {  	[tilespmem:s12+$0x70] =	vst v5  }
0xbf: {  	[tilespmem:s12+$0x30] =	vst v2  }
0xc0: {  	[tilespmem:s12+$0x40] =	vst v4  }
0xc1: {  	[tilespmem:s12+$0x20] =	vst v1;
	v1 =	vld [tilespmem:s12+$0x110]  }
0xc2: {  	v2 =	vld [tilespmem:s13+$0x1E840];
	_ =	sdelay $0x4  }
0xc3: {  	v1 =	vadd.f32 v2, v1;
	_ =	sdelay $0x1  }
0xc4: {  	v2 =	vmul.f32 $2.000000030e-01, v1;
	_ =	sdelay $0x1  }
0xc5: {  	v1 =	vmax.f32 v1, v2  }
0xc6: {  	v1 =	vmul.f32 $1.442695020e+00, v1;
	_ =	sdelay $0x1  }
0xc7: {  	(erf) = vpow2.f32 v1;
	_ =	sdelay $0x2  }
0xc8: {  	v1 =	vld [tilespmem:s12+$0xC0]  }
0xc9: {  	v2 =	vld [tilespmem:s12+$0x100]  }
0xca: {  	v3 =	vld [tilespmem:s12+$0xD0]  }
0xcb: {  	v4 =	vld [tilespmem:s12+$0x90]  }
0xcc: {  	v5 =	vld [tilespmem:s12+$0xA0]  }
0xcd: {  	v6 =	vld [tilespmem:s12+$0xE0]  }
0xce: {  	v7 =	vld [tilespmem:s12+$0xB0];
	v8 =	vpop (erf)  }
0xcf: {  	v9 =	vnsel vm0, $0x0, v8;
	v10 =	vbroadcast v8, $0x0;
	v11 =	vbroadcast v8, $0x1;
	v12 =	vld [tilespmem:s12+$0xF0]  }
0xd0: {  	s13 =	sshra.s32 s15, $0x2;
	[tilespmem:s12+$0x110] =	vst v9;
	v9 =	vbroadcast v8, $0x2;
	v8 =	vbroadcast v8, $0x3  }
0xd1: {  	v4 =	vmul.f32 v10, v4;
	v5 =	vmul.f32 v10, v5  }
0xd2: {  	v3 =	vmul.f32 v3, v9;
	v6 =	vmul.f32 v6, v9  }
0xd3: {  	v2 =	vmul.f32 v2, v8;
	[tilespmem:s12+$0x90] =	vst v4;
	v4 =	vmul.f32 v11, v7  }
0xd4: {  	v1 =	vmul.f32 v1, v11;
	[tilespmem:s12+$0xD0] =	vst v3;
	v3 =	vmul.f32 v12, v8  }
0xd5: {  	[tilespmem:s12+$0xE0] =	vst v6  }
0xd6: {  	[tilespmem:s12+$0x100] =	vst v2  }
0xd7: {  	[tilespmem:s12+$0xC0] =	vst v1  }
0xd8: {  	[tilespmem:s12+$0xB0] =	vst v4  }
0xd9: {  	[tilespmem:s12+$0xF0] =	vst v3  }
0xda: {  	v1 =	vld [tilespmem:s14+$0xFFFFFF60];
	[tilespmem:s12+$0xA0] =	vst v5;
	s12 =	smov.u32 s14  }
0xdb: {  	v2 =	vld [tilespmem:s13+$0x1E810];
	_ =	sdelay $0x4  }
0xdc: {  	v1 =	vadd.f32 v2, v1;
	_ =	sdelay $0x1  }
0xdd: {  	v2 =	vmul.f32 $2.000000030e-01, v1;
	_ =	sdelay $0x1  }
0xde: {  	v1 =	vmax.f32 v1, v2  }
0xdf: {  	v1 =	vmul.f32 $1.442695020e+00, v1;
	_ =	sdelay $0x1  }
0xe0: {  	(erf) = vpow2.f32 v1;
	_ =	sdelay $0x2  }
0xe1: {  	v1 =	vld [tilespmem:s14+$0xFFFFFF10]  }
0xe2: {  	v2 =	vld [tilespmem:s14+$0xFFFFFF40]  }
0xe3: {  	v3 =	vld [tilespmem:s14+$0xFFFFFF20]  }
0xe4: {  	v4 =	vld [tilespmem:s14+$0xFFFFFF50]  }
0xe5: {  	v5 =	vld [tilespmem:s14+$0xFFFFFF30]  }
0xe6: {  	v6 =	vld [tilespmem:s14+$0xFFFFFEE0]  }
0xe7: {  	v7 =	vld [tilespmem:s14+$0xFFFFFEF0];
	v8 =	vpop (erf)  }
0xe8: {  	v9 =	vnsel vm0, $0x0, v8;
	v10 =	vld [tilespmem:s14+$0xFFFFFF00];
	v11 =	vbroadcast v8, $0x2;
	v12 =	vbroadcast v8, $0x3  }
0xe9: {  	[tilespmem:s14+$0xFFFFFF60] =	vst v9;
	v9 =	vbroadcast v8, $0x0;
	v8 =	vbroadcast v8, $0x1  }
0xea: {  	v5 =	vmul.f32 v5, v11;
	v4 =	vmul.f32 v4, v12  }
0xeb: {  	v3 =	vmul.f32 v3, v11;
	v6 =	vmul.f32 v9, v6  }
0xec: {  	v2 =	vmul.f32 v2, v12;
	v7 =	vmul.f32 v9, v7;
	[tilespmem:s14+$0xFFFFFF50] =	vst v4  }
0xed: {  	v1 =	vmul.f32 v1, v8;
	v4 =	vmul.f32 v8, v10;
	[tilespmem:s14+$0xFFFFFF30] =	vst v5  }
0xee: {  	[tilespmem:s14+$0xFFFFFEE0] =	vst v6  }
0xef: {  	[tilespmem:s14+$0xFFFFFF20] =	vst v3  }
0xf0: {  	[tilespmem:s14+$0xFFFFFF00] =	vst v4  }
0xf1: {  	[tilespmem:s14+$0xFFFFFF40] =	vst v2  }
0xf2: {  	[tilespmem:s14+$0xFFFFFF10] =	vst v1  }
0xf3: {  	[tilespmem:s14+$0xFFFFFEF0] =	vst v7;
	v1 =	vld [tilespmem:s14+$0xFFFFFFF0]  }
0xf4: {  	v2 =	vld [tilespmem:s13+$0x1E820];
	_ =	sdelay $0x4  }
0xf5: {  	v1 =	vadd.f32 v2, v1;
	_ =	sdelay $0x1  }
0xf6: {  	v2 =	vmul.f32 $2.000000030e-01, v1;
	_ =	sdelay $0x1  }
0xf7: {  	v1 =	vmax.f32 v1, v2  }
0xf8: {  	v1 =	vmul.f32 $1.442695020e+00, v1;
	_ =	sdelay $0x1  }
0xf9: {  	(erf) = vpow2.f32 v1;
	_ =	sdelay $0x2  }
0xfa: {  	v1 =	vld [tilespmem:s14+$0xFFFFFFB0]  }
0xfb: {  	v2 =	vld [tilespmem:s14+$0xFFFFFFE0]  }
0xfc: {  	v3 =	vld [tilespmem:s14+$0xFFFFFFD0]  }
0xfd: {  	v4 =	vld [tilespmem:s14+$0xFFFFFF80]  }
0xfe: {  	v5 =	vld [tilespmem:s14+$0xFFFFFF70]  }
0xff: {  	v6 =	vld [tilespmem:s14+$0xFFFFFFC0]  }
0x100: {  	v7 =	vld [tilespmem:s14+$0xFFFFFF90];
	v8 =	vpop (erf)  }
0x101: {  	v9 =	vnsel vm0, $0x0, v8;
	v10 =	vbroadcast v8, $0x0;
	v11 =	vbroadcast v8, $0x1;
	v12 =	vld [tilespmem:s14+$0xFFFFFFA0]  }
0x102: {  	[tilespmem:s14+$0xFFFFFFF0] =	vst v9;
	v9 =	vbroadcast v8, $0x2;
	v8 =	vbroadcast v8, $0x3  }
0x103: {  	v5 =	vmul.f32 v10, v5;
	v4 =	vmul.f32 v10, v4  }
0x104: {  	v6 =	vmul.f32 v6, v9;
	v3 =	vmul.f32 v3, v8  }
0x105: {  	v2 =	vmul.f32 v2, v8;
	[tilespmem:s14+$0xFFFFFF70] =	vst v5;
	v5 =	vmul.f32 v11, v7  }
0x106: {  	v1 =	vmul.f32 v1, v9;
	v7 =	vmul.f32 v12, v11;
	[tilespmem:s14+$0xFFFFFFC0] =	vst v6  }
0x107: {  	[tilespmem:s14+$0xFFFFFFD0] =	vst v3  }
0x108: {  	[tilespmem:s14+$0xFFFFFF80] =	vst v4  }
0x109: {  	[tilespmem:s14+$0xFFFFFFA0] =	vst v7  }
0x10a: {  	[tilespmem:s14+$0xFFFFFF90] =	vst v5  }
0x10b: {  	[tilespmem:s14+$0xFFFFFFB0] =	vst v1  }
0x10c: {  	[tilespmem:s14+$0xFFFFFFE0] =	vst v2;
	v1 =	vld [tilespmem:s14+$0x80]  }
0x10d: {  	v2 =	vld [tilespmem:s13+$0x1E830];
	_ =	sdelay $0x4  }
0x10e: {  	v1 =	vadd.f32 v2, v1;
	_ =	sdelay $0x1  }
0x10f: {  	v2 =	vmul.f32 $2.000000030e-01, v1;
	_ =	sdelay $0x1  }
0x110: {  	v1 =	vmax.f32 v1, v2  }
0x111: {  	v1 =	vmul.f32 $1.442695020e+00, v1;
	_ =	sdelay $0x1  }
0x112: {  	(erf) = vpow2.f32 v1;
	_ =	sdelay $0x2  }
0x113: {  	v5 =	vld [tilespmem:s14+$0x70]  }
0x114: {  	v1 =	vld [tilespmem:s14+$0x50]  }
0x115: {  	v2 =	vld [tilespmem:s14+$0x60]  }
0x116: {  	v3 =	vld [tilespmem:s14+$0x10]  }
0x117: {  	v4 =	vld [tilespmem:s14+$0x0]  }
0x118: {  	v6 =	vld [tilespmem:s14+$0x30]  }
0x119: {  	v7 =	vld [tilespmem:s14+$0x20];
	v8 =	vpop (erf)  }
0x11a: {  	v9 =	vnsel vm0, $0x0, v8;
	v10 =	vbroadcast v8, $0x0;
	v11 =	vbroadcast v8, $0x1;
	v12 =	vld [tilespmem:s14+$0x40]  }
0x11b: {  	[tilespmem:s14+$0x80] =	vst v9;
	v9 =	vbroadcast v8, $0x2;
	v8 =	vbroadcast v8, $0x3  }
.Ltmp1:
0x11c: {  	v4 =	vmul.f32 v10, v4;
	v10 =	vmul.f32 v10, v3;
	(pc) =	sbr.rel @p0 .LBB2_5-.Ltmp1, $4  }
0x11d: {  	v13 =	vmul.f32 v1, v9;
	v3 =	vmul.f32 v2, v8  }
0x11e: {  	v2 =	vmul.f32 v6, v11;
	[tilespmem:s14+$0x0] =	vst v4;
	v1 =	vmul.f32 v11, v7  }
0x11f: {  	v5 =	vmul.f32 v5, v8;
	[tilespmem:s14+$0x10] =	vst v10;
	v4 =	vmul.f32 v12, v9  }
0x120: {  	[tilespmem:s14+$0x50] =	vst v13  }
0x121: {  	[tilespmem:s12+$0x60] =	vst v3  }
0x122: {  	[tilespmem:s12+$0x70] =	vst v5  }
0x123: {  	[tilespmem:s12+$0x30] =	vst v2  }
0x124: {  	[tilespmem:s12+$0x40] =	vst v4  }
0x125: {  	[tilespmem:s12+$0x20] =	vst v1;
	v1 =	vld [tilespmem:s12+$0x110]  }
0x126: {  	v2 =	vld [tilespmem:s13+$0x1E840];
	_ =	sdelay $0x4  }
0x127: {  	v1 =	vadd.f32 v2, v1;
	_ =	sdelay $0x1  }
0x128: {  	v2 =	vmul.f32 $2.000000030e-01, v1;
	_ =	sdelay $0x1  }
0x129: {  	v1 =	vmax.f32 v1, v2  }
0x12a: {  	v1 =	vmul.f32 $1.442695020e+00, v1;
	_ =	sdelay $0x1  }
0x12b: {  	(erf) = vpow2.f32 v1;
	_ =	sdelay $0x6  }
0x12c: {  	v2 =	vld [tilespmem:s12+$0x90]  }
0x12d: {  	v3 =	vld [tilespmem:s12+$0xD0]  }
0x12e: {  	v4 =	vld [tilespmem:s12+$0xE0];
	v5 =	vpop (erf)  }
0x12f: {  	v1 =	vld [tilespmem:s12+$0xC0];
	v7 =	vbroadcast v5, $0x0  }
0x130: {  	v6 =	vld [tilespmem:s12+$0x100];
	v9 =	vbroadcast v5, $0x2  }
0x131: {  	v8 =	vld [tilespmem:s12+$0xB0];
	v10 =	vnsel vm0, $0x0, v5;
	v45 =	vbroadcast v5, $0x3;
	v2 =	vmul.f32 v7, v2  }
0x132: {  	v12 =	vld [tilespmem:s12+$0xA0];
	v5 =	vbroadcast v5, $0x1;
	[tilespmem:s12+$0x110] =	vst v10;
	v3 =	vmul.f32 v3, v9  }
0x133: {  	v11 =	vld [tilespmem:s12+$0xF0];
	v4 =	vmul.f32 v4, v9;
	[tilespmem:s12+$0x90] =	vst v2  }
0x134: {  	v1 =	vmul.f32 v1, v5;
	[tilespmem:s12+$0xD0] =	vst v3  }
0x135: {  	v2 =	vmul.f32 v6, v45;
	[tilespmem:s12+$0xE0] =	vst v4  }
0x136: {  	v3 =	vmul.f32 v5, v8;
	[tilespmem:s12+$0xC0] =	vst v1  }
0x137: {  	s15 =	smul.u32 $0x180, s11;
	v1 =	vmul.f32 v7, v12;
	[tilespmem:s12+$0x100] =	vst v2  }
0x138: {  	v2 =	vmul.f32 v11, v45;
	[tilespmem:s12+$0xB0] =	vst v3  }
0x139: {  	s13 =	sshra.s32 s15, $0x2;
	[tilespmem:s12+$0xA0] =	vst v1  }
0x13a: {  	s26 =	sadd.s32 $0x18AE0, s13;
	[tilespmem:s12+$0xF0] =	vst v2  }
0x13b: {  	[spmem:s2] =	stream.indirect.scatter.add.f32 [tilespmem:s28], [sflag:$0x5], $0x90, s26, s29, $0xb8;
	[tilespmem:$0x1EE40] =	vst v63  }
0x13c: {  	_ =	swait.ge [sflag:s3], $0x1B00  }
0x13d: {  	[sflag:s3] =	ssyncset.done $0x0  }
0x13e: {  	[sflag:s3] =	ssyncadd.s32 $0xFFFFE500  }
0x13f: {  	_ =	swait.ge [sflag:s6], $0x300  }
0x140: {  	[sflag:s6] =	ssyncset.done $0x0  }
0x141: {  	p0 =	seq.s32 s11, $0x68;
	[sflag:s6] =	ssyncadd.s32 $0xFFFFFD00  }
0x142: {  	s12 =	smul.u32 @!p0 $0x60, s11;
	_ =	swait.ge [sflag:s7], $0x1B00  }
0x143: {  	s14 =	simm.s32 @!p0 $0x30;
	[sflag:s7] =	ssyncset.done $0x0  }
0x144: {  	s15 =	simm.s32 @!p0 $0x1B240;
	s13 =	sadd.s32 @!p0 $0x163E0, s12;
	[sflag:s7] =	ssyncadd.s32 $0xFFFFE500  }
0x145: {  	[tilespmem:s15], [sflag:$0x1] =	stream.indirect.gather @!p0 [hbm4b:s4+s14], $0x90, s13, s14, $0xb8;
	[tilespmem:$0x1EE40] =	vst v63  }
0x146: {  	s12 =	sadd.s32 @!p0 $0x18B40, s12;
	s13 =	simm.s32 @!p0 $0x1E840  }
0x147: {  	[tilespmem:s13], [sflag:$0x3] =	stream.indirect.gather @!p0 [hbm4b:s5+s14], $0x10, s12, s14, $0xb8;
	[tilespmem:$0x1EE40] =	vst v63  }
0x148: {  	s12 =	simm.s32 $0x1CE60  }
0x149: {  	s13 =	simm.s32 $0x30;
	v1 =	vld [tilespmem:s12+$0xFFFFFF60]  }
0x14a: {  	v2 =	vld [tilespmem:s13+$0x1EB10];
	_ =	sdelay $0x4  }
0x14b: {  	v1 =	vadd.f32 v2, v1;
	_ =	sdelay $0x1  }
0x14c: {  	v2 =	vmul.f32 $2.000000030e-01, v1;
	_ =	sdelay $0x1  }
0x14d: {  	v1 =	vmax.f32 v1, v2  }
0x14e: {  	v1 =	vmul.f32 $1.442695020e+00, v1;
	_ =	sdelay $0x1  }
0x14f: {  	(erf) = vpow2.f32 v1;
	_ =	sdelay $0x6  }
0x150: {  	v1 =	vld [tilespmem:s12+$0xFFFFFF50]  }
0x151: {  	v2 =	vld [tilespmem:s12+$0xFFFFFF30]  }
0x152: {  	v3 =	vld [tilespmem:s12+$0xFFFFFEE0];
	v4 =	vpop (erf)  }
0x153: {  	v5 =	vld [tilespmem:s12+$0xFFFFFF20];
	v6 =	vbroadcast v4, $0x3  }
0x154: {  	v7 =	vld [tilespmem:s12+$0xFFFFFF00];
	v46 =	vbroadcast v4, $0x2  }
0x155: {  	v47 =	vld [tilespmem:s12+$0xFFFFFF40];
	v48 =	vnsel vm0, $0x0, v4;
	v49 =	vbroadcast v4, $0x0;
	v1 =	vmul.f32 v1, v6  }
0x156: {  	v50 =	vld [tilespmem:s12+$0xFFFFFF10];
	[tilespmem:s12+$0xFFFFFF60] =	vst v48;
	v2 =	vmul.f32 v2, v46  }
0x157: {  	v51 =	vld [tilespmem:s12+$0xFFFFFEF0];
	v4 =	vbroadcast v4, $0x1;
	v3 =	vmul.f32 v49, v3;
	[tilespmem:s12+$0xFFFFFF50] =	vst v1  }
0x158: {  	v1 =	vmul.f32 v5, v46;
	[tilespmem:s12+$0xFFFFFF30] =	vst v2  }
0x159: {  	v2 =	vmul.f32 v4, v7;
	[tilespmem:s12+$0xFFFFFEE0] =	vst v3  }
0x15a: {  	v3 =	vmul.f32 v47, v6;
	[tilespmem:s12+$0xFFFFFF20] =	vst v1  }
0x15b: {  	v1 =	vmul.f32 v50, v4;
	[tilespmem:s12+$0xFFFFFF00] =	vst v2  }
0x15c: {  	v2 =	vmul.f32 v49, v51;
	[tilespmem:s12+$0xFFFFFF40] =	vst v3  }
0x15d: {  	[tilespmem:s12+$0xFFFFFF10] =	vst v1  }
0x15e: {  	[tilespmem:s12+$0xFFFFFEF0] =	vst v2;
	v1 =	vld [tilespmem:s12+$0xFFFFFFF0]  }
0x15f: {  	v2 =	vld [tilespmem:s13+$0x1EB20];
	_ =	sdelay $0x4  }
0x160: {  	v1 =	vadd.f32 v2, v1;
	_ =	sdelay $0x1  }
0x161: {  	v2 =	vmul.f32 $2.000000030e-01, v1;
	_ =	sdelay $0x1  }
0x162: {  	v1 =	vmax.f32 v1, v2  }
0x163: {  	v1 =	vmul.f32 $1.442695020e+00, v1;
	_ =	sdelay $0x1  }
0x164: {  	(erf) = vpow2.f32 v1;
	_ =	sdelay $0x6  }
0x165: {  	v2 =	vld [tilespmem:s12+$0xFFFFFF70]  }
0x166: {  	v3 =	vld [tilespmem:s12+$0xFFFFFFC0]  }
0x167: {  	v4 =	vld [tilespmem:s12+$0xFFFFFFD0];
	v5 =	vpop (erf)  }
0x168: {  	v1 =	vld [tilespmem:s12+$0xFFFFFFE0];
	v7 =	vbroadcast v5, $0x0  }
0x169: {  	v6 =	vld [tilespmem:s12+$0xFFFFFF80];
	v53 =	vbroadcast v5, $0x2  }
0x16a: {  	v52 =	vld [tilespmem:s12+$0xFFFFFFA0];
	v55 =	vnsel vm0, $0x0, v5;
	v56 =	vbroadcast v5, $0x3;
	v2 =	vmul.f32 v7, v2  }
0x16b: {  	v54 =	vld [tilespmem:s12+$0xFFFFFF90];
	[tilespmem:s12+$0xFFFFFFF0] =	vst v55;
	v3 =	vmul.f32 v3, v53  }
0x16c: {  	v13 =	vld [tilespmem:s12+$0xFFFFFFB0];
	v4 =	vmul.f32 v4, v56;
	[tilespmem:s12+$0xFFFFFF70] =	vst v2  }
0x16d: {  	v5 =	vbroadcast v5, $0x1;
	v1 =	vmul.f32 v1, v56;
	[tilespmem:s12+$0xFFFFFFC0] =	vst v3  }
0x16e: {  	v2 =	vmul.f32 v7, v6;
	[tilespmem:s12+$0xFFFFFFD0] =	vst v4  }
0x16f: {  	v3 =	vmul.f32 v52, v5;
	[tilespmem:s12+$0xFFFFFFE0] =	vst v1  }
0x170: {  	v4 =	vmul.f32 v5, v54;
	[tilespmem:s12+$0xFFFFFF80] =	vst v2  }
0x171: {  	v2 =	vmul.f32 v13, v53;
	[tilespmem:s12+$0xFFFFFFA0] =	vst v3  }
0x172: {  	[tilespmem:s12+$0xFFFFFF90] =	vst v4  }
0x173: {  	v1 =	vld [tilespmem:s12+$0x80];
	[tilespmem:s12+$0xFFFFFFB0] =	vst v2  }
0x174: {  	v2 =	vld [tilespmem:s13+$0x1EB30];
	_ =	sdelay $0x4  }
0x175: {  	v1 =	vadd.f32 v2, v1;
	_ =	sdelay $0x1  }
0x176: {  	v2 =	vmul.f32 $2.000000030e-01, v1;
	_ =	sdelay $0x1  }
0x177: {  	v1 =	vmax.f32 v1, v2  }
0x178: {  	v1 =	vmul.f32 $1.442695020e+00, v1;
	_ =	sdelay $0x1  }
0x179: {  	(erf) = vpow2.f32 v1;
	_ =	sdelay $0x3  }
0x17a: {  	v57 =	vld [tilespmem:s12+$0x20]  }
0x17b: {  	v59 =	vld [tilespmem:s12+$0x40]  }
0x17c: {  	v3 =	vld [tilespmem:s12+$0x0]  }
0x17d: {  	v4 =	vld [tilespmem:s12+$0x10]  }
0x17e: {  	v2 =	vld [tilespmem:s12+$0x60]  }
0x17f: {  	v1 =	vld [tilespmem:s12+$0x50];
	v7 =	vpop (erf)  }
0x180: {  	v6 =	vld [tilespmem:s12+$0x30];
	v58 =	vbroadcast v7, $0x0  }
0x181: {  	v5 =	vld [tilespmem:s12+$0x70];
	v60 =	vbroadcast v7, $0x2  }
0x182: {  	v61 =	vnsel vm0, $0x0, v7;
	v62 =	vbroadcast v7, $0x3;
	v14 =	vmul.f32 v58, v3  }
0x183: {  	v7 =	vbroadcast v7, $0x1;
	[tilespmem:s12+$0x80] =	vst v61;
	v4 =	vmul.f32 v58, v4  }
0x184: {  	v63 =	vmul.f32 v1, v60;
	v3 =	vmul.f32 v2, v62;
	[tilespmem:s12+$0x0] =	vst v14  }
0x185: {  	v1 =	vmul.f32 v7, v57;
	v2 =	vmul.f32 v6, v7;
	[tilespmem:s12+$0x10] =	vst v4  }
0x186: {  	s26 =	simm.s32 $0x1C0;
	s14 =	simm.s32 $0x1CE60;
	v5 =	vmul.f32 v5, v62;
	v4 =	vmul.f32 v59, v60;
	[tilespmem:s12+$0x50] =	vst v63  }
.LBB2_7:
0x187: {  	p0 =	sne.s32 s26, $0xBC0  }
0x188: {  	[tilespmem:s12+$0x60] =	vst v3;
	s14 =	sadd.s32 $0x240, s14;
	s15 =	smov.u32 s26;
	s26 =	sadd.s32 $0x100, s26  }
0x189: {  	[tilespmem:s12+$0x70] =	vst v5  }
0x18a: {  	[tilespmem:s12+$0x30] =	vst v2  }
0x18b: {  	[tilespmem:s12+$0x40] =	vst v4  }
0x18c: {  	[tilespmem:s12+$0x20] =	vst v1;
	v1 =	vld [tilespmem:s12+$0x110]  }
0x18d: {  	v2 =	vld [tilespmem:s13+$0x1EB40];
	_ =	sdelay $0x4  }
0x18e: {  	v1 =	vadd.f32 v2, v1;
	_ =	sdelay $0x1  }
0x18f: {  	v2 =	vmul.f32 $2.000000030e-01, v1;
	_ =	sdelay $0x1  }
0x190: {  	v1 =	vmax.f32 v1, v2  }
0x191: {  	v1 =	vmul.f32 $1.442695020e+00, v1;
	_ =	sdelay $0x1  }
0x192: {  	(erf) = vpow2.f32 v1;
	_ =	sdelay $0x2  }
0x193: {  	v1 =	vld [tilespmem:s12+$0xC0]  }
0x194: {  	v2 =	vld [tilespmem:s12+$0x100]  }
0x195: {  	v3 =	vld [tilespmem:s12+$0xD0]  }
0x196: {  	v4 =	vld [tilespmem:s12+$0x90]  }
0x197: {  	v5 =	vld [tilespmem:s12+$0xA0]  }
0x198: {  	v6 =	vld [tilespmem:s12+$0xE0]  }
0x199: {  	v7 =	vld [tilespmem:s12+$0xB0];
	v8 =	vpop (erf)  }
0x19a: {  	v9 =	vnsel vm0, $0x0, v8;
	v10 =	vbroadcast v8, $0x0;
	v11 =	vbroadcast v8, $0x1;
	v12 =	vld [tilespmem:s12+$0xF0]  }
0x19b: {  	s13 =	sshra.s32 s15, $0x2;
	[tilespmem:s12+$0x110] =	vst v9;
	v9 =	vbroadcast v8, $0x2;
	v8 =	vbroadcast v8, $0x3  }
0x19c: {  	v4 =	vmul.f32 v10, v4;
	v5 =	vmul.f32 v10, v5  }
0x19d: {  	v3 =	vmul.f32 v3, v9;
	v6 =	vmul.f32 v6, v9  }
0x19e: {  	v2 =	vmul.f32 v2, v8;
	[tilespmem:s12+$0x90] =	vst v4;
	v4 =	vmul.f32 v11, v7  }
0x19f: {  	v1 =	vmul.f32 v1, v11;
	[tilespmem:s12+$0xD0] =	vst v3;
	v3 =	vmul.f32 v12, v8  }
0x1a0: {  	[tilespmem:s12+$0xE0] =	vst v6  }
0x1a1: {  	[tilespmem:s12+$0x100] =	vst v2  }
0x1a2: {  	[tilespmem:s12+$0xC0] =	vst v1  }
0x1a3: {  	[tilespmem:s12+$0xB0] =	vst v4  }
0x1a4: {  	[tilespmem:s12+$0xF0] =	vst v3  }
0x1a5: {  	v1 =	vld [tilespmem:s14+$0xFFFFFF60];
	[tilespmem:s12+$0xA0] =	vst v5;
	s12 =	smov.u32 s14  }
0x1a6: {  	v2 =	vld [tilespmem:s13+$0x1EB10];
	_ =	sdelay $0x4  }
0x1a7: {  	v1 =	vadd.f32 v2, v1;
	_ =	sdelay $0x1  }
0x1a8: {  	v2 =	vmul.f32 $2.000000030e-01, v1;
	_ =	sdelay $0x1  }
0x1a9: {  	v1 =	vmax.f32 v1, v2  }
0x1aa: {  	v1 =	vmul.f32 $1.442695020e+00, v1;
	_ =	sdelay $0x1  }
0x1ab: {  	(erf) = vpow2.f32 v1;
	_ =	sdelay $0x2  }
0x1ac: {  	v1 =	vld [tilespmem:s14+$0xFFFFFF10]  }
0x1ad: {  	v2 =	vld [tilespmem:s14+$0xFFFFFF40]  }
0x1ae: {  	v3 =	vld [tilespmem:s14+$0xFFFFFF20]  }
0x1af: {  	v4 =	vld [tilespmem:s14+$0xFFFFFF50]  }
0x1b0: {  	v5 =	vld [tilespmem:s14+$0xFFFFFF30]  }
0x1b1: {  	v6 =	vld [tilespmem:s14+$0xFFFFFEE0]  }
0x1b2: {  	v7 =	vld [tilespmem:s14+$0xFFFFFEF0];
	v8 =	vpop (erf)  }
0x1b3: {  	v9 =	vnsel vm0, $0x0, v8;
	v10 =	vld [tilespmem:s14+$0xFFFFFF00];
	v11 =	vbroadcast v8, $0x2;
	v12 =	vbroadcast v8, $0x3  }
0x1b4: {  	[tilespmem:s14+$0xFFFFFF60] =	vst v9;
	v9 =	vbroadcast v8, $0x0;
	v8 =	vbroadcast v8, $0x1  }
0x1b5: {  	v5 =	vmul.f32 v5, v11;
	v4 =	vmul.f32 v4, v12  }
0x1b6: {  	v3 =	vmul.f32 v3, v11;
	v6 =	vmul.f32 v9, v6  }
0x1b7: {  	v2 =	vmul.f32 v2, v12;
	v7 =	vmul.f32 v9, v7;
	[tilespmem:s14+$0xFFFFFF50] =	vst v4  }
0x1b8: {  	v1 =	vmul.f32 v1, v8;
	v4 =	vmul.f32 v8, v10;
	[tilespmem:s14+$0xFFFFFF30] =	vst v5  }
0x1b9: {  	[tilespmem:s14+$0xFFFFFEE0] =	vst v6  }
0x1ba: {  	[tilespmem:s14+$0xFFFFFF20] =	vst v3  }
0x1bb: {  	[tilespmem:s14+$0xFFFFFF00] =	vst v4  }
0x1bc: {  	[tilespmem:s14+$0xFFFFFF40] =	vst v2  }
0x1bd: {  	[tilespmem:s14+$0xFFFFFF10] =	vst v1  }
0x1be: {  	[tilespmem:s14+$0xFFFFFEF0] =	vst v7;
	v1 =	vld [tilespmem:s14+$0xFFFFFFF0]  }
0x1bf: {  	v2 =	vld [tilespmem:s13+$0x1EB20];
	_ =	sdelay $0x4  }
0x1c0: {  	v1 =	vadd.f32 v2, v1;
	_ =	sdelay $0x1  }
0x1c1: {  	v2 =	vmul.f32 $2.000000030e-01, v1;
	_ =	sdelay $0x1  }
0x1c2: {  	v1 =	vmax.f32 v1, v2  }
0x1c3: {  	v1 =	vmul.f32 $1.442695020e+00, v1;
	_ =	sdelay $0x1  }
0x1c4: {  	(erf) = vpow2.f32 v1;
	_ =	sdelay $0x2  }
0x1c5: {  	v1 =	vld [tilespmem:s14+$0xFFFFFFB0]  }
0x1c6: {  	v2 =	vld [tilespmem:s14+$0xFFFFFFE0]  }
0x1c7: {  	v3 =	vld [tilespmem:s14+$0xFFFFFFD0]  }
0x1c8: {  	v4 =	vld [tilespmem:s14+$0xFFFFFF80]  }
0x1c9: {  	v5 =	vld [tilespmem:s14+$0xFFFFFF70]  }
0x1ca: {  	v6 =	vld [tilespmem:s14+$0xFFFFFFC0]  }
0x1cb: {  	v7 =	vld [tilespmem:s14+$0xFFFFFF90];
	v8 =	vpop (erf)  }
0x1cc: {  	v9 =	vnsel vm0, $0x0, v8;
	v10 =	vbroadcast v8, $0x0;
	v11 =	vbroadcast v8, $0x1;
	v12 =	vld [tilespmem:s14+$0xFFFFFFA0]  }
0x1cd: {  	[tilespmem:s14+$0xFFFFFFF0] =	vst v9;
	v9 =	vbroadcast v8, $0x2;
	v8 =	vbroadcast v8, $0x3  }
0x1ce: {  	v5 =	vmul.f32 v10, v5;
	v4 =	vmul.f32 v10, v4  }
0x1cf: {  	v6 =	vmul.f32 v6, v9;
	v3 =	vmul.f32 v3, v8  }
0x1d0: {  	v2 =	vmul.f32 v2, v8;
	[tilespmem:s14+$0xFFFFFF70] =	vst v5;
	v5 =	vmul.f32 v11, v7  }
0x1d1: {  	v1 =	vmul.f32 v1, v9;
	v7 =	vmul.f32 v12, v11;
	[tilespmem:s14+$0xFFFFFFC0] =	vst v6  }
0x1d2: {  	[tilespmem:s14+$0xFFFFFFD0] =	vst v3  }
0x1d3: {  	[tilespmem:s14+$0xFFFFFF80] =	vst v4  }
0x1d4: {  	[tilespmem:s14+$0xFFFFFFA0] =	vst v7  }
0x1d5: {  	[tilespmem:s14+$0xFFFFFF90] =	vst v5  }
0x1d6: {  	[tilespmem:s14+$0xFFFFFFB0] =	vst v1  }
0x1d7: {  	[tilespmem:s14+$0xFFFFFFE0] =	vst v2;
	v1 =	vld [tilespmem:s14+$0x80]  }
0x1d8: {  	v2 =	vld [tilespmem:s13+$0x1EB30];
	_ =	sdelay $0x4  }
0x1d9: {  	v1 =	vadd.f32 v2, v1;
	_ =	sdelay $0x1  }
0x1da: {  	v2 =	vmul.f32 $2.000000030e-01, v1;
	_ =	sdelay $0x1  }
0x1db: {  	v1 =	vmax.f32 v1, v2  }
0x1dc: {  	v1 =	vmul.f32 $1.442695020e+00, v1;
	_ =	sdelay $0x1  }
0x1dd: {  	(erf) = vpow2.f32 v1;
	_ =	sdelay $0x2  }
0x1de: {  	v5 =	vld [tilespmem:s14+$0x70]  }
0x1df: {  	v1 =	vld [tilespmem:s14+$0x50]  }
0x1e0: {  	v2 =	vld [tilespmem:s14+$0x60]  }
0x1e1: {  	v3 =	vld [tilespmem:s14+$0x10]  }
0x1e2: {  	v4 =	vld [tilespmem:s14+$0x0]  }
0x1e3: {  	v6 =	vld [tilespmem:s14+$0x30]  }
0x1e4: {  	v7 =	vld [tilespmem:s14+$0x20];
	v8 =	vpop (erf)  }
0x1e5: {  	v9 =	vnsel vm0, $0x0, v8;
	v10 =	vbroadcast v8, $0x0;
	v11 =	vbroadcast v8, $0x1;
	v12 =	vld [tilespmem:s14+$0x40]  }
0x1e6: {  	[tilespmem:s14+$0x80] =	vst v9;
	v9 =	vbroadcast v8, $0x2;
	v8 =	vbroadcast v8, $0x3  }
.Ltmp2:
0x1e7: {  	v4 =	vmul.f32 v10, v4;
	v10 =	vmul.f32 v10, v3;
	(pc) =	sbr.rel @p0 .LBB2_7-.Ltmp2, $4  }
0x1e8: {  	v13 =	vmul.f32 v1, v9;
	v3 =	vmul.f32 v2, v8  }
0x1e9: {  	v2 =	vmul.f32 v6, v11;
	[tilespmem:s14+$0x0] =	vst v4;
	v1 =	vmul.f32 v11, v7  }
0x1ea: {  	v5 =	vmul.f32 v5, v8;
	[tilespmem:s14+$0x10] =	vst v10;
	v4 =	vmul.f32 v12, v9  }
0x1eb: {  	[tilespmem:s14+$0x50] =	vst v13  }
0x1ec: {  	[tilespmem:s12+$0x60] =	vst v3  }
0x1ed: {  	[tilespmem:s12+$0x70] =	vst v5  }
0x1ee: {  	[tilespmem:s12+$0x30] =	vst v2  }
0x1ef: {  	[tilespmem:s12+$0x40] =	vst v4  }
0x1f0: {  	[tilespmem:s12+$0x20] =	vst v1;
	v1 =	vld [tilespmem:s12+$0x110]  }
0x1f1: {  	v2 =	vld [tilespmem:s13+$0x1EB40];
	_ =	sdelay $0x4  }
0x1f2: {  	v1 =	vadd.f32 v2, v1;
	_ =	sdelay $0x1  }
0x1f3: {  	v2 =	vmul.f32 $2.000000030e-01, v1;
	_ =	sdelay $0x1  }
0x1f4: {  	v1 =	vmax.f32 v1, v2  }
0x1f5: {  	v1 =	vmul.f32 $1.442695020e+00, v1;
	_ =	sdelay $0x1  }
0x1f6: {  	(erf) = vpow2.f32 v1;
	_ =	sdelay $0x6  }
0x1f7: {  	v2 =	vld [tilespmem:s12+$0x90]  }
0x1f8: {  	v3 =	vld [tilespmem:s12+$0xD0]  }
0x1f9: {  	v61 =	vld [tilespmem:s12+$0xE0];
	v62 =	vpop (erf)  }
0x1fa: {  	v1 =	vld [tilespmem:s12+$0xC0];
	v7 =	vbroadcast v62, $0x0  }
0x1fb: {  	v6 =	vld [tilespmem:s12+$0x100];
	v9 =	vbroadcast v62, $0x2  }
0x1fc: {  	v8 =	vld [tilespmem:s12+$0xB0];
	v10 =	vnsel vm0, $0x0, v62;
	v2 =	vmul.f32 v7, v2  }
0x1fd: {  	v12 =	vld [tilespmem:s12+$0xA0];
	v5 =	vbroadcast v62, $0x1;
	[tilespmem:s12+$0x110] =	vst v10;
	v3 =	vmul.f32 v3, v9  }
0x1fe: {  	v11 =	vld [tilespmem:s12+$0xF0];
	v63 =	vbroadcast v62, $0x3;
	v4 =	vmul.f32 v61, v9;
	[tilespmem:s12+$0x90] =	vst v2  }
0x1ff: {  	v1 =	vmul.f32 v1, v5;
	[tilespmem:s12+$0xD0] =	vst v3  }
0x200: {  	s11 =	sadd.s32 $0x1, s11;
	v2 =	vmul.f32 v6, v63;
	[tilespmem:s12+$0xE0] =	vst v4  }
0x201: {  	s24 =	smul.u32 $0xC0, s24;
	p0 =	sne.s32 s11, $0x69;
	v3 =	vmul.f32 v5, v8;
	[tilespmem:s12+$0xC0] =	vst v1  }
.Ltmp3:
0x202: {  	v1 =	vmul.f32 v7, v12;
	[tilespmem:s12+$0x100] =	vst v2;
	(pc) =	sbr.rel @p0 .LBB2_4-.Ltmp3, $4  }
0x203: {  	v2 =	vmul.f32 v11, v63;
	[tilespmem:s12+$0xB0] =	vst v3  }
0x204: {  	s13 =	sshra.s32 s24, $0x2;
	[tilespmem:s12+$0xA0] =	vst v1  }
0x205: {  	s26 =	sadd.s32 $0x18AE0, s13;
	[tilespmem:s12+$0xF0] =	vst v2  }
0x206: {  	[spmem:s2] =	stream.indirect.scatter.add.f32 [tilespmem:s30], [sflag:$0x6], $0x90, s26, s29, $0xb8;
	[tilespmem:$0x1EE40] =	vst v63  }
0x207: {  	_ =	swait.ge [sflag:s9], $0x1B00;
	s11 =	stileid.u32  }
0x208: {  	s12 =	sshrl.u32 s8, $0x3;
	s10 =	sadd.s32 $0x1, s10;
	[sflag:s9] =	ssyncset.done $0x0  }
0x209: {  	s11 =	sshll.u32 s11, $0x6;
	p0 =	sne.s32 s10, s22;
	[sflag:s9] =	ssyncadd.s32 $0xFFFFE500  }
.Ltmp4:
0x20a: {  	s11 =	sor.u32 $0x1C07, s11;
	[bflag:$0x0] =	sbarrier.arrive $0xFFFF;
	(pc) =	sbr.rel @p0 .LBB2_1-.Ltmp4, $4  }
0x20b: {  	[hbm:s23], [sflag:s11] =	dma.local [spmem:s12], $0x2C70  }
0x20c: {  	_ =	swait.ge [sflag:s25], $0x2C70  }
0x20d: {  	[sflag:s25] =	ssyncset.done $0x0  }
0x20e: {  	s13 =	simm.s32 $0x16380;
	s14 =	simm.s32 $0x18AE0;
	[sflag:s25] =	ssyncadd.s32 $0xFFFFD390  }
0x20f: {  	_ =	sfence.sel $0x180000  }
0x210: {  	[bflag:$0x0] =	sbarrier.arrive $0xFFFF  }
0x211: {  	_ =	strace $0x9000004A  }
0x212: {  	s0 =	stileid.u32;
	[bflag:$0x2] =	sbarrier.arrive $0xFFFF  }
0x213: {  	p0 =	sne.s32 s0, $0x0;
	s0 =	rddreg [dreg:$0x3]  }
0x214: {  	s0 =	sadd.s32 @!p0 $0x100000, s0  }
0x215: {  	[sflag:s0] =	ssyncadd.tile.s32 @!p0 $0x1;
	_ =	shalt  }
.Lfunc_end2:
_tile_overlayer_lowered:
.L_overlay_start_2:
0x216: {  	(tag) =	ssettag $0x2  }
0x217: {  	s0 =	rddreg [dreg:$0x0];
	s2 =	stileid.u32  }
0x218: {  	s1 =	rddreg [dreg:$0x1];
	p0 =	sne.s32 s2, $0x0  }
0x219: {  	s3 =	rddreg [dreg:$0x2];
	[bflag:$0x3] =	sbarrier.arrive $0xFFFF;
	s2 =	simm.s32 @!p0 $0x1C07  }
0x21a: {  	[timem:s3], [sflag:s2] =	dma.local @!p0 [hbm:s0], s1  }
0x21b: {  	s0 =	simm.s32 @!p0 $0x7  }
0x21c: {  	_ =	swait.ge @!p0 [sflag:s0], s1  }
0x21d: {  	s1 =	ssub.s32 @!p0 $0x0, s1;
	[sflag:s0] =	ssyncset.done @!p0 $0x0  }
0x21e: {  	[sflag:s0] =	ssyncadd.s32 @!p0 s1  }
0x21f: {  	[bflag:$0x3] =	sbarrier.arrive $0xFFFF  }
0x220: {  	_ =	shalt  }

// kernel: kernel.7.cloned.1.call-start
scs
__scs_entry_jumppad:
0x0: {  	(pc) =	sbr.rel $0x88, $3  }
0x1: {  	(tag) =	ssettag $0x0;
	lr =	simm.s32 $0x1  }
0x2: {  	[smem:$0x3F8F] =	sst lr;
	_ =	strace $0xD0000000  }
0x3: {  	_ = 	snop  }
0x4: {  	_ = 	snop  }
0x5: {  	_ = 	snop  }
0x6: {  	_ = 	snop  }
0x7: {  	_ = 	snop  }
__scs_overlays_trampoline_lowered:
0x8: {  	[smem:$0x3F9E] =	sst s0  }
0x9: {  	[smem:$0x3F9F] =	sst s1  }
0xa: {  	[smem:$0x3FA0] =	sst s2  }
0xb: {  	[smem:$0x3FA1] =	sst s3  }
0xc: {  	[smem:$0x3FA2] =	sst s4  }
0xd: {  	[smem:$0x3FA3] =	sst s5  }
0xe: {  	[smem:$0x3FA4] =	sst s6  }
0xf: {  	[smem:$0x3FA5] =	sst s7  }
0x10: {  	[smem:$0x3FA6] =	sst s8  }
0x11: {  	[smem:$0x3FA7] =	sst s9;
	s0 =	simm.s32 @!p0 $0x0  }
0x12: {  	s1 =	sld [smem:$0x3F8D];
	s0 =	simm.s32 @p0 $0x1  }
0x13: {  	[smem:$0x3FA8] =	sst s0;
	s0 =	simm.s32 @!p1 $0x0  }
0x14: {  	s2 =	sld [smem:$0x3F8C];
	s0 =	simm.s32 @p1 $0x1  }
0x15: {  	[smem:$0x3FA9] =	sst s0;
	s0 =	simm.s32 @!p2 $0x0  }
0x16: {  	s3 =	sld [smem:$0x3FDB];
	s0 =	simm.s32 @p2 $0x1  }
0x17: {  	s4 =	simm.s32 $0x1BF5;
	[smem:$0x3FAB] =	sst s0  }
0x18: {  	s0 =	sld [smem:$0x3F8E];
	_ =	swait.ge [sflag:s4], $0x0  }
0x19: {  	s7 =	sld [smem:$0x3F8F]  }
0x1a: {  	s8 =	sadd.s32 $0xFFFFE003, lr  }
0x1b: {  	s9 =	sadd.s32 $0xFFFFFEF7, lr;
	s5 =	simm.s32 $0xFFFFFFFF;
	p2 =	slt.u32 s8, $0xFFFFF086  }
0x1c: {  	p1 =	slt.u32 s9, $0xF7A;
	s5 =	simm.s32 @!p2 $0x0  }
0x1d: {  	s5 =	simm.s32 @p1 $0x1;
	p0 =	seq.s32 s7, s2  }
0x1e: {  	s7 =	smul.u32 @!p0 $0xF7A, s2;
	p2 =	seq.s32 @!p0 s5, $0x0  }
0x1f: {  	s9 =	smul.u32 $0xF7A, s1;
	s8 =	simm.s32 @!p0 $0x1BF5;
	p2 =	por !p2, p0  }
0x20: {  	[sflag:s8] =	ssyncset.s32 @!p0 $0xFFFFF086;
	s6 =	sadd.s32 @!p0 s3, s7;
	s7 =	simm.s32 @!p0 $0x108  }
0x21: {  	s3 =	sadd.s32 s3, s9;
	s6 =	sadd.s32 @!p0 $0x88, s6;
	s7 =	simm.s32 @p2 $0x1082  }
0x22: {  	[simem:s7], [sflag:s8] =	dma.local @!p0 [hbm:s6], $0xF7A  }
0x23: {  	s9 =	sor.u32 $0xD0000000, s2;
	s6 =	simm.s32 $0x108;
	_ =	swait.ge @!p0 [sflag:s8], $0x0  }
0x24: {  	s3 =	sadd.s32 $0x88, s3;
	s6 =	simm.s32 @!p1 $0x1082;
	[sflag:s4] =	ssyncset.s32 $0xFFFFF086  }
0x25: {  	[simem:s6], [sflag:s4] =	dma.local [hbm:s3], $0xF7A  }
0x26: {  	[smem:$0x3F8F] =	sst s1;
	(tag) =	ssettag s2;
	_ =	strace s9  }
0x27: {  	s1 =	sld [smem:$0x3F9F]  }
0x28: {  	s2 =	sld [smem:$0x3FA0]  }
0x29: {  	s4 =	sld [smem:$0x3FA2]  }
0x2a: {  	p0 =	seq.s32 s5, $0x0;
	s5 =	sld [smem:$0x3FA3]  }
0x2b: {  	s6 =	sld [smem:$0x3FA4]  }
0x2c: {  	s7 =	sld [smem:$0x3FA5]  }
0x2d: {  	s3 =	simm.s32 $0x108;
	s8 =	sld [smem:$0x3FA6]  }
0x2e: {  	s3 =	simm.s32 @!p0 $0x1082;
	s9 =	sld [smem:$0x3FA7]  }
0x2f: {  	lr =	sadd.s32 s0, s3;
	s0 =	sld [smem:$0x3F9E]  }
0x30: {  	s3 =	sld [smem:$0x3FA1]  }
0x31: {  	[smem:$0x3FAA] =	sst s10  }
0x32: {  	s10 =	sld [smem:$0x3FA8];
	_ =	sdelay $0x3  }
0x33: {  	p0 =	seq.s32 s10, $0x1;
	s10 =	sld [smem:$0x3FAA];
	_ =	sdelay $0x3  }
0x34: {  	[smem:$0x3FAA] =	sst s10  }
0x35: {  	s10 =	sld [smem:$0x3FA9];
	_ =	sdelay $0x3  }
0x36: {  	p1 =	seq.s32 s10, $0x1;
	s10 =	sld [smem:$0x3FAA];
	_ =	sdelay $0x3  }
0x37: {  	[smem:$0x3FAA] =	sst s10  }
0x38: {  	s10 =	sld [smem:$0x3FAB]  }
0x39: {  	_ = 	snop;
	(pc) =	sbr.ind lr, $3  }
0x3a: {  	_ = 	snop  }
0x3b: {  	_ = 	snop  }
0x3c: {  	p2 =	seq.s32 s10, $0x1;
	s10 =	sld [smem:$0x3FAA]  }
0x3d: {  	_ =	shalt  }
0x3e: {  	_ =	shalt  }
0x3f: {  	_ =	shalt  }
0x40: {  	_ =	shalt  }
0x41: {  	_ =	shalt  }
0x42: {  	_ =	shalt  }
0x43: {  	_ =	shalt  }
0x44: {  	_ =	shalt  }
0x45: {  	_ =	shalt  }
0x46: {  	_ =	shalt  }
0x47: {  	_ =	shalt  }
0x48: {  	_ =	shalt  }
0x49: {  	_ =	shalt  }
0x4a: {  	_ =	shalt  }
0x4b: {  	_ =	shalt  }
0x4c: {  	_ =	shalt  }
0x4d: {  	_ =	shalt  }
0x4e: {  	_ =	shalt  }
0x4f: {  	_ =	shalt  }
0x50: {  	_ =	shalt  }
0x51: {  	_ =	shalt  }
0x52: {  	_ =	shalt  }
0x53: {  	_ =	shalt  }
0x54: {  	_ =	shalt  }
0x55: {  	_ =	shalt  }
0x56: {  	_ =	shalt  }
0x57: {  	_ =	shalt  }
0x58: {  	_ =	shalt  }
0x59: {  	_ =	shalt  }
0x5a: {  	_ =	shalt  }
0x5b: {  	_ =	shalt  }
0x5c: {  	_ =	shalt  }
0x5d: {  	_ =	shalt  }
0x5e: {  	_ =	shalt  }
0x5f: {  	_ =	shalt  }
0x60: {  	_ =	shalt  }
0x61: {  	_ =	shalt  }
0x62: {  	_ =	shalt  }
0x63: {  	_ =	shalt  }
0x64: {  	_ =	shalt  }
0x65: {  	_ =	shalt  }
0x66: {  	_ =	shalt  }
0x67: {  	_ =	shalt  }
0x68: {  	_ =	shalt  }
0x69: {  	_ =	shalt  }
0x6a: {  	_ =	shalt  }
0x6b: {  	_ =	shalt  }
0x6c: {  	_ =	shalt  }
0x6d: {  	_ =	shalt  }
0x6e: {  	_ =	shalt  }
0x6f: {  	_ =	shalt  }
0x70: {  	_ =	shalt  }
0x71: {  	_ =	shalt  }
0x72: {  	_ =	shalt  }
0x73: {  	_ =	shalt  }
0x74: {  	_ =	shalt  }
0x75: {  	_ =	shalt  }
0x76: {  	_ =	shalt  }
0x77: {  	_ =	shalt  }
0x78: {  	_ =	shalt  }
0x79: {  	_ =	shalt  }
0x7a: {  	_ =	shalt  }
0x7b: {  	_ =	shalt  }
0x7c: {  	_ =	shalt  }
0x7d: {  	_ =	shalt  }
0x7e: {  	_ =	shalt  }
0x7f: {  	_ =	shalt  }
0x80: {  	_ =	shalt  }
0x81: {  	_ =	shalt  }
0x82: {  	_ =	shalt  }
0x83: {  	_ =	shalt  }
0x84: {  	_ =	shalt  }
0x85: {  	_ =	shalt  }
0x86: {  	_ =	shalt  }
0x87: {  	_ =	shalt  }
.Lfunc_end0:
.L_simem_size_0:
called_computation_lowered:
.L_overlay_start_0:
0x88: {  	s2 =	sld [smem:$0x3FD9]  }
0x89: {  	s3 =	sld [smem:$0x3FFE];
	_ =	sdelay $0x1  }
0x8a: {  	s1 =	srdreg.scid  }
0x8b: {  	s0 =	sand.u32 $0x1, s1  }
0x8c: {  	s17 =	sshll.u32 s0, $0xA;
	s2 =	sadd.s32 s3, s2  }
0x8d: {  	s2 =	sadd.s32 s2, s17  }
0x8e: {  	[smem:$0x3FB6] =	sst s2  }
0x8f: {  	_ = 	snop  }
0x90: {  	s2 =	sld [smem:$0x3FD0];
	(tm) =	ssettm $0x1  }
0x91: {  	s18 =	sld [smem:$0x3FFB];
	_ =	sdelay $0x3  }
0x92: {  	_ =	strace s18  }
0x93: {  	s3 =	sld [smem:$0x3FFC];
	_ =	sdelay $0x3  }
0x94: {  	_ =	strace s3  }
0x95: {  	s3 =	sld [smem:$0x3FFD];
	_ =	sdelay $0x3  }
0x96: {  	_ =	strace s3  }
0x97: {  	_ =	strace $0x8FFFFFFF  }
0x98: {  	s19 =	sld [smem:$0x3FDB];
	_ =	sdelay $0x1  }
0x99: {  	s4 =	simm.s32 $_scs_section_size  }
0x9a: {  	s5 =	simm.s32 $_size__tile_overlayer_lowered;
	s6 =	simm.s32 $_tile_overlayer_lowered  }
0x9b: {  	s22 =	simm.s32 $0x1BFF;
	s21 =	sshll.u32 s6, $0x1;
	s3 =	sadd.s32 s4, s19  }
0x9c: {  	s7 =	simm.s32 $0x0;
	s20 =	sshll.u32 s5, $0x1;
	s5 =	sadd.s32 s21, s3  }
0x9d: {  	[timem:s7], [sflag:s22] =	dma.local [hbm:s5], s20  }
0x9e: {  	_ =	swait.ge [sflag:s22], s20  }
0x9f: {  	s4 =	ssub.s32 $0x0, s20;
	[sflag:s22] =	ssyncset.done $0x0  }
0xa0: {  	[sflag:s22] =	ssyncadd.s32 s4;
	_ =	sdelay $0x1  }
0xa1: {  	s23 =	simm.s32 $0x1B8B  }
0xa2: {  	_ =	swait.ge [sflag:s23], $0x1  }
0xa3: {  	[sflag:s23] =	ssyncset.done $0x0  }
0xa4: {  	s25 =	simm.s32 $0x1B8E;
	s24 =	sld [smem:$0x3FFE];
	[sflag:s23] =	ssyncadd.s32 $0xFFFFFFFF  }
0xa5: {  	s26 =	simm.s32 $execute0_lowered;
	[smem:$0x3FD2] =	sst s25  }
0xa6: {  	s5 =	sshll.u32 s26, $0x1;
	_ =	strace $0x80000046;
	[dreg:$0x1] =	wrdreg $0xFFFFFFFF  }
0xa7: {  	s28 =	simm.s32 $_size_execute0_lowered;
	s3 =	sadd.s32 s3, s5;
	[dreg:$0x0] =	wrdreg $0x0  }
0xa8: {  	s5 =	sshll.u32 s28, $0x1;
	[dreg:$0x2] =	wrdreg s3  }
0xa9: {  	[dreg:$0x3] =	wrdreg s5  }
0xaa: {  	[dreg:$0x4] =	wrdreg $0xC0  }
0xab: {  	_ =	task [dreg:s7], $0x5FFFF  }
0xac: {  	[dreg:$0x1] =	wrdreg $0xFFFFFFFF  }
0xad: {  	[dreg:$0x0] =	wrdreg $0x60  }
0xae: {  	[dreg:$0x2] =	wrdreg s24  }
0xaf: {  	[dreg:$0x3] =	wrdreg s2  }
0xb0: {  	[dreg:$0x4] =	wrdreg $0x0  }
0xb1: {  	[dreg:$0x5] =	wrdreg $0x9  }
0xb2: {  	_ =	task.clear_ibuf [dreg:s7], $0x6FFFF;
	_ =	strace $0x90000046  }
0xb3: {  	s29 =	simm.s32 $0x9;
	_ =	strace $0x80000048  }
0xb4: {  	_ =	swait.ge [sflag:s29], $0x1  }
0xb5: {  	[sflag:s29] =	ssyncadd.s32 $0xFFFFFFFF  }
0xb6: {  	_ =	strace $0x90000048  }
0xb7: {  	_ =	sfence  }
0xb8: {  	s30 =	sld [smem:$0x0];
	_ =	sdelay $0x2  }
0xb9: {  	s31 =	sshll.u32 s1, $0xD;
	s1 =	sshrl.u32 s1, $0x2  }
0xba: {  	s3 =	sand.u32 $0x4000, s31;
	s1 =	sadd.s32 s1, s30  }
0xbb: {  	s0 =	sor.u32 s3, s0;
	s1 =	sshll.u32 s1, $0x11  }
0xbc: {  	s0 =	sor.u32 s1, s0  }
0xbd: {  	s0 =	sadd.s32 $0x8F2B, s0  }
0xbe: {  	[sflag:s0] =	ssyncadd.remote.s32 $0x1  }
0xbf: {  	_ =	sfence.sel $0xFFFF  }
0xc0: {  	[dreg:$0x0] =	wrdreg $0xFFFFFFFF;
	(pc) =	sbr.abs _section_cstart, $3  }
0xc1: {  	[dreg:$0x1] =	wrdreg $0xFFFFFFFF  }
0xc2: {  	_ =	task.clear_ibuf [dreg:s7], $0x2FFFF;
	_ =	strace $0x9FFFFFFF  }
0xc3: {  	(tm) =	ssettm $0x7FFFFFFF  }
tec
execute0_lowered:
.L_overlay_start_1:
0x0: {  	(tag) =	ssettag $0x1  }
0x1: {  	s0 =	rddreg [dreg:$0x0]  }
0x2: {  	s1 =	rddreg [dreg:$0x1]  }
0x3: {  	s2 =	rddreg [dreg:$0x2]  }
0x4: {  	s3 =	srdreg.scid;
	s11 =	stileid.u32  }
0x5: {  	s5 =	simm.s32 $0x0;
	s13 =	simm.s32 $0x16380;
	s28 =	simm.s32 $0x1B240  }
0x6: {  	s29 =	simm.s32 $0x30;
	s31 =	simm.s32 $0x1;
	s30 =	simm.s32 $0x1CD40  }
0x7: {  	s3 =	sand.u32 $0x1, s3;
	s4 =	sshll.u32 s11, $0x1;
	s8 =	smul.u32 $0x58E00, s11  }
0x8: {  	[smem:$0x7FF] =	sst s5;
	s5 =	sadd.s32 $0x2FE00, s0;
	s14 =	smul.u32 $0x16380, s11  }
0x9: {  	s4 =	sor.u32 s3, s4;
	_ =	strace $0x80000047;
	s7 =	ssub.s32 $0x2, s3  }
0xa: {  	p0 =	seq.s32 s3, $0x1;
	s3 =	simm.s32 $0x3EC00;
	s6 =	smul.u32 $0x4EC, s4  }
0xb: {  	s4 =	sadd.s32 $0x3600, s0;
	s10 =	sshrl.u32 s7, $0x1;
	s8 =	sshrl.u32 s8, $0x2  }
0xc: {  	s3 =	simm.s32 @!p0 $0x6B400;
	s26 =	sshrl.u32 s14, $0x3;
	s7 =	ssub.s32 s7, s10  }
0xd: {  	s15 =	sadd.s32 s8, s2;
	s8 =	sadd.s32 s14, s2;
	s14 =	simm.s32 $0x18AE0  }
0xe: {  	s10 =	simm.s32 $0x0;
	s9 =	sadd.s32 s6, s0;
	s1 =	sadd.s32 s1, s6  }
0xf: {  	s19 =	sadd.s32 $0x1B00, s15;
	s20 =	sadd.s32 $0x3600, s15;
	[dreg:$0x5] =	wrdreg s1  }
0x10: {  	s21 =	sadd.s32 $0x5100, s15;
	s22 =	sadd.s32 $0x6C00, s15;
	[dreg:$0x6] =	wrdreg s19  }
0x11: {  	s23 =	sadd.s32 $0x8700, s15;
	s24 =	sadd.s32 $0xA200, s15;
	[dreg:$0x7] =	wrdreg s20  }
0x12: {  	s25 =	sadd.s32 $0xBD00, s15;
	s16 =	sadd.s32 $0xD800, s15;
	[dreg:$0x8] =	wrdreg s21  }
0x13: {  	s17 =	sadd.s32 $0xF300, s15;
	s18 =	sadd.s32 $0x10E00, s15;
	[dreg:$0x9] =	wrdreg s22  }
0x14: {  	s0 =	sadd.s32 s3, s0;
	s3 =	simm.s32 $0x2;
	[dreg:$0xa] =	wrdreg s23  }
0x15: {  	s6 =	simm.s32 $0x4;
	s9 =	sadd.s32 $0x34E00, s9;
	[dreg:$0xb] =	wrdreg s24  }
0x16: {  	[dreg:$0xc] =	wrdreg s25;
	s19 =	sadd.s32 $0x12900, s15;
	s20 =	sadd.s32 $0x14400, s15  }
0x17: {  	s21 =	sadd.s32 $0x15F00, s15;
	s22 =	smax.u32 s7, $0x1;
	s23 =	sadd.s32 s0, s26  }
0x18: {  	s25 =	simm.s32 $0x7;
	s0 =	simm.s32 $0x3;
	s1 =	simm.s32 $0x1EB40  }
0x19: {  	v0 =	vimm.f32 $0.0e+00;
	vm0 =	vmmov $0xf;
	s7 =	simm.s32 $0x5;
	[dreg:$0x4] =	wrdreg s9;
	s9 =	simm.s32 $0x6  }
.LBB2_1:
0x1a: {  	s11 =	simm.s32 $0x0;
	s12 =	rddreg [dreg:$0x4]  }
0x1b: {  	[tilespmem:s13], [sflag:$0x7] =	stream.linear.gather [hbm4b:s12+s11], $0x2760, $0x38;
	[tilespmem:$0x1EE40] =	vst v63  }
0x1c: {  	_ =	swait.ge [sflag:s25], $0x2760  }
0x1d: {  	[sflag:s25] =	ssyncset.done $0x0  }
0x1e: {  	s26 =	rddreg [dreg:$0x5];
	[sflag:s25] =	ssyncadd.s32 $0xFFFFD8A0  }
0x1f: {  	[tilespmem:s14], [sflag:$0x7] =	stream.linear.gather [hbm4b:s26+s11], $0x2760, $0x38;
	[tilespmem:$0x1EE40] =	vst v63  }
0x20: {  	_ =	swait.ge [sflag:s25], $0x2760  }
0x21: {  	[sflag:s25] =	ssyncset.done $0x0  }
0x22: {  	s12 =	simm.s32 $0x240;
	s11 =	simm.s32 $0x0;
	[sflag:s25] =	ssyncadd.s32 $0xFFFFD8A0  }
.LBB2_2:
0x23: {  	p0 =	sne.s32 s12, $0x69C0;
	[tilespmem:s11+$0x1B2C0] =	vst v0  }
0x24: {  	[tilespmem:s11+$0x1B240] =	vst v0  }
0x25: {  	[tilespmem:s11+$0x1B250] =	vst v0  }
0x26: {  	[tilespmem:s11+$0x1B260] =	vst v0  }
.Ltmp0:
0x27: {  	[tilespmem:s11+$0x1B270] =	vst v0;
	(pc) =	sbr.rel @p0 .LBB2_2-.Ltmp0, $4  }
0x28: {  	[tilespmem:s11+$0x1B280] =	vst v0  }
0x29: {  	[tilespmem:s11+$0x1B290] =	vst v0  }
0x2a: {  	[tilespmem:s11+$0x1B2A0] =	vst v0  }
0x2b: {  	[tilespmem:s11+$0x1B2B0] =	vst v0;
	s11 =	sshra.s32 s12, $0x2;
	s12 =	sadd.s32 $0x240, s12  }
0x2c: {  	[tilespmem:s11+$0x1B2C0] =	vst v0  }
0x2d: {  	[tilespmem:s11+$0x1B240] =	vst v0  }
0x2e: {  	[tilespmem:s11+$0x1B250] =	vst v0  }
0x2f: {  	[tilespmem:s11+$0x1B260] =	vst v0  }
0x30: {  	[tilespmem:s11+$0x1B270] =	vst v0  }
0x31: {  	[tilespmem:s11+$0x1B280] =	vst v0  }
0x32: {  	[tilespmem:s11+$0x1B290] =	vst v0  }
0x33: {  	[tilespmem:s11+$0x1B2A0] =	vst v0  }
0x34: {  	[tilespmem:s11+$0x1B2B0] =	vst v0  }
0x35: {  	[spmem:s8] =	stream.linear.scatter [tilespmem:s28], [sflag:$0x7], $0x1B00, $0x38;
	[tilespmem:$0x1EE40] =	vst v63  }
0x36: {  	_ =	swait.ge [sflag:s25], $0x1B00  }
0x37: {  	[sflag:s25] =	ssyncset.done $0x0  }
0x38: {  	s12 =	rddreg [dreg:$0x6];
	[sflag:s25] =	ssyncadd.s32 $0xFFFFE500  }
0x39: {  	[spmem:s12] =	stream.linear.scatter [tilespmem:s28], [sflag:$0x7], $0x1B00, $0x38;
	[tilespmem:$0x1EE40] =	vst v63  }
0x3a: {  	_ =	swait.ge [sflag:s25], $0x1B00  }
0x3b: {  	[sflag:s25] =	ssyncset.done $0x0  }
0x3c: {  	s15 =	rddreg [dreg:$0x7];
	[sflag:s25] =	ssyncadd.s32 $0xFFFFE500  }
0x3d: {  	[spmem:s15] =	stream.linear.scatter [tilespmem:s28], [sflag:$0x7], $0x1B00, $0x38;
	[tilespmem:$0x1EE40] =	vst v63  }
0x3e: {  	_ =	swait.ge [sflag:s25], $0x1B00  }
0x3f: {  	[sflag:s25] =	ssyncset.done $0x0  }
0x40: {  	s24 =	rddreg [dreg:$0x8];
	[sflag:s25] =	ssyncadd.s32 $0xFFFFE500  }
0x41: {  	[spmem:s24] =	stream.linear.scatter [tilespmem:s28], [sflag:$0x7], $0x1B00, $0x38;
	[tilespmem:$0x1EE40] =	vst v63  }
0x42: {  	_ =	swait.ge [sflag:s25], $0x1B00  }
0x43: {  	[sflag:s25] =	ssyncset.done $0x0  }
0x44: {  	s26 =	rddreg [dreg:$0x9];
	[sflag:s25] =	ssyncadd.s32 $0xFFFFE500  }
0x45: {  	[spmem:s26] =	stream.linear.scatter [tilespmem:s28], [sflag:$0x7], $0x1B00, $0x38;
	[tilespmem:$0x1EE40] =	vst v63  }
0x46: {  	_ =	swait.ge [sflag:s25], $0x1B00  }
0x47: {  	[sflag:s25] =	ssyncset.done $0x0  }
0x48: {  	s12 =	rddreg [dreg:$0xa];
	[sflag:s25] =	ssyncadd.s32 $0xFFFFE500  }
0x49: {  	[spmem:s12] =	stream.linear.scatter [tilespmem:s28], [sflag:$0x7], $0x1B00, $0x38;
	[tilespmem:$0x1EE40] =	vst v63  }
0x4a: {  	_ =	swait.ge [sflag:s25], $0x1B00  }
0x4b: {  	[sflag:s25] =	ssyncset.done $0x0  }
0x4c: {  	s15 =	rddreg [dreg:$0xb];
	[sflag:s25] =	ssyncadd.s32 $0xFFFFE500  }
0x4d: {  	[spmem:s15] =	stream.linear.scatter [tilespmem:s28], [sflag:$0x7], $0x1B00, $0x38;
	[tilespmem:$0x1EE40] =	vst v63  }
0x4e: {  	_ =	swait.ge [sflag:s25], $0x1B00  }
0x4f: {  	[sflag:s25] =	ssyncset.done $0x0  }
0x50: {  	s24 =	rddreg [dreg:$0xc];
	[sflag:s25] =	ssyncadd.s32 $0xFFFFE500  }
0x51: {  	[spmem:s24] =	stream.linear.scatter [tilespmem:s28], [sflag:$0x7], $0x1B00, $0x38;
	[tilespmem:$0x1EE40] =	vst v63  }
0x52: {  	_ =	swait.ge [sflag:s25], $0x1B00  }
0x53: {  	[sflag:s25] =	ssyncset.done $0x0  }
0x54: {  	[sflag:s25] =	ssyncadd.s32 $0xFFFFE500  }
0x55: {  	[spmem:s16] =	stream.linear.scatter [tilespmem:s28], [sflag:$0x7], $0x1B00, $0x38;
	[tilespmem:$0x1EE40] =	vst v63  }
0x56: {  	_ =	swait.ge [sflag:s25], $0x1B00  }
0x57: {  	[sflag:s25] =	ssyncset.done $0x0  }
0x58: {  	[sflag:s25] =	ssyncadd.s32 $0xFFFFE500  }
0x59: {  	[spmem:s17] =	stream.linear.scatter [tilespmem:s28], [sflag:$0x7], $0x1B00, $0x38;
	[tilespmem:$0x1EE40] =	vst v63  }
0x5a: {  	_ =	swait.ge [sflag:s25], $0x1B00  }
0x5b: {  	[sflag:s25] =	ssyncset.done $0x0  }
0x5c: {  	[sflag:s25] =	ssyncadd.s32 $0xFFFFE500  }
0x5d: {  	[spmem:s18] =	stream.linear.scatter [tilespmem:s28], [sflag:$0x7], $0x1B00, $0x38;
	[tilespmem:$0x1EE40] =	vst v63  }
0x5e: {  	_ =	swait.ge [sflag:s25], $0x1B00  }
0x5f: {  	[sflag:s25] =	ssyncset.done $0x0  }
0x60: {  	[sflag:s25] =	ssyncadd.s32 $0xFFFFE500  }
0x61: {  	[spmem:s19] =	stream.linear.scatter [tilespmem:s28], [sflag:$0x7], $0x1B00, $0x38;
	[tilespmem:$0x1EE40] =	vst v63  }
0x62: {  	_ =	swait.ge [sflag:s25], $0x1B00  }
0x63: {  	[sflag:s25] =	ssyncset.done $0x0  }
0x64: {  	[sflag:s25] =	ssyncadd.s32 $0xFFFFE500  }
0x65: {  	[spmem:s20] =	stream.linear.scatter [tilespmem:s28], [sflag:$0x7], $0x1B00, $0x38;
	[tilespmem:$0x1EE40] =	vst v63  }
0x66: {  	_ =	swait.ge [sflag:s25], $0x1B00  }
0x67: {  	[sflag:s25] =	ssyncset.done $0x0  }
0x68: {  	[sflag:s25] =	ssyncadd.s32 $0xFFFFE500  }
0x69: {  	[spmem:s21] =	stream.linear.scatter [tilespmem:s28], [sflag:$0x7], $0x480, $0x38;
	[tilespmem:$0x1EE40] =	vst v63  }
0x6a: {  	_ =	swait.ge [sflag:s25], $0x480  }
0x6b: {  	[sflag:s25] =	ssyncset.done $0x0  }
0x6c: {  	[sflag:s25] =	ssyncadd.s32 $0xFFFFFB80  }
0x6d: {  	[bflag:$0x0] =	sbarrier.arrive $0xFFFF  }
0x6e: {  	[tilespmem:s28], [sflag:$0x1] =	stream.indirect.gather [hbm4b:s4+s29], $0x90, s13, s29, $0xb8;
	[tilespmem:$0x1EE40] =	vst v63  }
0x6f: {  	s11 =	simm.s32 $0x0;
	s26 =	simm.s32 $0x1E840  }
0x70: {  	[tilespmem:s26], [sflag:$0x3] =	stream.indirect.gather [hbm4b:s5+s29], $0x10, s14, s29, $0xb8;
	[tilespmem:$0x1EE40] =	vst v63  }
.LBB2_4:
0x71: {  	_ =	swait.ge [sflag:s31], $0x1B00  }
0x72: {  	[sflag:s31] =	ssyncset.done $0x0  }
0x73: {  	[sflag:s31] =	ssyncadd.s32 $0xFFFFE500  }
0x74: {  	_ =	swait.ge [sflag:s0], $0x300  }
0x75: {  	s12 =	sshll.u32 s11, $0x1;
	p0 =	seq.s32 s11, $0x0;
	[sflag:s0] =	ssyncset.done $0x0  }
0x76: {  	s13 =	simm.s32 @!p0 $0x6;
	s24 =	sor.u32 $0x1, s12;
	[sflag:s0] =	ssyncadd.s32 $0xFFFFFD00  }
0x77: {  	s12 =	smul.u32 $0x30, s24;
	_ =	swait.ge @!p0 [sflag:s13], $0x1B00  }
0x78: {  	[sflag:s13] =	ssyncset.done @!p0 $0x0  }
0x79: {  	s26 =	sadd.s32 $0x16380, s12;
	[sflag:s13] =	ssyncadd.s32 @!p0 $0xFFFFE500  }
0x7a: {  	[tilespmem:s30], [sflag:$0x2] =	stream.indirect.gather [hbm4b:s4+s29], $0x90, s26, s29, $0xb8;
	[tilespmem:$0x1EE40] =	vst v63  }
0x7b: {  	s12 =	sadd.s32 $0x18AE0, s12  }
0x7c: {  	[tilespmem:s1], [sflag:$0x4] =	stream.indirect.gather [hbm4b:s5+s29], $0x10, s12, s29, $0xb8;
	[tilespmem:$0x1EE40] =	vst v63  }
0x7d: {  	s12 =	simm.s32 $0x1B360  }
0x7e: {  	s13 =	simm.s32 $0x30;
	v1 =	vld [tilespmem:s12+$0xFFFFFF60]  }
0x7f: {  	v2 =	vld [tilespmem:s13+$0x1E810];
	_ =	sdelay $0x4  }
0x80: {  	v1 =	vadd.f32 v2, v1;
	_ =	sdelay $0x1  }
0x81: {  	v2 =	vmul.f32 $2.000000030e-01, v1;
	_ =	sdelay $0x1  }
0x82: {  	v1 =	vmax.f32 v1, v2  }
0x83: {  	v1 =	vmul.f32 $1.442695020e+00, v1;
	_ =	sdelay $0x1  }
0x84: {  	(erf) = vpow2.f32 v1;
	_ =	sdelay $0x6  }
0x85: {  	v1 =	vld [tilespmem:s12+$0xFFFFFF50]  }
0x86: {  	v2 =	vld [tilespmem:s12+$0xFFFFFF30]  }
0x87: {  	v3 =	vld [tilespmem:s12+$0xFFFFFEE0];
	v4 =	vpop (erf)  }
0x88: {  	v5 =	vld [tilespmem:s12+$0xFFFFFF20];
	v6 =	vbroadcast v4, $0x3  }
0x89: {  	v7 =	vld [tilespmem:s12+$0xFFFFFF00];
	v8 =	vbroadcast v4, $0x2  }
0x8a: {  	v9 =	vld [tilespmem:s12+$0xFFFFFF40];
	v10 =	vnsel vm0, $0x0, v4;
	v11 =	vbroadcast v4, $0x0;
	v1 =	vmul.f32 v1, v6  }
0x8b: {  	v12 =	vld [tilespmem:s12+$0xFFFFFF10];
	[tilespmem:s12+$0xFFFFFF60] =	vst v10;
	v2 =	vmul.f32 v2, v8  }
0x8c: {  	v51 =	vld [tilespmem:s12+$0xFFFFFEF0];
	v4 =	vbroadcast v4, $0x1;
	v3 =	vmul.f32 v11, v3;
	[tilespmem:s12+$0xFFFFFF50] =	vst v1  }
0x8d: {  	v1 =	vmul.f32 v5, v8;
	[tilespmem:s12+$0xFFFFFF30] =	vst v2  }
0x8e: {  	v2 =	vmul.f32 v4, v7;
	[tilespmem:s12+$0xFFFFFEE0] =	vst v3  }
0x8f: {  	v3 =	vmul.f32 v9, v6;
	[tilespmem:s12+$0xFFFFFF20] =	vst v1  }
0x90: {  	v1 =	vmul.f32 v12, v4;
	[tilespmem:s12+$0xFFFFFF00] =	vst v2  }
0x91: {  	v2 =	vmul.f32 v11, v51;
	[tilespmem:s12+$0xFFFFFF40] =	vst v3  }
0x92: {  	[tilespmem:s12+$0xFFFFFF10] =	vst v1  }
0x93: {  	[tilespmem:s12+$0xFFFFFEF0] =	vst v2;
	v1 =	vld [tilespmem:s12+$0xFFFFFFF0]  }
0x94: {  	v2 =	vld [tilespmem:s13+$0x1E820];
	_ =	sdelay $0x4  }
0x95: {  	v1 =	vadd.f32 v2, v1;
	_ =	sdelay $0x1  }
0x96: {  	v2 =	vmul.f32 $2.000000030e-01, v1;
	_ =	sdelay $0x1  }
0x97: {  	v1 =	vmax.f32 v1, v2  }
0x98: {  	v1 =	vmul.f32 $1.442695020e+00, v1;
	_ =	sdelay $0x1  }
0x99: {  	(erf) = vpow2.f32 v1;
	_ =	sdelay $0x6  }
0x9a: {  	v2 =	vld [tilespmem:s12+$0xFFFFFF70]  }
0x9b: {  	v3 =	vld [tilespmem:s12+$0xFFFFFFC0]  }
0x9c: {  	v4 =	vld [tilespmem:s12+$0xFFFFFFD0];
	v5 =	vpop (erf)  }
0x9d: {  	v1 =	vld [tilespmem:s12+$0xFFFFFFE0];
	v7 =	vbroadcast v5, $0x0  }
0x9e: {  	v6 =	vld [tilespmem:s12+$0xFFFFFF80];
	v53 =	vbroadcast v5, $0x2  }
0x9f: {  	v52 =	vld [tilespmem:s12+$0xFFFFFFA0];
	v55 =	vnsel vm0, $0x0, v5;
	v56 =	vbroadcast v5, $0x3;
	v2 =	vmul.f32 v7, v2  }
0xa0: {  	v54 =	vld [tilespmem:s12+$0xFFFFFF90];
	[tilespmem:s12+$0xFFFFFFF0] =	vst v55;
	v3 =	vmul.f32 v3, v53  }
0xa1: {  	v13 =	vld [tilespmem:s12+$0xFFFFFFB0];
	v4 =	vmul.f32 v4, v56;
	[tilespmem:s12+$0xFFFFFF70] =	vst v2  }
0xa2: {  	v5 =	vbroadcast v5, $0x1;
	v1 =	vmul.f32 v1, v56;
	[tilespmem:s12+$0xFFFFFFC0] =	vst v3  }
0xa3: {  	v2 =	vmul.f32 v7, v6;
	[tilespmem:s12+$0xFFFFFFD0] =	vst v4  }
0xa4: {  	v3 =	vmul.f32 v52, v5;
	[tilespmem:s12+$0xFFFFFFE0] =	vst v1  }
0xa5: {  	v4 =	vmul.f32 v5, v54;
	[tilespmem:s12+$0xFFFFFF80] =	vst v2  }
0xa6: {  	v2 =	vmul.f32 v13, v53;
	[tilespmem:s12+$0xFFFFFFA0] =	vst v3  }
0xa7: {  	[tilespmem:s12+$0xFFFFFF90] =	vst v4  }
0xa8: {  	v1 =	vld [tilespmem:s12+$0x80];
	[tilespmem:s12+$0xFFFFFFB0] =	vst v2  }
0xa9: {  	v2 =	vld [tilespmem:s13+$0x1E830];
	_ =	sdelay $0x4  }
0xaa: {  	v1 =	vadd.f32 v2, v1;
	_ =	sdelay $0x1  }
0xab: {  	v2 =	vmul.f32 $2.000000030e-01, v1;
	_ =	sdelay $0x1  }
0xac: {  	v1 =	vmax.f32 v1, v2  }
0xad: {  	v1 =	vmul.f32 $1.442695020e+00, v1;
	_ =	sdelay $0x1  }
0xae: {  	(erf) = vpow2.f32 v1;
	_ =	sdelay $0x3  }
0xaf: {  	v57 =	vld [tilespmem:s12+$0x20]  }
0xb0: {  	v59 =	vld [tilespmem:s12+$0x40]  }
0xb1: {  	v3 =	vld [tilespmem:s12+$0x0]  }
0xb2: {  	v4 =	vld [tilespmem:s12+$0x10]  }
0xb3: {  	v2 =	vld [tilespmem:s12+$0x60]  }
0xb4: {  	v1 =	vld [tilespmem:s12+$0x50];
	v7 =	vpop (erf)  }
0xb5: {  	v6 =	vld [tilespmem:s12+$0x30];
	v58 =	vbroadcast v7, $0x0  }
0xb6: {  	v5 =	vld [tilespmem:s12+$0x70];
	v60 =	vbroadcast v7, $0x2  }
0xb7: {  	v61 =	vnsel vm0, $0x0, v7;
	v62 =	vbroadcast v7, $0x3;
	v14 =	vmul.f32 v58, v3  }
0xb8: {  	v7 =	vbroadcast v7, $0x1;
	[tilespmem:s12+$0x80] =	vst v61;
	v4 =	vmul.f32 v58, v4  }
0xb9: {  	v63 =	vmul.f32 v1, v60;
	v3 =	vmul.f32 v2, v62;
	[tilespmem:s12+$0x0] =	vst v14  }
0xba: {  	v1 =	vmul.f32 v7, v57;
	v2 =	vmul.f32 v6, v7;
	[tilespmem:s12+$0x10] =	vst v4  }
0xbb: {  	s14 =	simm.s32 $0x1B360;
	s26 =	simm.s32 $0x1C0;
	v5 =	vmul.f32 v5, v62;
	v4 =	vmul.f32 v59, v60;
	[tilespmem:s12+$0x50] =	vst v63  }
.LBB2_5:
0xbc: {  	p0 =	sne.s32 s26, $0xBC0  }
0xbd: {  	[tilespmem:s12+$0x60] =	vst v3;
	s14 =	sadd.s32 $0x240, s14;
	s15 =	smov.u32 s26;
	s26 =	sadd.s32 $0x100, s26  }
0xbe: {  	[tilespmem:s12+$0x70] =	vst v5  }
0xbf: {  	[tilespmem:s12+$0x30] =	vst v2  }
0xc0: {  	[tilespmem:s12+$0x40] =	vst v4  }
0xc1: {  	[tilespmem:s12+$0x20] =	vst v1;
	v1 =	vld [tilespmem:s12+$0x110]  }
0xc2: {  	v2 =	vld [tilespmem:s13+$0x1E840];
	_ =	sdelay $0x4  }
0xc3: {  	v1 =	vadd.f32 v2, v1;
	_ =	sdelay $0x1  }
0xc4: {  	v2 =	vmul.f32 $2.000000030e-01, v1;
	_ =	sdelay $0x1  }
0xc5: {  	v1 =	vmax.f32 v1, v2  }
0xc6: {  	v1 =	vmul.f32 $1.442695020e+00, v1;
	_ =	sdelay $0x1  }
0xc7: {  	(erf) = vpow2.f32 v1;
	_ =	sdelay $0x2  }
0xc8: {  	v1 =	vld [tilespmem:s12+$0xC0]  }
0xc9: {  	v2 =	vld [tilespmem:s12+$0x100]  }
0xca: {  	v3 =	vld [tilespmem:s12+$0xD0]  }
0xcb: {  	v4 =	vld [tilespmem:s12+$0x90]  }
0xcc: {  	v5 =	vld [tilespmem:s12+$0xA0]  }
0xcd: {  	v6 =	vld [tilespmem:s12+$0xE0]  }
0xce: {  	v7 =	vld [tilespmem:s12+$0xB0];
	v8 =	vpop (erf)  }
0xcf: {  	v9 =	vnsel vm0, $0x0, v8;
	v10 =	vbroadcast v8, $0x0;
	v11 =	vbroadcast v8, $0x1;
	v12 =	vld [tilespmem:s12+$0xF0]  }
0xd0: {  	s13 =	sshra.s32 s15, $0x2;
	[tilespmem:s12+$0x110] =	vst v9;
	v9 =	vbroadcast v8, $0x2;
	v8 =	vbroadcast v8, $0x3  }
0xd1: {  	v4 =	vmul.f32 v10, v4;
	v5 =	vmul.f32 v10, v5  }
0xd2: {  	v3 =	vmul.f32 v3, v9;
	v6 =	vmul.f32 v6, v9  }
0xd3: {  	v2 =	vmul.f32 v2, v8;
	[tilespmem:s12+$0x90] =	vst v4;
	v4 =	vmul.f32 v11, v7  }
0xd4: {  	v1 =	vmul.f32 v1, v11;
	[tilespmem:s12+$0xD0] =	vst v3;
	v3 =	vmul.f32 v12, v8  }
0xd5: {  	[tilespmem:s12+$0xE0] =	vst v6  }
0xd6: {  	[tilespmem:s12+$0x100] =	vst v2  }
0xd7: {  	[tilespmem:s12+$0xC0] =	vst v1  }
0xd8: {  	[tilespmem:s12+$0xB0] =	vst v4  }
0xd9: {  	[tilespmem:s12+$0xF0] =	vst v3  }
0xda: {  	v1 =	vld [tilespmem:s14+$0xFFFFFF60];
	[tilespmem:s12+$0xA0] =	vst v5;
	s12 =	smov.u32 s14  }
0xdb: {  	v2 =	vld [tilespmem:s13+$0x1E810];
	_ =	sdelay $0x4  }
0xdc: {  	v1 =	vadd.f32 v2, v1;
	_ =	sdelay $0x1  }
0xdd: {  	v2 =	vmul.f32 $2.000000030e-01, v1;
	_ =	sdelay $0x1  }
0xde: {  	v1 =	vmax.f32 v1, v2  }
0xdf: {  	v1 =	vmul.f32 $1.442695020e+00, v1;
	_ =	sdelay $0x1  }
0xe0: {  	(erf) = vpow2.f32 v1;
	_ =	sdelay $0x2  }
0xe1: {  	v1 =	vld [tilespmem:s14+$0xFFFFFF10]  }
0xe2: {  	v2 =	vld [tilespmem:s14+$0xFFFFFF40]  }
0xe3: {  	v3 =	vld [tilespmem:s14+$0xFFFFFF20]  }
0xe4: {  	v4 =	vld [tilespmem:s14+$0xFFFFFF50]  }
0xe5: {  	v5 =	vld [tilespmem:s14+$0xFFFFFF30]  }
0xe6: {  	v6 =	vld [tilespmem:s14+$0xFFFFFEE0]  }
0xe7: {  	v7 =	vld [tilespmem:s14+$0xFFFFFEF0];
	v8 =	vpop (erf)  }
0xe8: {  	v9 =	vnsel vm0, $0x0, v8;
	v10 =	vld [tilespmem:s14+$0xFFFFFF00];
	v11 =	vbroadcast v8, $0x2;
	v12 =	vbroadcast v8, $0x3  }
0xe9: {  	[tilespmem:s14+$0xFFFFFF60] =	vst v9;
	v9 =	vbroadcast v8, $0x0;
	v8 =	vbroadcast v8, $0x1  }
0xea: {  	v5 =	vmul.f32 v5, v11;
	v4 =	vmul.f32 v4, v12  }
0xeb: {  	v3 =	vmul.f32 v3, v11;
	v6 =	vmul.f32 v9, v6  }
0xec: {  	v2 =	vmul.f32 v2, v12;
	v7 =	vmul.f32 v9, v7;
	[tilespmem:s14+$0xFFFFFF50] =	vst v4  }
0xed: {  	v1 =	vmul.f32 v1, v8;
	v4 =	vmul.f32 v8, v10;
	[tilespmem:s14+$0xFFFFFF30] =	vst v5  }
0xee: {  	[tilespmem:s14+$0xFFFFFEE0] =	vst v6  }
0xef: {  	[tilespmem:s14+$0xFFFFFF20] =	vst v3  }
0xf0: {  	[tilespmem:s14+$0xFFFFFF00] =	vst v4  }
0xf1: {  	[tilespmem:s14+$0xFFFFFF40] =	vst v2  }
0xf2: {  	[tilespmem:s14+$0xFFFFFF10] =	vst v1  }
0xf3: {  	[tilespmem:s14+$0xFFFFFEF0] =	vst v7;
	v1 =	vld [tilespmem:s14+$0xFFFFFFF0]  }
0xf4: {  	v2 =	vld [tilespmem:s13+$0x1E820];
	_ =	sdelay $0x4  }
0xf5: {  	v1 =	vadd.f32 v2, v1;
	_ =	sdelay $0x1  }
0xf6: {  	v2 =	vmul.f32 $2.000000030e-01, v1;
	_ =	sdelay $0x1  }
0xf7: {  	v1 =	vmax.f32 v1, v2  }
0xf8: {  	v1 =	vmul.f32 $1.442695020e+00, v1;
	_ =	sdelay $0x1  }
0xf9: {  	(erf) = vpow2.f32 v1;
	_ =	sdelay $0x2  }
0xfa: {  	v1 =	vld [tilespmem:s14+$0xFFFFFFB0]  }
0xfb: {  	v2 =	vld [tilespmem:s14+$0xFFFFFFE0]  }
0xfc: {  	v3 =	vld [tilespmem:s14+$0xFFFFFFD0]  }
0xfd: {  	v4 =	vld [tilespmem:s14+$0xFFFFFF80]  }
0xfe: {  	v5 =	vld [tilespmem:s14+$0xFFFFFF70]  }
0xff: {  	v6 =	vld [tilespmem:s14+$0xFFFFFFC0]  }
0x100: {  	v7 =	vld [tilespmem:s14+$0xFFFFFF90];
	v8 =	vpop (erf)  }
0x101: {  	v9 =	vnsel vm0, $0x0, v8;
	v10 =	vbroadcast v8, $0x0;
	v11 =	vbroadcast v8, $0x1;
	v12 =	vld [tilespmem:s14+$0xFFFFFFA0]  }
0x102: {  	[tilespmem:s14+$0xFFFFFFF0] =	vst v9;
	v9 =	vbroadcast v8, $0x2;
	v8 =	vbroadcast v8, $0x3  }
0x103: {  	v5 =	vmul.f32 v10, v5;
	v4 =	vmul.f32 v10, v4  }
0x104: {  	v6 =	vmul.f32 v6, v9;
	v3 =	vmul.f32 v3, v8  }
0x105: {  	v2 =	vmul.f32 v2, v8;
	[tilespmem:s14+$0xFFFFFF70] =	vst v5;
	v5 =	vmul.f32 v11, v7  }
0x106: {  	v1 =	vmul.f32 v1, v9;
	v7 =	vmul.f32 v12, v11;
	[tilespmem:s14+$0xFFFFFFC0] =	vst v6  }
0x107: {  	[tilespmem:s14+$0xFFFFFFD0] =	vst v3  }
0x108: {  	[tilespmem:s14+$0xFFFFFF80] =	vst v4  }
0x109: {  	[tilespmem:s14+$0xFFFFFFA0] =	vst v7  }
0x10a: {  	[tilespmem:s14+$0xFFFFFF90] =	vst v5  }
0x10b: {  	[tilespmem:s14+$0xFFFFFFB0] =	vst v1  }
0x10c: {  	[tilespmem:s14+$0xFFFFFFE0] =	vst v2;
	v1 =	vld [tilespmem:s14+$0x80]  }
0x10d: {  	v2 =	vld [tilespmem:s13+$0x1E830];
	_ =	sdelay $0x4  }
0x10e: {  	v1 =	vadd.f32 v2, v1;
	_ =	sdelay $0x1  }
0x10f: {  	v2 =	vmul.f32 $2.000000030e-01, v1;
	_ =	sdelay $0x1  }
0x110: {  	v1 =	vmax.f32 v1, v2  }
0x111: {  	v1 =	vmul.f32 $1.442695020e+00, v1;
	_ =	sdelay $0x1  }
0x112: {  	(erf) = vpow2.f32 v1;
	_ =	sdelay $0x2  }
0x113: {  	v5 =	vld [tilespmem:s14+$0x70]  }
0x114: {  	v1 =	vld [tilespmem:s14+$0x50]  }
0x115: {  	v2 =	vld [tilespmem:s14+$0x60]  }
0x116: {  	v3 =	vld [tilespmem:s14+$0x10]  }
0x117: {  	v4 =	vld [tilespmem:s14+$0x0]  }
0x118: {  	v6 =	vld [tilespmem:s14+$0x30]  }
0x119: {  	v7 =	vld [tilespmem:s14+$0x20];
	v8 =	vpop (erf)  }
0x11a: {  	v9 =	vnsel vm0, $0x0, v8;
	v10 =	vbroadcast v8, $0x0;
	v11 =	vbroadcast v8, $0x1;
	v12 =	vld [tilespmem:s14+$0x40]  }
0x11b: {  	[tilespmem:s14+$0x80] =	vst v9;
	v9 =	vbroadcast v8, $0x2;
	v8 =	vbroadcast v8, $0x3  }
.Ltmp1:
0x11c: {  	v4 =	vmul.f32 v10, v4;
	v10 =	vmul.f32 v10, v3;
	(pc) =	sbr.rel @p0 .LBB2_5-.Ltmp1, $4  }
0x11d: {  	v13 =	vmul.f32 v1, v9;
	v3 =	vmul.f32 v2, v8  }
0x11e: {  	v2 =	vmul.f32 v6, v11;
	[tilespmem:s14+$0x0] =	vst v4;
	v1 =	vmul.f32 v11, v7  }
0x11f: {  	v5 =	vmul.f32 v5, v8;
	[tilespmem:s14+$0x10] =	vst v10;
	v4 =	vmul.f32 v12, v9  }
0x120: {  	[tilespmem:s14+$0x50] =	vst v13  }
0x121: {  	[tilespmem:s12+$0x60] =	vst v3  }
0x122: {  	[tilespmem:s12+$0x70] =	vst v5  }
0x123: {  	[tilespmem:s12+$0x30] =	vst v2  }
0x124: {  	[tilespmem:s12+$0x40] =	vst v4  }
0x125: {  	[tilespmem:s12+$0x20] =	vst v1;
	v1 =	vld [tilespmem:s12+$0x110]  }
0x126: {  	v2 =	vld [tilespmem:s13+$0x1E840];
	_ =	sdelay $0x4  }
0x127: {  	v1 =	vadd.f32 v2, v1;
	_ =	sdelay $0x1  }
0x128: {  	v2 =	vmul.f32 $2.000000030e-01, v1;
	_ =	sdelay $0x1  }
0x129: {  	v1 =	vmax.f32 v1, v2  }
0x12a: {  	v1 =	vmul.f32 $1.442695020e+00, v1;
	_ =	sdelay $0x1  }
0x12b: {  	(erf) = vpow2.f32 v1;
	_ =	sdelay $0x6  }
0x12c: {  	v2 =	vld [tilespmem:s12+$0x90]  }
0x12d: {  	v3 =	vld [tilespmem:s12+$0xD0]  }
0x12e: {  	v4 =	vld [tilespmem:s12+$0xE0];
	v5 =	vpop (erf)  }
0x12f: {  	v1 =	vld [tilespmem:s12+$0xC0];
	v7 =	vbroadcast v5, $0x0  }
0x130: {  	v6 =	vld [tilespmem:s12+$0x100];
	v9 =	vbroadcast v5, $0x2  }
0x131: {  	v8 =	vld [tilespmem:s12+$0xB0];
	v10 =	vnsel vm0, $0x0, v5;
	v45 =	vbroadcast v5, $0x3;
	v2 =	vmul.f32 v7, v2  }
0x132: {  	v12 =	vld [tilespmem:s12+$0xA0];
	v5 =	vbroadcast v5, $0x1;
	[tilespmem:s12+$0x110] =	vst v10;
	v3 =	vmul.f32 v3, v9  }
0x133: {  	v11 =	vld [tilespmem:s12+$0xF0];
	v4 =	vmul.f32 v4, v9;
	[tilespmem:s12+$0x90] =	vst v2  }
0x134: {  	v1 =	vmul.f32 v1, v5;
	[tilespmem:s12+$0xD0] =	vst v3  }
0x135: {  	v2 =	vmul.f32 v6, v45;
	[tilespmem:s12+$0xE0] =	vst v4  }
0x136: {  	v3 =	vmul.f32 v5, v8;
	[tilespmem:s12+$0xC0] =	vst v1  }
0x137: {  	s15 =	smul.u32 $0x180, s11;
	v1 =	vmul.f32 v7, v12;
	[tilespmem:s12+$0x100] =	vst v2  }
0x138: {  	v2 =	vmul.f32 v11, v45;
	[tilespmem:s12+$0xB0] =	vst v3  }
0x139: {  	s13 =	sshra.s32 s15, $0x2;
	[tilespmem:s12+$0xA0] =	vst v1  }
0x13a: {  	s26 =	sadd.s32 $0x18AE0, s13;
	[tilespmem:s12+$0xF0] =	vst v2  }
0x13b: {  	[spmem:s2] =	stream.indirect.scatter.add.f32 [tilespmem:s28], [sflag:$0x5], $0x90, s26, s29, $0xb8;
	[tilespmem:$0x1EE40] =	vst v63  }
0x13c: {  	_ =	swait.ge [sflag:s3], $0x1B00  }
0x13d: {  	[sflag:s3] =	ssyncset.done $0x0  }
0x13e: {  	[sflag:s3] =	ssyncadd.s32 $0xFFFFE500  }
0x13f: {  	_ =	swait.ge [sflag:s6], $0x300  }
0x140: {  	[sflag:s6] =	ssyncset.done $0x0  }
0x141: {  	p0 =	seq.s32 s11, $0x68;
	[sflag:s6] =	ssyncadd.s32 $0xFFFFFD00  }
0x142: {  	s12 =	smul.u32 @!p0 $0x60, s11;
	_ =	swait.ge [sflag:s7], $0x1B00  }
0x143: {  	s14 =	simm.s32 @!p0 $0x30;
	[sflag:s7] =	ssyncset.done $0x0  }
0x144: {  	s15 =	simm.s32 @!p0 $0x1B240;
	s13 =	sadd.s32 @!p0 $0x163E0, s12;
	[sflag:s7] =	ssyncadd.s32 $0xFFFFE500  }
0x145: {  	[tilespmem:s15], [sflag:$0x1] =	stream.indirect.gather @!p0 [hbm4b:s4+s14], $0x90, s13, s14, $0xb8;
	[tilespmem:$0x1EE40] =	vst v63  }
0x146: {  	s12 =	sadd.s32 @!p0 $0x18B40, s12;
	s13 =	simm.s32 @!p0 $0x1E840  }
0x147: {  	[tilespmem:s13], [sflag:$0x3] =	stream.indirect.gather @!p0 [hbm4b:s5+s14], $0x10, s12, s14, $0xb8;
	[tilespmem:$0x1EE40] =	vst v63  }
0x148: {  	s12 =	simm.s32 $0x1CE60  }
0x149: {  	s13 =	simm.s32 $0x30;
	v1 =	vld [tilespmem:s12+$0xFFFFFF60]  }
0x14a: {  	v2 =	vld [tilespmem:s13+$0x1EB10];
	_ =	sdelay $0x4  }
0x14b: {  	v1 =	vadd.f32 v2, v1;
	_ =	sdelay $0x1  }
0x14c: {  	v2 =	vmul.f32 $2.000000030e-01, v1;
	_ =	sdelay $0x1  }
0x14d: {  	v1 =	vmax.f32 v1, v2  }
0x14e: {  	v1 =	vmul.f32 $1.442695020e+00, v1;
	_ =	sdelay $0x1  }
0x14f: {  	(erf) = vpow2.f32 v1;
	_ =	sdelay $0x6  }
0x150: {  	v1 =	vld [tilespmem:s12+$0xFFFFFF50]  }
0x151: {  	v2 =	vld [tilespmem:s12+$0xFFFFFF30]  }
0x152: {  	v3 =	vld [tilespmem:s12+$0xFFFFFEE0];
	v4 =	vpop (erf)  }
0x153: {  	v5 =	vld [tilespmem:s12+$0xFFFFFF20];
	v6 =	vbroadcast v4, $0x3  }
0x154: {  	v7 =	vld [tilespmem:s12+$0xFFFFFF00];
	v46 =	vbroadcast v4, $0x2  }
0x155: {  	v47 =	vld [tilespmem:s12+$0xFFFFFF40];
	v48 =	vnsel vm0, $0x0, v4;
	v49 =	vbroadcast v4, $0x0;
	v1 =	vmul.f32 v1, v6  }
0x156: {  	v50 =	vld [tilespmem:s12+$0xFFFFFF10];
	[tilespmem:s12+$0xFFFFFF60] =	vst v48;
	v2 =	vmul.f32 v2, v46  }
0x157: {  	v51 =	vld [tilespmem:s12+$0xFFFFFEF0];
	v4 =	vbroadcast v4, $0x1;
	v3 =	vmul.f32 v49, v3;
	[tilespmem:s12+$0xFFFFFF50] =	vst v1  }
0x158: {  	v1 =	vmul.f32 v5, v46;
	[tilespmem:s12+$0xFFFFFF30] =	vst v2  }
0x159: {  	v2 =	vmul.f32 v4, v7;
	[tilespmem:s12+$0xFFFFFEE0] =	vst v3  }
0x15a: {  	v3 =	vmul.f32 v47, v6;
	[tilespmem:s12+$0xFFFFFF20] =	vst v1  }
0x15b: {  	v1 =	vmul.f32 v50, v4;
	[tilespmem:s12+$0xFFFFFF00] =	vst v2  }
0x15c: {  	v2 =	vmul.f32 v49, v51;
	[tilespmem:s12+$0xFFFFFF40] =	vst v3  }
0x15d: {  	[tilespmem:s12+$0xFFFFFF10] =	vst v1  }
0x15e: {  	[tilespmem:s12+$0xFFFFFEF0] =	vst v2;
	v1 =	vld [tilespmem:s12+$0xFFFFFFF0]  }
0x15f: {  	v2 =	vld [tilespmem:s13+$0x1EB20];
	_ =	sdelay $0x4  }
0x160: {  	v1 =	vadd.f32 v2, v1;
	_ =	sdelay $0x1  }
0x161: {  	v2 =	vmul.f32 $2.000000030e-01, v1;
	_ =	sdelay $0x1  }
0x162: {  	v1 =	vmax.f32 v1, v2  }
0x163: {  	v1 =	vmul.f32 $1.442695020e+00, v1;
	_ =	sdelay $0x1  }
0x164: {  	(erf) = vpow2.f32 v1;
	_ =	sdelay $0x6  }
0x165: {  	v2 =	vld [tilespmem:s12+$0xFFFFFF70]  }
0x166: {  	v3 =	vld [tilespmem:s12+$0xFFFFFFC0]  }
0x167: {  	v4 =	vld [tilespmem:s12+$0xFFFFFFD0];
	v5 =	vpop (erf)  }
0x168: {  	v1 =	vld [tilespmem:s12+$0xFFFFFFE0];
	v7 =	vbroadcast v5, $0x0  }
0x169: {  	v6 =	vld [tilespmem:s12+$0xFFFFFF80];
	v53 =	vbroadcast v5, $0x2  }
0x16a: {  	v52 =	vld [tilespmem:s12+$0xFFFFFFA0];
	v55 =	vnsel vm0, $0x0, v5;
	v56 =	vbroadcast v5, $0x3;
	v2 =	vmul.f32 v7, v2  }
0x16b: {  	v54 =	vld [tilespmem:s12+$0xFFFFFF90];
	[tilespmem:s12+$0xFFFFFFF0] =	vst v55;
	v3 =	vmul.f32 v3, v53  }
0x16c: {  	v13 =	vld [tilespmem:s12+$0xFFFFFFB0];
	v4 =	vmul.f32 v4, v56;
	[tilespmem:s12+$0xFFFFFF70] =	vst v2  }
0x16d: {  	v5 =	vbroadcast v5, $0x1;
	v1 =	vmul.f32 v1, v56;
	[tilespmem:s12+$0xFFFFFFC0] =	vst v3  }
0x16e: {  	v2 =	vmul.f32 v7, v6;
	[tilespmem:s12+$0xFFFFFFD0] =	vst v4  }
0x16f: {  	v3 =	vmul.f32 v52, v5;
	[tilespmem:s12+$0xFFFFFFE0] =	vst v1  }
0x170: {  	v4 =	vmul.f32 v5, v54;
	[tilespmem:s12+$0xFFFFFF80] =	vst v2  }
0x171: {  	v2 =	vmul.f32 v13, v53;
	[tilespmem:s12+$0xFFFFFFA0] =	vst v3  }
0x172: {  	[tilespmem:s12+$0xFFFFFF90] =	vst v4  }
0x173: {  	v1 =	vld [tilespmem:s12+$0x80];
	[tilespmem:s12+$0xFFFFFFB0] =	vst v2  }
0x174: {  	v2 =	vld [tilespmem:s13+$0x1EB30];
	_ =	sdelay $0x4  }
0x175: {  	v1 =	vadd.f32 v2, v1;
	_ =	sdelay $0x1  }
0x176: {  	v2 =	vmul.f32 $2.000000030e-01, v1;
	_ =	sdelay $0x1  }
0x177: {  	v1 =	vmax.f32 v1, v2  }
0x178: {  	v1 =	vmul.f32 $1.442695020e+00, v1;
	_ =	sdelay $0x1  }
0x179: {  	(erf) = vpow2.f32 v1;
	_ =	sdelay $0x3  }
0x17a: {  	v57 =	vld [tilespmem:s12+$0x20]  }
0x17b: {  	v59 =	vld [tilespmem:s12+$0x40]  }
0x17c: {  	v3 =	vld [tilespmem:s12+$0x0]  }
0x17d: {  	v4 =	vld [tilespmem:s12+$0x10]  }
0x17e: {  	v2 =	vld [tilespmem:s12+$0x60]  }
0x17f: {  	v1 =	vld [tilespmem:s12+$0x50];
	v7 =	vpop (erf)  }
0x180: {  	v6 =	vld [tilespmem:s12+$0x30];
	v58 =	vbroadcast v7, $0x0  }
0x181: {  	v5 =	vld [tilespmem:s12+$0x70];
	v60 =	vbroadcast v7, $0x2  }
0x182: {  	v61 =	vnsel vm0, $0x0, v7;
	v62 =	vbroadcast v7, $0x3;
	v14 =	vmul.f32 v58, v3  }
0x183: {  	v7 =	vbroadcast v7, $0x1;
	[tilespmem:s12+$0x80] =	vst v61;
	v4 =	vmul.f32 v58, v4  }
0x184: {  	v63 =	vmul.f32 v1, v60;
	v3 =	vmul.f32 v2, v62;
	[tilespmem:s12+$0x0] =	vst v14  }
0x185: {  	v1 =	vmul.f32 v7, v57;
	v2 =	vmul.f32 v6, v7;
	[tilespmem:s12+$0x10] =	vst v4  }
0x186: {  	s26 =	simm.s32 $0x1C0;
	s14 =	simm.s32 $0x1CE60;
	v5 =	vmul.f32 v5, v62;
	v4 =	vmul.f32 v59, v60;
	[tilespmem:s12+$0x50] =	vst v63  }
.LBB2_7:
0x187: {  	p0 =	sne.s32 s26, $0xBC0  }
0x188: {  	[tilespmem:s12+$0x60] =	vst v3;
	s14 =	sadd.s32 $0x240, s14;
	s15 =	smov.u32 s26;
	s26 =	sadd.s32 $0x100, s26  }
0x189: {  	[tilespmem:s12+$0x70] =	vst v5  }
0x18a: {  	[tilespmem:s12+$0x30] =	vst v2  }
0x18b: {  	[tilespmem:s12+$0x40] =	vst v4  }
0x18c: {  	[tilespmem:s12+$0x20] =	vst v1;
	v1 =	vld [tilespmem:s12+$0x110]  }
0x18d: {  	v2 =	vld [tilespmem:s13+$0x1EB40];
	_ =	sdelay $0x4  }
0x18e: {  	v1 =	vadd.f32 v2, v1;
	_ =	sdelay $0x1  }
0x18f: {  	v2 =	vmul.f32 $2.000000030e-01, v1;
	_ =	sdelay $0x1  }
0x190: {  	v1 =	vmax.f32 v1, v2  }
0x191: {  	v1 =	vmul.f32 $1.442695020e+00, v1;
	_ =	sdelay $0x1  }
0x192: {  	(erf) = vpow2.f32 v1;
	_ =	sdelay $0x2  }
0x193: {  	v1 =	vld [tilespmem:s12+$0xC0]  }
0x194: {  	v2 =	vld [tilespmem:s12+$0x100]  }
0x195: {  	v3 =	vld [tilespmem:s12+$0xD0]  }
0x196: {  	v4 =	vld [tilespmem:s12+$0x90]  }
0x197: {  	v5 =	vld [tilespmem:s12+$0xA0]  }
0x198: {  	v6 =	vld [tilespmem:s12+$0xE0]  }
0x199: {  	v7 =	vld [tilespmem:s12+$0xB0];
	v8 =	vpop (erf)  }
0x19a: {  	v9 =	vnsel vm0, $0x0, v8;
	v10 =	vbroadcast v8, $0x0;
	v11 =	vbroadcast v8, $0x1;
	v12 =	vld [tilespmem:s12+$0xF0]  }
0x19b: {  	s13 =	sshra.s32 s15, $0x2;
	[tilespmem:s12+$0x110] =	vst v9;
	v9 =	vbroadcast v8, $0x2;
	v8 =	vbroadcast v8, $0x3  }
0x19c: {  	v4 =	vmul.f32 v10, v4;
	v5 =	vmul.f32 v10, v5  }
0x19d: {  	v3 =	vmul.f32 v3, v9;
	v6 =	vmul.f32 v6, v9  }
0x19e: {  	v2 =	vmul.f32 v2, v8;
	[tilespmem:s12+$0x90] =	vst v4;
	v4 =	vmul.f32 v11, v7  }
0x19f: {  	v1 =	vmul.f32 v1, v11;
	[tilespmem:s12+$0xD0] =	vst v3;
	v3 =	vmul.f32 v12, v8  }
0x1a0: {  	[tilespmem:s12+$0xE0] =	vst v6  }
0x1a1: {  	[tilespmem:s12+$0x100] =	vst v2  }
0x1a2: {  	[tilespmem:s12+$0xC0] =	vst v1  }
0x1a3: {  	[tilespmem:s12+$0xB0] =	vst v4  }
0x1a4: {  	[tilespmem:s12+$0xF0] =	vst v3  }
0x1a5: {  	v1 =	vld [tilespmem:s14+$0xFFFFFF60];
	[tilespmem:s12+$0xA0] =	vst v5;
	s12 =	smov.u32 s14  }
0x1a6: {  	v2 =	vld [tilespmem:s13+$0x1EB10];
	_ =	sdelay $0x4  }
0x1a7: {  	v1 =	vadd.f32 v2, v1;
	_ =	sdelay $0x1  }
0x1a8: {  	v2 =	vmul.f32 $2.000000030e-01, v1;
	_ =	sdelay $0x1  }
0x1a9: {  	v1 =	vmax.f32 v1, v2  }
0x1aa: {  	v1 =	vmul.f32 $1.442695020e+00, v1;
	_ =	sdelay $0x1  }
0x1ab: {  	(erf) = vpow2.f32 v1;
	_ =	sdelay $0x2  }
0x1ac: {  	v1 =	vld [tilespmem:s14+$0xFFFFFF10]  }
0x1ad: {  	v2 =	vld [tilespmem:s14+$0xFFFFFF40]  }
0x1ae: {  	v3 =	vld [tilespmem:s14+$0xFFFFFF20]  }
0x1af: {  	v4 =	vld [tilespmem:s14+$0xFFFFFF50]  }
0x1b0: {  	v5 =	vld [tilespmem:s14+$0xFFFFFF30]  }
0x1b1: {  	v6 =	vld [tilespmem:s14+$0xFFFFFEE0]  }
0x1b2: {  	v7 =	vld [tilespmem:s14+$0xFFFFFEF0];
	v8 =	vpop (erf)  }
0x1b3: {  	v9 =	vnsel vm0, $0x0, v8;
	v10 =	vld [tilespmem:s14+$0xFFFFFF00];
	v11 =	vbroadcast v8, $0x2;
	v12 =	vbroadcast v8, $0x3  }
0x1b4: {  	[tilespmem:s14+$0xFFFFFF60] =	vst v9;
	v9 =	vbroadcast v8, $0x0;
	v8 =	vbroadcast v8, $0x1  }
0x1b5: {  	v5 =	vmul.f32 v5, v11;
	v4 =	vmul.f32 v4, v12  }
0x1b6: {  	v3 =	vmul.f32 v3, v11;
	v6 =	vmul.f32 v9, v6  }
0x1b7: {  	v2 =	vmul.f32 v2, v12;
	v7 =	vmul.f32 v9, v7;
	[tilespmem:s14+$0xFFFFFF50] =	vst v4  }
0x1b8: {  	v1 =	vmul.f32 v1, v8;
	v4 =	vmul.f32 v8, v10;
	[tilespmem:s14+$0xFFFFFF30] =	vst v5  }
0x1b9: {  	[tilespmem:s14+$0xFFFFFEE0] =	vst v6  }
0x1ba: {  	[tilespmem:s14+$0xFFFFFF20] =	vst v3  }
0x1bb: {  	[tilespmem:s14+$0xFFFFFF00] =	vst v4  }
0x1bc: {  	[tilespmem:s14+$0xFFFFFF40] =	vst v2  }
0x1bd: {  	[tilespmem:s14+$0xFFFFFF10] =	vst v1  }
0x1be: {  	[tilespmem:s14+$0xFFFFFEF0] =	vst v7;
	v1 =	vld [tilespmem:s14+$0xFFFFFFF0]  }
0x1bf: {  	v2 =	vld [tilespmem:s13+$0x1EB20];
	_ =	sdelay $0x4  }
0x1c0: {  	v1 =	vadd.f32 v2, v1;
	_ =	sdelay $0x1  }
0x1c1: {  	v2 =	vmul.f32 $2.000000030e-01, v1;
	_ =	sdelay $0x1  }
0x1c2: {  	v1 =	vmax.f32 v1, v2  }
0x1c3: {  	v1 =	vmul.f32 $1.442695020e+00, v1;
	_ =	sdelay $0x1  }
0x1c4: {  	(erf) = vpow2.f32 v1;
	_ =	sdelay $0x2  }
0x1c5: {  	v1 =	vld [tilespmem:s14+$0xFFFFFFB0]  }
0x1c6: {  	v2 =	vld [tilespmem:s14+$0xFFFFFFE0]  }
0x1c7: {  	v3 =	vld [tilespmem:s14+$0xFFFFFFD0]  }
0x1c8: {  	v4 =	vld [tilespmem:s14+$0xFFFFFF80]  }
0x1c9: {  	v5 =	vld [tilespmem:s14+$0xFFFFFF70]  }
0x1ca: {  	v6 =	vld [tilespmem:s14+$0xFFFFFFC0]  }
0x1cb: {  	v7 =	vld [tilespmem:s14+$0xFFFFFF90];
	v8 =	vpop (erf)  }
0x1cc: {  	v9 =	vnsel vm0, $0x0, v8;
	v10 =	vbroadcast v8, $0x0;
	v11 =	vbroadcast v8, $0x1;
	v12 =	vld [tilespmem:s14+$0xFFFFFFA0]  }
0x1cd: {  	[tilespmem:s14+$0xFFFFFFF0] =	vst v9;
	v9 =	vbroadcast v8, $0x2;
	v8 =	vbroadcast v8, $0x3  }
0x1ce: {  	v5 =	vmul.f32 v10, v5;
	v4 =	vmul.f32 v10, v4  }
0x1cf: {  	v6 =	vmul.f32 v6, v9;
	v3 =	vmul.f32 v3, v8  }
0x1d0: {  	v2 =	vmul.f32 v2, v8;
	[tilespmem:s14+$0xFFFFFF70] =	vst v5;
	v5 =	vmul.f32 v11, v7  }
0x1d1: {  	v1 =	vmul.f32 v1, v9;
	v7 =	vmul.f32 v12, v11;
	[tilespmem:s14+$0xFFFFFFC0] =	vst v6  }
0x1d2: {  	[tilespmem:s14+$0xFFFFFFD0] =	vst v3  }
0x1d3: {  	[tilespmem:s14+$0xFFFFFF80] =	vst v4  }
0x1d4: {  	[tilespmem:s14+$0xFFFFFFA0] =	vst v7  }
0x1d5: {  	[tilespmem:s14+$0xFFFFFF90] =	vst v5  }
0x1d6: {  	[tilespmem:s14+$0xFFFFFFB0] =	vst v1  }
0x1d7: {  	[tilespmem:s14+$0xFFFFFFE0] =	vst v2;
	v1 =	vld [tilespmem:s14+$0x80]  }
0x1d8: {  	v2 =	vld [tilespmem:s13+$0x1EB30];
	_ =	sdelay $0x4  }
0x1d9: {  	v1 =	vadd.f32 v2, v1;
	_ =	sdelay $0x1  }
0x1da: {  	v2 =	vmul.f32 $2.000000030e-01, v1;
	_ =	sdelay $0x1  }
0x1db: {  	v1 =	vmax.f32 v1, v2  }
0x1dc: {  	v1 =	vmul.f32 $1.442695020e+00, v1;
	_ =	sdelay $0x1  }
0x1dd: {  	(erf) = vpow2.f32 v1;
	_ =	sdelay $0x2  }
0x1de: {  	v5 =	vld [tilespmem:s14+$0x70]  }
0x1df: {  	v1 =	vld [tilespmem:s14+$0x50]  }
0x1e0: {  	v2 =	vld [tilespmem:s14+$0x60]  }
0x1e1: {  	v3 =	vld [tilespmem:s14+$0x10]  }
0x1e2: {  	v4 =	vld [tilespmem:s14+$0x0]  }
0x1e3: {  	v6 =	vld [tilespmem:s14+$0x30]  }
0x1e4: {  	v7 =	vld [tilespmem:s14+$0x20];
	v8 =	vpop (erf)  }
0x1e5: {  	v9 =	vnsel vm0, $0x0, v8;
	v10 =	vbroadcast v8, $0x0;
	v11 =	vbroadcast v8, $0x1;
	v12 =	vld [tilespmem:s14+$0x40]  }
0x1e6: {  	[tilespmem:s14+$0x80] =	vst v9;
	v9 =	vbroadcast v8, $0x2;
	v8 =	vbroadcast v8, $0x3  }
.Ltmp2:
0x1e7: {  	v4 =	vmul.f32 v10, v4;
	v10 =	vmul.f32 v10, v3;
	(pc) =	sbr.rel @p0 .LBB2_7-.Ltmp2, $4  }
0x1e8: {  	v13 =	vmul.f32 v1, v9;
	v3 =	vmul.f32 v2, v8  }
0x1e9: {  	v2 =	vmul.f32 v6, v11;
	[tilespmem:s14+$0x0] =	vst v4;
	v1 =	vmul.f32 v11, v7  }
0x1ea: {  	v5 =	vmul.f32 v5, v8;
	[tilespmem:s14+$0x10] =	vst v10;
	v4 =	vmul.f32 v12, v9  }
0x1eb: {  	[tilespmem:s14+$0x50] =	vst v13  }
0x1ec: {  	[tilespmem:s12+$0x60] =	vst v3  }
0x1ed: {  	[tilespmem:s12+$0x70] =	vst v5  }
0x1ee: {  	[tilespmem:s12+$0x30] =	vst v2  }
0x1ef: {  	[tilespmem:s12+$0x40] =	vst v4  }
0x1f0: {  	[tilespmem:s12+$0x20] =	vst v1;
	v1 =	vld [tilespmem:s12+$0x110]  }
0x1f1: {  	v2 =	vld [tilespmem:s13+$0x1EB40];
	_ =	sdelay $0x4  }
0x1f2: {  	v1 =	vadd.f32 v2, v1;
	_ =	sdelay $0x1  }
0x1f3: {  	v2 =	vmul.f32 $2.000000030e-01, v1;
	_ =	sdelay $0x1  }
0x1f4: {  	v1 =	vmax.f32 v1, v2  }
0x1f5: {  	v1 =	vmul.f32 $1.442695020e+00, v1;
	_ =	sdelay $0x1  }
0x1f6: {  	(erf) = vpow2.f32 v1;
	_ =	sdelay $0x6  }
0x1f7: {  	v2 =	vld [tilespmem:s12+$0x90]  }
0x1f8: {  	v3 =	vld [tilespmem:s12+$0xD0]  }
0x1f9: {  	v61 =	vld [tilespmem:s12+$0xE0];
	v62 =	vpop (erf)  }
0x1fa: {  	v1 =	vld [tilespmem:s12+$0xC0];
	v7 =	vbroadcast v62, $0x0  }
0x1fb: {  	v6 =	vld [tilespmem:s12+$0x100];
	v9 =	vbroadcast v62, $0x2  }
0x1fc: {  	v8 =	vld [tilespmem:s12+$0xB0];
	v10 =	vnsel vm0, $0x0, v62;
	v2 =	vmul.f32 v7, v2  }
0x1fd: {  	v12 =	vld [tilespmem:s12+$0xA0];
	v5 =	vbroadcast v62, $0x1;
	[tilespmem:s12+$0x110] =	vst v10;
	v3 =	vmul.f32 v3, v9  }
0x1fe: {  	v11 =	vld [tilespmem:s12+$0xF0];
	v63 =	vbroadcast v62, $0x3;
	v4 =	vmul.f32 v61, v9;
	[tilespmem:s12+$0x90] =	vst v2  }
0x1ff: {  	v1 =	vmul.f32 v1, v5;
	[tilespmem:s12+$0xD0] =	vst v3  }
0x200: {  	s11 =	sadd.s32 $0x1, s11;
	v2 =	vmul.f32 v6, v63;
	[tilespmem:s12+$0xE0] =	vst v4  }
0x201: {  	s24 =	smul.u32 $0xC0, s24;
	p0 =	sne.s32 s11, $0x69;
	v3 =	vmul.f32 v5, v8;
	[tilespmem:s12+$0xC0] =	vst v1  }
.Ltmp3:
0x202: {  	v1 =	vmul.f32 v7, v12;
	[tilespmem:s12+$0x100] =	vst v2;
	(pc) =	sbr.rel @p0 .LBB2_4-.Ltmp3, $4  }
0x203: {  	v2 =	vmul.f32 v11, v63;
	[tilespmem:s12+$0xB0] =	vst v3  }
0x204: {  	s13 =	sshra.s32 s24, $0x2;
	[tilespmem:s12+$0xA0] =	vst v1  }
0x205: {  	s26 =	sadd.s32 $0x18AE0, s13;
	[tilespmem:s12+$0xF0] =	vst v2  }
0x206: {  	[spmem:s2] =	stream.indirect.scatter.add.f32 [tilespmem:s30], [sflag:$0x6], $0x90, s26, s29, $0xb8;
	[tilespmem:$0x1EE40] =	vst v63  }
0x207: {  	_ =	swait.ge [sflag:s9], $0x1B00;
	s11 =	stileid.u32  }
0x208: {  	s12 =	sshrl.u32 s8, $0x3;
	s10 =	sadd.s32 $0x1, s10;
	[sflag:s9] =	ssyncset.done $0x0  }
0x209: {  	s11 =	sshll.u32 s11, $0x6;
	p0 =	sne.s32 s10, s22;
	[sflag:s9] =	ssyncadd.s32 $0xFFFFE500  }
.Ltmp4:
0x20a: {  	s11 =	sor.u32 $0x1C07, s11;
	[bflag:$0x0] =	sbarrier.arrive $0xFFFF;
	(pc) =	sbr.rel @p0 .LBB2_1-.Ltmp4, $4  }
0x20b: {  	[hbm:s23], [sflag:s11] =	dma.local [spmem:s12], $0x2C70  }
0x20c: {  	_ =	swait.ge [sflag:s25], $0x2C70  }
0x20d: {  	[sflag:s25] =	ssyncset.done $0x0  }
0x20e: {  	s13 =	simm.s32 $0x16380;
	s14 =	simm.s32 $0x18AE0;
	[sflag:s25] =	ssyncadd.s32 $0xFFFFD390  }
0x20f: {  	_ =	sfence.sel $0x180000  }
0x210: {  	[bflag:$0x0] =	sbarrier.arrive $0xFFFF  }
0x211: {  	_ =	strace $0x90000047  }
0x212: {  	s0 =	stileid.u32;
	[bflag:$0x2] =	sbarrier.arrive $0xFFFF  }
0x213: {  	p0 =	sne.s32 s0, $0x0;
	s0 =	rddreg [dreg:$0x3]  }
0x214: {  	s0 =	sadd.s32 @!p0 $0x100000, s0  }
0x215: {  	[sflag:s0] =	ssyncadd.tile.s32 @!p0 $0x1;
	_ =	shalt  }
.Lfunc_end2:
_tile_overlayer_lowered:
.L_overlay_start_2:
0x216: {  	(tag) =	ssettag $0x2  }
0x217: {  	s0 =	rddreg [dreg:$0x0];
	s2 =	stileid.u32  }
0x218: {  	s1 =	rddreg [dreg:$0x1];
	p0 =	sne.s32 s2, $0x0  }
0x219: {  	s3 =	rddreg [dreg:$0x2];
	[bflag:$0x3] =	sbarrier.arrive $0xFFFF;
	s2 =	simm.s32 @!p0 $0x1C07  }
0x21a: {  	[timem:s3], [sflag:s2] =	dma.local @!p0 [hbm:s0], s1  }
0x21b: {  	s0 =	simm.s32 @!p0 $0x7  }
0x21c: {  	_ =	swait.ge @!p0 [sflag:s0], s1  }
0x21d: {  	s1 =	ssub.s32 @!p0 $0x0, s1;
	[sflag:s0] =	ssyncset.done @!p0 $0x0  }
0x21e: {  	[sflag:s0] =	ssyncadd.s32 @!p0 s1  }
0x21f: {  	[bflag:$0x3] =	sbarrier.arrive $0xFFFF  }
0x220: {  	_ =	shalt  }

</sc_bundles>
